<compile_context>
chip_gen: v7x
topology: tpu7x:2x2x1
jax: 0.10.2.dev20260603
libtpu: 0.0.44.dev20260713+nightly
codegen_flags: <defaults>
</compile_context>

<pallas_src>
import functools

import jax
import jax.numpy as jnp
from jax import lax
from jax.experimental import pallas as pl
from jax.experimental.pallas import tpu as pltpu
from jax.experimental.pallas import tpu_sc as plsc

_NC = 2
_NS = 16
_C = 125
_RING = 2
_GC = 4
_ES = 5
_ZR = 16


def _neighbor_partials(eidx, x, npad):
    n, d = npad, x.shape[1]
    ngrp = eidx.shape[2]
    rpt = n // _NS
    nouter = ngrp // _ES

    mesh = plsc.VectorSubcoreMesh(core_axis_name="c", subcore_axis_name="s")

    @functools.partial(
        pl.kernel,
        out_type=jax.ShapeDtypeStruct((_NC, n, d), jnp.float32),
        mesh=mesh,
        scratch_types=[
            [pltpu.VMEM((2, _GC, _C), jnp.int32) for _ in range(_ES)],
            [pltpu.VMEM((_C, d), jnp.float32) for _ in range(_RING)],
            pltpu.VMEM((_ZR, d), jnp.float32),
            pltpu.VMEM_SHARED((n, d), jnp.float32),
            [pltpu.SemaphoreType.DMA for _ in range(_ES)],
            [pltpu.SemaphoreType.DMA for _ in range(_RING)],
            [pltpu.SemaphoreType.DMA for _ in range(_RING)],
            pltpu.SemaphoreType.DMA,
        ],
    )
    def scatter_k(edge_hbm, x_hbm, part_hbm, ebufs, rows, zero_v, acc_sh,
                  esem, gsem, ssem, zsem):
        cid = lax.axis_index("c")
        sid = lax.axis_index("s")
        w = cid * _NS + sid

        def _zrow(i, carry):
            for c16 in range(d // 16):
                zero_v[i, pl.ds(c16 * 16, 16)] = jnp.zeros((16,), jnp.float32)
            return carry

        lax.fori_loop(0, _ZR, _zrow, 0)
        nz = rpt // _ZR
        for k in range(nz):
            pltpu.async_copy(zero_v, acc_sh.at[pl.ds(sid * rpt + k * _ZR, _ZR)],
                             zsem)
        for k in range(nz):
            pltpu.make_async_copy(
                zero_v, acc_sh.at[pl.ds(sid * rpt, _ZR)], zsem).wait()
        plsc.subcore_barrier()

        def issue_e(cg, t):
            pltpu.async_copy(edge_hbm.at[0, w, cg], ebufs[t].at[0], esem[t])
            pltpu.async_copy(edge_hbm.at[1, w, cg], ebufs[t].at[1], esem[t])

        def wait_e(t):
            pltpu.make_async_copy(edge_hbm.at[0, w, 0], ebufs[t].at[0],
                                  esem[t]).wait()
            pltpu.make_async_copy(edge_hbm.at[1, w, 0], ebufs[t].at[1],
                                  esem[t]).wait()

        def issue_g(t, i, b):
            pltpu.async_copy(x_hbm.at[ebufs[t].at[0, i]], rows[b], gsem[b])

        def wait_g(t, i, b):
            pltpu.make_async_copy(x_hbm.at[ebufs[t].at[0, i]], rows[b],
                                  gsem[b]).wait()

        def issue_s(t, i, b):
            pltpu.async_copy(rows[b], acc_sh.at[ebufs[t].at[1, i]], ssem[b],
                             add=True)

        def wait_s(t, i, b):
            pltpu.make_async_copy(rows[b], acc_sh.at[ebufs[t].at[1, i]],
                                  ssem[b]).wait()

        for t in range(_ES):
            issue_e(t, t)

        def _outer(kk, carry):
            for go in range(_ES):
                for i in range(_GC):
                    b = i % _RING
                    bp = (i - 1) % _RING
                    pgo, pi = (go, i - 1) if i else ((go - 1) % _ES, _GC - 1)
                    if go == 0 and i < _RING:
                        @pl.when(kk > 0)
                        def _ws():
                            wait_s(0, 0, b)
                    else:
                        wait_s(0, 0, b)
                    if i == 0:
                        wait_e(go)
                    issue_g(go, i, b)
                    if go == 0 and i == 0:
                        @pl.when(kk > 0)
                        def _sc():
                            wait_g(0, 0, bp)
                            issue_s(pgo, pi, bp)
                    else:
                        wait_g(0, 0, bp)
                        issue_s(pgo, pi, bp)
                    if i == _RING - 1:
                        gnext = kk * _ES + go + _ES - 1
                        if go == 0:
                            pred = (kk > 0) & (gnext < ngrp)
                        else:
                            pred = gnext < ngrp
                        @pl.when(pred)
                        def _pf():
                            issue_e(gnext, (go - 1) % _ES)
            return carry

        lax.fori_loop(0, nouter, _outer, 0)
        bl = (_GC - 1) % _RING
        wait_g(0, 0, bl)
        issue_s(_ES - 1, _GC - 1, bl)
        for b in range(_RING):
            wait_s(0, 0, b)
        plsc.subcore_barrier()

        pltpu.sync_copy(acc_sh.at[pl.ds(sid * rpt, rpt)],
                        part_hbm.at[cid, pl.ds(sid * rpt, rpt)])

    return scatter_k(eidx, x)


def kernel(x, edge_index, W_neigh, b_neigh, W_self, b_self):
    n, d = x.shape
    d_out = W_neigh.shape[0]
    e = edge_index.shape[1]
    nw = _NC * _NS
    epw = e // nw
    nch = epw // _C
    ngrp = nch // _GC
    npad = -(-n // (_NS * 128)) * (_NS * 128)
    assert e == nw * epw and epw == nch * _C
    assert nch == ngrp * _GC and ngrp % _ES == 0 and _GC == 2 * _RING
    assert d % 16 == 0 and (npad // _NS) % _ZR == 0

    eidx = edge_index.reshape(2, nw, ngrp, _GC, _C)
    parts = _neighbor_partials(eidx, x, npad)

    bias = (b_neigh + b_self).reshape(1, d_out)
    bt = 1000

    def self_body(x_ref, ws_ref, b_ref, o_ref):
        o_ref[...] = (
            lax.dot_general(x_ref[...], ws_ref[...], (((1,), (1,)), ((), ())),
                            preferred_element_type=jnp.float32)
            + b_ref[...]
        )

    self_out = pl.pallas_call(
        self_body,
        grid=(n // bt,),
        in_specs=[
            pl.BlockSpec((bt, d), lambda i: (i, 0)),
            pl.BlockSpec((d_out, d), lambda i: (0, 0)),
            pl.BlockSpec((1, d_out), lambda i: (0, 0)),
        ],
        out_specs=pl.BlockSpec((bt, d_out), lambda i: (i, 0)),
        out_shape=jax.ShapeDtypeStruct((n, d_out), jnp.float32),
    )(x, W_self, bias)

    def combine_body(p_ref, s_ref, wn_ref, o_ref):
        neigh = p_ref[0] + p_ref[1]
        o_ref[...] = (
            lax.dot_general(neigh, wn_ref[...], (((1,), (1,)), ((), ())),
                            preferred_element_type=jnp.float32)
            + s_ref[...]
        )

    out = pl.pallas_call(
        combine_body,
        grid=(n // bt,),
        in_specs=[
            pl.BlockSpec((_NC, bt, d), lambda i: (0, i, 0)),
            pl.BlockSpec((bt, d_out), lambda i: (i, 0)),
            pl.BlockSpec((d_out, d), lambda i: (0, 0)),
        ],
        out_specs=pl.BlockSpec((bt, d_out), lambda i: (i, 0)),
        out_shape=jax.ShapeDtypeStruct((n, d_out), jnp.float32),
    )(parts, self_out, W_neigh)
    return out

# --- scband reference (transcript-rebuilt; emitter-appended) ---
"""Pipeline reference for scband-graph-sagelayer-59596966199955 (READ-ONLY COPY).

The authoritative reference and input builder live on the scoring server;
editing this copy changes nothing except your own understanding.
"""

import jax, jax.numpy as jnp
import numpy as np

N_NODES = 10000
N_EDGES = 320000
D_IN = 128
D_OUT = 128

def setup_inputs(seed: int = 0) -> dict:
    key = jax.random.key(seed)
    k1, k2, k3, k4, k5, k6 = jax.random.split(key, 6)
    x = jax.random.normal(k1, (N_NODES, D_IN), dtype=jnp.float32)
    edge_index = jax.random.randint(k2, (2, N_EDGES), 0, N_NODES, dtype=jnp.int32)
    # Linear layer params (torch nn.Linear convention: W [out, in], b [out])
    bound = 1.0 / np.sqrt(D_IN)
    W_neigh = jax.random.uniform(k3, (D_OUT, D_IN), minval=-bound, maxval=bound, dtype=jnp.float32)
    b_neigh = jax.random.uniform(k4, (D_OUT,), minval=-bound, maxval=bound, dtype=jnp.float32)
    W_self = jax.random.uniform(k5, (D_OUT, D_IN), minval=-bound, maxval=bound, dtype=jnp.float32)
    b_self = jax.random.uniform(k6, (D_OUT,), minval=-bound, maxval=bound, dtype=jnp.float32)
    return {"x": x, "edge_index": edge_index, "W_neigh": W_neigh, "b_neigh": b_neigh, "W_self": W_self, "b_self": b_self}

def reference(x, edge_index, W_neigh, b_neigh, W_self, b_self):
    src = edge_index[0, :]
    dst = edge_index[1, :]
    # gather source node features along edges
    msgs = jnp.take(x, src, axis=0)
    # sum-aggregate incoming messages per destination node (scatter-add)
    neigh_embeds = jax.ops.segment_sum(msgs, dst, num_segments=x.shape[0])
    neigh_out = neigh_embeds @ W_neigh.T + b_neigh
    self_out = x @ W_self.T + b_self
    return neigh_out + self_out

if __name__ == "__main__":
    import jax
    _d = setup_inputs()
    print(jax.jit(kernel)(*tuple(_d.values())))

</pallas_src>

<mosaic_0001>
#map = affine_map<(d0, d1) -> (0, 0, 0, 0, 0)>
#map1 = affine_map<(d0, d1) -> (0, 0)>
#map2 = affine_map<(d0, d1) -> (0, 0, 0)>
module attributes {stable_mosaic.version = 14 : i64} {
  func.func @scatter_k(%arg0: i32, %arg1: i32, %arg2: memref<2x32x20x4x125xi32, #tpu.memory_space<hbm>>, %arg3: memref<10000x128xf32, #tpu.memory_space<hbm>>, %arg4: memref<2x10240x128xf32, #tpu.memory_space<hbm>>, %arg5: memref<2x4x125xi32, #tpu.memory_space<vmem>>, %arg6: memref<2x4x125xi32, #tpu.memory_space<vmem>>, %arg7: memref<2x4x125xi32, #tpu.memory_space<vmem>>, %arg8: memref<2x4x125xi32, #tpu.memory_space<vmem>>, %arg9: memref<2x4x125xi32, #tpu.memory_space<vmem>>, %arg10: memref<125x128xf32, #tpu.memory_space<vmem>>, %arg11: memref<125x128xf32, #tpu.memory_space<vmem>>, %arg12: memref<16x128xf32, #tpu.memory_space<vmem>>, %arg13: memref<10240x128xf32, #tpu.memory_space<vmem_shared>>, %arg14: memref<!tpu.dma_semaphore, #tpu.memory_space<semaphore_mem>>, %arg15: memref<!tpu.dma_semaphore, #tpu.memory_space<semaphore_mem>>, %arg16: memref<!tpu.dma_semaphore, #tpu.memory_space<semaphore_mem>>, %arg17: memref<!tpu.dma_semaphore, #tpu.memory_space<semaphore_mem>>, %arg18: memref<!tpu.dma_semaphore, #tpu.memory_space<semaphore_mem>>, %arg19: memref<!tpu.dma_semaphore, #tpu.memory_space<semaphore_mem>>, %arg20: memref<!tpu.dma_semaphore, #tpu.memory_space<semaphore_mem>>, %arg21: memref<!tpu.dma_semaphore, #tpu.memory_space<semaphore_mem>>, %arg22: memref<!tpu.dma_semaphore, #tpu.memory_space<semaphore_mem>>, %arg23: memref<!tpu.dma_semaphore, #tpu.memory_space<semaphore_mem>>) attributes {dimension_semantics = [#tpu.dimension_semantics<core_parallel>, #tpu.dimension_semantics<subcore_parallel>], iteration_bounds = array<i64: 2, 16>, scalar_prefetch = 0 : i64, scratch_operands = 19 : i64, tpu.core_type = #tpu.core_type<sc_vector_subcore>, window_params = [{transform_indices = #map}, {transform_indices = #map1}, {transform_indices = #map2}]} {
    %mul3A = arith.constant 16 : i32
    %mul3A_0 = arith.muli %arg0, %mul3A : i32
    %add3A = arith.addi %mul3A_0, %arg1 : i32
    %scan3A = arith.constant 0 : i32
    %scan3A_1 = arith.constant 0 : i32
    %scan3A_2 = arith.constant 16 : i32
    %scan3A_3 = arith.addi %scan3A_1, %scan3A_2 : i32
    %scan3A_4 = arith.constant 1 : i32
    scf.for %scan3A_797 = %scan3A_1 to %scan3A_3 step %scan3A_4  : i32 {
      %broadcast_in_dim3A = arith.constant 0.000000e+00 : f32
      %broadcast_in_dim3A_798 = vector.broadcast %broadcast_in_dim3A : f32 to vector<16xf32>
      %swap3A = arith.index_cast %scan3A_797 : i32 to index
      %swap3A_799 = arith.constant 0 : index
      %swap3A_800 = tpu.vector_load %arg12[%swap3A, %swap3A_799] {strides = array<i32>} : memref<16x128xf32, #tpu.memory_space<vmem>>, vector<1x16xf32>,
      %swap3A_801 = vector.shape_cast %swap3A_800 : vector<1x16xf32> to vector<16xf32>
      %swap3A_802 = vector.shape_cast %broadcast_in_dim3A_798 : vector<16xf32> to vector<1x16xf32>
      tpu.vector_store %arg12[%swap3A, %swap3A_799], %swap3A_802 {strides = array<i32>} : memref<16x128xf32, #tpu.memory_space<vmem>>, vector<1x16xf32>,
      %broadcast_in_dim3A_803 = arith.constant 0.000000e+00 : f32
      %broadcast_in_dim3A_804 = vector.broadcast %broadcast_in_dim3A_803 : f32 to vector<16xf32>
      %swap3A_805 = arith.index_cast %scan3A_797 : i32 to index
      %swap3A_806 = arith.constant 16 : index
      %swap3A_807 = tpu.vector_load %arg12[%swap3A_805, %swap3A_806] {strides = array<i32>} : memref<16x128xf32, #tpu.memory_space<vmem>>, vector<1x16xf32>,
      %swap3A_808 = vector.shape_cast %swap3A_807 : vector<1x16xf32> to vector<16xf32>
      %swap3A_809 = vector.shape_cast %broadcast_in_dim3A_804 : vector<16xf32> to vector<1x16xf32>
      tpu.vector_store %arg12[%swap3A_805, %swap3A_806], %swap3A_809 {strides = array<i32>} : memref<16x128xf32, #tpu.memory_space<vmem>>, vector<1x16xf32>,
      %broadcast_in_dim3A_810 = arith.constant 0.000000e+00 : f32
      %broadcast_in_dim3A_811 = vector.broadcast %broadcast_in_dim3A_810 : f32 to vector<16xf32>
      %swap3A_812 = arith.index_cast %scan3A_797 : i32 to index
      %swap3A_813 = arith.constant 32 : index
      %swap3A_814 = tpu.vector_load %arg12[%swap3A_812, %swap3A_813] {strides = array<i32>} : memref<16x128xf32, #tpu.memory_space<vmem>>, vector<1x16xf32>,
      %swap3A_815 = vector.shape_cast %swap3A_814 : vector<1x16xf32> to vector<16xf32>
      %swap3A_816 = vector.shape_cast %broadcast_in_dim3A_811 : vector<16xf32> to vector<1x16xf32>
      tpu.vector_store %arg12[%swap3A_812, %swap3A_813], %swap3A_816 {strides = array<i32>} : memref<16x128xf32, #tpu.memory_space<vmem>>, vector<1x16xf32>,
      %broadcast_in_dim3A_817 = arith.constant 0.000000e+00 : f32
      %broadcast_in_dim3A_818 = vector.broadcast %broadcast_in_dim3A_817 : f32 to vector<16xf32>
      %swap3A_819 = arith.index_cast %scan3A_797 : i32 to index
      %swap3A_820 = arith.constant 48 : index
      %swap3A_821 = tpu.vector_load %arg12[%swap3A_819, %swap3A_820] {strides = array<i32>} : memref<16x128xf32, #tpu.memory_space<vmem>>, vector<1x16xf32>,
      %swap3A_822 = vector.shape_cast %swap3A_821 : vector<1x16xf32> to vector<16xf32>
      %swap3A_823 = vector.shape_cast %broadcast_in_dim3A_818 : vector<16xf32> to vector<1x16xf32>
      tpu.vector_store %arg12[%swap3A_819, %swap3A_820], %swap3A_823 {strides = array<i32>} : memref<16x128xf32, #tpu.memory_space<vmem>>, vector<1x16xf32>,
      %broadcast_in_dim3A_824 = arith.constant 0.000000e+00 : f32
      %broadcast_in_dim3A_825 = vector.broadcast %broadcast_in_dim3A_824 : f32 to vector<16xf32>
      %swap3A_826 = arith.index_cast %scan3A_797 : i32 to index
      %swap3A_827 = arith.constant 64 : index
      %swap3A_828 = tpu.vector_load %arg12[%swap3A_826, %swap3A_827] {strides = array<i32>} : memref<16x128xf32, #tpu.memory_space<vmem>>, vector<1x16xf32>,
      %swap3A_829 = vector.shape_cast %swap3A_828 : vector<1x16xf32> to vector<16xf32>
      %swap3A_830 = vector.shape_cast %broadcast_in_dim3A_825 : vector<16xf32> to vector<1x16xf32>
      tpu.vector_store %arg12[%swap3A_826, %swap3A_827], %swap3A_830 {strides = array<i32>} : memref<16x128xf32, #tpu.memory_space<vmem>>, vector<1x16xf32>,
      %broadcast_in_dim3A_831 = arith.constant 0.000000e+00 : f32
      %broadcast_in_dim3A_832 = vector.broadcast %broadcast_in_dim3A_831 : f32 to vector<16xf32>
      %swap3A_833 = arith.index_cast %scan3A_797 : i32 to index
      %swap3A_834 = arith.constant 80 : index
      %swap3A_835 = tpu.vector_load %arg12[%swap3A_833, %swap3A_834] {strides = array<i32>} : memref<16x128xf32, #tpu.memory_space<vmem>>, vector<1x16xf32>,
      %swap3A_836 = vector.shape_cast %swap3A_835 : vector<1x16xf32> to vector<16xf32>
      %swap3A_837 = vector.shape_cast %broadcast_in_dim3A_832 : vector<16xf32> to vector<1x16xf32>
      tpu.vector_store %arg12[%swap3A_833, %swap3A_834], %swap3A_837 {strides = array<i32>} : memref<16x128xf32, #tpu.memory_space<vmem>>, vector<1x16xf32>,
      %broadcast_in_dim3A_838 = arith.constant 0.000000e+00 : f32
      %broadcast_in_dim3A_839 = vector.broadcast %broadcast_in_dim3A_838 : f32 to vector<16xf32>
      %swap3A_840 = arith.index_cast %scan3A_797 : i32 to index
      %swap3A_841 = arith.constant 96 : index
      %swap3A_842 = tpu.vector_load %arg12[%swap3A_840, %swap3A_841] {strides = array<i32>} : memref<16x128xf32, #tpu.memory_space<vmem>>, vector<1x16xf32>,
      %swap3A_843 = vector.shape_cast %swap3A_842 : vector<1x16xf32> to vector<16xf32>
      %swap3A_844 = vector.shape_cast %broadcast_in_dim3A_839 : vector<16xf32> to vector<1x16xf32>
      tpu.vector_store %arg12[%swap3A_840, %swap3A_841], %swap3A_844 {strides = array<i32>} : memref<16x128xf32, #tpu.memory_space<vmem>>, vector<1x16xf32>,
      %broadcast_in_dim3A_845 = arith.constant 0.000000e+00 : f32
      %broadcast_in_dim3A_846 = vector.broadcast %broadcast_in_dim3A_845 : f32 to vector<16xf32>
      %swap3A_847 = arith.index_cast %scan3A_797 : i32 to index
      %swap3A_848 = arith.constant 112 : index
      %swap3A_849 = tpu.vector_load %arg12[%swap3A_847, %swap3A_848] {strides = array<i32>} : memref<16x128xf32, #tpu.memory_space<vmem>>, vector<1x16xf32>,
      %swap3A_850 = vector.shape_cast %swap3A_849 : vector<1x16xf32> to vector<16xf32>
      %swap3A_851 = vector.shape_cast %broadcast_in_dim3A_846 : vector<16xf32> to vector<1x16xf32>
      tpu.vector_store %arg12[%swap3A_847, %swap3A_848], %swap3A_851 {strides = array<i32>} : memref<16x128xf32, #tpu.memory_space<vmem>>, vector<1x16xf32>,
    }
    %scan3A_5 = arith.constant 16 : i32
    %mul3A_6 = arith.constant 640 : i32
    %mul3A_7 = arith.muli %arg1, %mul3A_6 : i32
    %add3A_8 = arith.constant 0 : i32
    %add3A_9 = arith.addi %mul3A_7, %add3A_8 : i32
    %dma_start3A = arith.constant 0 : i32
    %dma_start3A_10 = tpu.memref_slice %arg13[%add3A_9, %dma_start3A] : memref<10240x128xf32, #tpu.memory_space<vmem_shared>> -> memref<16x128xf32, #tpu.memory_space<vmem_shared>>
    %dma_start3A_11 = arith.constant 0 : i32
    %dma_start3A_12 = tpu.memref_slice %arg13[%add3A_9, %dma_start3A_11] : memref<10240x128xf32, #tpu.memory_space<vmem_shared>> -> memref<16x128xf32, #tpu.memory_space<vmem_shared>>
    tpu.enqueue_dma source(%arg12 : memref<16x128xf32, #tpu.memory_space<vmem>>) target(%dma_start3A_12 : memref<16x128xf32, #tpu.memory_space<vmem_shared>>) target_semaphore(%arg23 : memref<!tpu.dma_semaphore, #tpu.memory_space<semaphore_mem>>)
    %mul3A_13 = arith.constant 640 : i32
    %mul3A_14 = arith.muli %arg1, %mul3A_13 : i32
    %add3A_15 = arith.constant 16 : i32
    %add3A_16 = arith.addi %mul3A_14, %add3A_15 : i32
    %dma_start3A_17 = arith.constant 0 : i32
    %dma_start3A_18 = tpu.memref_slice %arg13[%add3A_16, %dma_start3A_17] : memref<10240x128xf32, #tpu.memory_space<vmem_shared>> -> memref<16x128xf32, #tpu.memory_space<vmem_shared>>
    %dma_start3A_19 = arith.constant 0 : i32
    %dma_start3A_20 = tpu.memref_slice %arg13[%add3A_16, %dma_start3A_19] : memref<10240x128xf32, #tpu.memory_space<vmem_shared>> -> memref<16x128xf32, #tpu.memory_space<vmem_shared>>
    tpu.enqueue_dma source(%arg12 : memref<16x128xf32, #tpu.memory_space<vmem>>) target(%dma_start3A_20 : memref<16x128xf32, #tpu.memory_space<vmem_shared>>) target_semaphore(%arg23 : memref<!tpu.dma_semaphore, #tpu.memory_space<semaphore_mem>>)
    %mul3A_21 = arith.constant 640 : i32
    %mul3A_22 = arith.muli %arg1, %mul3A_21 : i32
    %add3A_23 = arith.constant 32 : i32
    %add3A_24 = arith.addi %mul3A_22, %add3A_23 : i32
    %dma_start3A_25 = arith.constant 0 : i32
    %dma_start3A_26 = tpu.memref_slice %arg13[%add3A_24, %dma_start3A_25] : memref<10240x128xf32, #tpu.memory_space<vmem_shared>> -> memref<16x128xf32, #tpu.memory_space<vmem_shared>>
    %dma_start3A_27 = arith.constant 0 : i32
    %dma_start3A_28 = tpu.memref_slice %arg13[%add3A_24, %dma_start3A_27] : memref<10240x128xf32, #tpu.memory_space<vmem_shared>> -> memref<16x128xf32, #tpu.memory_space<vmem_shared>>
    tpu.enqueue_dma source(%arg12 : memref<16x128xf32, #tpu.memory_space<vmem>>) target(%dma_start3A_28 : memref<16x128xf32, #tpu.memory_space<vmem_shared>>) target_semaphore(%arg23 : memref<!tpu.dma_semaphore, #tpu.memory_space<semaphore_mem>>)
    %mul3A_29 = arith.constant 640 : i32
    %mul3A_30 = arith.muli %arg1, %mul3A_29 : i32
    %add3A_31 = arith.constant 48 : i32
    %add3A_32 = arith.addi %mul3A_30, %add3A_31 : i32
    %dma_start3A_33 = arith.constant 0 : i32
    %dma_start3A_34 = tpu.memref_slice %arg13[%add3A_32, %dma_start3A_33] : memref<10240x128xf32, #tpu.memory_space<vmem_shared>> -> memref<16x128xf32, #tpu.memory_space<vmem_shared>>
    %dma_start3A_35 = arith.constant 0 : i32
    %dma_start3A_36 = tpu.memref_slice %arg13[%add3A_32, %dma_start3A_35] : memref<10240x128xf32, #tpu.memory_space<vmem_shared>> -> memref<16x128xf32, #tpu.memory_space<vmem_shared>>
    tpu.enqueue_dma source(%arg12 : memref<16x128xf32, #tpu.memory_space<vmem>>) target(%dma_start3A_36 : memref<16x128xf32, #tpu.memory_space<vmem_shared>>) target_semaphore(%arg23 : memref<!tpu.dma_semaphore, #tpu.memory_space<semaphore_mem>>)
    %mul3A_37 = arith.constant 640 : i32
    %mul3A_38 = arith.muli %arg1, %mul3A_37 : i32
    %add3A_39 = arith.constant 64 : i32
    %add3A_40 = arith.addi %mul3A_38, %add3A_39 : i32
    %dma_start3A_41 = arith.constant 0 : i32
    %dma_start3A_42 = tpu.memref_slice %arg13[%add3A_40, %dma_start3A_41] : memref<10240x128xf32, #tpu.memory_space<vmem_shared>> -> memref<16x128xf32, #tpu.memory_space<vmem_shared>>
    %dma_start3A_43 = arith.constant 0 : i32
    %dma_start3A_44 = tpu.memref_slice %arg13[%add3A_40, %dma_start3A_43] : memref<10240x128xf32, #tpu.memory_space<vmem_shared>> -> memref<16x128xf32, #tpu.memory_space<vmem_shared>>
    tpu.enqueue_dma source(%arg12 : memref<16x128xf32, #tpu.memory_space<vmem>>) target(%dma_start3A_44 : memref<16x128xf32, #tpu.memory_space<vmem_shared>>) target_semaphore(%arg23 : memref<!tpu.dma_semaphore, #tpu.memory_space<semaphore_mem>>)
    %mul3A_45 = arith.constant 640 : i32
    %mul3A_46 = arith.muli %arg1, %mul3A_45 : i32
    %add3A_47 = arith.constant 80 : i32
    %add3A_48 = arith.addi %mul3A_46, %add3A_47 : i32
    %dma_start3A_49 = arith.constant 0 : i32
    %dma_start3A_50 = tpu.memref_slice %arg13[%add3A_48, %dma_start3A_49] : memref<10240x128xf32, #tpu.memory_space<vmem_shared>> -> memref<16x128xf32, #tpu.memory_space<vmem_shared>>
    %dma_start3A_51 = arith.constant 0 : i32
    %dma_start3A_52 = tpu.memref_slice %arg13[%add3A_48, %dma_start3A_51] : memref<10240x128xf32, #tpu.memory_space<vmem_shared>> -> memref<16x128xf32, #tpu.memory_space<vmem_shared>>
    tpu.enqueue_dma source(%arg12 : memref<16x128xf32, #tpu.memory_space<vmem>>) target(%dma_start3A_52 : memref<16x128xf32, #tpu.memory_space<vmem_shared>>) target_semaphore(%arg23 : memref<!tpu.dma_semaphore, #tpu.memory_space<semaphore_mem>>)
    %mul3A_53 = arith.constant 640 : i32
    %mul3A_54 = arith.muli %arg1, %mul3A_53 : i32
    %add3A_55 = arith.constant 96 : i32
    %add3A_56 = arith.addi %mul3A_54, %add3A_55 : i32
    %dma_start3A_57 = arith.constant 0 : i32
    %dma_start3A_58 = tpu.memref_slice %arg13[%add3A_56, %dma_start3A_57] : memref<10240x128xf32, #tpu.memory_space<vmem_shared>> -> memref<16x128xf32, #tpu.memory_space<vmem_shared>>
    %dma_start3A_59 = arith.constant 0 : i32
    %dma_start3A_60 = tpu.memref_slice %arg13[%add3A_56, %dma_start3A_59] : memref<10240x128xf32, #tpu.memory_space<vmem_shared>> -> memref<16x128xf32, #tpu.memory_space<vmem_shared>>
    tpu.enqueue_dma source(%arg12 : memref<16x128xf32, #tpu.memory_space<vmem>>) target(%dma_start3A_60 : memref<16x128xf32, #tpu.memory_space<vmem_shared>>) target_semaphore(%arg23 : memref<!tpu.dma_semaphore, #tpu.memory_space<semaphore_mem>>)
    %mul3A_61 = arith.constant 640 : i32
    %mul3A_62 = arith.muli %arg1, %mul3A_61 : i32
    %add3A_63 = arith.constant 112 : i32
    %add3A_64 = arith.addi %mul3A_62, %add3A_63 : i32
    %dma_start3A_65 = arith.constant 0 : i32
    %dma_start3A_66 = tpu.memref_slice %arg13[%add3A_64, %dma_start3A_65] : memref<10240x128xf32, #tpu.memory_space<vmem_shared>> -> memref<16x128xf32, #tpu.memory_space<vmem_shared>>
    %dma_start3A_67 = arith.constant 0 : i32
    %dma_start3A_68 = tpu.memref_slice %arg13[%add3A_64, %dma_start3A_67] : memref<10240x128xf32, #tpu.memory_space<vmem_shared>> -> memref<16x128xf32, #tpu.memory_space<vmem_shared>>
    tpu.enqueue_dma source(%arg12 : memref<16x128xf32, #tpu.memory_space<vmem>>) target(%dma_start3A_68 : memref<16x128xf32, #tpu.memory_space<vmem_shared>>) target_semaphore(%arg23 : memref<!tpu.dma_semaphore, #tpu.memory_space<semaphore_mem>>)
    %mul3A_69 = arith.constant 640 : i32
    %mul3A_70 = arith.muli %arg1, %mul3A_69 : i32
    %add3A_71 = arith.constant 128 : i32
    %add3A_72 = arith.addi %mul3A_70, %add3A_71 : i32
    %dma_start3A_73 = arith.constant 0 : i32
    %dma_start3A_74 = tpu.memref_slice %arg13[%add3A_72, %dma_start3A_73] : memref<10240x128xf32, #tpu.memory_space<vmem_shared>> -> memref<16x128xf32, #tpu.memory_space<vmem_shared>>
    %dma_start3A_75 = arith.constant 0 : i32
    %dma_start3A_76 = tpu.memref_slice %arg13[%add3A_72, %dma_start3A_75] : memref<10240x128xf32, #tpu.memory_space<vmem_shared>> -> memref<16x128xf32, #tpu.memory_space<vmem_shared>>
    tpu.enqueue_dma source(%arg12 : memref<16x128xf32, #tpu.memory_space<vmem>>) target(%dma_start3A_76 : memref<16x128xf32, #tpu.memory_space<vmem_shared>>) target_semaphore(%arg23 : memref<!tpu.dma_semaphore, #tpu.memory_space<semaphore_mem>>)
    %mul3A_77 = arith.constant 640 : i32
    %mul3A_78 = arith.muli %arg1, %mul3A_77 : i32
    %add3A_79 = arith.constant 144 : i32
    %add3A_80 = arith.addi %mul3A_78, %add3A_79 : i32
    %dma_start3A_81 = arith.constant 0 : i32
    %dma_start3A_82 = tpu.memref_slice %arg13[%add3A_80, %dma_start3A_81] : memref<10240x128xf32, #tpu.memory_space<vmem_shared>> -> memref<16x128xf32, #tpu.memory_space<vmem_shared>>
    %dma_start3A_83 = arith.constant 0 : i32
    %dma_start3A_84 = tpu.memref_slice %arg13[%add3A_80, %dma_start3A_83] : memref<10240x128xf32, #tpu.memory_space<vmem_shared>> -> memref<16x128xf32, #tpu.memory_space<vmem_shared>>
    tpu.enqueue_dma source(%arg12 : memref<16x128xf32, #tpu.memory_space<vmem>>) target(%dma_start3A_84 : memref<16x128xf32, #tpu.memory_space<vmem_shared>>) target_semaphore(%arg23 : memref<!tpu.dma_semaphore, #tpu.memory_space<semaphore_mem>>)
    %mul3A_85 = arith.constant 640 : i32
    %mul3A_86 = arith.muli %arg1, %mul3A_85 : i32
    %add3A_87 = arith.constant 160 : i32
    %add3A_88 = arith.addi %mul3A_86, %add3A_87 : i32
    %dma_start3A_89 = arith.constant 0 : i32
    %dma_start3A_90 = tpu.memref_slice %arg13[%add3A_88, %dma_start3A_89] : memref<10240x128xf32, #tpu.memory_space<vmem_shared>> -> memref<16x128xf32, #tpu.memory_space<vmem_shared>>
    %dma_start3A_91 = arith.constant 0 : i32
    %dma_start3A_92 = tpu.memref_slice %arg13[%add3A_88, %dma_start3A_91] : memref<10240x128xf32, #tpu.memory_space<vmem_shared>> -> memref<16x128xf32, #tpu.memory_space<vmem_shared>>
    tpu.enqueue_dma source(%arg12 : memref<16x128xf32, #tpu.memory_space<vmem>>) target(%dma_start3A_92 : memref<16x128xf32, #tpu.memory_space<vmem_shared>>) target_semaphore(%arg23 : memref<!tpu.dma_semaphore, #tpu.memory_space<semaphore_mem>>)
    %mul3A_93 = arith.constant 640 : i32
    %mul3A_94 = arith.muli %arg1, %mul3A_93 : i32
    %add3A_95 = arith.constant 176 : i32
    %add3A_96 = arith.addi %mul3A_94, %add3A_95 : i32
    %dma_start3A_97 = arith.constant 0 : i32
    %dma_start3A_98 = tpu.memref_slice %arg13[%add3A_96, %dma_start3A_97] : memref<10240x128xf32, #tpu.memory_space<vmem_shared>> -> memref<16x128xf32, #tpu.memory_space<vmem_shared>>
    %dma_start3A_99 = arith.constant 0 : i32
    %dma_start3A_100 = tpu.memref_slice %arg13[%add3A_96, %dma_start3A_99] : memref<10240x128xf32, #tpu.memory_space<vmem_shared>> -> memref<16x128xf32, #tpu.memory_space<vmem_shared>>
    tpu.enqueue_dma source(%arg12 : memref<16x128xf32, #tpu.memory_space<vmem>>) target(%dma_start3A_100 : memref<16x128xf32, #tpu.memory_space<vmem_shared>>) target_semaphore(%arg23 : memref<!tpu.dma_semaphore, #tpu.memory_space<semaphore_mem>>)
    %mul3A_101 = arith.constant 640 : i32
    %mul3A_102 = arith.muli %arg1, %mul3A_101 : i32
    %add3A_103 = arith.constant 192 : i32
    %add3A_104 = arith.addi %mul3A_102, %add3A_103 : i32
    %dma_start3A_105 = arith.constant 0 : i32
    %dma_start3A_106 = tpu.memref_slice %arg13[%add3A_104, %dma_start3A_105] : memref<10240x128xf32, #tpu.memory_space<vmem_shared>> -> memref<16x128xf32, #tpu.memory_space<vmem_shared>>
    %dma_start3A_107 = arith.constant 0 : i32
    %dma_start3A_108 = tpu.memref_slice %arg13[%add3A_104, %dma_start3A_107] : memref<10240x128xf32, #tpu.memory_space<vmem_shared>> -> memref<16x128xf32, #tpu.memory_space<vmem_shared>>
    tpu.enqueue_dma source(%arg12 : memref<16x128xf32, #tpu.memory_space<vmem>>) target(%dma_start3A_108 : memref<16x128xf32, #tpu.memory_space<vmem_shared>>) target_semaphore(%arg23 : memref<!tpu.dma_semaphore, #tpu.memory_space<semaphore_mem>>)
    %mul3A_109 = arith.constant 640 : i32
    %mul3A_110 = arith.muli %arg1, %mul3A_109 : i32
    %add3A_111 = arith.constant 208 : i32
    %add3A_112 = arith.addi %mul3A_110, %add3A_111 : i32
    %dma_start3A_113 = arith.constant 0 : i32
    %dma_start3A_114 = tpu.memref_slice %arg13[%add3A_112, %dma_start3A_113] : memref<10240x128xf32, #tpu.memory_space<vmem_shared>> -> memref<16x128xf32, #tpu.memory_space<vmem_shared>>
    %dma_start3A_115 = arith.constant 0 : i32
    %dma_start3A_116 = tpu.memref_slice %arg13[%add3A_112, %dma_start3A_115] : memref<10240x128xf32, #tpu.memory_space<vmem_shared>> -> memref<16x128xf32, #tpu.memory_space<vmem_shared>>
    tpu.enqueue_dma source(%arg12 : memref<16x128xf32, #tpu.memory_space<vmem>>) target(%dma_start3A_116 : memref<16x128xf32, #tpu.memory_space<vmem_shared>>) target_semaphore(%arg23 : memref<!tpu.dma_semaphore, #tpu.memory_space<semaphore_mem>>)
    %mul3A_117 = arith.constant 640 : i32
    %mul3A_118 = arith.muli %arg1, %mul3A_117 : i32
    %add3A_119 = arith.constant 224 : i32
    %add3A_120 = arith.addi %mul3A_118, %add3A_119 : i32
    %dma_start3A_121 = arith.constant 0 : i32
    %dma_start3A_122 = tpu.memref_slice %arg13[%add3A_120, %dma_start3A_121] : memref<10240x128xf32, #tpu.memory_space<vmem_shared>> -> memref<16x128xf32, #tpu.memory_space<vmem_shared>>
    %dma_start3A_123 = arith.constant 0 : i32
    %dma_start3A_124 = tpu.memref_slice %arg13[%add3A_120, %dma_start3A_123] : memref<10240x128xf32, #tpu.memory_space<vmem_shared>> -> memref<16x128xf32, #tpu.memory_space<vmem_shared>>
    tpu.enqueue_dma source(%arg12 : memref<16x128xf32, #tpu.memory_space<vmem>>) target(%dma_start3A_124 : memref<16x128xf32, #tpu.memory_space<vmem_shared>>) target_semaphore(%arg23 : memref<!tpu.dma_semaphore, #tpu.memory_space<semaphore_mem>>)
    %mul3A_125 = arith.constant 640 : i32
    %mul3A_126 = arith.muli %arg1, %mul3A_125 : i32
    %add3A_127 = arith.constant 240 : i32
    %add3A_128 = arith.addi %mul3A_126, %add3A_127 : i32
    %dma_start3A_129 = arith.constant 0 : i32
    %dma_start3A_130 = tpu.memref_slice %arg13[%add3A_128, %dma_start3A_129] : memref<10240x128xf32, #tpu.memory_space<vmem_shared>> -> memref<16x128xf32, #tpu.memory_space<vmem_shared>>
    %dma_start3A_131 = arith.constant 0 : i32
    %dma_start3A_132 = tpu.memref_slice %arg13[%add3A_128, %dma_start3A_131] : memref<10240x128xf32, #tpu.memory_space<vmem_shared>> -> memref<16x128xf32, #tpu.memory_space<vmem_shared>>
    tpu.enqueue_dma source(%arg12 : memref<16x128xf32, #tpu.memory_space<vmem>>) target(%dma_start3A_132 : memref<16x128xf32, #tpu.memory_space<vmem_shared>>) target_semaphore(%arg23 : memref<!tpu.dma_semaphore, #tpu.memory_space<semaphore_mem>>)
    %mul3A_133 = arith.constant 640 : i32
    %mul3A_134 = arith.muli %arg1, %mul3A_133 : i32
    %add3A_135 = arith.constant 256 : i32
    %add3A_136 = arith.addi %mul3A_134, %add3A_135 : i32
    %dma_start3A_137 = arith.constant 0 : i32
    %dma_start3A_138 = tpu.memref_slice %arg13[%add3A_136, %dma_start3A_137] : memref<10240x128xf32, #tpu.memory_space<vmem_shared>> -> memref<16x128xf32, #tpu.memory_space<vmem_shared>>
    %dma_start3A_139 = arith.constant 0 : i32
    %dma_start3A_140 = tpu.memref_slice %arg13[%add3A_136, %dma_start3A_139] : memref<10240x128xf32, #tpu.memory_space<vmem_shared>> -> memref<16x128xf32, #tpu.memory_space<vmem_shared>>
    tpu.enqueue_dma source(%arg12 : memref<16x128xf32, #tpu.memory_space<vmem>>) target(%dma_start3A_140 : memref<16x128xf32, #tpu.memory_space<vmem_shared>>) target_semaphore(%arg23 : memref<!tpu.dma_semaphore, #tpu.memory_space<semaphore_mem>>)
    %mul3A_141 = arith.constant 640 : i32
    %mul3A_142 = arith.muli %arg1, %mul3A_141 : i32
    %add3A_143 = arith.constant 272 : i32
    %add3A_144 = arith.addi %mul3A_142, %add3A_143 : i32
    %dma_start3A_145 = arith.constant 0 : i32
    %dma_start3A_146 = tpu.memref_slice %arg13[%add3A_144, %dma_start3A_145] : memref<10240x128xf32, #tpu.memory_space<vmem_shared>> -> memref<16x128xf32, #tpu.memory_space<vmem_shared>>
    %dma_start3A_147 = arith.constant 0 : i32
    %dma_start3A_148 = tpu.memref_slice %arg13[%add3A_144, %dma_start3A_147] : memref<10240x128xf32, #tpu.memory_space<vmem_shared>> -> memref<16x128xf32, #tpu.memory_space<vmem_shared>>
    tpu.enqueue_dma source(%arg12 : memref<16x128xf32, #tpu.memory_space<vmem>>) target(%dma_start3A_148 : memref<16x128xf32, #tpu.memory_space<vmem_shared>>) target_semaphore(%arg23 : memref<!tpu.dma_semaphore, #tpu.memory_space<semaphore_mem>>)
    %mul3A_149 = arith.constant 640 : i32
    %mul3A_150 = arith.muli %arg1, %mul3A_149 : i32
    %add3A_151 = arith.constant 288 : i32
    %add3A_152 = arith.addi %mul3A_150, %add3A_151 : i32
    %dma_start3A_153 = arith.constant 0 : i32
    %dma_start3A_154 = tpu.memref_slice %arg13[%add3A_152, %dma_start3A_153] : memref<10240x128xf32, #tpu.memory_space<vmem_shared>> -> memref<16x128xf32, #tpu.memory_space<vmem_shared>>
    %dma_start3A_155 = arith.constant 0 : i32
    %dma_start3A_156 = tpu.memref_slice %arg13[%add3A_152, %dma_start3A_155] : memref<10240x128xf32, #tpu.memory_space<vmem_shared>> -> memref<16x128xf32, #tpu.memory_space<vmem_shared>>
    tpu.enqueue_dma source(%arg12 : memref<16x128xf32, #tpu.memory_space<vmem>>) target(%dma_start3A_156 : memref<16x128xf32, #tpu.memory_space<vmem_shared>>) target_semaphore(%arg23 : memref<!tpu.dma_semaphore, #tpu.memory_space<semaphore_mem>>)
    %mul3A_157 = arith.constant 640 : i32
    %mul3A_158 = arith.muli %arg1, %mul3A_157 : i32
    %add3A_159 = arith.constant 304 : i32
    %add3A_160 = arith.addi %mul3A_158, %add3A_159 : i32
    %dma_start3A_161 = arith.constant 0 : i32
    %dma_start3A_162 = tpu.memref_slice %arg13[%add3A_160, %dma_start3A_161] : memref<10240x128xf32, #tpu.memory_space<vmem_shared>> -> memref<16x128xf32, #tpu.memory_space<vmem_shared>>
    %dma_start3A_163 = arith.constant 0 : i32
    %dma_start3A_164 = tpu.memref_slice %arg13[%add3A_160, %dma_start3A_163] : memref<10240x128xf32, #tpu.memory_space<vmem_shared>> -> memref<16x128xf32, #tpu.memory_space<vmem_shared>>
    tpu.enqueue_dma source(%arg12 : memref<16x128xf32, #tpu.memory_space<vmem>>) target(%dma_start3A_164 : memref<16x128xf32, #tpu.memory_space<vmem_shared>>) target_semaphore(%arg23 : memref<!tpu.dma_semaphore, #tpu.memory_space<semaphore_mem>>)
    %mul3A_165 = arith.constant 640 : i32
    %mul3A_166 = arith.muli %arg1, %mul3A_165 : i32
    %add3A_167 = arith.constant 320 : i32
    %add3A_168 = arith.addi %mul3A_166, %add3A_167 : i32
    %dma_start3A_169 = arith.constant 0 : i32
    %dma_start3A_170 = tpu.memref_slice %arg13[%add3A_168, %dma_start3A_169] : memref<10240x128xf32, #tpu.memory_space<vmem_shared>> -> memref<16x128xf32, #tpu.memory_space<vmem_shared>>
    %dma_start3A_171 = arith.constant 0 : i32
    %dma_start3A_172 = tpu.memref_slice %arg13[%add3A_168, %dma_start3A_171] : memref<10240x128xf32, #tpu.memory_space<vmem_shared>> -> memref<16x128xf32, #tpu.memory_space<vmem_shared>>
    tpu.enqueue_dma source(%arg12 : memref<16x128xf32, #tpu.memory_space<vmem>>) target(%dma_start3A_172 : memref<16x128xf32, #tpu.memory_space<vmem_shared>>) target_semaphore(%arg23 : memref<!tpu.dma_semaphore, #tpu.memory_space<semaphore_mem>>)
    %mul3A_173 = arith.constant 640 : i32
    %mul3A_174 = arith.muli %arg1, %mul3A_173 : i32
    %add3A_175 = arith.constant 336 : i32
    %add3A_176 = arith.addi %mul3A_174, %add3A_175 : i32
    %dma_start3A_177 = arith.constant 0 : i32
    %dma_start3A_178 = tpu.memref_slice %arg13[%add3A_176, %dma_start3A_177] : memref<10240x128xf32, #tpu.memory_space<vmem_shared>> -> memref<16x128xf32, #tpu.memory_space<vmem_shared>>
    %dma_start3A_179 = arith.constant 0 : i32
    %dma_start3A_180 = tpu.memref_slice %arg13[%add3A_176, %dma_start3A_179] : memref<10240x128xf32, #tpu.memory_space<vmem_shared>> -> memref<16x128xf32, #tpu.memory_space<vmem_shared>>
    tpu.enqueue_dma source(%arg12 : memref<16x128xf32, #tpu.memory_space<vmem>>) target(%dma_start3A_180 : memref<16x128xf32, #tpu.memory_space<vmem_shared>>) target_semaphore(%arg23 : memref<!tpu.dma_semaphore, #tpu.memory_space<semaphore_mem>>)
    %mul3A_181 = arith.constant 640 : i32
    %mul3A_182 = arith.muli %arg1, %mul3A_181 : i32
    %add3A_183 = arith.constant 352 : i32
    %add3A_184 = arith.addi %mul3A_182, %add3A_183 : i32
    %dma_start3A_185 = arith.constant 0 : i32
    %dma_start3A_186 = tpu.memref_slice %arg13[%add3A_184, %dma_start3A_185] : memref<10240x128xf32, #tpu.memory_space<vmem_shared>> -> memref<16x128xf32, #tpu.memory_space<vmem_shared>>
    %dma_start3A_187 = arith.constant 0 : i32
    %dma_start3A_188 = tpu.memref_slice %arg13[%add3A_184, %dma_start3A_187] : memref<10240x128xf32, #tpu.memory_space<vmem_shared>> -> memref<16x128xf32, #tpu.memory_space<vmem_shared>>
    tpu.enqueue_dma source(%arg12 : memref<16x128xf32, #tpu.memory_space<vmem>>) target(%dma_start3A_188 : memref<16x128xf32, #tpu.memory_space<vmem_shared>>) target_semaphore(%arg23 : memref<!tpu.dma_semaphore, #tpu.memory_space<semaphore_mem>>)
    %mul3A_189 = arith.constant 640 : i32
    %mul3A_190 = arith.muli %arg1, %mul3A_189 : i32
    %add3A_191 = arith.constant 368 : i32
    %add3A_192 = arith.addi %mul3A_190, %add3A_191 : i32
    %dma_start3A_193 = arith.constant 0 : i32
    %dma_start3A_194 = tpu.memref_slice %arg13[%add3A_192, %dma_start3A_193] : memref<10240x128xf32, #tpu.memory_space<vmem_shared>> -> memref<16x128xf32, #tpu.memory_space<vmem_shared>>
    %dma_start3A_195 = arith.constant 0 : i32
    %dma_start3A_196 = tpu.memref_slice %arg13[%add3A_192, %dma_start3A_195] : memref<10240x128xf32, #tpu.memory_space<vmem_shared>> -> memref<16x128xf32, #tpu.memory_space<vmem_shared>>
    tpu.enqueue_dma source(%arg12 : memref<16x128xf32, #tpu.memory_space<vmem>>) target(%dma_start3A_196 : memref<16x128xf32, #tpu.memory_space<vmem_shared>>) target_semaphore(%arg23 : memref<!tpu.dma_semaphore, #tpu.memory_space<semaphore_mem>>)
    %mul3A_197 = arith.constant 640 : i32
    %mul3A_198 = arith.muli %arg1, %mul3A_197 : i32
    %add3A_199 = arith.constant 384 : i32
    %add3A_200 = arith.addi %mul3A_198, %add3A_199 : i32
    %dma_start3A_201 = arith.constant 0 : i32
    %dma_start3A_202 = tpu.memref_slice %arg13[%add3A_200, %dma_start3A_201] : memref<10240x128xf32, #tpu.memory_space<vmem_shared>> -> memref<16x128xf32, #tpu.memory_space<vmem_shared>>
    %dma_start3A_203 = arith.constant 0 : i32
    %dma_start3A_204 = tpu.memref_slice %arg13[%add3A_200, %dma_start3A_203] : memref<10240x128xf32, #tpu.memory_space<vmem_shared>> -> memref<16x128xf32, #tpu.memory_space<vmem_shared>>
    tpu.enqueue_dma source(%arg12 : memref<16x128xf32, #tpu.memory_space<vmem>>) target(%dma_start3A_204 : memref<16x128xf32, #tpu.memory_space<vmem_shared>>) target_semaphore(%arg23 : memref<!tpu.dma_semaphore, #tpu.memory_space<semaphore_mem>>)
    %mul3A_205 = arith.constant 640 : i32
    %mul3A_206 = arith.muli %arg1, %mul3A_205 : i32
    %add3A_207 = arith.constant 400 : i32
    %add3A_208 = arith.addi %mul3A_206, %add3A_207 : i32
    %dma_start3A_209 = arith.constant 0 : i32
    %dma_start3A_210 = tpu.memref_slice %arg13[%add3A_208, %dma_start3A_209] : memref<10240x128xf32, #tpu.memory_space<vmem_shared>> -> memref<16x128xf32, #tpu.memory_space<vmem_shared>>
    %dma_start3A_211 = arith.constant 0 : i32
    %dma_start3A_212 = tpu.memref_slice %arg13[%add3A_208, %dma_start3A_211] : memref<10240x128xf32, #tpu.memory_space<vmem_shared>> -> memref<16x128xf32, #tpu.memory_space<vmem_shared>>
    tpu.enqueue_dma source(%arg12 : memref<16x128xf32, #tpu.memory_space<vmem>>) target(%dma_start3A_212 : memref<16x128xf32, #tpu.memory_space<vmem_shared>>) target_semaphore(%arg23 : memref<!tpu.dma_semaphore, #tpu.memory_space<semaphore_mem>>)
    %mul3A_213 = arith.constant 640 : i32
    %mul3A_214 = arith.muli %arg1, %mul3A_213 : i32
    %add3A_215 = arith.constant 416 : i32
    %add3A_216 = arith.addi %mul3A_214, %add3A_215 : i32
    %dma_start3A_217 = arith.constant 0 : i32
    %dma_start3A_218 = tpu.memref_slice %arg13[%add3A_216, %dma_start3A_217] : memref<10240x128xf32, #tpu.memory_space<vmem_shared>> -> memref<16x128xf32, #tpu.memory_space<vmem_shared>>
    %dma_start3A_219 = arith.constant 0 : i32
    %dma_start3A_220 = tpu.memref_slice %arg13[%add3A_216, %dma_start3A_219] : memref<10240x128xf32, #tpu.memory_space<vmem_shared>> -> memref<16x128xf32, #tpu.memory_space<vmem_shared>>
    tpu.enqueue_dma source(%arg12 : memref<16x128xf32, #tpu.memory_space<vmem>>) target(%dma_start3A_220 : memref<16x128xf32, #tpu.memory_space<vmem_shared>>) target_semaphore(%arg23 : memref<!tpu.dma_semaphore, #tpu.memory_space<semaphore_mem>>)
    %mul3A_221 = arith.constant 640 : i32
    %mul3A_222 = arith.muli %arg1, %mul3A_221 : i32
    %add3A_223 = arith.constant 432 : i32
    %add3A_224 = arith.addi %mul3A_222, %add3A_223 : i32
    %dma_start3A_225 = arith.constant 0 : i32
    %dma_start3A_226 = tpu.memref_slice %arg13[%add3A_224, %dma_start3A_225] : memref<10240x128xf32, #tpu.memory_space<vmem_shared>> -> memref<16x128xf32, #tpu.memory_space<vmem_shared>>
    %dma_start3A_227 = arith.constant 0 : i32
    %dma_start3A_228 = tpu.memref_slice %arg13[%add3A_224, %dma_start3A_227] : memref<10240x128xf32, #tpu.memory_space<vmem_shared>> -> memref<16x128xf32, #tpu.memory_space<vmem_shared>>
    tpu.enqueue_dma source(%arg12 : memref<16x128xf32, #tpu.memory_space<vmem>>) target(%dma_start3A_228 : memref<16x128xf32, #tpu.memory_space<vmem_shared>>) target_semaphore(%arg23 : memref<!tpu.dma_semaphore, #tpu.memory_space<semaphore_mem>>)
    %mul3A_229 = arith.constant 640 : i32
    %mul3A_230 = arith.muli %arg1, %mul3A_229 : i32
    %add3A_231 = arith.constant 448 : i32
    %add3A_232 = arith.addi %mul3A_230, %add3A_231 : i32
    %dma_start3A_233 = arith.constant 0 : i32
    %dma_start3A_234 = tpu.memref_slice %arg13[%add3A_232, %dma_start3A_233] : memref<10240x128xf32, #tpu.memory_space<vmem_shared>> -> memref<16x128xf32, #tpu.memory_space<vmem_shared>>
    %dma_start3A_235 = arith.constant 0 : i32
    %dma_start3A_236 = tpu.memref_slice %arg13[%add3A_232, %dma_start3A_235] : memref<10240x128xf32, #tpu.memory_space<vmem_shared>> -> memref<16x128xf32, #tpu.memory_space<vmem_shared>>
    tpu.enqueue_dma source(%arg12 : memref<16x128xf32, #tpu.memory_space<vmem>>) target(%dma_start3A_236 : memref<16x128xf32, #tpu.memory_space<vmem_shared>>) target_semaphore(%arg23 : memref<!tpu.dma_semaphore, #tpu.memory_space<semaphore_mem>>)
    %mul3A_237 = arith.constant 640 : i32
    %mul3A_238 = arith.muli %arg1, %mul3A_237 : i32
    %add3A_239 = arith.constant 464 : i32
    %add3A_240 = arith.addi %mul3A_238, %add3A_239 : i32
    %dma_start3A_241 = arith.constant 0 : i32
    %dma_start3A_242 = tpu.memref_slice %arg13[%add3A_240, %dma_start3A_241] : memref<10240x128xf32, #tpu.memory_space<vmem_shared>> -> memref<16x128xf32, #tpu.memory_space<vmem_shared>>
    %dma_start3A_243 = arith.constant 0 : i32
    %dma_start3A_244 = tpu.memref_slice %arg13[%add3A_240, %dma_start3A_243] : memref<10240x128xf32, #tpu.memory_space<vmem_shared>> -> memref<16x128xf32, #tpu.memory_space<vmem_shared>>
    tpu.enqueue_dma source(%arg12 : memref<16x128xf32, #tpu.memory_space<vmem>>) target(%dma_start3A_244 : memref<16x128xf32, #tpu.memory_space<vmem_shared>>) target_semaphore(%arg23 : memref<!tpu.dma_semaphore, #tpu.memory_space<semaphore_mem>>)
    %mul3A_245 = arith.constant 640 : i32
    %mul3A_246 = arith.muli %arg1, %mul3A_245 : i32
    %add3A_247 = arith.constant 480 : i32
    %add3A_248 = arith.addi %mul3A_246, %add3A_247 : i32
    %dma_start3A_249 = arith.constant 0 : i32
    %dma_start3A_250 = tpu.memref_slice %arg13[%add3A_248, %dma_start3A_249] : memref<10240x128xf32, #tpu.memory_space<vmem_shared>> -> memref<16x128xf32, #tpu.memory_space<vmem_shared>>
    %dma_start3A_251 = arith.constant 0 : i32
    %dma_start3A_252 = tpu.memref_slice %arg13[%add3A_248, %dma_start3A_251] : memref<10240x128xf32, #tpu.memory_space<vmem_shared>> -> memref<16x128xf32, #tpu.memory_space<vmem_shared>>
    tpu.enqueue_dma source(%arg12 : memref<16x128xf32, #tpu.memory_space<vmem>>) target(%dma_start3A_252 : memref<16x128xf32, #tpu.memory_space<vmem_shared>>) target_semaphore(%arg23 : memref<!tpu.dma_semaphore, #tpu.memory_space<semaphore_mem>>)
    %mul3A_253 = arith.constant 640 : i32
    %mul3A_254 = arith.muli %arg1, %mul3A_253 : i32
    %add3A_255 = arith.constant 496 : i32
    %add3A_256 = arith.addi %mul3A_254, %add3A_255 : i32
    %dma_start3A_257 = arith.constant 0 : i32
    %dma_start3A_258 = tpu.memref_slice %arg13[%add3A_256, %dma_start3A_257] : memref<10240x128xf32, #tpu.memory_space<vmem_shared>> -> memref<16x128xf32, #tpu.memory_space<vmem_shared>>
    %dma_start3A_259 = arith.constant 0 : i32
    %dma_start3A_260 = tpu.memref_slice %arg13[%add3A_256, %dma_start3A_259] : memref<10240x128xf32, #tpu.memory_space<vmem_shared>> -> memref<16x128xf32, #tpu.memory_space<vmem_shared>>
    tpu.enqueue_dma source(%arg12 : memref<16x128xf32, #tpu.memory_space<vmem>>) target(%dma_start3A_260 : memref<16x128xf32, #tpu.memory_space<vmem_shared>>) target_semaphore(%arg23 : memref<!tpu.dma_semaphore, #tpu.memory_space<semaphore_mem>>)
    %mul3A_261 = arith.constant 640 : i32
    %mul3A_262 = arith.muli %arg1, %mul3A_261 : i32
    %add3A_263 = arith.constant 512 : i32
    %add3A_264 = arith.addi %mul3A_262, %add3A_263 : i32
    %dma_start3A_265 = arith.constant 0 : i32
    %dma_start3A_266 = tpu.memref_slice %arg13[%add3A_264, %dma_start3A_265] : memref<10240x128xf32, #tpu.memory_space<vmem_shared>> -> memref<16x128xf32, #tpu.memory_space<vmem_shared>>
    %dma_start3A_267 = arith.constant 0 : i32
    %dma_start3A_268 = tpu.memref_slice %arg13[%add3A_264, %dma_start3A_267] : memref<10240x128xf32, #tpu.memory_space<vmem_shared>> -> memref<16x128xf32, #tpu.memory_space<vmem_shared>>
    tpu.enqueue_dma source(%arg12 : memref<16x128xf32, #tpu.memory_space<vmem>>) target(%dma_start3A_268 : memref<16x128xf32, #tpu.memory_space<vmem_shared>>) target_semaphore(%arg23 : memref<!tpu.dma_semaphore, #tpu.memory_space<semaphore_mem>>)
    %mul3A_269 = arith.constant 640 : i32
    %mul3A_270 = arith.muli %arg1, %mul3A_269 : i32
    %add3A_271 = arith.constant 528 : i32
    %add3A_272 = arith.addi %mul3A_270, %add3A_271 : i32
    %dma_start3A_273 = arith.constant 0 : i32
    %dma_start3A_274 = tpu.memref_slice %arg13[%add3A_272, %dma_start3A_273] : memref<10240x128xf32, #tpu.memory_space<vmem_shared>> -> memref<16x128xf32, #tpu.memory_space<vmem_shared>>
    %dma_start3A_275 = arith.constant 0 : i32
    %dma_start3A_276 = tpu.memref_slice %arg13[%add3A_272, %dma_start3A_275] : memref<10240x128xf32, #tpu.memory_space<vmem_shared>> -> memref<16x128xf32, #tpu.memory_space<vmem_shared>>
    tpu.enqueue_dma source(%arg12 : memref<16x128xf32, #tpu.memory_space<vmem>>) target(%dma_start3A_276 : memref<16x128xf32, #tpu.memory_space<vmem_shared>>) target_semaphore(%arg23 : memref<!tpu.dma_semaphore, #tpu.memory_space<semaphore_mem>>)
    %mul3A_277 = arith.constant 640 : i32
    %mul3A_278 = arith.muli %arg1, %mul3A_277 : i32
    %add3A_279 = arith.constant 544 : i32
    %add3A_280 = arith.addi %mul3A_278, %add3A_279 : i32
    %dma_start3A_281 = arith.constant 0 : i32
    %dma_start3A_282 = tpu.memref_slice %arg13[%add3A_280, %dma_start3A_281] : memref<10240x128xf32, #tpu.memory_space<vmem_shared>> -> memref<16x128xf32, #tpu.memory_space<vmem_shared>>
    %dma_start3A_283 = arith.constant 0 : i32
    %dma_start3A_284 = tpu.memref_slice %arg13[%add3A_280, %dma_start3A_283] : memref<10240x128xf32, #tpu.memory_space<vmem_shared>> -> memref<16x128xf32, #tpu.memory_space<vmem_shared>>
    tpu.enqueue_dma source(%arg12 : memref<16x128xf32, #tpu.memory_space<vmem>>) target(%dma_start3A_284 : memref<16x128xf32, #tpu.memory_space<vmem_shared>>) target_semaphore(%arg23 : memref<!tpu.dma_semaphore, #tpu.memory_space<semaphore_mem>>)
    %mul3A_285 = arith.constant 640 : i32
    %mul3A_286 = arith.muli %arg1, %mul3A_285 : i32
    %add3A_287 = arith.constant 560 : i32
    %add3A_288 = arith.addi %mul3A_286, %add3A_287 : i32
    %dma_start3A_289 = arith.constant 0 : i32
    %dma_start3A_290 = tpu.memref_slice %arg13[%add3A_288, %dma_start3A_289] : memref<10240x128xf32, #tpu.memory_space<vmem_shared>> -> memref<16x128xf32, #tpu.memory_space<vmem_shared>>
    %dma_start3A_291 = arith.constant 0 : i32
    %dma_start3A_292 = tpu.memref_slice %arg13[%add3A_288, %dma_start3A_291] : memref<10240x128xf32, #tpu.memory_space<vmem_shared>> -> memref<16x128xf32, #tpu.memory_space<vmem_shared>>
    tpu.enqueue_dma source(%arg12 : memref<16x128xf32, #tpu.memory_space<vmem>>) target(%dma_start3A_292 : memref<16x128xf32, #tpu.memory_space<vmem_shared>>) target_semaphore(%arg23 : memref<!tpu.dma_semaphore, #tpu.memory_space<semaphore_mem>>)
    %mul3A_293 = arith.constant 640 : i32
    %mul3A_294 = arith.muli %arg1, %mul3A_293 : i32
    %add3A_295 = arith.constant 576 : i32
    %add3A_296 = arith.addi %mul3A_294, %add3A_295 : i32
    %dma_start3A_297 = arith.constant 0 : i32
    %dma_start3A_298 = tpu.memref_slice %arg13[%add3A_296, %dma_start3A_297] : memref<10240x128xf32, #tpu.memory_space<vmem_shared>> -> memref<16x128xf32, #tpu.memory_space<vmem_shared>>
    %dma_start3A_299 = arith.constant 0 : i32
    %dma_start3A_300 = tpu.memref_slice %arg13[%add3A_296, %dma_start3A_299] : memref<10240x128xf32, #tpu.memory_space<vmem_shared>> -> memref<16x128xf32, #tpu.memory_space<vmem_shared>>
    tpu.enqueue_dma source(%arg12 : memref<16x128xf32, #tpu.memory_space<vmem>>) target(%dma_start3A_300 : memref<16x128xf32, #tpu.memory_space<vmem_shared>>) target_semaphore(%arg23 : memref<!tpu.dma_semaphore, #tpu.memory_space<semaphore_mem>>)
    %mul3A_301 = arith.constant 640 : i32
    %mul3A_302 = arith.muli %arg1, %mul3A_301 : i32
    %add3A_303 = arith.constant 592 : i32
    %add3A_304 = arith.addi %mul3A_302, %add3A_303 : i32
    %dma_start3A_305 = arith.constant 0 : i32
    %dma_start3A_306 = tpu.memref_slice %arg13[%add3A_304, %dma_start3A_305] : memref<10240x128xf32, #tpu.memory_space<vmem_shared>> -> memref<16x128xf32, #tpu.memory_space<vmem_shared>>
    %dma_start3A_307 = arith.constant 0 : i32
    %dma_start3A_308 = tpu.memref_slice %arg13[%add3A_304, %dma_start3A_307] : memref<10240x128xf32, #tpu.memory_space<vmem_shared>> -> memref<16x128xf32, #tpu.memory_space<vmem_shared>>
    tpu.enqueue_dma source(%arg12 : memref<16x128xf32, #tpu.memory_space<vmem>>) target(%dma_start3A_308 : memref<16x128xf32, #tpu.memory_space<vmem_shared>>) target_semaphore(%arg23 : memref<!tpu.dma_semaphore, #tpu.memory_space<semaphore_mem>>)
    %mul3A_309 = arith.constant 640 : i32
    %mul3A_310 = arith.muli %arg1, %mul3A_309 : i32
    %add3A_311 = arith.constant 608 : i32
    %add3A_312 = arith.addi %mul3A_310, %add3A_311 : i32
    %dma_start3A_313 = arith.constant 0 : i32
    %dma_start3A_314 = tpu.memref_slice %arg13[%add3A_312, %dma_start3A_313] : memref<10240x128xf32, #tpu.memory_space<vmem_shared>> -> memref<16x128xf32, #tpu.memory_space<vmem_shared>>
    %dma_start3A_315 = arith.constant 0 : i32
    %dma_start3A_316 = tpu.memref_slice %arg13[%add3A_312, %dma_start3A_315] : memref<10240x128xf32, #tpu.memory_space<vmem_shared>> -> memref<16x128xf32, #tpu.memory_space<vmem_shared>>
    tpu.enqueue_dma source(%arg12 : memref<16x128xf32, #tpu.memory_space<vmem>>) target(%dma_start3A_316 : memref<16x128xf32, #tpu.memory_space<vmem_shared>>) target_semaphore(%arg23 : memref<!tpu.dma_semaphore, #tpu.memory_space<semaphore_mem>>)
    %mul3A_317 = arith.constant 640 : i32
    %mul3A_318 = arith.muli %arg1, %mul3A_317 : i32
    %add3A_319 = arith.constant 624 : i32
    %add3A_320 = arith.addi %mul3A_318, %add3A_319 : i32
    %dma_start3A_321 = arith.constant 0 : i32
    %dma_start3A_322 = tpu.memref_slice %arg13[%add3A_320, %dma_start3A_321] : memref<10240x128xf32, #tpu.memory_space<vmem_shared>> -> memref<16x128xf32, #tpu.memory_space<vmem_shared>>
    %dma_start3A_323 = arith.constant 0 : i32
    %dma_start3A_324 = tpu.memref_slice %arg13[%add3A_320, %dma_start3A_323] : memref<10240x128xf32, #tpu.memory_space<vmem_shared>> -> memref<16x128xf32, #tpu.memory_space<vmem_shared>>
    tpu.enqueue_dma source(%arg12 : memref<16x128xf32, #tpu.memory_space<vmem>>) target(%dma_start3A_324 : memref<16x128xf32, #tpu.memory_space<vmem_shared>>) target_semaphore(%arg23 : memref<!tpu.dma_semaphore, #tpu.memory_space<semaphore_mem>>)
    %mul3A_325 = arith.constant 640 : i32
    %mul3A_326 = arith.muli %arg1, %mul3A_325 : i32
    %dma_wait3A = arith.constant 0 : i32
    %dma_wait3A_327 = tpu.memref_slice %arg13[%mul3A_326, %dma_wait3A] : memref<10240x128xf32, #tpu.memory_space<vmem_shared>> -> memref<16x128xf32, #tpu.memory_space<vmem_shared>>
    %dma_wait3A_328 = arith.constant 0 : i32
    %dma_wait3A_329 = tpu.memref_slice %arg13[%mul3A_326, %dma_wait3A_328] : memref<10240x128xf32, #tpu.memory_space<vmem_shared>> -> memref<16x128xf32, #tpu.memory_space<vmem_shared>>
    tpu.wait_dma2 semaphore(%arg23 : memref<!tpu.dma_semaphore, #tpu.memory_space<semaphore_mem>>) src(%arg12 : memref<16x128xf32, #tpu.memory_space<vmem>>) dst(%dma_wait3A_329 : memref<16x128xf32, #tpu.memory_space<vmem_shared>>)
    %mul3A_330 = arith.constant 640 : i32
    %mul3A_331 = arith.muli %arg1, %mul3A_330 : i32
    %dma_wait3A_332 = arith.constant 0 : i32
    %dma_wait3A_333 = tpu.memref_slice %arg13[%mul3A_331, %dma_wait3A_332] : memref<10240x128xf32, #tpu.memory_space<vmem_shared>> -> memref<16x128xf32, #tpu.memory_space<vmem_shared>>
    %dma_wait3A_334 = arith.constant 0 : i32
    %dma_wait3A_335 = tpu.memref_slice %arg13[%mul3A_331, %dma_wait3A_334] : memref<10240x128xf32, #tpu.memory_space<vmem_shared>> -> memref<16x128xf32, #tpu.memory_space<vmem_shared>>
    tpu.wait_dma2 semaphore(%arg23 : memref<!tpu.dma_semaphore, #tpu.memory_space<semaphore_mem>>) src(%arg12 : memref<16x128xf32, #tpu.memory_space<vmem>>) dst(%dma_wait3A_335 : memref<16x128xf32, #tpu.memory_space<vmem_shared>>)
    %mul3A_336 = arith.constant 640 : i32
    %mul3A_337 = arith.muli %arg1, %mul3A_336 : i32
    %dma_wait3A_338 = arith.constant 0 : i32
    %dma_wait3A_339 = tpu.memref_slice %arg13[%mul3A_337, %dma_wait3A_338] : memref<10240x128xf32, #tpu.memory_space<vmem_shared>> -> memref<16x128xf32, #tpu.memory_space<vmem_shared>>
    %dma_wait3A_340 = arith.constant 0 : i32
    %dma_wait3A_341 = tpu.memref_slice %arg13[%mul3A_337, %dma_wait3A_340] : memref<10240x128xf32, #tpu.memory_space<vmem_shared>> -> memref<16x128xf32, #tpu.memory_space<vmem_shared>>
    tpu.wait_dma2 semaphore(%arg23 : memref<!tpu.dma_semaphore, #tpu.memory_space<semaphore_mem>>) src(%arg12 : memref<16x128xf32, #tpu.memory_space<vmem>>) dst(%dma_wait3A_341 : memref<16x128xf32, #tpu.memory_space<vmem_shared>>)
    %mul3A_342 = arith.constant 640 : i32
    %mul3A_343 = arith.muli %arg1, %mul3A_342 : i32
    %dma_wait3A_344 = arith.constant 0 : i32
    %dma_wait3A_345 = tpu.memref_slice %arg13[%mul3A_343, %dma_wait3A_344] : memref<10240x128xf32, #tpu.memory_space<vmem_shared>> -> memref<16x128xf32, #tpu.memory_space<vmem_shared>>
    %dma_wait3A_346 = arith.constant 0 : i32
    %dma_wait3A_347 = tpu.memref_slice %arg13[%mul3A_343, %dma_wait3A_346] : memref<10240x128xf32, #tpu.memory_space<vmem_shared>> -> memref<16x128xf32, #tpu.memory_space<vmem_shared>>
    tpu.wait_dma2 semaphore(%arg23 : memref<!tpu.dma_semaphore, #tpu.memory_space<semaphore_mem>>) src(%arg12 : memref<16x128xf32, #tpu.memory_space<vmem>>) dst(%dma_wait3A_347 : memref<16x128xf32, #tpu.memory_space<vmem_shared>>)
    %mul3A_348 = arith.constant 640 : i32
    %mul3A_349 = arith.muli %arg1, %mul3A_348 : i32
    %dma_wait3A_350 = arith.constant 0 : i32
    %dma_wait3A_351 = tpu.memref_slice %arg13[%mul3A_349, %dma_wait3A_350] : memref<10240x128xf32, #tpu.memory_space<vmem_shared>> -> memref<16x128xf32, #tpu.memory_space<vmem_shared>>
    %dma_wait3A_352 = arith.constant 0 : i32
    %dma_wait3A_353 = tpu.memref_slice %arg13[%mul3A_349, %dma_wait3A_352] : memref<10240x128xf32, #tpu.memory_space<vmem_shared>> -> memref<16x128xf32, #tpu.memory_space<vmem_shared>>
    tpu.wait_dma2 semaphore(%arg23 : memref<!tpu.dma_semaphore, #tpu.memory_space<semaphore_mem>>) src(%arg12 : memref<16x128xf32, #tpu.memory_space<vmem>>) dst(%dma_wait3A_353 : memref<16x128xf32, #tpu.memory_space<vmem_shared>>)
    %mul3A_354 = arith.constant 640 : i32
    %mul3A_355 = arith.muli %arg1, %mul3A_354 : i32
    %dma_wait3A_356 = arith.constant 0 : i32
    %dma_wait3A_357 = tpu.memref_slice %arg13[%mul3A_355, %dma_wait3A_356] : memref<10240x128xf32, #tpu.memory_space<vmem_shared>> -> memref<16x128xf32, #tpu.memory_space<vmem_shared>>
    %dma_wait3A_358 = arith.constant 0 : i32
    %dma_wait3A_359 = tpu.memref_slice %arg13[%mul3A_355, %dma_wait3A_358] : memref<10240x128xf32, #tpu.memory_space<vmem_shared>> -> memref<16x128xf32, #tpu.memory_space<vmem_shared>>
    tpu.wait_dma2 semaphore(%arg23 : memref<!tpu.dma_semaphore, #tpu.memory_space<semaphore_mem>>) src(%arg12 : memref<16x128xf32, #tpu.memory_space<vmem>>) dst(%dma_wait3A_359 : memref<16x128xf32, #tpu.memory_space<vmem_shared>>)
    %mul3A_360 = arith.constant 640 : i32
    %mul3A_361 = arith.muli %arg1, %mul3A_360 : i32
    %dma_wait3A_362 = arith.constant 0 : i32
    %dma_wait3A_363 = tpu.memref_slice %arg13[%mul3A_361, %dma_wait3A_362] : memref<10240x128xf32, #tpu.memory_space<vmem_shared>> -> memref<16x128xf32, #tpu.memory_space<vmem_shared>>
    %dma_wait3A_364 = arith.constant 0 : i32
    %dma_wait3A_365 = tpu.memref_slice %arg13[%mul3A_361, %dma_wait3A_364] : memref<10240x128xf32, #tpu.memory_space<vmem_shared>> -> memref<16x128xf32, #tpu.memory_space<vmem_shared>>
    tpu.wait_dma2 semaphore(%arg23 : memref<!tpu.dma_semaphore, #tpu.memory_space<semaphore_mem>>) src(%arg12 : memref<16x128xf32, #tpu.memory_space<vmem>>) dst(%dma_wait3A_365 : memref<16x128xf32, #tpu.memory_space<vmem_shared>>)
    %mul3A_366 = arith.constant 640 : i32
    %mul3A_367 = arith.muli %arg1, %mul3A_366 : i32
    %dma_wait3A_368 = arith.constant 0 : i32
    %dma_wait3A_369 = tpu.memref_slice %arg13[%mul3A_367, %dma_wait3A_368] : memref<10240x128xf32, #tpu.memory_space<vmem_shared>> -> memref<16x128xf32, #tpu.memory_space<vmem_shared>>
    %dma_wait3A_370 = arith.constant 0 : i32
    %dma_wait3A_371 = tpu.memref_slice %arg13[%mul3A_367, %dma_wait3A_370] : memref<10240x128xf32, #tpu.memory_space<vmem_shared>> -> memref<16x128xf32, #tpu.memory_space<vmem_shared>>
    tpu.wait_dma2 semaphore(%arg23 : memref<!tpu.dma_semaphore, #tpu.memory_space<semaphore_mem>>) src(%arg12 : memref<16x128xf32, #tpu.memory_space<vmem>>) dst(%dma_wait3A_371 : memref<16x128xf32, #tpu.memory_space<vmem_shared>>)
    %mul3A_372 = arith.constant 640 : i32
    %mul3A_373 = arith.muli %arg1, %mul3A_372 : i32
    %dma_wait3A_374 = arith.constant 0 : i32
    %dma_wait3A_375 = tpu.memref_slice %arg13[%mul3A_373, %dma_wait3A_374] : memref<10240x128xf32, #tpu.memory_space<vmem_shared>> -> memref<16x128xf32, #tpu.memory_space<vmem_shared>>
    %dma_wait3A_376 = arith.constant 0 : i32
    %dma_wait3A_377 = tpu.memref_slice %arg13[%mul3A_373, %dma_wait3A_376] : memref<10240x128xf32, #tpu.memory_space<vmem_shared>> -> memref<16x128xf32, #tpu.memory_space<vmem_shared>>
    tpu.wait_dma2 semaphore(%arg23 : memref<!tpu.dma_semaphore, #tpu.memory_space<semaphore_mem>>) src(%arg12 : memref<16x128xf32, #tpu.memory_space<vmem>>) dst(%dma_wait3A_377 : memref<16x128xf32, #tpu.memory_space<vmem_shared>>)
    %mul3A_378 = arith.constant 640 : i32
    %mul3A_379 = arith.muli %arg1, %mul3A_378 : i32
    %dma_wait3A_380 = arith.constant 0 : i32
    %dma_wait3A_381 = tpu.memref_slice %arg13[%mul3A_379, %dma_wait3A_380] : memref<10240x128xf32, #tpu.memory_space<vmem_shared>> -> memref<16x128xf32, #tpu.memory_space<vmem_shared>>
    %dma_wait3A_382 = arith.constant 0 : i32
    %dma_wait3A_383 = tpu.memref_slice %arg13[%mul3A_379, %dma_wait3A_382] : memref<10240x128xf32, #tpu.memory_space<vmem_shared>> -> memref<16x128xf32, #tpu.memory_space<vmem_shared>>
    tpu.wait_dma2 semaphore(%arg23 : memref<!tpu.dma_semaphore, #tpu.memory_space<semaphore_mem>>) src(%arg12 : memref<16x128xf32, #tpu.memory_space<vmem>>) dst(%dma_wait3A_383 : memref<16x128xf32, #tpu.memory_space<vmem_shared>>)
    %mul3A_384 = arith.constant 640 : i32
    %mul3A_385 = arith.muli %arg1, %mul3A_384 : i32
    %dma_wait3A_386 = arith.constant 0 : i32
    %dma_wait3A_387 = tpu.memref_slice %arg13[%mul3A_385, %dma_wait3A_386] : memref<10240x128xf32, #tpu.memory_space<vmem_shared>> -> memref<16x128xf32, #tpu.memory_space<vmem_shared>>
    %dma_wait3A_388 = arith.constant 0 : i32
    %dma_wait3A_389 = tpu.memref_slice %arg13[%mul3A_385, %dma_wait3A_388] : memref<10240x128xf32, #tpu.memory_space<vmem_shared>> -> memref<16x128xf32, #tpu.memory_space<vmem_shared>>
    tpu.wait_dma2 semaphore(%arg23 : memref<!tpu.dma_semaphore, #tpu.memory_space<semaphore_mem>>) src(%arg12 : memref<16x128xf32, #tpu.memory_space<vmem>>) dst(%dma_wait3A_389 : memref<16x128xf32, #tpu.memory_space<vmem_shared>>)
    %mul3A_390 = arith.constant 640 : i32
    %mul3A_391 = arith.muli %arg1, %mul3A_390 : i32
    %dma_wait3A_392 = arith.constant 0 : i32
    %dma_wait3A_393 = tpu.memref_slice %arg13[%mul3A_391, %dma_wait3A_392] : memref<10240x128xf32, #tpu.memory_space<vmem_shared>> -> memref<16x128xf32, #tpu.memory_space<vmem_shared>>
    %dma_wait3A_394 = arith.constant 0 : i32
    %dma_wait3A_395 = tpu.memref_slice %arg13[%mul3A_391, %dma_wait3A_394] : memref<10240x128xf32, #tpu.memory_space<vmem_shared>> -> memref<16x128xf32, #tpu.memory_space<vmem_shared>>
    tpu.wait_dma2 semaphore(%arg23 : memref<!tpu.dma_semaphore, #tpu.memory_space<semaphore_mem>>) src(%arg12 : memref<16x128xf32, #tpu.memory_space<vmem>>) dst(%dma_wait3A_395 : memref<16x128xf32, #tpu.memory_space<vmem_shared>>)
    %mul3A_396 = arith.constant 640 : i32
    %mul3A_397 = arith.muli %arg1, %mul3A_396 : i32
    %dma_wait3A_398 = arith.constant 0 : i32
    %dma_wait3A_399 = tpu.memref_slice %arg13[%mul3A_397, %dma_wait3A_398] : memref<10240x128xf32, #tpu.memory_space<vmem_shared>> -> memref<16x128xf32, #tpu.memory_space<vmem_shared>>
    %dma_wait3A_400 = arith.constant 0 : i32
    %dma_wait3A_401 = tpu.memref_slice %arg13[%mul3A_397, %dma_wait3A_400] : memref<10240x128xf32, #tpu.memory_space<vmem_shared>> -> memref<16x128xf32, #tpu.memory_space<vmem_shared>>
    tpu.wait_dma2 semaphore(%arg23 : memref<!tpu.dma_semaphore, #tpu.memory_space<semaphore_mem>>) src(%arg12 : memref<16x128xf32, #tpu.memory_space<vmem>>) dst(%dma_wait3A_401 : memref<16x128xf32, #tpu.memory_space<vmem_shared>>)
    %mul3A_402 = arith.constant 640 : i32
    %mul3A_403 = arith.muli %arg1, %mul3A_402 : i32
    %dma_wait3A_404 = arith.constant 0 : i32
    %dma_wait3A_405 = tpu.memref_slice %arg13[%mul3A_403, %dma_wait3A_404] : memref<10240x128xf32, #tpu.memory_space<vmem_shared>> -> memref<16x128xf32, #tpu.memory_space<vmem_shared>>
    %dma_wait3A_406 = arith.constant 0 : i32
    %dma_wait3A_407 = tpu.memref_slice %arg13[%mul3A_403, %dma_wait3A_406] : memref<10240x128xf32, #tpu.memory_space<vmem_shared>> -> memref<16x128xf32, #tpu.memory_space<vmem_shared>>
    tpu.wait_dma2 semaphore(%arg23 : memref<!tpu.dma_semaphore, #tpu.memory_space<semaphore_mem>>) src(%arg12 : memref<16x128xf32, #tpu.memory_space<vmem>>) dst(%dma_wait3A_407 : memref<16x128xf32, #tpu.memory_space<vmem_shared>>)
    %mul3A_408 = arith.constant 640 : i32
    %mul3A_409 = arith.muli %arg1, %mul3A_408 : i32
    %dma_wait3A_410 = arith.constant 0 : i32
    %dma_wait3A_411 = tpu.memref_slice %arg13[%mul3A_409, %dma_wait3A_410] : memref<10240x128xf32, #tpu.memory_space<vmem_shared>> -> memref<16x128xf32, #tpu.memory_space<vmem_shared>>
    %dma_wait3A_412 = arith.constant 0 : i32
    %dma_wait3A_413 = tpu.memref_slice %arg13[%mul3A_409, %dma_wait3A_412] : memref<10240x128xf32, #tpu.memory_space<vmem_shared>> -> memref<16x128xf32, #tpu.memory_space<vmem_shared>>
    tpu.wait_dma2 semaphore(%arg23 : memref<!tpu.dma_semaphore, #tpu.memory_space<semaphore_mem>>) src(%arg12 : memref<16x128xf32, #tpu.memory_space<vmem>>) dst(%dma_wait3A_413 : memref<16x128xf32, #tpu.memory_space<vmem_shared>>)
    %mul3A_414 = arith.constant 640 : i32
    %mul3A_415 = arith.muli %arg1, %mul3A_414 : i32
    %dma_wait3A_416 = arith.constant 0 : i32
    %dma_wait3A_417 = tpu.memref_slice %arg13[%mul3A_415, %dma_wait3A_416] : memref<10240x128xf32, #tpu.memory_space<vmem_shared>> -> memref<16x128xf32, #tpu.memory_space<vmem_shared>>
    %dma_wait3A_418 = arith.constant 0 : i32
    %dma_wait3A_419 = tpu.memref_slice %arg13[%mul3A_415, %dma_wait3A_418] : memref<10240x128xf32, #tpu.memory_space<vmem_shared>> -> memref<16x128xf32, #tpu.memory_space<vmem_shared>>
    tpu.wait_dma2 semaphore(%arg23 : memref<!tpu.dma_semaphore, #tpu.memory_space<semaphore_mem>>) src(%arg12 : memref<16x128xf32, #tpu.memory_space<vmem>>) dst(%dma_wait3A_419 : memref<16x128xf32, #tpu.memory_space<vmem_shared>>)
    %mul3A_420 = arith.constant 640 : i32
    %mul3A_421 = arith.muli %arg1, %mul3A_420 : i32
    %dma_wait3A_422 = arith.constant 0 : i32
    %dma_wait3A_423 = tpu.memref_slice %arg13[%mul3A_421, %dma_wait3A_422] : memref<10240x128xf32, #tpu.memory_space<vmem_shared>> -> memref<16x128xf32, #tpu.memory_space<vmem_shared>>
    %dma_wait3A_424 = arith.constant 0 : i32
    %dma_wait3A_425 = tpu.memref_slice %arg13[%mul3A_421, %dma_wait3A_424] : memref<10240x128xf32, #tpu.memory_space<vmem_shared>> -> memref<16x128xf32, #tpu.memory_space<vmem_shared>>
    tpu.wait_dma2 semaphore(%arg23 : memref<!tpu.dma_semaphore, #tpu.memory_space<semaphore_mem>>) src(%arg12 : memref<16x128xf32, #tpu.memory_space<vmem>>) dst(%dma_wait3A_425 : memref<16x128xf32, #tpu.memory_space<vmem_shared>>)
    %mul3A_426 = arith.constant 640 : i32
    %mul3A_427 = arith.muli %arg1, %mul3A_426 : i32
    %dma_wait3A_428 = arith.constant 0 : i32
    %dma_wait3A_429 = tpu.memref_slice %arg13[%mul3A_427, %dma_wait3A_428] : memref<10240x128xf32, #tpu.memory_space<vmem_shared>> -> memref<16x128xf32, #tpu.memory_space<vmem_shared>>
    %dma_wait3A_430 = arith.constant 0 : i32
    %dma_wait3A_431 = tpu.memref_slice %arg13[%mul3A_427, %dma_wait3A_430] : memref<10240x128xf32, #tpu.memory_space<vmem_shared>> -> memref<16x128xf32, #tpu.memory_space<vmem_shared>>
    tpu.wait_dma2 semaphore(%arg23 : memref<!tpu.dma_semaphore, #tpu.memory_space<semaphore_mem>>) src(%arg12 : memref<16x128xf32, #tpu.memory_space<vmem>>) dst(%dma_wait3A_431 : memref<16x128xf32, #tpu.memory_space<vmem_shared>>)
    %mul3A_432 = arith.constant 640 : i32
    %mul3A_433 = arith.muli %arg1, %mul3A_432 : i32
    %dma_wait3A_434 = arith.constant 0 : i32
    %dma_wait3A_435 = tpu.memref_slice %arg13[%mul3A_433, %dma_wait3A_434] : memref<10240x128xf32, #tpu.memory_space<vmem_shared>> -> memref<16x128xf32, #tpu.memory_space<vmem_shared>>
    %dma_wait3A_436 = arith.constant 0 : i32
    %dma_wait3A_437 = tpu.memref_slice %arg13[%mul3A_433, %dma_wait3A_436] : memref<10240x128xf32, #tpu.memory_space<vmem_shared>> -> memref<16x128xf32, #tpu.memory_space<vmem_shared>>
    tpu.wait_dma2 semaphore(%arg23 : memref<!tpu.dma_semaphore, #tpu.memory_space<semaphore_mem>>) src(%arg12 : memref<16x128xf32, #tpu.memory_space<vmem>>) dst(%dma_wait3A_437 : memref<16x128xf32, #tpu.memory_space<vmem_shared>>)
    %mul3A_438 = arith.constant 640 : i32
    %mul3A_439 = arith.muli %arg1, %mul3A_438 : i32
    %dma_wait3A_440 = arith.constant 0 : i32
    %dma_wait3A_441 = tpu.memref_slice %arg13[%mul3A_439, %dma_wait3A_440] : memref<10240x128xf32, #tpu.memory_space<vmem_shared>> -> memref<16x128xf32, #tpu.memory_space<vmem_shared>>
    %dma_wait3A_442 = arith.constant 0 : i32
    %dma_wait3A_443 = tpu.memref_slice %arg13[%mul3A_439, %dma_wait3A_442] : memref<10240x128xf32, #tpu.memory_space<vmem_shared>> -> memref<16x128xf32, #tpu.memory_space<vmem_shared>>
    tpu.wait_dma2 semaphore(%arg23 : memref<!tpu.dma_semaphore, #tpu.memory_space<semaphore_mem>>) src(%arg12 : memref<16x128xf32, #tpu.memory_space<vmem>>) dst(%dma_wait3A_443 : memref<16x128xf32, #tpu.memory_space<vmem_shared>>)
    %mul3A_444 = arith.constant 640 : i32
    %mul3A_445 = arith.muli %arg1, %mul3A_444 : i32
    %dma_wait3A_446 = arith.constant 0 : i32
    %dma_wait3A_447 = tpu.memref_slice %arg13[%mul3A_445, %dma_wait3A_446] : memref<10240x128xf32, #tpu.memory_space<vmem_shared>> -> memref<16x128xf32, #tpu.memory_space<vmem_shared>>
    %dma_wait3A_448 = arith.constant 0 : i32
    %dma_wait3A_449 = tpu.memref_slice %arg13[%mul3A_445, %dma_wait3A_448] : memref<10240x128xf32, #tpu.memory_space<vmem_shared>> -> memref<16x128xf32, #tpu.memory_space<vmem_shared>>
    tpu.wait_dma2 semaphore(%arg23 : memref<!tpu.dma_semaphore, #tpu.memory_space<semaphore_mem>>) src(%arg12 : memref<16x128xf32, #tpu.memory_space<vmem>>) dst(%dma_wait3A_449 : memref<16x128xf32, #tpu.memory_space<vmem_shared>>)
    %mul3A_450 = arith.constant 640 : i32
    %mul3A_451 = arith.muli %arg1, %mul3A_450 : i32
    %dma_wait3A_452 = arith.constant 0 : i32
    %dma_wait3A_453 = tpu.memref_slice %arg13[%mul3A_451, %dma_wait3A_452] : memref<10240x128xf32, #tpu.memory_space<vmem_shared>> -> memref<16x128xf32, #tpu.memory_space<vmem_shared>>
    %dma_wait3A_454 = arith.constant 0 : i32
    %dma_wait3A_455 = tpu.memref_slice %arg13[%mul3A_451, %dma_wait3A_454] : memref<10240x128xf32, #tpu.memory_space<vmem_shared>> -> memref<16x128xf32, #tpu.memory_space<vmem_shared>>
    tpu.wait_dma2 semaphore(%arg23 : memref<!tpu.dma_semaphore, #tpu.memory_space<semaphore_mem>>) src(%arg12 : memref<16x128xf32, #tpu.memory_space<vmem>>) dst(%dma_wait3A_455 : memref<16x128xf32, #tpu.memory_space<vmem_shared>>)
    %mul3A_456 = arith.constant 640 : i32
    %mul3A_457 = arith.muli %arg1, %mul3A_456 : i32
    %dma_wait3A_458 = arith.constant 0 : i32
    %dma_wait3A_459 = tpu.memref_slice %arg13[%mul3A_457, %dma_wait3A_458] : memref<10240x128xf32, #tpu.memory_space<vmem_shared>> -> memref<16x128xf32, #tpu.memory_space<vmem_shared>>
    %dma_wait3A_460 = arith.constant 0 : i32
    %dma_wait3A_461 = tpu.memref_slice %arg13[%mul3A_457, %dma_wait3A_460] : memref<10240x128xf32, #tpu.memory_space<vmem_shared>> -> memref<16x128xf32, #tpu.memory_space<vmem_shared>>
    tpu.wait_dma2 semaphore(%arg23 : memref<!tpu.dma_semaphore, #tpu.memory_space<semaphore_mem>>) src(%arg12 : memref<16x128xf32, #tpu.memory_space<vmem>>) dst(%dma_wait3A_461 : memref<16x128xf32, #tpu.memory_space<vmem_shared>>)
    %mul3A_462 = arith.constant 640 : i32
    %mul3A_463 = arith.muli %arg1, %mul3A_462 : i32
    %dma_wait3A_464 = arith.constant 0 : i32
    %dma_wait3A_465 = tpu.memref_slice %arg13[%mul3A_463, %dma_wait3A_464] : memref<10240x128xf32, #tpu.memory_space<vmem_shared>> -> memref<16x128xf32, #tpu.memory_space<vmem_shared>>
    %dma_wait3A_466 = arith.constant 0 : i32
    %dma_wait3A_467 = tpu.memref_slice %arg13[%mul3A_463, %dma_wait3A_466] : memref<10240x128xf32, #tpu.memory_space<vmem_shared>> -> memref<16x128xf32, #tpu.memory_space<vmem_shared>>
    tpu.wait_dma2 semaphore(%arg23 : memref<!tpu.dma_semaphore, #tpu.memory_space<semaphore_mem>>) src(%arg12 : memref<16x128xf32, #tpu.memory_space<vmem>>) dst(%dma_wait3A_467 : memref<16x128xf32, #tpu.memory_space<vmem_shared>>)
    %mul3A_468 = arith.constant 640 : i32
    %mul3A_469 = arith.muli %arg1, %mul3A_468 : i32
    %dma_wait3A_470 = arith.constant 0 : i32
    %dma_wait3A_471 = tpu.memref_slice %arg13[%mul3A_469, %dma_wait3A_470] : memref<10240x128xf32, #tpu.memory_space<vmem_shared>> -> memref<16x128xf32, #tpu.memory_space<vmem_shared>>
    %dma_wait3A_472 = arith.constant 0 : i32
    %dma_wait3A_473 = tpu.memref_slice %arg13[%mul3A_469, %dma_wait3A_472] : memref<10240x128xf32, #tpu.memory_space<vmem_shared>> -> memref<16x128xf32, #tpu.memory_space<vmem_shared>>
    tpu.wait_dma2 semaphore(%arg23 : memref<!tpu.dma_semaphore, #tpu.memory_space<semaphore_mem>>) src(%arg12 : memref<16x128xf32, #tpu.memory_space<vmem>>) dst(%dma_wait3A_473 : memref<16x128xf32, #tpu.memory_space<vmem_shared>>)
    %mul3A_474 = arith.constant 640 : i32
    %mul3A_475 = arith.muli %arg1, %mul3A_474 : i32
    %dma_wait3A_476 = arith.constant 0 : i32
    %dma_wait3A_477 = tpu.memref_slice %arg13[%mul3A_475, %dma_wait3A_476] : memref<10240x128xf32, #tpu.memory_space<vmem_shared>> -> memref<16x128xf32, #tpu.memory_space<vmem_shared>>
    %dma_wait3A_478 = arith.constant 0 : i32
    %dma_wait3A_479 = tpu.memref_slice %arg13[%mul3A_475, %dma_wait3A_478] : memref<10240x128xf32, #tpu.memory_space<vmem_shared>> -> memref<16x128xf32, #tpu.memory_space<vmem_shared>>
    tpu.wait_dma2 semaphore(%arg23 : memref<!tpu.dma_semaphore, #tpu.memory_space<semaphore_mem>>) src(%arg12 : memref<16x128xf32, #tpu.memory_space<vmem>>) dst(%dma_wait3A_479 : memref<16x128xf32, #tpu.memory_space<vmem_shared>>)
    %mul3A_480 = arith.constant 640 : i32
    %mul3A_481 = arith.muli %arg1, %mul3A_480 : i32
    %dma_wait3A_482 = arith.constant 0 : i32
    %dma_wait3A_483 = tpu.memref_slice %arg13[%mul3A_481, %dma_wait3A_482] : memref<10240x128xf32, #tpu.memory_space<vmem_shared>> -> memref<16x128xf32, #tpu.memory_space<vmem_shared>>
    %dma_wait3A_484 = arith.constant 0 : i32
    %dma_wait3A_485 = tpu.memref_slice %arg13[%mul3A_481, %dma_wait3A_484] : memref<10240x128xf32, #tpu.memory_space<vmem_shared>> -> memref<16x128xf32, #tpu.memory_space<vmem_shared>>
    tpu.wait_dma2 semaphore(%arg23 : memref<!tpu.dma_semaphore, #tpu.memory_space<semaphore_mem>>) src(%arg12 : memref<16x128xf32, #tpu.memory_space<vmem>>) dst(%dma_wait3A_485 : memref<16x128xf32, #tpu.memory_space<vmem_shared>>)
    %mul3A_486 = arith.constant 640 : i32
    %mul3A_487 = arith.muli %arg1, %mul3A_486 : i32
    %dma_wait3A_488 = arith.constant 0 : i32
    %dma_wait3A_489 = tpu.memref_slice %arg13[%mul3A_487, %dma_wait3A_488] : memref<10240x128xf32, #tpu.memory_space<vmem_shared>> -> memref<16x128xf32, #tpu.memory_space<vmem_shared>>
    %dma_wait3A_490 = arith.constant 0 : i32
    %dma_wait3A_491 = tpu.memref_slice %arg13[%mul3A_487, %dma_wait3A_490] : memref<10240x128xf32, #tpu.memory_space<vmem_shared>> -> memref<16x128xf32, #tpu.memory_space<vmem_shared>>
    tpu.wait_dma2 semaphore(%arg23 : memref<!tpu.dma_semaphore, #tpu.memory_space<semaphore_mem>>) src(%arg12 : memref<16x128xf32, #tpu.memory_space<vmem>>) dst(%dma_wait3A_491 : memref<16x128xf32, #tpu.memory_space<vmem_shared>>)
    %mul3A_492 = arith.constant 640 : i32
    %mul3A_493 = arith.muli %arg1, %mul3A_492 : i32
    %dma_wait3A_494 = arith.constant 0 : i32
    %dma_wait3A_495 = tpu.memref_slice %arg13[%mul3A_493, %dma_wait3A_494] : memref<10240x128xf32, #tpu.memory_space<vmem_shared>> -> memref<16x128xf32, #tpu.memory_space<vmem_shared>>
    %dma_wait3A_496 = arith.constant 0 : i32
    %dma_wait3A_497 = tpu.memref_slice %arg13[%mul3A_493, %dma_wait3A_496] : memref<10240x128xf32, #tpu.memory_space<vmem_shared>> -> memref<16x128xf32, #tpu.memory_space<vmem_shared>>
    tpu.wait_dma2 semaphore(%arg23 : memref<!tpu.dma_semaphore, #tpu.memory_space<semaphore_mem>>) src(%arg12 : memref<16x128xf32, #tpu.memory_space<vmem>>) dst(%dma_wait3A_497 : memref<16x128xf32, #tpu.memory_space<vmem_shared>>)
    %mul3A_498 = arith.constant 640 : i32
    %mul3A_499 = arith.muli %arg1, %mul3A_498 : i32
    %dma_wait3A_500 = arith.constant 0 : i32
    %dma_wait3A_501 = tpu.memref_slice %arg13[%mul3A_499, %dma_wait3A_500] : memref<10240x128xf32, #tpu.memory_space<vmem_shared>> -> memref<16x128xf32, #tpu.memory_space<vmem_shared>>
    %dma_wait3A_502 = arith.constant 0 : i32
    %dma_wait3A_503 = tpu.memref_slice %arg13[%mul3A_499, %dma_wait3A_502] : memref<10240x128xf32, #tpu.memory_space<vmem_shared>> -> memref<16x128xf32, #tpu.memory_space<vmem_shared>>
    tpu.wait_dma2 semaphore(%arg23 : memref<!tpu.dma_semaphore, #tpu.memory_space<semaphore_mem>>) src(%arg12 : memref<16x128xf32, #tpu.memory_space<vmem>>) dst(%dma_wait3A_503 : memref<16x128xf32, #tpu.memory_space<vmem_shared>>)
    %mul3A_504 = arith.constant 640 : i32
    %mul3A_505 = arith.muli %arg1, %mul3A_504 : i32
    %dma_wait3A_506 = arith.constant 0 : i32
    %dma_wait3A_507 = tpu.memref_slice %arg13[%mul3A_505, %dma_wait3A_506] : memref<10240x128xf32, #tpu.memory_space<vmem_shared>> -> memref<16x128xf32, #tpu.memory_space<vmem_shared>>
    %dma_wait3A_508 = arith.constant 0 : i32
    %dma_wait3A_509 = tpu.memref_slice %arg13[%mul3A_505, %dma_wait3A_508] : memref<10240x128xf32, #tpu.memory_space<vmem_shared>> -> memref<16x128xf32, #tpu.memory_space<vmem_shared>>
    tpu.wait_dma2 semaphore(%arg23 : memref<!tpu.dma_semaphore, #tpu.memory_space<semaphore_mem>>) src(%arg12 : memref<16x128xf32, #tpu.memory_space<vmem>>) dst(%dma_wait3A_509 : memref<16x128xf32, #tpu.memory_space<vmem_shared>>)
    %mul3A_510 = arith.constant 640 : i32
    %mul3A_511 = arith.muli %arg1, %mul3A_510 : i32
    %dma_wait3A_512 = arith.constant 0 : i32
    %dma_wait3A_513 = tpu.memref_slice %arg13[%mul3A_511, %dma_wait3A_512] : memref<10240x128xf32, #tpu.memory_space<vmem_shared>> -> memref<16x128xf32, #tpu.memory_space<vmem_shared>>
    %dma_wait3A_514 = arith.constant 0 : i32
    %dma_wait3A_515 = tpu.memref_slice %arg13[%mul3A_511, %dma_wait3A_514] : memref<10240x128xf32, #tpu.memory_space<vmem_shared>> -> memref<16x128xf32, #tpu.memory_space<vmem_shared>>
    tpu.wait_dma2 semaphore(%arg23 : memref<!tpu.dma_semaphore, #tpu.memory_space<semaphore_mem>>) src(%arg12 : memref<16x128xf32, #tpu.memory_space<vmem>>) dst(%dma_wait3A_515 : memref<16x128xf32, #tpu.memory_space<vmem_shared>>)
    %mul3A_516 = arith.constant 640 : i32
    %mul3A_517 = arith.muli %arg1, %mul3A_516 : i32
    %dma_wait3A_518 = arith.constant 0 : i32
    %dma_wait3A_519 = tpu.memref_slice %arg13[%mul3A_517, %dma_wait3A_518] : memref<10240x128xf32, #tpu.memory_space<vmem_shared>> -> memref<16x128xf32, #tpu.memory_space<vmem_shared>>
    %dma_wait3A_520 = arith.constant 0 : i32
    %dma_wait3A_521 = tpu.memref_slice %arg13[%mul3A_517, %dma_wait3A_520] : memref<10240x128xf32, #tpu.memory_space<vmem_shared>> -> memref<16x128xf32, #tpu.memory_space<vmem_shared>>
    tpu.wait_dma2 semaphore(%arg23 : memref<!tpu.dma_semaphore, #tpu.memory_space<semaphore_mem>>) src(%arg12 : memref<16x128xf32, #tpu.memory_space<vmem>>) dst(%dma_wait3A_521 : memref<16x128xf32, #tpu.memory_space<vmem_shared>>)
    %mul3A_522 = arith.constant 640 : i32
    %mul3A_523 = arith.muli %arg1, %mul3A_522 : i32
    %dma_wait3A_524 = arith.constant 0 : i32
    %dma_wait3A_525 = tpu.memref_slice %arg13[%mul3A_523, %dma_wait3A_524] : memref<10240x128xf32, #tpu.memory_space<vmem_shared>> -> memref<16x128xf32, #tpu.memory_space<vmem_shared>>
    %dma_wait3A_526 = arith.constant 0 : i32
    %dma_wait3A_527 = tpu.memref_slice %arg13[%mul3A_523, %dma_wait3A_526] : memref<10240x128xf32, #tpu.memory_space<vmem_shared>> -> memref<16x128xf32, #tpu.memory_space<vmem_shared>>
    tpu.wait_dma2 semaphore(%arg23 : memref<!tpu.dma_semaphore, #tpu.memory_space<semaphore_mem>>) src(%arg12 : memref<16x128xf32, #tpu.memory_space<vmem>>) dst(%dma_wait3A_527 : memref<16x128xf32, #tpu.memory_space<vmem_shared>>)
    %mul3A_528 = arith.constant 640 : i32
    %mul3A_529 = arith.muli %arg1, %mul3A_528 : i32
    %dma_wait3A_530 = arith.constant 0 : i32
    %dma_wait3A_531 = tpu.memref_slice %arg13[%mul3A_529, %dma_wait3A_530] : memref<10240x128xf32, #tpu.memory_space<vmem_shared>> -> memref<16x128xf32, #tpu.memory_space<vmem_shared>>
    %dma_wait3A_532 = arith.constant 0 : i32
    %dma_wait3A_533 = tpu.memref_slice %arg13[%mul3A_529, %dma_wait3A_532] : memref<10240x128xf32, #tpu.memory_space<vmem_shared>> -> memref<16x128xf32, #tpu.memory_space<vmem_shared>>
    tpu.wait_dma2 semaphore(%arg23 : memref<!tpu.dma_semaphore, #tpu.memory_space<semaphore_mem>>) src(%arg12 : memref<16x128xf32, #tpu.memory_space<vmem>>) dst(%dma_wait3A_533 : memref<16x128xf32, #tpu.memory_space<vmem_shared>>)
    %mul3A_534 = arith.constant 640 : i32
    %mul3A_535 = arith.muli %arg1, %mul3A_534 : i32
    %dma_wait3A_536 = arith.constant 0 : i32
    %dma_wait3A_537 = tpu.memref_slice %arg13[%mul3A_535, %dma_wait3A_536] : memref<10240x128xf32, #tpu.memory_space<vmem_shared>> -> memref<16x128xf32, #tpu.memory_space<vmem_shared>>
    %dma_wait3A_538 = arith.constant 0 : i32
    %dma_wait3A_539 = tpu.memref_slice %arg13[%mul3A_535, %dma_wait3A_538] : memref<10240x128xf32, #tpu.memory_space<vmem_shared>> -> memref<16x128xf32, #tpu.memory_space<vmem_shared>>
    tpu.wait_dma2 semaphore(%arg23 : memref<!tpu.dma_semaphore, #tpu.memory_space<semaphore_mem>>) src(%arg12 : memref<16x128xf32, #tpu.memory_space<vmem>>) dst(%dma_wait3A_539 : memref<16x128xf32, #tpu.memory_space<vmem_shared>>)
    %mul3A_540 = arith.constant 640 : i32
    %mul3A_541 = arith.muli %arg1, %mul3A_540 : i32
    %dma_wait3A_542 = arith.constant 0 : i32
    %dma_wait3A_543 = tpu.memref_slice %arg13[%mul3A_541, %dma_wait3A_542] : memref<10240x128xf32, #tpu.memory_space<vmem_shared>> -> memref<16x128xf32, #tpu.memory_space<vmem_shared>>
    %dma_wait3A_544 = arith.constant 0 : i32
    %dma_wait3A_545 = tpu.memref_slice %arg13[%mul3A_541, %dma_wait3A_544] : memref<10240x128xf32, #tpu.memory_space<vmem_shared>> -> memref<16x128xf32, #tpu.memory_space<vmem_shared>>
    tpu.wait_dma2 semaphore(%arg23 : memref<!tpu.dma_semaphore, #tpu.memory_space<semaphore_mem>>) src(%arg12 : memref<16x128xf32, #tpu.memory_space<vmem>>) dst(%dma_wait3A_545 : memref<16x128xf32, #tpu.memory_space<vmem_shared>>)
    %mul3A_546 = arith.constant 640 : i32
    %mul3A_547 = arith.muli %arg1, %mul3A_546 : i32
    %dma_wait3A_548 = arith.constant 0 : i32
    %dma_wait3A_549 = tpu.memref_slice %arg13[%mul3A_547, %dma_wait3A_548] : memref<10240x128xf32, #tpu.memory_space<vmem_shared>> -> memref<16x128xf32, #tpu.memory_space<vmem_shared>>
    %dma_wait3A_550 = arith.constant 0 : i32
    %dma_wait3A_551 = tpu.memref_slice %arg13[%mul3A_547, %dma_wait3A_550] : memref<10240x128xf32, #tpu.memory_space<vmem_shared>> -> memref<16x128xf32, #tpu.memory_space<vmem_shared>>
    tpu.wait_dma2 semaphore(%arg23 : memref<!tpu.dma_semaphore, #tpu.memory_space<semaphore_mem>>) src(%arg12 : memref<16x128xf32, #tpu.memory_space<vmem>>) dst(%dma_wait3A_551 : memref<16x128xf32, #tpu.memory_space<vmem_shared>>)
    %mul3A_552 = arith.constant 640 : i32
    %mul3A_553 = arith.muli %arg1, %mul3A_552 : i32
    %dma_wait3A_554 = arith.constant 0 : i32
    %dma_wait3A_555 = tpu.memref_slice %arg13[%mul3A_553, %dma_wait3A_554] : memref<10240x128xf32, #tpu.memory_space<vmem_shared>> -> memref<16x128xf32, #tpu.memory_space<vmem_shared>>
    %dma_wait3A_556 = arith.constant 0 : i32
    %dma_wait3A_557 = tpu.memref_slice %arg13[%mul3A_553, %dma_wait3A_556] : memref<10240x128xf32, #tpu.memory_space<vmem_shared>> -> memref<16x128xf32, #tpu.memory_space<vmem_shared>>
    tpu.wait_dma2 semaphore(%arg23 : memref<!tpu.dma_semaphore, #tpu.memory_space<semaphore_mem>>) src(%arg12 : memref<16x128xf32, #tpu.memory_space<vmem>>) dst(%dma_wait3A_557 : memref<16x128xf32, #tpu.memory_space<vmem_shared>>)
    %mul3A_558 = arith.constant 640 : i32
    %mul3A_559 = arith.muli %arg1, %mul3A_558 : i32
    %dma_wait3A_560 = arith.constant 0 : i32
    %dma_wait3A_561 = tpu.memref_slice %arg13[%mul3A_559, %dma_wait3A_560] : memref<10240x128xf32, #tpu.memory_space<vmem_shared>> -> memref<16x128xf32, #tpu.memory_space<vmem_shared>>
    %dma_wait3A_562 = arith.constant 0 : i32
    %dma_wait3A_563 = tpu.memref_slice %arg13[%mul3A_559, %dma_wait3A_562] : memref<10240x128xf32, #tpu.memory_space<vmem_shared>> -> memref<16x128xf32, #tpu.memory_space<vmem_shared>>
    tpu.wait_dma2 semaphore(%arg23 : memref<!tpu.dma_semaphore, #tpu.memory_space<semaphore_mem>>) src(%arg12 : memref<16x128xf32, #tpu.memory_space<vmem>>) dst(%dma_wait3A_563 : memref<16x128xf32, #tpu.memory_space<vmem_shared>>)
    %barrier3A = arith.constant 0 : index
    tpu.barrier barrier_id(%barrier3A)
    %dma_start3A_564 = arith.constant 0 : i32
    %dma_start3A_565 = arith.constant 0 : i32
    %dma_start3A_566 = arith.constant 0 : i32
    %dma_start3A_567 = arith.constant 0 : i32
    %dma_start3A_568 = arith.constant 0 : i32
    %dma_start3A_569 = tpu.memref_slice %arg5[%dma_start3A_566, %dma_start3A_567, %dma_start3A_568] : memref<2x4x125xi32, #tpu.memory_space<vmem>> -> memref<1x4x125xi32, #tpu.memory_space<vmem>>
    %dma_start3A_570 = tpu.memref_squeeze %dma_start3A_569 : memref<1x4x125xi32, #tpu.memory_space<vmem>> -> memref<4x125xi32, #tpu.memory_space<vmem>>
    %dma_start3A_571 = arith.constant 0 : i32
    %dma_start3A_572 = arith.constant 0 : i32
    %dma_start3A_573 = tpu.memref_slice %arg2[%dma_start3A_564, %add3A, %dma_start3A_565, %dma_start3A_571, %dma_start3A_572] : memref<2x32x20x4x125xi32, #tpu.memory_space<hbm>> -> memref<1x1x1x4x125xi32, #tpu.memory_space<hbm>>
    %dma_start3A_574 = tpu.memref_squeeze %dma_start3A_573 : memref<1x1x1x4x125xi32, #tpu.memory_space<hbm>> -> memref<4x125xi32, #tpu.memory_space<hbm>>
    %dma_start3A_575 = arith.constant 0 : i32
    %dma_start3A_576 = arith.constant 0 : i32
    %dma_start3A_577 = tpu.memref_slice %arg5[%dma_start3A_566, %dma_start3A_575, %dma_start3A_576] : memref<2x4x125xi32, #tpu.memory_space<vmem>> -> memref<1x4x125xi32, #tpu.memory_space<vmem>>
    %dma_start3A_578 = tpu.memref_squeeze %dma_start3A_577 : memref<1x4x125xi32, #tpu.memory_space<vmem>> -> memref<4x125xi32, #tpu.memory_space<vmem>>
    %dma_start3A_579 = arith.constant 0 : i32
    %dma_start3A_580 = arith.constant 0 : i32
    %dma_start3A_581 = tpu.memref_slice %arg2[%dma_start3A_564, %add3A, %dma_start3A_565, %dma_start3A_579, %dma_start3A_580] : memref<2x32x20x4x125xi32, #tpu.memory_space<hbm>> -> memref<1x1x1x4x125xi32, #tpu.memory_space<hbm>>
    %dma_start3A_582 = tpu.memref_squeeze %dma_start3A_581 : memref<1x1x1x4x125xi32, #tpu.memory_space<hbm>> -> memref<4x125xi32, #tpu.memory_space<hbm>>
    tpu.enqueue_dma source(%dma_start3A_582 : memref<4x125xi32, #tpu.memory_space<hbm>>) target(%dma_start3A_578 : memref<4x125xi32, #tpu.memory_space<vmem>>) target_semaphore(%arg14 : memref<!tpu.dma_semaphore, #tpu.memory_space<semaphore_mem>>)
    %dma_start3A_583 = arith.constant 1 : i32
    %dma_start3A_584 = arith.constant 0 : i32
    %dma_start3A_585 = arith.constant 1 : i32
    %dma_start3A_586 = arith.constant 0 : i32
    %dma_start3A_587 = arith.constant 0 : i32
    %dma_start3A_588 = tpu.memref_slice %arg5[%dma_start3A_585, %dma_start3A_586, %dma_start3A_587] : memref<2x4x125xi32, #tpu.memory_space<vmem>> -> memref<1x4x125xi32, #tpu.memory_space<vmem>>
    %dma_start3A_589 = tpu.memref_squeeze %dma_start3A_588 : memref<1x4x125xi32, #tpu.memory_space<vmem>> -> memref<4x125xi32, #tpu.memory_space<vmem>>
    %dma_start3A_590 = arith.constant 0 : i32
    %dma_start3A_591 = arith.constant 0 : i32
    %dma_start3A_592 = tpu.memref_slice %arg2[%dma_start3A_583, %add3A, %dma_start3A_584, %dma_start3A_590, %dma_start3A_591] : memref<2x32x20x4x125xi32, #tpu.memory_space<hbm>> -> memref<1x1x1x4x125xi32, #tpu.memory_space<hbm>>
    %dma_start3A_593 = tpu.memref_squeeze %dma_start3A_592 : memref<1x1x1x4x125xi32, #tpu.memory_space<hbm>> -> memref<4x125xi32, #tpu.memory_space<hbm>>
    %dma_start3A_594 = arith.constant 0 : i32
    %dma_start3A_595 = arith.constant 0 : i32
    %dma_start3A_596 = tpu.memref_slice %arg5[%dma_start3A_585, %dma_start3A_594, %dma_start3A_595] : memref<2x4x125xi32, #tpu.memory_space<vmem>> -> memref<1x4x125xi32, #tpu.memory_space<vmem>>
    %dma_start3A_597 = tpu.memref_squeeze %dma_start3A_596 : memref<1x4x125xi32, #tpu.memory_space<vmem>> -> memref<4x125xi32, #tpu.memory_space<vmem>>
    %dma_start3A_598 = arith.constant 0 : i32
    %dma_start3A_599 = arith.constant 0 : i32
    %dma_start3A_600 = tpu.memref_slice %arg2[%dma_start3A_583, %add3A, %dma_start3A_584, %dma_start3A_598, %dma_start3A_599] : memref<2x32x20x4x125xi32, #tpu.memory_space<hbm>> -> memref<1x1x1x4x125xi32, #tpu.memory_space<hbm>>
    %dma_start3A_601 = tpu.memref_squeeze %dma_start3A_600 : memref<1x1x1x4x125xi32, #tpu.memory_space<hbm>> -> memref<4x125xi32, #tpu.memory_space<hbm>>
    tpu.enqueue_dma source(%dma_start3A_601 : memref<4x125xi32, #tpu.memory_space<hbm>>) target(%dma_start3A_597 : memref<4x125xi32, #tpu.memory_space<vmem>>) target_semaphore(%arg14 : memref<!tpu.dma_semaphore, #tpu.memory_space<semaphore_mem>>)
    %dma_start3A_602 = arith.constant 0 : i32
    %dma_start3A_603 = arith.constant 1 : i32
    %dma_start3A_604 = arith.constant 0 : i32
    %dma_start3A_605 = arith.constant 0 : i32
    %dma_start3A_606 = arith.constant 0 : i32
    %dma_start3A_607 = tpu.memref_slice %arg6[%dma_start3A_604, %dma_start3A_605, %dma_start3A_606] : memref<2x4x125xi32, #tpu.memory_space<vmem>> -> memref<1x4x125xi32, #tpu.memory_space<vmem>>
    %dma_start3A_608 = tpu.memref_squeeze %dma_start3A_607 : memref<1x4x125xi32, #tpu.memory_space<vmem>> -> memref<4x125xi32, #tpu.memory_space<vmem>>
    %dma_start3A_609 = arith.constant 0 : i32
    %dma_start3A_610 = arith.constant 0 : i32
    %dma_start3A_611 = tpu.memref_slice %arg2[%dma_start3A_602, %add3A, %dma_start3A_603, %dma_start3A_609, %dma_start3A_610] : memref<2x32x20x4x125xi32, #tpu.memory_space<hbm>> -> memref<1x1x1x4x125xi32, #tpu.memory_space<hbm>>
    %dma_start3A_612 = tpu.memref_squeeze %dma_start3A_611 : memref<1x1x1x4x125xi32, #tpu.memory_space<hbm>> -> memref<4x125xi32, #tpu.memory_space<hbm>>
    %dma_start3A_613 = arith.constant 0 : i32
    %dma_start3A_614 = arith.constant 0 : i32
    %dma_start3A_615 = tpu.memref_slice %arg6[%dma_start3A_604, %dma_start3A_613, %dma_start3A_614] : memref<2x4x125xi32, #tpu.memory_space<vmem>> -> memref<1x4x125xi32, #tpu.memory_space<vmem>>
    %dma_start3A_616 = tpu.memref_squeeze %dma_start3A_615 : memref<1x4x125xi32, #tpu.memory_space<vmem>> -> memref<4x125xi32, #tpu.memory_space<vmem>>
    %dma_start3A_617 = arith.constant 0 : i32
    %dma_start3A_618 = arith.constant 0 : i32
    %dma_start3A_619 = tpu.memref_slice %arg2[%dma_start3A_602, %add3A, %dma_start3A_603, %dma_start3A_617, %dma_start3A_618] : memref<2x32x20x4x125xi32, #tpu.memory_space<hbm>> -> memref<1x1x1x4x125xi32, #tpu.memory_space<hbm>>
    %dma_start3A_620 = tpu.memref_squeeze %dma_start3A_619 : memref<1x1x1x4x125xi32, #tpu.memory_space<hbm>> -> memref<4x125xi32, #tpu.memory_space<hbm>>
    tpu.enqueue_dma source(%dma_start3A_620 : memref<4x125xi32, #tpu.memory_space<hbm>>) target(%dma_start3A_616 : memref<4x125xi32, #tpu.memory_space<vmem>>) target_semaphore(%arg15 : memref<!tpu.dma_semaphore, #tpu.memory_space<semaphore_mem>>)
    %dma_start3A_621 = arith.constant 1 : i32
    %dma_start3A_622 = arith.constant 1 : i32
    %dma_start3A_623 = arith.constant 1 : i32
    %dma_start3A_624 = arith.constant 0 : i32
    %dma_start3A_625 = arith.constant 0 : i32
    %dma_start3A_626 = tpu.memref_slice %arg6[%dma_start3A_623, %dma_start3A_624, %dma_start3A_625] : memref<2x4x125xi32, #tpu.memory_space<vmem>> -> memref<1x4x125xi32, #tpu.memory_space<vmem>>
    %dma_start3A_627 = tpu.memref_squeeze %dma_start3A_626 : memref<1x4x125xi32, #tpu.memory_space<vmem>> -> memref<4x125xi32, #tpu.memory_space<vmem>>
    %dma_start3A_628 = arith.constant 0 : i32
    %dma_start3A_629 = arith.constant 0 : i32
    %dma_start3A_630 = tpu.memref_slice %arg2[%dma_start3A_621, %add3A, %dma_start3A_622, %dma_start3A_628, %dma_start3A_629] : memref<2x32x20x4x125xi32, #tpu.memory_space<hbm>> -> memref<1x1x1x4x125xi32, #tpu.memory_space<hbm>>
    %dma_start3A_631 = tpu.memref_squeeze %dma_start3A_630 : memref<1x1x1x4x125xi32, #tpu.memory_space<hbm>> -> memref<4x125xi32, #tpu.memory_space<hbm>>
    %dma_start3A_632 = arith.constant 0 : i32
    %dma_start3A_633 = arith.constant 0 : i32
    %dma_start3A_634 = tpu.memref_slice %arg6[%dma_start3A_623, %dma_start3A_632, %dma_start3A_633] : memref<2x4x125xi32, #tpu.memory_space<vmem>> -> memref<1x4x125xi32, #tpu.memory_space<vmem>>
    %dma_start3A_635 = tpu.memref_squeeze %dma_start3A_634 : memref<1x4x125xi32, #tpu.memory_space<vmem>> -> memref<4x125xi32, #tpu.memory_space<vmem>>
    %dma_start3A_636 = arith.constant 0 : i32
    %dma_start3A_637 = arith.constant 0 : i32
    %dma_start3A_638 = tpu.memref_slice %arg2[%dma_start3A_621, %add3A, %dma_start3A_622, %dma_start3A_636, %dma_start3A_637] : memref<2x32x20x4x125xi32, #tpu.memory_space<hbm>> -> memref<1x1x1x4x125xi32, #tpu.memory_space<hbm>>
    %dma_start3A_639 = tpu.memref_squeeze %dma_start3A_638 : memref<1x1x1x4x125xi32, #tpu.memory_space<hbm>> -> memref<4x125xi32, #tpu.memory_space<hbm>>
    tpu.enqueue_dma source(%dma_start3A_639 : memref<4x125xi32, #tpu.memory_space<hbm>>) target(%dma_start3A_635 : memref<4x125xi32, #tpu.memory_space<vmem>>) target_semaphore(%arg15 : memref<!tpu.dma_semaphore, #tpu.memory_space<semaphore_mem>>)
    %dma_start3A_640 = arith.constant 0 : i32
    %dma_start3A_641 = arith.constant 2 : i32
    %dma_start3A_642 = arith.constant 0 : i32
    %dma_start3A_643 = arith.constant 0 : i32
    %dma_start3A_644 = arith.constant 0 : i32
    %dma_start3A_645 = tpu.memref_slice %arg7[%dma_start3A_642, %dma_start3A_643, %dma_start3A_644] : memref<2x4x125xi32, #tpu.memory_space<vmem>> -> memref<1x4x125xi32, #tpu.memory_space<vmem>>
    %dma_start3A_646 = tpu.memref_squeeze %dma_start3A_645 : memref<1x4x125xi32, #tpu.memory_space<vmem>> -> memref<4x125xi32, #tpu.memory_space<vmem>>
    %dma_start3A_647 = arith.constant 0 : i32
    %dma_start3A_648 = arith.constant 0 : i32
    %dma_start3A_649 = tpu.memref_slice %arg2[%dma_start3A_640, %add3A, %dma_start3A_641, %dma_start3A_647, %dma_start3A_648] : memref<2x32x20x4x125xi32, #tpu.memory_space<hbm>> -> memref<1x1x1x4x125xi32, #tpu.memory_space<hbm>>
    %dma_start3A_650 = tpu.memref_squeeze %dma_start3A_649 : memref<1x1x1x4x125xi32, #tpu.memory_space<hbm>> -> memref<4x125xi32, #tpu.memory_space<hbm>>
    %dma_start3A_651 = arith.constant 0 : i32
    %dma_start3A_652 = arith.constant 0 : i32
    %dma_start3A_653 = tpu.memref_slice %arg7[%dma_start3A_642, %dma_start3A_651, %dma_start3A_652] : memref<2x4x125xi32, #tpu.memory_space<vmem>> -> memref<1x4x125xi32, #tpu.memory_space<vmem>>
    %dma_start3A_654 = tpu.memref_squeeze %dma_start3A_653 : memref<1x4x125xi32, #tpu.memory_space<vmem>> -> memref<4x125xi32, #tpu.memory_space<vmem>>
    %dma_start3A_655 = arith.constant 0 : i32
    %dma_start3A_656 = arith.constant 0 : i32
    %dma_start3A_657 = tpu.memref_slice %arg2[%dma_start3A_640, %add3A, %dma_start3A_641, %dma_start3A_655, %dma_start3A_656] : memref<2x32x20x4x125xi32, #tpu.memory_space<hbm>> -> memref<1x1x1x4x125xi32, #tpu.memory_space<hbm>>
    %dma_start3A_658 = tpu.memref_squeeze %dma_start3A_657 : memref<1x1x1x4x125xi32, #tpu.memory_space<hbm>> -> memref<4x125xi32, #tpu.memory_space<hbm>>
    tpu.enqueue_dma source(%dma_start3A_658 : memref<4x125xi32, #tpu.memory_space<hbm>>) target(%dma_start3A_654 : memref<4x125xi32, #tpu.memory_space<vmem>>) target_semaphore(%arg16 : memref<!tpu.dma_semaphore, #tpu.memory_space<semaphore_mem>>)
    %dma_start3A_659 = arith.constant 1 : i32
    %dma_start3A_660 = arith.constant 2 : i32
    %dma_start3A_661 = arith.constant 1 : i32
    %dma_start3A_662 = arith.constant 0 : i32
    %dma_start3A_663 = arith.constant 0 : i32
    %dma_start3A_664 = tpu.memref_slice %arg7[%dma_start3A_661, %dma_start3A_662, %dma_start3A_663] : memref<2x4x125xi32, #tpu.memory_space<vmem>> -> memref<1x4x125xi32, #tpu.memory_space<vmem>>
    %dma_start3A_665 = tpu.memref_squeeze %dma_start3A_664 : memref<1x4x125xi32, #tpu.memory_space<vmem>> -> memref<4x125xi32, #tpu.memory_space<vmem>>
    %dma_start3A_666 = arith.constant 0 : i32
    %dma_start3A_667 = arith.constant 0 : i32
    %dma_start3A_668 = tpu.memref_slice %arg2[%dma_start3A_659, %add3A, %dma_start3A_660, %dma_start3A_666, %dma_start3A_667] : memref<2x32x20x4x125xi32, #tpu.memory_space<hbm>> -> memref<1x1x1x4x125xi32, #tpu.memory_space<hbm>>
    %dma_start3A_669 = tpu.memref_squeeze %dma_start3A_668 : memref<1x1x1x4x125xi32, #tpu.memory_space<hbm>> -> memref<4x125xi32, #tpu.memory_space<hbm>>
    %dma_start3A_670 = arith.constant 0 : i32
    %dma_start3A_671 = arith.constant 0 : i32
    %dma_start3A_672 = tpu.memref_slice %arg7[%dma_start3A_661, %dma_start3A_670, %dma_start3A_671] : memref<2x4x125xi32, #tpu.memory_space<vmem>> -> memref<1x4x125xi32, #tpu.memory_space<vmem>>
    %dma_start3A_673 = tpu.memref_squeeze %dma_start3A_672 : memref<1x4x125xi32, #tpu.memory_space<vmem>> -> memref<4x125xi32, #tpu.memory_space<vmem>>
    %dma_start3A_674 = arith.constant 0 : i32
    %dma_start3A_675 = arith.constant 0 : i32
    %dma_start3A_676 = tpu.memref_slice %arg2[%dma_start3A_659, %add3A, %dma_start3A_660, %dma_start3A_674, %dma_start3A_675] : memref<2x32x20x4x125xi32, #tpu.memory_space<hbm>> -> memref<1x1x1x4x125xi32, #tpu.memory_space<hbm>>
    %dma_start3A_677 = tpu.memref_squeeze %dma_start3A_676 : memref<1x1x1x4x125xi32, #tpu.memory_space<hbm>> -> memref<4x125xi32, #tpu.memory_space<hbm>>
    tpu.enqueue_dma source(%dma_start3A_677 : memref<4x125xi32, #tpu.memory_space<hbm>>) target(%dma_start3A_673 : memref<4x125xi32, #tpu.memory_space<vmem>>) target_semaphore(%arg16 : memref<!tpu.dma_semaphore, #tpu.memory_space<semaphore_mem>>)
    %dma_start3A_678 = arith.constant 0 : i32
    %dma_start3A_679 = arith.constant 3 : i32
    %dma_start3A_680 = arith.constant 0 : i32
    %dma_start3A_681 = arith.constant 0 : i32
    %dma_start3A_682 = arith.constant 0 : i32
    %dma_start3A_683 = tpu.memref_slice %arg8[%dma_start3A_680, %dma_start3A_681, %dma_start3A_682] : memref<2x4x125xi32, #tpu.memory_space<vmem>> -> memref<1x4x125xi32, #tpu.memory_space<vmem>>
    %dma_start3A_684 = tpu.memref_squeeze %dma_start3A_683 : memref<1x4x125xi32, #tpu.memory_space<vmem>> -> memref<4x125xi32, #tpu.memory_space<vmem>>
    %dma_start3A_685 = arith.constant 0 : i32
    %dma_start3A_686 = arith.constant 0 : i32
    %dma_start3A_687 = tpu.memref_slice %arg2[%dma_start3A_678, %add3A, %dma_start3A_679, %dma_start3A_685, %dma_start3A_686] : memref<2x32x20x4x125xi32, #tpu.memory_space<hbm>> -> memref<1x1x1x4x125xi32, #tpu.memory_space<hbm>>
    %dma_start3A_688 = tpu.memref_squeeze %dma_start3A_687 : memref<1x1x1x4x125xi32, #tpu.memory_space<hbm>> -> memref<4x125xi32, #tpu.memory_space<hbm>>
    %dma_start3A_689 = arith.constant 0 : i32
    %dma_start3A_690 = arith.constant 0 : i32
    %dma_start3A_691 = tpu.memref_slice %arg8[%dma_start3A_680, %dma_start3A_689, %dma_start3A_690] : memref<2x4x125xi32, #tpu.memory_space<vmem>> -> memref<1x4x125xi32, #tpu.memory_space<vmem>>
    %dma_start3A_692 = tpu.memref_squeeze %dma_start3A_691 : memref<1x4x125xi32, #tpu.memory_space<vmem>> -> memref<4x125xi32, #tpu.memory_space<vmem>>
    %dma_start3A_693 = arith.constant 0 : i32
    %dma_start3A_694 = arith.constant 0 : i32
    %dma_start3A_695 = tpu.memref_slice %arg2[%dma_start3A_678, %add3A, %dma_start3A_679, %dma_start3A_693, %dma_start3A_694] : memref<2x32x20x4x125xi32, #tpu.memory_space<hbm>> -> memref<1x1x1x4x125xi32, #tpu.memory_space<hbm>>
    %dma_start3A_696 = tpu.memref_squeeze %dma_start3A_695 : memref<1x1x1x4x125xi32, #tpu.memory_space<hbm>> -> memref<4x125xi32, #tpu.memory_space<hbm>>
    tpu.enqueue_dma source(%dma_start3A_696 : memref<4x125xi32, #tpu.memory_space<hbm>>) target(%dma_start3A_692 : memref<4x125xi32, #tpu.memory_space<vmem>>) target_semaphore(%arg17 : memref<!tpu.dma_semaphore, #tpu.memory_space<semaphore_mem>>)
    %dma_start3A_697 = arith.constant 1 : i32
    %dma_start3A_698 = arith.constant 3 : i32
    %dma_start3A_699 = arith.constant 1 : i32
    %dma_start3A_700 = arith.constant 0 : i32
    %dma_start3A_701 = arith.constant 0 : i32
    %dma_start3A_702 = tpu.memref_slice %arg8[%dma_start3A_699, %dma_start3A_700, %dma_start3A_701] : memref<2x4x125xi32, #tpu.memory_space<vmem>> -> memref<1x4x125xi32, #tpu.memory_space<vmem>>
    %dma_start3A_703 = tpu.memref_squeeze %dma_start3A_702 : memref<1x4x125xi32, #tpu.memory_space<vmem>> -> memref<4x125xi32, #tpu.memory_space<vmem>>
    %dma_start3A_704 = arith.constant 0 : i32
    %dma_start3A_705 = arith.constant 0 : i32
    %dma_start3A_706 = tpu.memref_slice %arg2[%dma_start3A_697, %add3A, %dma_start3A_698, %dma_start3A_704, %dma_start3A_705] : memref<2x32x20x4x125xi32, #tpu.memory_space<hbm>> -> memref<1x1x1x4x125xi32, #tpu.memory_space<hbm>>
    %dma_start3A_707 = tpu.memref_squeeze %dma_start3A_706 : memref<1x1x1x4x125xi32, #tpu.memory_space<hbm>> -> memref<4x125xi32, #tpu.memory_space<hbm>>
    %dma_start3A_708 = arith.constant 0 : i32
    %dma_start3A_709 = arith.constant 0 : i32
    %dma_start3A_710 = tpu.memref_slice %arg8[%dma_start3A_699, %dma_start3A_708, %dma_start3A_709] : memref<2x4x125xi32, #tpu.memory_space<vmem>> -> memref<1x4x125xi32, #tpu.memory_space<vmem>>
    %dma_start3A_711 = tpu.memref_squeeze %dma_start3A_710 : memref<1x4x125xi32, #tpu.memory_space<vmem>> -> memref<4x125xi32, #tpu.memory_space<vmem>>
    %dma_start3A_712 = arith.constant 0 : i32
    %dma_start3A_713 = arith.constant 0 : i32
    %dma_start3A_714 = tpu.memref_slice %arg2[%dma_start3A_697, %add3A, %dma_start3A_698, %dma_start3A_712, %dma_start3A_713] : memref<2x32x20x4x125xi32, #tpu.memory_space<hbm>> -> memref<1x1x1x4x125xi32, #tpu.memory_space<hbm>>
    %dma_start3A_715 = tpu.memref_squeeze %dma_start3A_714 : memref<1x1x1x4x125xi32, #tpu.memory_space<hbm>> -> memref<4x125xi32, #tpu.memory_space<hbm>>
    tpu.enqueue_dma source(%dma_start3A_715 : memref<4x125xi32, #tpu.memory_space<hbm>>) target(%dma_start3A_711 : memref<4x125xi32, #tpu.memory_space<vmem>>) target_semaphore(%arg17 : memref<!tpu.dma_semaphore, #tpu.memory_space<semaphore_mem>>)
    %dma_start3A_716 = arith.constant 0 : i32
    %dma_start3A_717 = arith.constant 4 : i32
    %dma_start3A_718 = arith.constant 0 : i32
    %dma_start3A_719 = arith.constant 0 : i32
    %dma_start3A_720 = arith.constant 0 : i32
    %dma_start3A_721 = tpu.memref_slice %arg9[%dma_start3A_718, %dma_start3A_719, %dma_start3A_720] : memref<2x4x125xi32, #tpu.memory_space<vmem>> -> memref<1x4x125xi32, #tpu.memory_space<vmem>>
    %dma_start3A_722 = tpu.memref_squeeze %dma_start3A_721 : memref<1x4x125xi32, #tpu.memory_space<vmem>> -> memref<4x125xi32, #tpu.memory_space<vmem>>
    %dma_start3A_723 = arith.constant 0 : i32
    %dma_start3A_724 = arith.constant 0 : i32
    %dma_start3A_725 = tpu.memref_slice %arg2[%dma_start3A_716, %add3A, %dma_start3A_717, %dma_start3A_723, %dma_start3A_724] : memref<2x32x20x4x125xi32, #tpu.memory_space<hbm>> -> memref<1x1x1x4x125xi32, #tpu.memory_space<hbm>>
    %dma_start3A_726 = tpu.memref_squeeze %dma_start3A_725 : memref<1x1x1x4x125xi32, #tpu.memory_space<hbm>> -> memref<4x125xi32, #tpu.memory_space<hbm>>
    %dma_start3A_727 = arith.constant 0 : i32
    %dma_start3A_728 = arith.constant 0 : i32
    %dma_start3A_729 = tpu.memref_slice %arg9[%dma_start3A_718, %dma_start3A_727, %dma_start3A_728] : memref<2x4x125xi32, #tpu.memory_space<vmem>> -> memref<1x4x125xi32, #tpu.memory_space<vmem>>
    %dma_start3A_730 = tpu.memref_squeeze %dma_start3A_729 : memref<1x4x125xi32, #tpu.memory_space<vmem>> -> memref<4x125xi32, #tpu.memory_space<vmem>>
    %dma_start3A_731 = arith.constant 0 : i32
    %dma_start3A_732 = arith.constant 0 : i32
    %dma_start3A_733 = tpu.memref_slice %arg2[%dma_start3A_716, %add3A, %dma_start3A_717, %dma_start3A_731, %dma_start3A_732] : memref<2x32x20x4x125xi32, #tpu.memory_space<hbm>> -> memref<1x1x1x4x125xi32, #tpu.memory_space<hbm>>
    %dma_start3A_734 = tpu.memref_squeeze %dma_start3A_733 : memref<1x1x1x4x125xi32, #tpu.memory_space<hbm>> -> memref<4x125xi32, #tpu.memory_space<hbm>>
    tpu.enqueue_dma source(%dma_start3A_734 : memref<4x125xi32, #tpu.memory_space<hbm>>) target(%dma_start3A_730 : memref<4x125xi32, #tpu.memory_space<vmem>>) target_semaphore(%arg18 : memref<!tpu.dma_semaphore, #tpu.memory_space<semaphore_mem>>)
    %dma_start3A_735 = arith.constant 1 : i32
    %dma_start3A_736 = arith.constant 4 : i32
    %dma_start3A_737 = arith.constant 1 : i32
    %dma_start3A_738 = arith.constant 0 : i32
    %dma_start3A_739 = arith.constant 0 : i32
    %dma_start3A_740 = tpu.memref_slice %arg9[%dma_start3A_737, %dma_start3A_738, %dma_start3A_739] : memref<2x4x125xi32, #tpu.memory_space<vmem>> -> memref<1x4x125xi32, #tpu.memory_space<vmem>>
    %dma_start3A_741 = tpu.memref_squeeze %dma_start3A_740 : memref<1x4x125xi32, #tpu.memory_space<vmem>> -> memref<4x125xi32, #tpu.memory_space<vmem>>
    %dma_start3A_742 = arith.constant 0 : i32
    %dma_start3A_743 = arith.constant 0 : i32
    %dma_start3A_744 = tpu.memref_slice %arg2[%dma_start3A_735, %add3A, %dma_start3A_736, %dma_start3A_742, %dma_start3A_743] : memref<2x32x20x4x125xi32, #tpu.memory_space<hbm>> -> memref<1x1x1x4x125xi32, #tpu.memory_space<hbm>>
    %dma_start3A_745 = tpu.memref_squeeze %dma_start3A_744 : memref<1x1x1x4x125xi32, #tpu.memory_space<hbm>> -> memref<4x125xi32, #tpu.memory_space<hbm>>
    %dma_start3A_746 = arith.constant 0 : i32
    %dma_start3A_747 = arith.constant 0 : i32
    %dma_start3A_748 = tpu.memref_slice %arg9[%dma_start3A_737, %dma_start3A_746, %dma_start3A_747] : memref<2x4x125xi32, #tpu.memory_space<vmem>> -> memref<1x4x125xi32, #tpu.memory_space<vmem>>
    %dma_start3A_749 = tpu.memref_squeeze %dma_start3A_748 : memref<1x4x125xi32, #tpu.memory_space<vmem>> -> memref<4x125xi32, #tpu.memory_space<vmem>>
    %dma_start3A_750 = arith.constant 0 : i32
    %dma_start3A_751 = arith.constant 0 : i32
    %dma_start3A_752 = tpu.memref_slice %arg2[%dma_start3A_735, %add3A, %dma_start3A_736, %dma_start3A_750, %dma_start3A_751] : memref<2x32x20x4x125xi32, #tpu.memory_space<hbm>> -> memref<1x1x1x4x125xi32, #tpu.memory_space<hbm>>
    %dma_start3A_753 = tpu.memref_squeeze %dma_start3A_752 : memref<1x1x1x4x125xi32, #tpu.memory_space<hbm>> -> memref<4x125xi32, #tpu.memory_space<hbm>>
    tpu.enqueue_dma source(%dma_start3A_753 : memref<4x125xi32, #tpu.memory_space<hbm>>) target(%dma_start3A_749 : memref<4x125xi32, #tpu.memory_space<vmem>>) target_semaphore(%arg18 : memref<!tpu.dma_semaphore, #tpu.memory_space<semaphore_mem>>)
    %scan3A_754 = arith.constant 0 : i32
    %scan3A_755 = arith.constant 0 : i32
    %scan3A_756 = arith.constant 4 : i32
    %scan3A_757 = arith.addi %scan3A_755, %scan3A_756 : i32
    %scan3A_758 = arith.constant 1 : i32
    scf.for %scan3A_797 = %scan3A_755 to %scan3A_757 step %scan3A_758  : i32 {
      %gt3A = arith.constant 0 : i32
      %gt3A_798 = arith.cmpi sgt, %scan3A_797, %gt3A : i32
      %convert_element_type3A = arith.extui %gt3A_798 : i1 to i32
      %cond3A = arith.constant 0 : i32
      %cond3A_799 = arith.cmpi ne, %convert_element_type3A, %cond3A : i32
      scf.if %cond3A_799 {
        %dma_wait3A_1673 = arith.constant 1 : i32
        %dma_wait3A_1674 = arith.constant 0 : i32
        %dma_wait3A_1675 = arith.constant 0 : i32
        %dma_wait3A_1676 = tpu.memref_slice %arg5[%dma_wait3A_1673, %dma_wait3A_1674, %dma_wait3A_1675] : memref<2x4x125xi32, #tpu.memory_space<vmem>> -> memref<1x1x125xi32, #tpu.memory_space<vmem>>
        %dma_wait3A_1677 = tpu.memref_squeeze %dma_wait3A_1676 : memref<1x1x125xi32, #tpu.memory_space<vmem>> -> memref<125xi32, #tpu.memory_space<vmem>>
        %dma_wait3A_1678 = arith.constant 0 : i32
        %dma_wait3A_1679 = arith.constant 0 : i32
        %dma_wait3A_1680 = tpu.memref_slice %arg13[%dma_wait3A_1678, %dma_wait3A_1679] : memref<10240x128xf32, #tpu.memory_space<vmem_shared>> -> memref<10240x128xf32, #tpu.memory_space<vmem_shared>>
        tpu.wait_indirect_dma semaphore(%arg21 : memref<!tpu.dma_semaphore, #tpu.memory_space<semaphore_mem>>) src(%arg10 : memref<125x128xf32, #tpu.memory_space<vmem>>) dst(%dma_wait3A_1680 : memref<10240x128xf32, #tpu.memory_space<vmem_shared>>)
      } else {
      }
      %dma_wait3A_800 = arith.constant 0 : i32
      %dma_wait3A_801 = arith.constant 0 : i32
      %dma_wait3A_802 = arith.constant 0 : i32
      %dma_wait3A_803 = arith.constant 0 : i32
      %dma_wait3A_804 = arith.constant 0 : i32
      %dma_wait3A_805 = tpu.memref_slice %arg5[%dma_wait3A_802, %dma_wait3A_803, %dma_wait3A_804] : memref<2x4x125xi32, #tpu.memory_space<vmem>> -> memref<1x4x125xi32, #tpu.memory_space<vmem>>
      %dma_wait3A_806 = tpu.memref_squeeze %dma_wait3A_805 : memref<1x4x125xi32, #tpu.memory_space<vmem>> -> memref<4x125xi32, #tpu.memory_space<vmem>>
      %dma_wait3A_807 = arith.constant 0 : i32
      %dma_wait3A_808 = arith.constant 0 : i32
      %dma_wait3A_809 = tpu.memref_slice %arg2[%dma_wait3A_800, %add3A, %dma_wait3A_801, %dma_wait3A_807, %dma_wait3A_808] : memref<2x32x20x4x125xi32, #tpu.memory_space<hbm>> -> memref<1x1x1x4x125xi32, #tpu.memory_space<hbm>>
      %dma_wait3A_810 = tpu.memref_squeeze %dma_wait3A_809 : memref<1x1x1x4x125xi32, #tpu.memory_space<hbm>> -> memref<4x125xi32, #tpu.memory_space<hbm>>
      %dma_wait3A_811 = arith.constant 0 : i32
      %dma_wait3A_812 = arith.constant 0 : i32
      %dma_wait3A_813 = tpu.memref_slice %arg5[%dma_wait3A_802, %dma_wait3A_811, %dma_wait3A_812] : memref<2x4x125xi32, #tpu.memory_space<vmem>> -> memref<1x4x125xi32, #tpu.memory_space<vmem>>
      %dma_wait3A_814 = tpu.memref_squeeze %dma_wait3A_813 : memref<1x4x125xi32, #tpu.memory_space<vmem>> -> memref<4x125xi32, #tpu.memory_space<vmem>>
      %dma_wait3A_815 = arith.constant 0 : i32
      %dma_wait3A_816 = arith.constant 0 : i32
      %dma_wait3A_817 = tpu.memref_slice %arg2[%dma_wait3A_800, %add3A, %dma_wait3A_801, %dma_wait3A_815, %dma_wait3A_816] : memref<2x32x20x4x125xi32, #tpu.memory_space<hbm>> -> memref<1x1x1x4x125xi32, #tpu.memory_space<hbm>>
      %dma_wait3A_818 = tpu.memref_squeeze %dma_wait3A_817 : memref<1x1x1x4x125xi32, #tpu.memory_space<hbm>> -> memref<4x125xi32, #tpu.memory_space<hbm>>
      tpu.wait_dma2 semaphore(%arg14 : memref<!tpu.dma_semaphore, #tpu.memory_space<semaphore_mem>>) src(%dma_wait3A_818 : memref<4x125xi32, #tpu.memory_space<hbm>>) dst(%dma_wait3A_814 : memref<4x125xi32, #tpu.memory_space<vmem>>)
      %dma_wait3A_819 = arith.constant 1 : i32
      %dma_wait3A_820 = arith.constant 0 : i32
      %dma_wait3A_821 = arith.constant 1 : i32
      %dma_wait3A_822 = arith.constant 0 : i32
      %dma_wait3A_823 = arith.constant 0 : i32
      %dma_wait3A_824 = tpu.memref_slice %arg5[%dma_wait3A_821, %dma_wait3A_822, %dma_wait3A_823] : memref<2x4x125xi32, #tpu.memory_space<vmem>> -> memref<1x4x125xi32, #tpu.memory_space<vmem>>
      %dma_wait3A_825 = tpu.memref_squeeze %dma_wait3A_824 : memref<1x4x125xi32, #tpu.memory_space<vmem>> -> memref<4x125xi32, #tpu.memory_space<vmem>>
      %dma_wait3A_826 = arith.constant 0 : i32
      %dma_wait3A_827 = arith.constant 0 : i32
      %dma_wait3A_828 = tpu.memref_slice %arg2[%dma_wait3A_819, %add3A, %dma_wait3A_820, %dma_wait3A_826, %dma_wait3A_827] : memref<2x32x20x4x125xi32, #tpu.memory_space<hbm>> -> memref<1x1x1x4x125xi32, #tpu.memory_space<hbm>>
      %dma_wait3A_829 = tpu.memref_squeeze %dma_wait3A_828 : memref<1x1x1x4x125xi32, #tpu.memory_space<hbm>> -> memref<4x125xi32, #tpu.memory_space<hbm>>
      %dma_wait3A_830 = arith.constant 0 : i32
      %dma_wait3A_831 = arith.constant 0 : i32
      %dma_wait3A_832 = tpu.memref_slice %arg5[%dma_wait3A_821, %dma_wait3A_830, %dma_wait3A_831] : memref<2x4x125xi32, #tpu.memory_space<vmem>> -> memref<1x4x125xi32, #tpu.memory_space<vmem>>
      %dma_wait3A_833 = tpu.memref_squeeze %dma_wait3A_832 : memref<1x4x125xi32, #tpu.memory_space<vmem>> -> memref<4x125xi32, #tpu.memory_space<vmem>>
      %dma_wait3A_834 = arith.constant 0 : i32
      %dma_wait3A_835 = arith.constant 0 : i32
      %dma_wait3A_836 = tpu.memref_slice %arg2[%dma_wait3A_819, %add3A, %dma_wait3A_820, %dma_wait3A_834, %dma_wait3A_835] : memref<2x32x20x4x125xi32, #tpu.memory_space<hbm>> -> memref<1x1x1x4x125xi32, #tpu.memory_space<hbm>>
      %dma_wait3A_837 = tpu.memref_squeeze %dma_wait3A_836 : memref<1x1x1x4x125xi32, #tpu.memory_space<hbm>> -> memref<4x125xi32, #tpu.memory_space<hbm>>
      tpu.wait_dma2 semaphore(%arg14 : memref<!tpu.dma_semaphore, #tpu.memory_space<semaphore_mem>>) src(%dma_wait3A_837 : memref<4x125xi32, #tpu.memory_space<hbm>>) dst(%dma_wait3A_833 : memref<4x125xi32, #tpu.memory_space<vmem>>)
      %dma_start3A_838 = arith.constant 0 : i32
      %dma_start3A_839 = arith.constant 0 : i32
      %dma_start3A_840 = arith.constant 0 : i32
      %dma_start3A_841 = tpu.memref_slice %arg5[%dma_start3A_838, %dma_start3A_839, %dma_start3A_840] : memref<2x4x125xi32, #tpu.memory_space<vmem>> -> memref<1x1x125xi32, #tpu.memory_space<vmem>>
      %dma_start3A_842 = tpu.memref_squeeze %dma_start3A_841 : memref<1x1x125xi32, #tpu.memory_space<vmem>> -> memref<125xi32, #tpu.memory_space<vmem>>
      %dma_start3A_843 = arith.constant 0 : i32
      %dma_start3A_844 = arith.constant 0 : i32
      %dma_start3A_845 = tpu.memref_slice %arg3[%dma_start3A_843, %dma_start3A_844] : memref<10000x128xf32, #tpu.memory_space<hbm>> -> memref<10000x128xf32, #tpu.memory_space<hbm>>
      tpu.enqueue_indirect_dma source(%dma_start3A_845 : memref<10000x128xf32, #tpu.memory_space<hbm>>) target(%arg10 : memref<125x128xf32, #tpu.memory_space<vmem>>) offsets(%dma_start3A_842 : memref<125xi32, #tpu.memory_space<vmem>>) semaphore(%arg19 : memref<!tpu.dma_semaphore, #tpu.memory_space<semaphore_mem>>)
      %gt3A_846 = arith.constant 0 : i32
      %gt3A_847 = arith.cmpi sgt, %scan3A_797, %gt3A_846 : i32
      %convert_element_type3A_848 = arith.extui %gt3A_847 : i1 to i32
      %cond3A_849 = arith.constant 0 : i32
      %cond3A_850 = arith.cmpi ne, %convert_element_type3A_848, %cond3A_849 : i32
      scf.if %cond3A_850 {
        %dma_wait3A_1673 = arith.constant 0 : i32
        %dma_wait3A_1674 = arith.constant 0 : i32
        %dma_wait3A_1675 = arith.constant 0 : i32
        %dma_wait3A_1676 = tpu.memref_slice %arg5[%dma_wait3A_1673, %dma_wait3A_1674, %dma_wait3A_1675] : memref<2x4x125xi32, #tpu.memory_space<vmem>> -> memref<1x1x125xi32, #tpu.memory_space<vmem>>
        %dma_wait3A_1677 = tpu.memref_squeeze %dma_wait3A_1676 : memref<1x1x125xi32, #tpu.memory_space<vmem>> -> memref<125xi32, #tpu.memory_space<vmem>>
        %dma_wait3A_1678 = arith.constant 0 : i32
        %dma_wait3A_1679 = arith.constant 0 : i32
        %dma_wait3A_1680 = tpu.memref_slice %arg3[%dma_wait3A_1678, %dma_wait3A_1679] : memref<10000x128xf32, #tpu.memory_space<hbm>> -> memref<10000x128xf32, #tpu.memory_space<hbm>>
        tpu.wait_indirect_dma semaphore(%arg20 : memref<!tpu.dma_semaphore, #tpu.memory_space<semaphore_mem>>) src(%dma_wait3A_1680 : memref<10000x128xf32, #tpu.memory_space<hbm>>) dst(%arg11 : memref<125x128xf32, #tpu.memory_space<vmem>>)
        %dma_start3A_1681 = arith.constant 1 : i32
        %dma_start3A_1682 = arith.constant 3 : i32
        %dma_start3A_1683 = arith.constant 0 : i32
        %dma_start3A_1684 = tpu.memref_slice %arg9[%dma_start3A_1681, %dma_start3A_1682, %dma_start3A_1683] : memref<2x4x125xi32, #tpu.memory_space<vmem>> -> memref<1x1x125xi32, #tpu.memory_space<vmem>>
        %dma_start3A_1685 = tpu.memref_squeeze %dma_start3A_1684 : memref<1x1x125xi32, #tpu.memory_space<vmem>> -> memref<125xi32, #tpu.memory_space<vmem>>
        %dma_start3A_1686 = arith.constant 0 : i32
        %dma_start3A_1687 = arith.constant 0 : i32
        %dma_start3A_1688 = tpu.memref_slice %arg13[%dma_start3A_1686, %dma_start3A_1687] : memref<10240x128xf32, #tpu.memory_space<vmem_shared>> -> memref<10240x128xf32, #tpu.memory_space<vmem_shared>>
        tpu.enqueue_indirect_dma source(%arg11 : memref<125x128xf32, #tpu.memory_space<vmem>>) target(%dma_start3A_1688 : memref<10240x128xf32, #tpu.memory_space<vmem_shared>>) offsets(%dma_start3A_1685 : memref<125xi32, #tpu.memory_space<vmem>>) semaphore(%arg22 : memref<!tpu.dma_semaphore, #tpu.memory_space<semaphore_mem>>) {add = true}
      } else {
      }
      %gt3A_851 = arith.constant 0 : i32
      %gt3A_852 = arith.cmpi sgt, %scan3A_797, %gt3A_851 : i32
      %convert_element_type3A_853 = arith.extui %gt3A_852 : i1 to i32
      %cond3A_854 = arith.constant 0 : i32
      %cond3A_855 = arith.cmpi ne, %convert_element_type3A_853, %cond3A_854 : i32
      scf.if %cond3A_855 {
        %dma_wait3A_1673 = arith.constant 1 : i32
        %dma_wait3A_1674 = arith.constant 0 : i32
        %dma_wait3A_1675 = arith.constant 0 : i32
        %dma_wait3A_1676 = tpu.memref_slice %arg5[%dma_wait3A_1673, %dma_wait3A_1674, %dma_wait3A_1675] : memref<2x4x125xi32, #tpu.memory_space<vmem>> -> memref<1x1x125xi32, #tpu.memory_space<vmem>>
        %dma_wait3A_1677 = tpu.memref_squeeze %dma_wait3A_1676 : memref<1x1x125xi32, #tpu.memory_space<vmem>> -> memref<125xi32, #tpu.memory_space<vmem>>
        %dma_wait3A_1678 = arith.constant 0 : i32
        %dma_wait3A_1679 = arith.constant 0 : i32
        %dma_wait3A_1680 = tpu.memref_slice %arg13[%dma_wait3A_1678, %dma_wait3A_1679] : memref<10240x128xf32, #tpu.memory_space<vmem_shared>> -> memref<10240x128xf32, #tpu.memory_space<vmem_shared>>
        tpu.wait_indirect_dma semaphore(%arg22 : memref<!tpu.dma_semaphore, #tpu.memory_space<semaphore_mem>>) src(%arg11 : memref<125x128xf32, #tpu.memory_space<vmem>>) dst(%dma_wait3A_1680 : memref<10240x128xf32, #tpu.memory_space<vmem_shared>>)
      } else {
      }
      %dma_start3A_856 = arith.constant 0 : i32
      %dma_start3A_857 = arith.constant 1 : i32
      %dma_start3A_858 = arith.constant 0 : i32
      %dma_start3A_859 = tpu.memref_slice %arg5[%dma_start3A_856, %dma_start3A_857, %dma_start3A_858] : memref<2x4x125xi32, #tpu.memory_space<vmem>> -> memref<1x1x125xi32, #tpu.memory_space<vmem>>
      %dma_start3A_860 = tpu.memref_squeeze %dma_start3A_859 : memref<1x1x125xi32, #tpu.memory_space<vmem>> -> memref<125xi32, #tpu.memory_space<vmem>>
      %dma_start3A_861 = arith.constant 0 : i32
      %dma_start3A_862 = arith.constant 0 : i32
      %dma_start3A_863 = tpu.memref_slice %arg3[%dma_start3A_861, %dma_start3A_862] : memref<10000x128xf32, #tpu.memory_space<hbm>> -> memref<10000x128xf32, #tpu.memory_space<hbm>>
      tpu.enqueue_indirect_dma source(%dma_start3A_863 : memref<10000x128xf32, #tpu.memory_space<hbm>>) target(%arg11 : memref<125x128xf32, #tpu.memory_space<vmem>>) offsets(%dma_start3A_860 : memref<125xi32, #tpu.memory_space<vmem>>) semaphore(%arg20 : memref<!tpu.dma_semaphore, #tpu.memory_space<semaphore_mem>>)
      %dma_wait3A_864 = arith.constant 0 : i32
      %dma_wait3A_865 = arith.constant 0 : i32
      %dma_wait3A_866 = arith.constant 0 : i32
      %dma_wait3A_867 = tpu.memref_slice %arg5[%dma_wait3A_864, %dma_wait3A_865, %dma_wait3A_866] : memref<2x4x125xi32, #tpu.memory_space<vmem>> -> memref<1x1x125xi32, #tpu.memory_space<vmem>>
      %dma_wait3A_868 = tpu.memref_squeeze %dma_wait3A_867 : memref<1x1x125xi32, #tpu.memory_space<vmem>> -> memref<125xi32, #tpu.memory_space<vmem>>
      %dma_wait3A_869 = arith.constant 0 : i32
      %dma_wait3A_870 = arith.constant 0 : i32
      %dma_wait3A_871 = tpu.memref_slice %arg3[%dma_wait3A_869, %dma_wait3A_870] : memref<10000x128xf32, #tpu.memory_space<hbm>> -> memref<10000x128xf32, #tpu.memory_space<hbm>>
      tpu.wait_indirect_dma semaphore(%arg19 : memref<!tpu.dma_semaphore, #tpu.memory_space<semaphore_mem>>) src(%dma_wait3A_871 : memref<10000x128xf32, #tpu.memory_space<hbm>>) dst(%arg10 : memref<125x128xf32, #tpu.memory_space<vmem>>)
      %dma_start3A_872 = arith.constant 1 : i32
      %dma_start3A_873 = arith.constant 0 : i32
      %dma_start3A_874 = arith.constant 0 : i32
      %dma_start3A_875 = tpu.memref_slice %arg5[%dma_start3A_872, %dma_start3A_873, %dma_start3A_874] : memref<2x4x125xi32, #tpu.memory_space<vmem>> -> memref<1x1x125xi32, #tpu.memory_space<vmem>>
      %dma_start3A_876 = tpu.memref_squeeze %dma_start3A_875 : memref<1x1x125xi32, #tpu.memory_space<vmem>> -> memref<125xi32, #tpu.memory_space<vmem>>
      %dma_start3A_877 = arith.constant 0 : i32
      %dma_start3A_878 = arith.constant 0 : i32
      %dma_start3A_879 = tpu.memref_slice %arg13[%dma_start3A_877, %dma_start3A_878] : memref<10240x128xf32, #tpu.memory_space<vmem_shared>> -> memref<10240x128xf32, #tpu.memory_space<vmem_shared>>
      tpu.enqueue_indirect_dma source(%arg10 : memref<125x128xf32, #tpu.memory_space<vmem>>) target(%dma_start3A_879 : memref<10240x128xf32, #tpu.memory_space<vmem_shared>>) offsets(%dma_start3A_876 : memref<125xi32, #tpu.memory_space<vmem>>) semaphore(%arg21 : memref<!tpu.dma_semaphore, #tpu.memory_space<semaphore_mem>>) {add = true}
      %mul3A_880 = arith.constant 5 : i32
      %mul3A_881 = arith.muli %scan3A_797, %mul3A_880 : i32
      %add3A_882 = arith.constant 0 : i32
      %add3A_883 = arith.addi %mul3A_881, %add3A_882 : i32
      %add3A_884 = arith.constant 5 : i32
      %add3A_885 = arith.addi %add3A_883, %add3A_884 : i32
      %sub3A = arith.constant 1 : i32
      %sub3A_886 = arith.subi %add3A_885, %sub3A : i32
      %gt3A_887 = arith.constant 0 : i32
      %gt3A_888 = arith.cmpi sgt, %scan3A_797, %gt3A_887 : i32
      %lt3A = arith.constant 20 : i32
      %lt3A_889 = arith.cmpi slt, %sub3A_886, %lt3A : i32
      %and3A = arith.andi %gt3A_888, %lt3A_889 : i1
      %convert_element_type3A_890 = arith.extui %and3A : i1 to i32
      %cond3A_891 = arith.constant 0 : i32
      %cond3A_892 = arith.cmpi ne, %convert_element_type3A_890, %cond3A_891 : i32
      scf.if %cond3A_892 {
        %dma_start3A_1673 = arith.constant 0 : i32
        %dma_start3A_1674 = arith.constant 0 : i32
        %dma_start3A_1675 = arith.constant 0 : i32
        %dma_start3A_1676 = arith.constant 0 : i32
        %dma_start3A_1677 = tpu.memref_slice %arg9[%dma_start3A_1674, %dma_start3A_1675, %dma_start3A_1676] : memref<2x4x125xi32, #tpu.memory_space<vmem>> -> memref<1x4x125xi32, #tpu.memory_space<vmem>>
        %dma_start3A_1678 = tpu.memref_squeeze %dma_start3A_1677 : memref<1x4x125xi32, #tpu.memory_space<vmem>> -> memref<4x125xi32, #tpu.memory_space<vmem>>
        %dma_start3A_1679 = arith.constant 0 : i32
        %dma_start3A_1680 = arith.constant 0 : i32
        %dma_start3A_1681 = tpu.memref_slice %arg2[%dma_start3A_1673, %add3A, %sub3A_886, %dma_start3A_1679, %dma_start3A_1680] : memref<2x32x20x4x125xi32, #tpu.memory_space<hbm>> -> memref<1x1x1x4x125xi32, #tpu.memory_space<hbm>>
        %dma_start3A_1682 = tpu.memref_squeeze %dma_start3A_1681 : memref<1x1x1x4x125xi32, #tpu.memory_space<hbm>> -> memref<4x125xi32, #tpu.memory_space<hbm>>
        %dma_start3A_1683 = arith.constant 0 : i32
        %dma_start3A_1684 = arith.constant 0 : i32
        %dma_start3A_1685 = tpu.memref_slice %arg9[%dma_start3A_1674, %dma_start3A_1683, %dma_start3A_1684] : memref<2x4x125xi32, #tpu.memory_space<vmem>> -> memref<1x4x125xi32, #tpu.memory_space<vmem>>
        %dma_start3A_1686 = tpu.memref_squeeze %dma_start3A_1685 : memref<1x4x125xi32, #tpu.memory_space<vmem>> -> memref<4x125xi32, #tpu.memory_space<vmem>>
        %dma_start3A_1687 = arith.constant 0 : i32
        %dma_start3A_1688 = arith.constant 0 : i32
        %dma_start3A_1689 = tpu.memref_slice %arg2[%dma_start3A_1673, %add3A, %sub3A_886, %dma_start3A_1687, %dma_start3A_1688] : memref<2x32x20x4x125xi32, #tpu.memory_space<hbm>> -> memref<1x1x1x4x125xi32, #tpu.memory_space<hbm>>
        %dma_start3A_1690 = tpu.memref_squeeze %dma_start3A_1689 : memref<1x1x1x4x125xi32, #tpu.memory_space<hbm>> -> memref<4x125xi32, #tpu.memory_space<hbm>>
        tpu.enqueue_dma source(%dma_start3A_1690 : memref<4x125xi32, #tpu.memory_space<hbm>>) target(%dma_start3A_1686 : memref<4x125xi32, #tpu.memory_space<vmem>>) target_semaphore(%arg18 : memref<!tpu.dma_semaphore, #tpu.memory_space<semaphore_mem>>)
        %dma_start3A_1691 = arith.constant 1 : i32
        %dma_start3A_1692 = arith.constant 1 : i32
        %dma_start3A_1693 = arith.constant 0 : i32
        %dma_start3A_1694 = arith.constant 0 : i32
        %dma_start3A_1695 = tpu.memref_slice %arg9[%dma_start3A_1692, %dma_start3A_1693, %dma_start3A_1694] : memref<2x4x125xi32, #tpu.memory_space<vmem>> -> memref<1x4x125xi32, #tpu.memory_space<vmem>>
        %dma_start3A_1696 = tpu.memref_squeeze %dma_start3A_1695 : memref<1x4x125xi32, #tpu.memory_space<vmem>> -> memref<4x125xi32, #tpu.memory_space<vmem>>
        %dma_start3A_1697 = arith.constant 0 : i32
        %dma_start3A_1698 = arith.constant 0 : i32
        %dma_start3A_1699 = tpu.memref_slice %arg2[%dma_start3A_1691, %add3A, %sub3A_886, %dma_start3A_1697, %dma_start3A_1698] : memref<2x32x20x4x125xi32, #tpu.memory_space<hbm>> -> memref<1x1x1x4x125xi32, #tpu.memory_space<hbm>>
        %dma_start3A_1700 = tpu.memref_squeeze %dma_start3A_1699 : memref<1x1x1x4x125xi32, #tpu.memory_space<hbm>> -> memref<4x125xi32, #tpu.memory_space<hbm>>
        %dma_start3A_1701 = arith.constant 0 : i32
        %dma_start3A_1702 = arith.constant 0 : i32
        %dma_start3A_1703 = tpu.memref_slice %arg9[%dma_start3A_1692, %dma_start3A_1701, %dma_start3A_1702] : memref<2x4x125xi32, #tpu.memory_space<vmem>> -> memref<1x4x125xi32, #tpu.memory_space<vmem>>
        %dma_start3A_1704 = tpu.memref_squeeze %dma_start3A_1703 : memref<1x4x125xi32, #tpu.memory_space<vmem>> -> memref<4x125xi32, #tpu.memory_space<vmem>>
        %dma_start3A_1705 = arith.constant 0 : i32
        %dma_start3A_1706 = arith.constant 0 : i32
        %dma_start3A_1707 = tpu.memref_slice %arg2[%dma_start3A_1691, %add3A, %sub3A_886, %dma_start3A_1705, %dma_start3A_1706] : memref<2x32x20x4x125xi32, #tpu.memory_space<hbm>> -> memref<1x1x1x4x125xi32, #tpu.memory_space<hbm>>
        %dma_start3A_1708 = tpu.memref_squeeze %dma_start3A_1707 : memref<1x1x1x4x125xi32, #tpu.memory_space<hbm>> -> memref<4x125xi32, #tpu.memory_space<hbm>>
        tpu.enqueue_dma source(%dma_start3A_1708 : memref<4x125xi32, #tpu.memory_space<hbm>>) target(%dma_start3A_1704 : memref<4x125xi32, #tpu.memory_space<vmem>>) target_semaphore(%arg18 : memref<!tpu.dma_semaphore, #tpu.memory_space<semaphore_mem>>)
      } else {
      }
      %dma_wait3A_893 = arith.constant 1 : i32
      %dma_wait3A_894 = arith.constant 0 : i32
      %dma_wait3A_895 = arith.constant 0 : i32
      %dma_wait3A_896 = tpu.memref_slice %arg5[%dma_wait3A_893, %dma_wait3A_894, %dma_wait3A_895] : memref<2x4x125xi32, #tpu.memory_space<vmem>> -> memref<1x1x125xi32, #tpu.memory_space<vmem>>
      %dma_wait3A_897 = tpu.memref_squeeze %dma_wait3A_896 : memref<1x1x125xi32, #tpu.memory_space<vmem>> -> memref<125xi32, #tpu.memory_space<vmem>>
      %dma_wait3A_898 = arith.constant 0 : i32
      %dma_wait3A_899 = arith.constant 0 : i32
      %dma_wait3A_900 = tpu.memref_slice %arg13[%dma_wait3A_898, %dma_wait3A_899] : memref<10240x128xf32, #tpu.memory_space<vmem_shared>> -> memref<10240x128xf32, #tpu.memory_space<vmem_shared>>
      tpu.wait_indirect_dma semaphore(%arg21 : memref<!tpu.dma_semaphore, #tpu.memory_space<semaphore_mem>>) src(%arg10 : memref<125x128xf32, #tpu.memory_space<vmem>>) dst(%dma_wait3A_900 : memref<10240x128xf32, #tpu.memory_space<vmem_shared>>)
      %dma_start3A_901 = arith.constant 0 : i32
      %dma_start3A_902 = arith.constant 2 : i32
      %dma_start3A_903 = arith.constant 0 : i32
      %dma_start3A_904 = tpu.memref_slice %arg5[%dma_start3A_901, %dma_start3A_902, %dma_start3A_903] : memref<2x4x125xi32, #tpu.memory_space<vmem>> -> memref<1x1x125xi32, #tpu.memory_space<vmem>>
      %dma_start3A_905 = tpu.memref_squeeze %dma_start3A_904 : memref<1x1x125xi32, #tpu.memory_space<vmem>> -> memref<125xi32, #tpu.memory_space<vmem>>
      %dma_start3A_906 = arith.constant 0 : i32
      %dma_start3A_907 = arith.constant 0 : i32
      %dma_start3A_908 = tpu.memref_slice %arg3[%dma_start3A_906, %dma_start3A_907] : memref<10000x128xf32, #tpu.memory_space<hbm>> -> memref<10000x128xf32, #tpu.memory_space<hbm>>
      tpu.enqueue_indirect_dma source(%dma_start3A_908 : memref<10000x128xf32, #tpu.memory_space<hbm>>) target(%arg10 : memref<125x128xf32, #tpu.memory_space<vmem>>) offsets(%dma_start3A_905 : memref<125xi32, #tpu.memory_space<vmem>>) semaphore(%arg19 : memref<!tpu.dma_semaphore, #tpu.memory_space<semaphore_mem>>)
      %dma_wait3A_909 = arith.constant 0 : i32
      %dma_wait3A_910 = arith.constant 0 : i32
      %dma_wait3A_911 = arith.constant 0 : i32
      %dma_wait3A_912 = tpu.memref_slice %arg5[%dma_wait3A_909, %dma_wait3A_910, %dma_wait3A_911] : memref<2x4x125xi32, #tpu.memory_space<vmem>> -> memref<1x1x125xi32, #tpu.memory_space<vmem>>
      %dma_wait3A_913 = tpu.memref_squeeze %dma_wait3A_912 : memref<1x1x125xi32, #tpu.memory_space<vmem>> -> memref<125xi32, #tpu.memory_space<vmem>>
      %dma_wait3A_914 = arith.constant 0 : i32
      %dma_wait3A_915 = arith.constant 0 : i32
      %dma_wait3A_916 = tpu.memref_slice %arg3[%dma_wait3A_914, %dma_wait3A_915] : memref<10000x128xf32, #tpu.memory_space<hbm>> -> memref<10000x128xf32, #tpu.memory_space<hbm>>
      tpu.wait_indirect_dma semaphore(%arg20 : memref<!tpu.dma_semaphore, #tpu.memory_space<semaphore_mem>>) src(%dma_wait3A_916 : memref<10000x128xf32, #tpu.memory_space<hbm>>) dst(%arg11 : memref<125x128xf32, #tpu.memory_space<vmem>>)
      %dma_start3A_917 = arith.constant 1 : i32
      %dma_start3A_918 = arith.constant 1 : i32
      %dma_start3A_919 = arith.constant 0 : i32
      %dma_start3A_920 = tpu.memref_slice %arg5[%dma_start3A_917, %dma_start3A_918, %dma_start3A_919] : memref<2x4x125xi32, #tpu.memory_space<vmem>> -> memref<1x1x125xi32, #tpu.memory_space<vmem>>
      %dma_start3A_921 = tpu.memref_squeeze %dma_start3A_920 : memref<1x1x125xi32, #tpu.memory_space<vmem>> -> memref<125xi32, #tpu.memory_space<vmem>>
      %dma_start3A_922 = arith.constant 0 : i32
      %dma_start3A_923 = arith.constant 0 : i32
      %dma_start3A_924 = tpu.memref_slice %arg13[%dma_start3A_922, %dma_start3A_923] : memref<10240x128xf32, #tpu.memory_space<vmem_shared>> -> memref<10240x128xf32, #tpu.memory_space<vmem_shared>>
      tpu.enqueue_indirect_dma source(%arg11 : memref<125x128xf32, #tpu.memory_space<vmem>>) target(%dma_start3A_924 : memref<10240x128xf32, #tpu.memory_space<vmem_shared>>) offsets(%dma_start3A_921 : memref<125xi32, #tpu.memory_space<vmem>>) semaphore(%arg22 : memref<!tpu.dma_semaphore, #tpu.memory_space<semaphore_mem>>) {add = true}
      %dma_wait3A_925 = arith.constant 1 : i32
      %dma_wait3A_926 = arith.constant 0 : i32
      %dma_wait3A_927 = arith.constant 0 : i32
      %dma_wait3A_928 = tpu.memref_slice %arg5[%dma_wait3A_925, %dma_wait3A_926, %dma_wait3A_927] : memref<2x4x125xi32, #tpu.memory_space<vmem>> -> memref<1x1x125xi32, #tpu.memory_space<vmem>>
      %dma_wait3A_929 = tpu.memref_squeeze %dma_wait3A_928 : memref<1x1x125xi32, #tpu.memory_space<vmem>> -> memref<125xi32, #tpu.memory_space<vmem>>
      %dma_wait3A_930 = arith.constant 0 : i32
      %dma_wait3A_931 = arith.constant 0 : i32
      %dma_wait3A_932 = tpu.memref_slice %arg13[%dma_wait3A_930, %dma_wait3A_931] : memref<10240x128xf32, #tpu.memory_space<vmem_shared>> -> memref<10240x128xf32, #tpu.memory_space<vmem_shared>>
      tpu.wait_indirect_dma semaphore(%arg22 : memref<!tpu.dma_semaphore, #tpu.memory_space<semaphore_mem>>) src(%arg11 : memref<125x128xf32, #tpu.memory_space<vmem>>) dst(%dma_wait3A_932 : memref<10240x128xf32, #tpu.memory_space<vmem_shared>>)
      %dma_start3A_933 = arith.constant 0 : i32
      %dma_start3A_934 = arith.constant 3 : i32
      %dma_start3A_935 = arith.constant 0 : i32
      %dma_start3A_936 = tpu.memref_slice %arg5[%dma_start3A_933, %dma_start3A_934, %dma_start3A_935] : memref<2x4x125xi32, #tpu.memory_space<vmem>> -> memref<1x1x125xi32, #tpu.memory_space<vmem>>
      %dma_start3A_937 = tpu.memref_squeeze %dma_start3A_936 : memref<1x1x125xi32, #tpu.memory_space<vmem>> -> memref<125xi32, #tpu.memory_space<vmem>>
      %dma_start3A_938 = arith.constant 0 : i32
      %dma_start3A_939 = arith.constant 0 : i32
      %dma_start3A_940 = tpu.memref_slice %arg3[%dma_start3A_938, %dma_start3A_939] : memref<10000x128xf32, #tpu.memory_space<hbm>> -> memref<10000x128xf32, #tpu.memory_space<hbm>>
      tpu.enqueue_indirect_dma source(%dma_start3A_940 : memref<10000x128xf32, #tpu.memory_space<hbm>>) target(%arg11 : memref<125x128xf32, #tpu.memory_space<vmem>>) offsets(%dma_start3A_937 : memref<125xi32, #tpu.memory_space<vmem>>) semaphore(%arg20 : memref<!tpu.dma_semaphore, #tpu.memory_space<semaphore_mem>>)
      %dma_wait3A_941 = arith.constant 0 : i32
      %dma_wait3A_942 = arith.constant 0 : i32
      %dma_wait3A_943 = arith.constant 0 : i32
      %dma_wait3A_944 = tpu.memref_slice %arg5[%dma_wait3A_941, %dma_wait3A_942, %dma_wait3A_943] : memref<2x4x125xi32, #tpu.memory_space<vmem>> -> memref<1x1x125xi32, #tpu.memory_space<vmem>>
      %dma_wait3A_945 = tpu.memref_squeeze %dma_wait3A_944 : memref<1x1x125xi32, #tpu.memory_space<vmem>> -> memref<125xi32, #tpu.memory_space<vmem>>
      %dma_wait3A_946 = arith.constant 0 : i32
      %dma_wait3A_947 = arith.constant 0 : i32
      %dma_wait3A_948 = tpu.memref_slice %arg3[%dma_wait3A_946, %dma_wait3A_947] : memref<10000x128xf32, #tpu.memory_space<hbm>> -> memref<10000x128xf32, #tpu.memory_space<hbm>>
      tpu.wait_indirect_dma semaphore(%arg19 : memref<!tpu.dma_semaphore, #tpu.memory_space<semaphore_mem>>) src(%dma_wait3A_948 : memref<10000x128xf32, #tpu.memory_space<hbm>>) dst(%arg10 : memref<125x128xf32, #tpu.memory_space<vmem>>)
      %dma_start3A_949 = arith.constant 1 : i32
      %dma_start3A_950 = arith.constant 2 : i32
      %dma_start3A_951 = arith.constant 0 : i32
      %dma_start3A_952 = tpu.memref_slice %arg5[%dma_start3A_949, %dma_start3A_950, %dma_start3A_951] : memref<2x4x125xi32, #tpu.memory_space<vmem>> -> memref<1x1x125xi32, #tpu.memory_space<vmem>>
      %dma_start3A_953 = tpu.memref_squeeze %dma_start3A_952 : memref<1x1x125xi32, #tpu.memory_space<vmem>> -> memref<125xi32, #tpu.memory_space<vmem>>
      %dma_start3A_954 = arith.constant 0 : i32
      %dma_start3A_955 = arith.constant 0 : i32
      %dma_start3A_956 = tpu.memref_slice %arg13[%dma_start3A_954, %dma_start3A_955] : memref<10240x128xf32, #tpu.memory_space<vmem_shared>> -> memref<10240x128xf32, #tpu.memory_space<vmem_shared>>
      tpu.enqueue_indirect_dma source(%arg10 : memref<125x128xf32, #tpu.memory_space<vmem>>) target(%dma_start3A_956 : memref<10240x128xf32, #tpu.memory_space<vmem_shared>>) offsets(%dma_start3A_953 : memref<125xi32, #tpu.memory_space<vmem>>) semaphore(%arg21 : memref<!tpu.dma_semaphore, #tpu.memory_space<semaphore_mem>>) {add = true}
      %dma_wait3A_957 = arith.constant 1 : i32
      %dma_wait3A_958 = arith.constant 0 : i32
      %dma_wait3A_959 = arith.constant 0 : i32
      %dma_wait3A_960 = tpu.memref_slice %arg5[%dma_wait3A_957, %dma_wait3A_958, %dma_wait3A_959] : memref<2x4x125xi32, #tpu.memory_space<vmem>> -> memref<1x1x125xi32, #tpu.memory_space<vmem>>
      %dma_wait3A_961 = tpu.memref_squeeze %dma_wait3A_960 : memref<1x1x125xi32, #tpu.memory_space<vmem>> -> memref<125xi32, #tpu.memory_space<vmem>>
      %dma_wait3A_962 = arith.constant 0 : i32
      %dma_wait3A_963 = arith.constant 0 : i32
      %dma_wait3A_964 = tpu.memref_slice %arg13[%dma_wait3A_962, %dma_wait3A_963] : memref<10240x128xf32, #tpu.memory_space<vmem_shared>> -> memref<10240x128xf32, #tpu.memory_space<vmem_shared>>
      tpu.wait_indirect_dma semaphore(%arg21 : memref<!tpu.dma_semaphore, #tpu.memory_space<semaphore_mem>>) src(%arg10 : memref<125x128xf32, #tpu.memory_space<vmem>>) dst(%dma_wait3A_964 : memref<10240x128xf32, #tpu.memory_space<vmem_shared>>)
      %dma_wait3A_965 = arith.constant 0 : i32
      %dma_wait3A_966 = arith.constant 0 : i32
      %dma_wait3A_967 = arith.constant 0 : i32
      %dma_wait3A_968 = arith.constant 0 : i32
      %dma_wait3A_969 = arith.constant 0 : i32
      %dma_wait3A_970 = tpu.memref_slice %arg6[%dma_wait3A_967, %dma_wait3A_968, %dma_wait3A_969] : memref<2x4x125xi32, #tpu.memory_space<vmem>> -> memref<1x4x125xi32, #tpu.memory_space<vmem>>
      %dma_wait3A_971 = tpu.memref_squeeze %dma_wait3A_970 : memref<1x4x125xi32, #tpu.memory_space<vmem>> -> memref<4x125xi32, #tpu.memory_space<vmem>>
      %dma_wait3A_972 = arith.constant 0 : i32
      %dma_wait3A_973 = arith.constant 0 : i32
      %dma_wait3A_974 = tpu.memref_slice %arg2[%dma_wait3A_965, %add3A, %dma_wait3A_966, %dma_wait3A_972, %dma_wait3A_973] : memref<2x32x20x4x125xi32, #tpu.memory_space<hbm>> -> memref<1x1x1x4x125xi32, #tpu.memory_space<hbm>>
      %dma_wait3A_975 = tpu.memref_squeeze %dma_wait3A_974 : memref<1x1x1x4x125xi32, #tpu.memory_space<hbm>> -> memref<4x125xi32, #tpu.memory_space<hbm>>
      %dma_wait3A_976 = arith.constant 0 : i32
      %dma_wait3A_977 = arith.constant 0 : i32
      %dma_wait3A_978 = tpu.memref_slice %arg6[%dma_wait3A_967, %dma_wait3A_976, %dma_wait3A_977] : memref<2x4x125xi32, #tpu.memory_space<vmem>> -> memref<1x4x125xi32, #tpu.memory_space<vmem>>
      %dma_wait3A_979 = tpu.memref_squeeze %dma_wait3A_978 : memref<1x4x125xi32, #tpu.memory_space<vmem>> -> memref<4x125xi32, #tpu.memory_space<vmem>>
      %dma_wait3A_980 = arith.constant 0 : i32
      %dma_wait3A_981 = arith.constant 0 : i32
      %dma_wait3A_982 = tpu.memref_slice %arg2[%dma_wait3A_965, %add3A, %dma_wait3A_966, %dma_wait3A_980, %dma_wait3A_981] : memref<2x32x20x4x125xi32, #tpu.memory_space<hbm>> -> memref<1x1x1x4x125xi32, #tpu.memory_space<hbm>>
      %dma_wait3A_983 = tpu.memref_squeeze %dma_wait3A_982 : memref<1x1x1x4x125xi32, #tpu.memory_space<hbm>> -> memref<4x125xi32, #tpu.memory_space<hbm>>
      tpu.wait_dma2 semaphore(%arg15 : memref<!tpu.dma_semaphore, #tpu.memory_space<semaphore_mem>>) src(%dma_wait3A_983 : memref<4x125xi32, #tpu.memory_space<hbm>>) dst(%dma_wait3A_979 : memref<4x125xi32, #tpu.memory_space<vmem>>)
      %dma_wait3A_984 = arith.constant 1 : i32
      %dma_wait3A_985 = arith.constant 0 : i32
      %dma_wait3A_986 = arith.constant 1 : i32
      %dma_wait3A_987 = arith.constant 0 : i32
      %dma_wait3A_988 = arith.constant 0 : i32
      %dma_wait3A_989 = tpu.memref_slice %arg6[%dma_wait3A_986, %dma_wait3A_987, %dma_wait3A_988] : memref<2x4x125xi32, #tpu.memory_space<vmem>> -> memref<1x4x125xi32, #tpu.memory_space<vmem>>
      %dma_wait3A_990 = tpu.memref_squeeze %dma_wait3A_989 : memref<1x4x125xi32, #tpu.memory_space<vmem>> -> memref<4x125xi32, #tpu.memory_space<vmem>>
      %dma_wait3A_991 = arith.constant 0 : i32
      %dma_wait3A_992 = arith.constant 0 : i32
      %dma_wait3A_993 = tpu.memref_slice %arg2[%dma_wait3A_984, %add3A, %dma_wait3A_985, %dma_wait3A_991, %dma_wait3A_992] : memref<2x32x20x4x125xi32, #tpu.memory_space<hbm>> -> memref<1x1x1x4x125xi32, #tpu.memory_space<hbm>>
      %dma_wait3A_994 = tpu.memref_squeeze %dma_wait3A_993 : memref<1x1x1x4x125xi32, #tpu.memory_space<hbm>> -> memref<4x125xi32, #tpu.memory_space<hbm>>
      %dma_wait3A_995 = arith.constant 0 : i32
      %dma_wait3A_996 = arith.constant 0 : i32
      %dma_wait3A_997 = tpu.memref_slice %arg6[%dma_wait3A_986, %dma_wait3A_995, %dma_wait3A_996] : memref<2x4x125xi32, #tpu.memory_space<vmem>> -> memref<1x4x125xi32, #tpu.memory_space<vmem>>
      %dma_wait3A_998 = tpu.memref_squeeze %dma_wait3A_997 : memref<1x4x125xi32, #tpu.memory_space<vmem>> -> memref<4x125xi32, #tpu.memory_space<vmem>>
      %dma_wait3A_999 = arith.constant 0 : i32
      %dma_wait3A_1000 = arith.constant 0 : i32
      %dma_wait3A_1001 = tpu.memref_slice %arg2[%dma_wait3A_984, %add3A, %dma_wait3A_985, %dma_wait3A_999, %dma_wait3A_1000] : memref<2x32x20x4x125xi32, #tpu.memory_space<hbm>> -> memref<1x1x1x4x125xi32, #tpu.memory_space<hbm>>
      %dma_wait3A_1002 = tpu.memref_squeeze %dma_wait3A_1001 : memref<1x1x1x4x125xi32, #tpu.memory_space<hbm>> -> memref<4x125xi32, #tpu.memory_space<hbm>>
      tpu.wait_dma2 semaphore(%arg15 : memref<!tpu.dma_semaphore, #tpu.memory_space<semaphore_mem>>) src(%dma_wait3A_1002 : memref<4x125xi32, #tpu.memory_space<hbm>>) dst(%dma_wait3A_998 : memref<4x125xi32, #tpu.memory_space<vmem>>)
      %dma_start3A_1003 = arith.constant 0 : i32
      %dma_start3A_1004 = arith.constant 0 : i32
      %dma_start3A_1005 = arith.constant 0 : i32
      %dma_start3A_1006 = tpu.memref_slice %arg6[%dma_start3A_1003, %dma_start3A_1004, %dma_start3A_1005] : memref<2x4x125xi32, #tpu.memory_space<vmem>> -> memref<1x1x125xi32, #tpu.memory_space<vmem>>
      %dma_start3A_1007 = tpu.memref_squeeze %dma_start3A_1006 : memref<1x1x125xi32, #tpu.memory_space<vmem>> -> memref<125xi32, #tpu.memory_space<vmem>>
      %dma_start3A_1008 = arith.constant 0 : i32
      %dma_start3A_1009 = arith.constant 0 : i32
      %dma_start3A_1010 = tpu.memref_slice %arg3[%dma_start3A_1008, %dma_start3A_1009] : memref<10000x128xf32, #tpu.memory_space<hbm>> -> memref<10000x128xf32, #tpu.memory_space<hbm>>
      tpu.enqueue_indirect_dma source(%dma_start3A_1010 : memref<10000x128xf32, #tpu.memory_space<hbm>>) target(%arg10 : memref<125x128xf32, #tpu.memory_space<vmem>>) offsets(%dma_start3A_1007 : memref<125xi32, #tpu.memory_space<vmem>>) semaphore(%arg19 : memref<!tpu.dma_semaphore, #tpu.memory_space<semaphore_mem>>)
      %dma_wait3A_1011 = arith.constant 0 : i32
      %dma_wait3A_1012 = arith.constant 0 : i32
      %dma_wait3A_1013 = arith.constant 0 : i32
      %dma_wait3A_1014 = tpu.memref_slice %arg5[%dma_wait3A_1011, %dma_wait3A_1012, %dma_wait3A_1013] : memref<2x4x125xi32, #tpu.memory_space<vmem>> -> memref<1x1x125xi32, #tpu.memory_space<vmem>>
      %dma_wait3A_1015 = tpu.memref_squeeze %dma_wait3A_1014 : memref<1x1x125xi32, #tpu.memory_space<vmem>> -> memref<125xi32, #tpu.memory_space<vmem>>
      %dma_wait3A_1016 = arith.constant 0 : i32
      %dma_wait3A_1017 = arith.constant 0 : i32
      %dma_wait3A_1018 = tpu.memref_slice %arg3[%dma_wait3A_1016, %dma_wait3A_1017] : memref<10000x128xf32, #tpu.memory_space<hbm>> -> memref<10000x128xf32, #tpu.memory_space<hbm>>
      tpu.wait_indirect_dma semaphore(%arg20 : memref<!tpu.dma_semaphore, #tpu.memory_space<semaphore_mem>>) src(%dma_wait3A_1018 : memref<10000x128xf32, #tpu.memory_space<hbm>>) dst(%arg11 : memref<125x128xf32, #tpu.memory_space<vmem>>)
      %dma_start3A_1019 = arith.constant 1 : i32
      %dma_start3A_1020 = arith.constant 3 : i32
      %dma_start3A_1021 = arith.constant 0 : i32
      %dma_start3A_1022 = tpu.memref_slice %arg5[%dma_start3A_1019, %dma_start3A_1020, %dma_start3A_1021] : memref<2x4x125xi32, #tpu.memory_space<vmem>> -> memref<1x1x125xi32, #tpu.memory_space<vmem>>
      %dma_start3A_1023 = tpu.memref_squeeze %dma_start3A_1022 : memref<1x1x125xi32, #tpu.memory_space<vmem>> -> memref<125xi32, #tpu.memory_space<vmem>>
      %dma_start3A_1024 = arith.constant 0 : i32
      %dma_start3A_1025 = arith.constant 0 : i32
      %dma_start3A_1026 = tpu.memref_slice %arg13[%dma_start3A_1024, %dma_start3A_1025] : memref<10240x128xf32, #tpu.memory_space<vmem_shared>> -> memref<10240x128xf32, #tpu.memory_space<vmem_shared>>
      tpu.enqueue_indirect_dma source(%arg11 : memref<125x128xf32, #tpu.memory_space<vmem>>) target(%dma_start3A_1026 : memref<10240x128xf32, #tpu.memory_space<vmem_shared>>) offsets(%dma_start3A_1023 : memref<125xi32, #tpu.memory_space<vmem>>) semaphore(%arg22 : memref<!tpu.dma_semaphore, #tpu.memory_space<semaphore_mem>>) {add = true}
      %dma_wait3A_1027 = arith.constant 1 : i32
      %dma_wait3A_1028 = arith.constant 0 : i32
      %dma_wait3A_1029 = arith.constant 0 : i32
      %dma_wait3A_1030 = tpu.memref_slice %arg5[%dma_wait3A_1027, %dma_wait3A_1028, %dma_wait3A_1029] : memref<2x4x125xi32, #tpu.memory_space<vmem>> -> memref<1x1x125xi32, #tpu.memory_space<vmem>>
      %dma_wait3A_1031 = tpu.memref_squeeze %dma_wait3A_1030 : memref<1x1x125xi32, #tpu.memory_space<vmem>> -> memref<125xi32, #tpu.memory_space<vmem>>
      %dma_wait3A_1032 = arith.constant 0 : i32
      %dma_wait3A_1033 = arith.constant 0 : i32
      %dma_wait3A_1034 = tpu.memref_slice %arg13[%dma_wait3A_1032, %dma_wait3A_1033] : memref<10240x128xf32, #tpu.memory_space<vmem_shared>> -> memref<10240x128xf32, #tpu.memory_space<vmem_shared>>
      tpu.wait_indirect_dma semaphore(%arg22 : memref<!tpu.dma_semaphore, #tpu.memory_space<semaphore_mem>>) src(%arg11 : memref<125x128xf32, #tpu.memory_space<vmem>>) dst(%dma_wait3A_1034 : memref<10240x128xf32, #tpu.memory_space<vmem_shared>>)
      %dma_start3A_1035 = arith.constant 0 : i32
      %dma_start3A_1036 = arith.constant 1 : i32
      %dma_start3A_1037 = arith.constant 0 : i32
      %dma_start3A_1038 = tpu.memref_slice %arg6[%dma_start3A_1035, %dma_start3A_1036, %dma_start3A_1037] : memref<2x4x125xi32, #tpu.memory_space<vmem>> -> memref<1x1x125xi32, #tpu.memory_space<vmem>>
      %dma_start3A_1039 = tpu.memref_squeeze %dma_start3A_1038 : memref<1x1x125xi32, #tpu.memory_space<vmem>> -> memref<125xi32, #tpu.memory_space<vmem>>
      %dma_start3A_1040 = arith.constant 0 : i32
      %dma_start3A_1041 = arith.constant 0 : i32
      %dma_start3A_1042 = tpu.memref_slice %arg3[%dma_start3A_1040, %dma_start3A_1041] : memref<10000x128xf32, #tpu.memory_space<hbm>> -> memref<10000x128xf32, #tpu.memory_space<hbm>>
      tpu.enqueue_indirect_dma source(%dma_start3A_1042 : memref<10000x128xf32, #tpu.memory_space<hbm>>) target(%arg11 : memref<125x128xf32, #tpu.memory_space<vmem>>) offsets(%dma_start3A_1039 : memref<125xi32, #tpu.memory_space<vmem>>) semaphore(%arg20 : memref<!tpu.dma_semaphore, #tpu.memory_space<semaphore_mem>>)
      %dma_wait3A_1043 = arith.constant 0 : i32
      %dma_wait3A_1044 = arith.constant 0 : i32
      %dma_wait3A_1045 = arith.constant 0 : i32
      %dma_wait3A_1046 = tpu.memref_slice %arg5[%dma_wait3A_1043, %dma_wait3A_1044, %dma_wait3A_1045] : memref<2x4x125xi32, #tpu.memory_space<vmem>> -> memref<1x1x125xi32, #tpu.memory_space<vmem>>
      %dma_wait3A_1047 = tpu.memref_squeeze %dma_wait3A_1046 : memref<1x1x125xi32, #tpu.memory_space<vmem>> -> memref<125xi32, #tpu.memory_space<vmem>>
      %dma_wait3A_1048 = arith.constant 0 : i32
      %dma_wait3A_1049 = arith.constant 0 : i32
      %dma_wait3A_1050 = tpu.memref_slice %arg3[%dma_wait3A_1048, %dma_wait3A_1049] : memref<10000x128xf32, #tpu.memory_space<hbm>> -> memref<10000x128xf32, #tpu.memory_space<hbm>>
      tpu.wait_indirect_dma semaphore(%arg19 : memref<!tpu.dma_semaphore, #tpu.memory_space<semaphore_mem>>) src(%dma_wait3A_1050 : memref<10000x128xf32, #tpu.memory_space<hbm>>) dst(%arg10 : memref<125x128xf32, #tpu.memory_space<vmem>>)
      %dma_start3A_1051 = arith.constant 1 : i32
      %dma_start3A_1052 = arith.constant 0 : i32
      %dma_start3A_1053 = arith.constant 0 : i32
      %dma_start3A_1054 = tpu.memref_slice %arg6[%dma_start3A_1051, %dma_start3A_1052, %dma_start3A_1053] : memref<2x4x125xi32, #tpu.memory_space<vmem>> -> memref<1x1x125xi32, #tpu.memory_space<vmem>>
      %dma_start3A_1055 = tpu.memref_squeeze %dma_start3A_1054 : memref<1x1x125xi32, #tpu.memory_space<vmem>> -> memref<125xi32, #tpu.memory_space<vmem>>
      %dma_start3A_1056 = arith.constant 0 : i32
      %dma_start3A_1057 = arith.constant 0 : i32
      %dma_start3A_1058 = tpu.memref_slice %arg13[%dma_start3A_1056, %dma_start3A_1057] : memref<10240x128xf32, #tpu.memory_space<vmem_shared>> -> memref<10240x128xf32, #tpu.memory_space<vmem_shared>>
      tpu.enqueue_indirect_dma source(%arg10 : memref<125x128xf32, #tpu.memory_space<vmem>>) target(%dma_start3A_1058 : memref<10240x128xf32, #tpu.memory_space<vmem_shared>>) offsets(%dma_start3A_1055 : memref<125xi32, #tpu.memory_space<vmem>>) semaphore(%arg21 : memref<!tpu.dma_semaphore, #tpu.memory_space<semaphore_mem>>) {add = true}
      %mul3A_1059 = arith.constant 5 : i32
      %mul3A_1060 = arith.muli %scan3A_797, %mul3A_1059 : i32
      %add3A_1061 = arith.constant 1 : i32
      %add3A_1062 = arith.addi %mul3A_1060, %add3A_1061 : i32
      %add3A_1063 = arith.constant 5 : i32
      %add3A_1064 = arith.addi %add3A_1062, %add3A_1063 : i32
      %sub3A_1065 = arith.constant 1 : i32
      %sub3A_1066 = arith.subi %add3A_1064, %sub3A_1065 : i32
      %lt3A_1067 = arith.constant 20 : i32
      %lt3A_1068 = arith.cmpi slt, %sub3A_1066, %lt3A_1067 : i32
      %convert_element_type3A_1069 = arith.extui %lt3A_1068 : i1 to i32
      %cond3A_1070 = arith.constant 0 : i32
      %cond3A_1071 = arith.cmpi ne, %convert_element_type3A_1069, %cond3A_1070 : i32
      scf.if %cond3A_1071 {
        %dma_start3A_1673 = arith.constant 0 : i32
        %dma_start3A_1674 = arith.constant 0 : i32
        %dma_start3A_1675 = arith.constant 0 : i32
        %dma_start3A_1676 = arith.constant 0 : i32
        %dma_start3A_1677 = tpu.memref_slice %arg5[%dma_start3A_1674, %dma_start3A_1675, %dma_start3A_1676] : memref<2x4x125xi32, #tpu.memory_space<vmem>> -> memref<1x4x125xi32, #tpu.memory_space<vmem>>
        %dma_start3A_1678 = tpu.memref_squeeze %dma_start3A_1677 : memref<1x4x125xi32, #tpu.memory_space<vmem>> -> memref<4x125xi32, #tpu.memory_space<vmem>>
        %dma_start3A_1679 = arith.constant 0 : i32
        %dma_start3A_1680 = arith.constant 0 : i32
        %dma_start3A_1681 = tpu.memref_slice %arg2[%dma_start3A_1673, %add3A, %sub3A_1066, %dma_start3A_1679, %dma_start3A_1680] : memref<2x32x20x4x125xi32, #tpu.memory_space<hbm>> -> memref<1x1x1x4x125xi32, #tpu.memory_space<hbm>>
        %dma_start3A_1682 = tpu.memref_squeeze %dma_start3A_1681 : memref<1x1x1x4x125xi32, #tpu.memory_space<hbm>> -> memref<4x125xi32, #tpu.memory_space<hbm>>
        %dma_start3A_1683 = arith.constant 0 : i32
        %dma_start3A_1684 = arith.constant 0 : i32
        %dma_start3A_1685 = tpu.memref_slice %arg5[%dma_start3A_1674, %dma_start3A_1683, %dma_start3A_1684] : memref<2x4x125xi32, #tpu.memory_space<vmem>> -> memref<1x4x125xi32, #tpu.memory_space<vmem>>
        %dma_start3A_1686 = tpu.memref_squeeze %dma_start3A_1685 : memref<1x4x125xi32, #tpu.memory_space<vmem>> -> memref<4x125xi32, #tpu.memory_space<vmem>>
        %dma_start3A_1687 = arith.constant 0 : i32
        %dma_start3A_1688 = arith.constant 0 : i32
        %dma_start3A_1689 = tpu.memref_slice %arg2[%dma_start3A_1673, %add3A, %sub3A_1066, %dma_start3A_1687, %dma_start3A_1688] : memref<2x32x20x4x125xi32, #tpu.memory_space<hbm>> -> memref<1x1x1x4x125xi32, #tpu.memory_space<hbm>>
        %dma_start3A_1690 = tpu.memref_squeeze %dma_start3A_1689 : memref<1x1x1x4x125xi32, #tpu.memory_space<hbm>> -> memref<4x125xi32, #tpu.memory_space<hbm>>
        tpu.enqueue_dma source(%dma_start3A_1690 : memref<4x125xi32, #tpu.memory_space<hbm>>) target(%dma_start3A_1686 : memref<4x125xi32, #tpu.memory_space<vmem>>) target_semaphore(%arg14 : memref<!tpu.dma_semaphore, #tpu.memory_space<semaphore_mem>>)
        %dma_start3A_1691 = arith.constant 1 : i32
        %dma_start3A_1692 = arith.constant 1 : i32
        %dma_start3A_1693 = arith.constant 0 : i32
        %dma_start3A_1694 = arith.constant 0 : i32
        %dma_start3A_1695 = tpu.memref_slice %arg5[%dma_start3A_1692, %dma_start3A_1693, %dma_start3A_1694] : memref<2x4x125xi32, #tpu.memory_space<vmem>> -> memref<1x4x125xi32, #tpu.memory_space<vmem>>
        %dma_start3A_1696 = tpu.memref_squeeze %dma_start3A_1695 : memref<1x4x125xi32, #tpu.memory_space<vmem>> -> memref<4x125xi32, #tpu.memory_space<vmem>>
        %dma_start3A_1697 = arith.constant 0 : i32
        %dma_start3A_1698 = arith.constant 0 : i32
        %dma_start3A_1699 = tpu.memref_slice %arg2[%dma_start3A_1691, %add3A, %sub3A_1066, %dma_start3A_1697, %dma_start3A_1698] : memref<2x32x20x4x125xi32, #tpu.memory_space<hbm>> -> memref<1x1x1x4x125xi32, #tpu.memory_space<hbm>>
        %dma_start3A_1700 = tpu.memref_squeeze %dma_start3A_1699 : memref<1x1x1x4x125xi32, #tpu.memory_space<hbm>> -> memref<4x125xi32, #tpu.memory_space<hbm>>
        %dma_start3A_1701 = arith.constant 0 : i32
        %dma_start3A_1702 = arith.constant 0 : i32
        %dma_start3A_1703 = tpu.memref_slice %arg5[%dma_start3A_1692, %dma_start3A_1701, %dma_start3A_1702] : memref<2x4x125xi32, #tpu.memory_space<vmem>> -> memref<1x4x125xi32, #tpu.memory_space<vmem>>
        %dma_start3A_1704 = tpu.memref_squeeze %dma_start3A_1703 : memref<1x4x125xi32, #tpu.memory_space<vmem>> -> memref<4x125xi32, #tpu.memory_space<vmem>>
        %dma_start3A_1705 = arith.constant 0 : i32
        %dma_start3A_1706 = arith.constant 0 : i32
        %dma_start3A_1707 = tpu.memref_slice %arg2[%dma_start3A_1691, %add3A, %sub3A_1066, %dma_start3A_1705, %dma_start3A_1706] : memref<2x32x20x4x125xi32, #tpu.memory_space<hbm>> -> memref<1x1x1x4x125xi32, #tpu.memory_space<hbm>>
        %dma_start3A_1708 = tpu.memref_squeeze %dma_start3A_1707 : memref<1x1x1x4x125xi32, #tpu.memory_space<hbm>> -> memref<4x125xi32, #tpu.memory_space<hbm>>
        tpu.enqueue_dma source(%dma_start3A_1708 : memref<4x125xi32, #tpu.memory_space<hbm>>) target(%dma_start3A_1704 : memref<4x125xi32, #tpu.memory_space<vmem>>) target_semaphore(%arg14 : memref<!tpu.dma_semaphore, #tpu.memory_space<semaphore_mem>>)
      } else {
      }
      %dma_wait3A_1072 = arith.constant 1 : i32
      %dma_wait3A_1073 = arith.constant 0 : i32
      %dma_wait3A_1074 = arith.constant 0 : i32
      %dma_wait3A_1075 = tpu.memref_slice %arg5[%dma_wait3A_1072, %dma_wait3A_1073, %dma_wait3A_1074] : memref<2x4x125xi32, #tpu.memory_space<vmem>> -> memref<1x1x125xi32, #tpu.memory_space<vmem>>
      %dma_wait3A_1076 = tpu.memref_squeeze %dma_wait3A_1075 : memref<1x1x125xi32, #tpu.memory_space<vmem>> -> memref<125xi32, #tpu.memory_space<vmem>>
      %dma_wait3A_1077 = arith.constant 0 : i32
      %dma_wait3A_1078 = arith.constant 0 : i32
      %dma_wait3A_1079 = tpu.memref_slice %arg13[%dma_wait3A_1077, %dma_wait3A_1078] : memref<10240x128xf32, #tpu.memory_space<vmem_shared>> -> memref<10240x128xf32, #tpu.memory_space<vmem_shared>>
      tpu.wait_indirect_dma semaphore(%arg21 : memref<!tpu.dma_semaphore, #tpu.memory_space<semaphore_mem>>) src(%arg10 : memref<125x128xf32, #tpu.memory_space<vmem>>) dst(%dma_wait3A_1079 : memref<10240x128xf32, #tpu.memory_space<vmem_shared>>)
      %dma_start3A_1080 = arith.constant 0 : i32
      %dma_start3A_1081 = arith.constant 2 : i32
      %dma_start3A_1082 = arith.constant 0 : i32
      %dma_start3A_1083 = tpu.memref_slice %arg6[%dma_start3A_1080, %dma_start3A_1081, %dma_start3A_1082] : memref<2x4x125xi32, #tpu.memory_space<vmem>> -> memref<1x1x125xi32, #tpu.memory_space<vmem>>
      %dma_start3A_1084 = tpu.memref_squeeze %dma_start3A_1083 : memref<1x1x125xi32, #tpu.memory_space<vmem>> -> memref<125xi32, #tpu.memory_space<vmem>>
      %dma_start3A_1085 = arith.constant 0 : i32
      %dma_start3A_1086 = arith.constant 0 : i32
      %dma_start3A_1087 = tpu.memref_slice %arg3[%dma_start3A_1085, %dma_start3A_1086] : memref<10000x128xf32, #tpu.memory_space<hbm>> -> memref<10000x128xf32, #tpu.memory_space<hbm>>
      tpu.enqueue_indirect_dma source(%dma_start3A_1087 : memref<10000x128xf32, #tpu.memory_space<hbm>>) target(%arg10 : memref<125x128xf32, #tpu.memory_space<vmem>>) offsets(%dma_start3A_1084 : memref<125xi32, #tpu.memory_space<vmem>>) semaphore(%arg19 : memref<!tpu.dma_semaphore, #tpu.memory_space<semaphore_mem>>)
      %dma_wait3A_1088 = arith.constant 0 : i32
      %dma_wait3A_1089 = arith.constant 0 : i32
      %dma_wait3A_1090 = arith.constant 0 : i32
      %dma_wait3A_1091 = tpu.memref_slice %arg5[%dma_wait3A_1088, %dma_wait3A_1089, %dma_wait3A_1090] : memref<2x4x125xi32, #tpu.memory_space<vmem>> -> memref<1x1x125xi32, #tpu.memory_space<vmem>>
      %dma_wait3A_1092 = tpu.memref_squeeze %dma_wait3A_1091 : memref<1x1x125xi32, #tpu.memory_space<vmem>> -> memref<125xi32, #tpu.memory_space<vmem>>
      %dma_wait3A_1093 = arith.constant 0 : i32
      %dma_wait3A_1094 = arith.constant 0 : i32
      %dma_wait3A_1095 = tpu.memref_slice %arg3[%dma_wait3A_1093, %dma_wait3A_1094] : memref<10000x128xf32, #tpu.memory_space<hbm>> -> memref<10000x128xf32, #tpu.memory_space<hbm>>
      tpu.wait_indirect_dma semaphore(%arg20 : memref<!tpu.dma_semaphore, #tpu.memory_space<semaphore_mem>>) src(%dma_wait3A_1095 : memref<10000x128xf32, #tpu.memory_space<hbm>>) dst(%arg11 : memref<125x128xf32, #tpu.memory_space<vmem>>)
      %dma_start3A_1096 = arith.constant 1 : i32
      %dma_start3A_1097 = arith.constant 1 : i32
      %dma_start3A_1098 = arith.constant 0 : i32
      %dma_start3A_1099 = tpu.memref_slice %arg6[%dma_start3A_1096, %dma_start3A_1097, %dma_start3A_1098] : memref<2x4x125xi32, #tpu.memory_space<vmem>> -> memref<1x1x125xi32, #tpu.memory_space<vmem>>
      %dma_start3A_1100 = tpu.memref_squeeze %dma_start3A_1099 : memref<1x1x125xi32, #tpu.memory_space<vmem>> -> memref<125xi32, #tpu.memory_space<vmem>>
      %dma_start3A_1101 = arith.constant 0 : i32
      %dma_start3A_1102 = arith.constant 0 : i32
      %dma_start3A_1103 = tpu.memref_slice %arg13[%dma_start3A_1101, %dma_start3A_1102] : memref<10240x128xf32, #tpu.memory_space<vmem_shared>> -> memref<10240x128xf32, #tpu.memory_space<vmem_shared>>
      tpu.enqueue_indirect_dma source(%arg11 : memref<125x128xf32, #tpu.memory_space<vmem>>) target(%dma_start3A_1103 : memref<10240x128xf32, #tpu.memory_space<vmem_shared>>) offsets(%dma_start3A_1100 : memref<125xi32, #tpu.memory_space<vmem>>) semaphore(%arg22 : memref<!tpu.dma_semaphore, #tpu.memory_space<semaphore_mem>>) {add = true}
      %dma_wait3A_1104 = arith.constant 1 : i32
      %dma_wait3A_1105 = arith.constant 0 : i32
      %dma_wait3A_1106 = arith.constant 0 : i32
      %dma_wait3A_1107 = tpu.memref_slice %arg5[%dma_wait3A_1104, %dma_wait3A_1105, %dma_wait3A_1106] : memref<2x4x125xi32, #tpu.memory_space<vmem>> -> memref<1x1x125xi32, #tpu.memory_space<vmem>>
      %dma_wait3A_1108 = tpu.memref_squeeze %dma_wait3A_1107 : memref<1x1x125xi32, #tpu.memory_space<vmem>> -> memref<125xi32, #tpu.memory_space<vmem>>
      %dma_wait3A_1109 = arith.constant 0 : i32
      %dma_wait3A_1110 = arith.constant 0 : i32
      %dma_wait3A_1111 = tpu.memref_slice %arg13[%dma_wait3A_1109, %dma_wait3A_1110] : memref<10240x128xf32, #tpu.memory_space<vmem_shared>> -> memref<10240x128xf32, #tpu.memory_space<vmem_shared>>
      tpu.wait_indirect_dma semaphore(%arg22 : memref<!tpu.dma_semaphore, #tpu.memory_space<semaphore_mem>>) src(%arg11 : memref<125x128xf32, #tpu.memory_space<vmem>>) dst(%dma_wait3A_1111 : memref<10240x128xf32, #tpu.memory_space<vmem_shared>>)
      %dma_start3A_1112 = arith.constant 0 : i32
      %dma_start3A_1113 = arith.constant 3 : i32
      %dma_start3A_1114 = arith.constant 0 : i32
      %dma_start3A_1115 = tpu.memref_slice %arg6[%dma_start3A_1112, %dma_start3A_1113, %dma_start3A_1114] : memref<2x4x125xi32, #tpu.memory_space<vmem>> -> memref<1x1x125xi32, #tpu.memory_space<vmem>>
      %dma_start3A_1116 = tpu.memref_squeeze %dma_start3A_1115 : memref<1x1x125xi32, #tpu.memory_space<vmem>> -> memref<125xi32, #tpu.memory_space<vmem>>
      %dma_start3A_1117 = arith.constant 0 : i32
      %dma_start3A_1118 = arith.constant 0 : i32
      %dma_start3A_1119 = tpu.memref_slice %arg3[%dma_start3A_1117, %dma_start3A_1118] : memref<10000x128xf32, #tpu.memory_space<hbm>> -> memref<10000x128xf32, #tpu.memory_space<hbm>>
      tpu.enqueue_indirect_dma source(%dma_start3A_1119 : memref<10000x128xf32, #tpu.memory_space<hbm>>) target(%arg11 : memref<125x128xf32, #tpu.memory_space<vmem>>) offsets(%dma_start3A_1116 : memref<125xi32, #tpu.memory_space<vmem>>) semaphore(%arg20 : memref<!tpu.dma_semaphore, #tpu.memory_space<semaphore_mem>>)
      %dma_wait3A_1120 = arith.constant 0 : i32
      %dma_wait3A_1121 = arith.constant 0 : i32
      %dma_wait3A_1122 = arith.constant 0 : i32
      %dma_wait3A_1123 = tpu.memref_slice %arg5[%dma_wait3A_1120, %dma_wait3A_1121, %dma_wait3A_1122] : memref<2x4x125xi32, #tpu.memory_space<vmem>> -> memref<1x1x125xi32, #tpu.memory_space<vmem>>
      %dma_wait3A_1124 = tpu.memref_squeeze %dma_wait3A_1123 : memref<1x1x125xi32, #tpu.memory_space<vmem>> -> memref<125xi32, #tpu.memory_space<vmem>>
      %dma_wait3A_1125 = arith.constant 0 : i32
      %dma_wait3A_1126 = arith.constant 0 : i32
      %dma_wait3A_1127 = tpu.memref_slice %arg3[%dma_wait3A_1125, %dma_wait3A_1126] : memref<10000x128xf32, #tpu.memory_space<hbm>> -> memref<10000x128xf32, #tpu.memory_space<hbm>>
      tpu.wait_indirect_dma semaphore(%arg19 : memref<!tpu.dma_semaphore, #tpu.memory_space<semaphore_mem>>) src(%dma_wait3A_1127 : memref<10000x128xf32, #tpu.memory_space<hbm>>) dst(%arg10 : memref<125x128xf32, #tpu.memory_space<vmem>>)
      %dma_start3A_1128 = arith.constant 1 : i32
      %dma_start3A_1129 = arith.constant 2 : i32
      %dma_start3A_1130 = arith.constant 0 : i32
      %dma_start3A_1131 = tpu.memref_slice %arg6[%dma_start3A_1128, %dma_start3A_1129, %dma_start3A_1130] : memref<2x4x125xi32, #tpu.memory_space<vmem>> -> memref<1x1x125xi32, #tpu.memory_space<vmem>>
      %dma_start3A_1132 = tpu.memref_squeeze %dma_start3A_1131 : memref<1x1x125xi32, #tpu.memory_space<vmem>> -> memref<125xi32, #tpu.memory_space<vmem>>
      %dma_start3A_1133 = arith.constant 0 : i32
      %dma_start3A_1134 = arith.constant 0 : i32
      %dma_start3A_1135 = tpu.memref_slice %arg13[%dma_start3A_1133, %dma_start3A_1134] : memref<10240x128xf32, #tpu.memory_space<vmem_shared>> -> memref<10240x128xf32, #tpu.memory_space<vmem_shared>>
      tpu.enqueue_indirect_dma source(%arg10 : memref<125x128xf32, #tpu.memory_space<vmem>>) target(%dma_start3A_1135 : memref<10240x128xf32, #tpu.memory_space<vmem_shared>>) offsets(%dma_start3A_1132 : memref<125xi32, #tpu.memory_space<vmem>>) semaphore(%arg21 : memref<!tpu.dma_semaphore, #tpu.memory_space<semaphore_mem>>) {add = true}
      %dma_wait3A_1136 = arith.constant 1 : i32
      %dma_wait3A_1137 = arith.constant 0 : i32
      %dma_wait3A_1138 = arith.constant 0 : i32
      %dma_wait3A_1139 = tpu.memref_slice %arg5[%dma_wait3A_1136, %dma_wait3A_1137, %dma_wait3A_1138] : memref<2x4x125xi32, #tpu.memory_space<vmem>> -> memref<1x1x125xi32, #tpu.memory_space<vmem>>
      %dma_wait3A_1140 = tpu.memref_squeeze %dma_wait3A_1139 : memref<1x1x125xi32, #tpu.memory_space<vmem>> -> memref<125xi32, #tpu.memory_space<vmem>>
      %dma_wait3A_1141 = arith.constant 0 : i32
      %dma_wait3A_1142 = arith.constant 0 : i32
      %dma_wait3A_1143 = tpu.memref_slice %arg13[%dma_wait3A_1141, %dma_wait3A_1142] : memref<10240x128xf32, #tpu.memory_space<vmem_shared>> -> memref<10240x128xf32, #tpu.memory_space<vmem_shared>>
      tpu.wait_indirect_dma semaphore(%arg21 : memref<!tpu.dma_semaphore, #tpu.memory_space<semaphore_mem>>) src(%arg10 : memref<125x128xf32, #tpu.memory_space<vmem>>) dst(%dma_wait3A_1143 : memref<10240x128xf32, #tpu.memory_space<vmem_shared>>)
      %dma_wait3A_1144 = arith.constant 0 : i32
      %dma_wait3A_1145 = arith.constant 0 : i32
      %dma_wait3A_1146 = arith.constant 0 : i32
      %dma_wait3A_1147 = arith.constant 0 : i32
      %dma_wait3A_1148 = arith.constant 0 : i32
      %dma_wait3A_1149 = tpu.memref_slice %arg7[%dma_wait3A_1146, %dma_wait3A_1147, %dma_wait3A_1148] : memref<2x4x125xi32, #tpu.memory_space<vmem>> -> memref<1x4x125xi32, #tpu.memory_space<vmem>>
      %dma_wait3A_1150 = tpu.memref_squeeze %dma_wait3A_1149 : memref<1x4x125xi32, #tpu.memory_space<vmem>> -> memref<4x125xi32, #tpu.memory_space<vmem>>
      %dma_wait3A_1151 = arith.constant 0 : i32
      %dma_wait3A_1152 = arith.constant 0 : i32
      %dma_wait3A_1153 = tpu.memref_slice %arg2[%dma_wait3A_1144, %add3A, %dma_wait3A_1145, %dma_wait3A_1151, %dma_wait3A_1152] : memref<2x32x20x4x125xi32, #tpu.memory_space<hbm>> -> memref<1x1x1x4x125xi32, #tpu.memory_space<hbm>>
      %dma_wait3A_1154 = tpu.memref_squeeze %dma_wait3A_1153 : memref<1x1x1x4x125xi32, #tpu.memory_space<hbm>> -> memref<4x125xi32, #tpu.memory_space<hbm>>
      %dma_wait3A_1155 = arith.constant 0 : i32
      %dma_wait3A_1156 = arith.constant 0 : i32
      %dma_wait3A_1157 = tpu.memref_slice %arg7[%dma_wait3A_1146, %dma_wait3A_1155, %dma_wait3A_1156] : memref<2x4x125xi32, #tpu.memory_space<vmem>> -> memref<1x4x125xi32, #tpu.memory_space<vmem>>
      %dma_wait3A_1158 = tpu.memref_squeeze %dma_wait3A_1157 : memref<1x4x125xi32, #tpu.memory_space<vmem>> -> memref<4x125xi32, #tpu.memory_space<vmem>>
      %dma_wait3A_1159 = arith.constant 0 : i32
      %dma_wait3A_1160 = arith.constant 0 : i32
      %dma_wait3A_1161 = tpu.memref_slice %arg2[%dma_wait3A_1144, %add3A, %dma_wait3A_1145, %dma_wait3A_1159, %dma_wait3A_1160] : memref<2x32x20x4x125xi32, #tpu.memory_space<hbm>> -> memref<1x1x1x4x125xi32, #tpu.memory_space<hbm>>
      %dma_wait3A_1162 = tpu.memref_squeeze %dma_wait3A_1161 : memref<1x1x1x4x125xi32, #tpu.memory_space<hbm>> -> memref<4x125xi32, #tpu.memory_space<hbm>>
      tpu.wait_dma2 semaphore(%arg16 : memref<!tpu.dma_semaphore, #tpu.memory_space<semaphore_mem>>) src(%dma_wait3A_1162 : memref<4x125xi32, #tpu.memory_space<hbm>>) dst(%dma_wait3A_1158 : memref<4x125xi32, #tpu.memory_space<vmem>>)
      %dma_wait3A_1163 = arith.constant 1 : i32
      %dma_wait3A_1164 = arith.constant 0 : i32
      %dma_wait3A_1165 = arith.constant 1 : i32
      %dma_wait3A_1166 = arith.constant 0 : i32
      %dma_wait3A_1167 = arith.constant 0 : i32
      %dma_wait3A_1168 = tpu.memref_slice %arg7[%dma_wait3A_1165, %dma_wait3A_1166, %dma_wait3A_1167] : memref<2x4x125xi32, #tpu.memory_space<vmem>> -> memref<1x4x125xi32, #tpu.memory_space<vmem>>
      %dma_wait3A_1169 = tpu.memref_squeeze %dma_wait3A_1168 : memref<1x4x125xi32, #tpu.memory_space<vmem>> -> memref<4x125xi32, #tpu.memory_space<vmem>>
      %dma_wait3A_1170 = arith.constant 0 : i32
      %dma_wait3A_1171 = arith.constant 0 : i32
      %dma_wait3A_1172 = tpu.memref_slice %arg2[%dma_wait3A_1163, %add3A, %dma_wait3A_1164, %dma_wait3A_1170, %dma_wait3A_1171] : memref<2x32x20x4x125xi32, #tpu.memory_space<hbm>> -> memref<1x1x1x4x125xi32, #tpu.memory_space<hbm>>
      %dma_wait3A_1173 = tpu.memref_squeeze %dma_wait3A_1172 : memref<1x1x1x4x125xi32, #tpu.memory_space<hbm>> -> memref<4x125xi32, #tpu.memory_space<hbm>>
      %dma_wait3A_1174 = arith.constant 0 : i32
      %dma_wait3A_1175 = arith.constant 0 : i32
      %dma_wait3A_1176 = tpu.memref_slice %arg7[%dma_wait3A_1165, %dma_wait3A_1174, %dma_wait3A_1175] : memref<2x4x125xi32, #tpu.memory_space<vmem>> -> memref<1x4x125xi32, #tpu.memory_space<vmem>>
      %dma_wait3A_1177 = tpu.memref_squeeze %dma_wait3A_1176 : memref<1x4x125xi32, #tpu.memory_space<vmem>> -> memref<4x125xi32, #tpu.memory_space<vmem>>
      %dma_wait3A_1178 = arith.constant 0 : i32
      %dma_wait3A_1179 = arith.constant 0 : i32
      %dma_wait3A_1180 = tpu.memref_slice %arg2[%dma_wait3A_1163, %add3A, %dma_wait3A_1164, %dma_wait3A_1178, %dma_wait3A_1179] : memref<2x32x20x4x125xi32, #tpu.memory_space<hbm>> -> memref<1x1x1x4x125xi32, #tpu.memory_space<hbm>>
      %dma_wait3A_1181 = tpu.memref_squeeze %dma_wait3A_1180 : memref<1x1x1x4x125xi32, #tpu.memory_space<hbm>> -> memref<4x125xi32, #tpu.memory_space<hbm>>
      tpu.wait_dma2 semaphore(%arg16 : memref<!tpu.dma_semaphore, #tpu.memory_space<semaphore_mem>>) src(%dma_wait3A_1181 : memref<4x125xi32, #tpu.memory_space<hbm>>) dst(%dma_wait3A_1177 : memref<4x125xi32, #tpu.memory_space<vmem>>)
      %dma_start3A_1182 = arith.constant 0 : i32
      %dma_start3A_1183 = arith.constant 0 : i32
      %dma_start3A_1184 = arith.constant 0 : i32
      %dma_start3A_1185 = tpu.memref_slice %arg7[%dma_start3A_1182, %dma_start3A_1183, %dma_start3A_1184] : memref<2x4x125xi32, #tpu.memory_space<vmem>> -> memref<1x1x125xi32, #tpu.memory_space<vmem>>
      %dma_start3A_1186 = tpu.memref_squeeze %dma_start3A_1185 : memref<1x1x125xi32, #tpu.memory_space<vmem>> -> memref<125xi32, #tpu.memory_space<vmem>>
      %dma_start3A_1187 = arith.constant 0 : i32
      %dma_start3A_1188 = arith.constant 0 : i32
      %dma_start3A_1189 = tpu.memref_slice %arg3[%dma_start3A_1187, %dma_start3A_1188] : memref<10000x128xf32, #tpu.memory_space<hbm>> -> memref<10000x128xf32, #tpu.memory_space<hbm>>
      tpu.enqueue_indirect_dma source(%dma_start3A_1189 : memref<10000x128xf32, #tpu.memory_space<hbm>>) target(%arg10 : memref<125x128xf32, #tpu.memory_space<vmem>>) offsets(%dma_start3A_1186 : memref<125xi32, #tpu.memory_space<vmem>>) semaphore(%arg19 : memref<!tpu.dma_semaphore, #tpu.memory_space<semaphore_mem>>)
      %dma_wait3A_1190 = arith.constant 0 : i32
      %dma_wait3A_1191 = arith.constant 0 : i32
      %dma_wait3A_1192 = arith.constant 0 : i32
      %dma_wait3A_1193 = tpu.memref_slice %arg5[%dma_wait3A_1190, %dma_wait3A_1191, %dma_wait3A_1192] : memref<2x4x125xi32, #tpu.memory_space<vmem>> -> memref<1x1x125xi32, #tpu.memory_space<vmem>>
      %dma_wait3A_1194 = tpu.memref_squeeze %dma_wait3A_1193 : memref<1x1x125xi32, #tpu.memory_space<vmem>> -> memref<125xi32, #tpu.memory_space<vmem>>
      %dma_wait3A_1195 = arith.constant 0 : i32
      %dma_wait3A_1196 = arith.constant 0 : i32
      %dma_wait3A_1197 = tpu.memref_slice %arg3[%dma_wait3A_1195, %dma_wait3A_1196] : memref<10000x128xf32, #tpu.memory_space<hbm>> -> memref<10000x128xf32, #tpu.memory_space<hbm>>
      tpu.wait_indirect_dma semaphore(%arg20 : memref<!tpu.dma_semaphore, #tpu.memory_space<semaphore_mem>>) src(%dma_wait3A_1197 : memref<10000x128xf32, #tpu.memory_space<hbm>>) dst(%arg11 : memref<125x128xf32, #tpu.memory_space<vmem>>)
      %dma_start3A_1198 = arith.constant 1 : i32
      %dma_start3A_1199 = arith.constant 3 : i32
      %dma_start3A_1200 = arith.constant 0 : i32
      %dma_start3A_1201 = tpu.memref_slice %arg6[%dma_start3A_1198, %dma_start3A_1199, %dma_start3A_1200] : memref<2x4x125xi32, #tpu.memory_space<vmem>> -> memref<1x1x125xi32, #tpu.memory_space<vmem>>
      %dma_start3A_1202 = tpu.memref_squeeze %dma_start3A_1201 : memref<1x1x125xi32, #tpu.memory_space<vmem>> -> memref<125xi32, #tpu.memory_space<vmem>>
      %dma_start3A_1203 = arith.constant 0 : i32
      %dma_start3A_1204 = arith.constant 0 : i32
      %dma_start3A_1205 = tpu.memref_slice %arg13[%dma_start3A_1203, %dma_start3A_1204] : memref<10240x128xf32, #tpu.memory_space<vmem_shared>> -> memref<10240x128xf32, #tpu.memory_space<vmem_shared>>
      tpu.enqueue_indirect_dma source(%arg11 : memref<125x128xf32, #tpu.memory_space<vmem>>) target(%dma_start3A_1205 : memref<10240x128xf32, #tpu.memory_space<vmem_shared>>) offsets(%dma_start3A_1202 : memref<125xi32, #tpu.memory_space<vmem>>) semaphore(%arg22 : memref<!tpu.dma_semaphore, #tpu.memory_space<semaphore_mem>>) {add = true}
      %dma_wait3A_1206 = arith.constant 1 : i32
      %dma_wait3A_1207 = arith.constant 0 : i32
      %dma_wait3A_1208 = arith.constant 0 : i32
      %dma_wait3A_1209 = tpu.memref_slice %arg5[%dma_wait3A_1206, %dma_wait3A_1207, %dma_wait3A_1208] : memref<2x4x125xi32, #tpu.memory_space<vmem>> -> memref<1x1x125xi32, #tpu.memory_space<vmem>>
      %dma_wait3A_1210 = tpu.memref_squeeze %dma_wait3A_1209 : memref<1x1x125xi32, #tpu.memory_space<vmem>> -> memref<125xi32, #tpu.memory_space<vmem>>
      %dma_wait3A_1211 = arith.constant 0 : i32
      %dma_wait3A_1212 = arith.constant 0 : i32
      %dma_wait3A_1213 = tpu.memref_slice %arg13[%dma_wait3A_1211, %dma_wait3A_1212] : memref<10240x128xf32, #tpu.memory_space<vmem_shared>> -> memref<10240x128xf32, #tpu.memory_space<vmem_shared>>
      tpu.wait_indirect_dma semaphore(%arg22 : memref<!tpu.dma_semaphore, #tpu.memory_space<semaphore_mem>>) src(%arg11 : memref<125x128xf32, #tpu.memory_space<vmem>>) dst(%dma_wait3A_1213 : memref<10240x128xf32, #tpu.memory_space<vmem_shared>>)
      %dma_start3A_1214 = arith.constant 0 : i32
      %dma_start3A_1215 = arith.constant 1 : i32
      %dma_start3A_1216 = arith.constant 0 : i32
      %dma_start3A_1217 = tpu.memref_slice %arg7[%dma_start3A_1214, %dma_start3A_1215, %dma_start3A_1216] : memref<2x4x125xi32, #tpu.memory_space<vmem>> -> memref<1x1x125xi32, #tpu.memory_space<vmem>>
      %dma_start3A_1218 = tpu.memref_squeeze %dma_start3A_1217 : memref<1x1x125xi32, #tpu.memory_space<vmem>> -> memref<125xi32, #tpu.memory_space<vmem>>
      %dma_start3A_1219 = arith.constant 0 : i32
      %dma_start3A_1220 = arith.constant 0 : i32
      %dma_start3A_1221 = tpu.memref_slice %arg3[%dma_start3A_1219, %dma_start3A_1220] : memref<10000x128xf32, #tpu.memory_space<hbm>> -> memref<10000x128xf32, #tpu.memory_space<hbm>>
      tpu.enqueue_indirect_dma source(%dma_start3A_1221 : memref<10000x128xf32, #tpu.memory_space<hbm>>) target(%arg11 : memref<125x128xf32, #tpu.memory_space<vmem>>) offsets(%dma_start3A_1218 : memref<125xi32, #tpu.memory_space<vmem>>) semaphore(%arg20 : memref<!tpu.dma_semaphore, #tpu.memory_space<semaphore_mem>>)
      %dma_wait3A_1222 = arith.constant 0 : i32
      %dma_wait3A_1223 = arith.constant 0 : i32
      %dma_wait3A_1224 = arith.constant 0 : i32
      %dma_wait3A_1225 = tpu.memref_slice %arg5[%dma_wait3A_1222, %dma_wait3A_1223, %dma_wait3A_1224] : memref<2x4x125xi32, #tpu.memory_space<vmem>> -> memref<1x1x125xi32, #tpu.memory_space<vmem>>
      %dma_wait3A_1226 = tpu.memref_squeeze %dma_wait3A_1225 : memref<1x1x125xi32, #tpu.memory_space<vmem>> -> memref<125xi32, #tpu.memory_space<vmem>>
      %dma_wait3A_1227 = arith.constant 0 : i32
      %dma_wait3A_1228 = arith.constant 0 : i32
      %dma_wait3A_1229 = tpu.memref_slice %arg3[%dma_wait3A_1227, %dma_wait3A_1228] : memref<10000x128xf32, #tpu.memory_space<hbm>> -> memref<10000x128xf32, #tpu.memory_space<hbm>>
      tpu.wait_indirect_dma semaphore(%arg19 : memref<!tpu.dma_semaphore, #tpu.memory_space<semaphore_mem>>) src(%dma_wait3A_1229 : memref<10000x128xf32, #tpu.memory_space<hbm>>) dst(%arg10 : memref<125x128xf32, #tpu.memory_space<vmem>>)
      %dma_start3A_1230 = arith.constant 1 : i32
      %dma_start3A_1231 = arith.constant 0 : i32
      %dma_start3A_1232 = arith.constant 0 : i32
      %dma_start3A_1233 = tpu.memref_slice %arg7[%dma_start3A_1230, %dma_start3A_1231, %dma_start3A_1232] : memref<2x4x125xi32, #tpu.memory_space<vmem>> -> memref<1x1x125xi32, #tpu.memory_space<vmem>>
      %dma_start3A_1234 = tpu.memref_squeeze %dma_start3A_1233 : memref<1x1x125xi32, #tpu.memory_space<vmem>> -> memref<125xi32, #tpu.memory_space<vmem>>
      %dma_start3A_1235 = arith.constant 0 : i32
      %dma_start3A_1236 = arith.constant 0 : i32
      %dma_start3A_1237 = tpu.memref_slice %arg13[%dma_start3A_1235, %dma_start3A_1236] : memref<10240x128xf32, #tpu.memory_space<vmem_shared>> -> memref<10240x128xf32, #tpu.memory_space<vmem_shared>>
      tpu.enqueue_indirect_dma source(%arg10 : memref<125x128xf32, #tpu.memory_space<vmem>>) target(%dma_start3A_1237 : memref<10240x128xf32, #tpu.memory_space<vmem_shared>>) offsets(%dma_start3A_1234 : memref<125xi32, #tpu.memory_space<vmem>>) semaphore(%arg21 : memref<!tpu.dma_semaphore, #tpu.memory_space<semaphore_mem>>) {add = true}
      %mul3A_1238 = arith.constant 5 : i32
      %mul3A_1239 = arith.muli %scan3A_797, %mul3A_1238 : i32
      %add3A_1240 = arith.constant 2 : i32
      %add3A_1241 = arith.addi %mul3A_1239, %add3A_1240 : i32
      %add3A_1242 = arith.constant 5 : i32
      %add3A_1243 = arith.addi %add3A_1241, %add3A_1242 : i32
      %sub3A_1244 = arith.constant 1 : i32
      %sub3A_1245 = arith.subi %add3A_1243, %sub3A_1244 : i32
      %lt3A_1246 = arith.constant 20 : i32
      %lt3A_1247 = arith.cmpi slt, %sub3A_1245, %lt3A_1246 : i32
      %convert_element_type3A_1248 = arith.extui %lt3A_1247 : i1 to i32
      %cond3A_1249 = arith.constant 0 : i32
      %cond3A_1250 = arith.cmpi ne, %convert_element_type3A_1248, %cond3A_1249 : i32
      scf.if %cond3A_1250 {
        %dma_start3A_1673 = arith.constant 0 : i32
        %dma_start3A_1674 = arith.constant 0 : i32
        %dma_start3A_1675 = arith.constant 0 : i32
        %dma_start3A_1676 = arith.constant 0 : i32
        %dma_start3A_1677 = tpu.memref_slice %arg6[%dma_start3A_1674, %dma_start3A_1675, %dma_start3A_1676] : memref<2x4x125xi32, #tpu.memory_space<vmem>> -> memref<1x4x125xi32, #tpu.memory_space<vmem>>
        %dma_start3A_1678 = tpu.memref_squeeze %dma_start3A_1677 : memref<1x4x125xi32, #tpu.memory_space<vmem>> -> memref<4x125xi32, #tpu.memory_space<vmem>>
        %dma_start3A_1679 = arith.constant 0 : i32
        %dma_start3A_1680 = arith.constant 0 : i32
        %dma_start3A_1681 = tpu.memref_slice %arg2[%dma_start3A_1673, %add3A, %sub3A_1245, %dma_start3A_1679, %dma_start3A_1680] : memref<2x32x20x4x125xi32, #tpu.memory_space<hbm>> -> memref<1x1x1x4x125xi32, #tpu.memory_space<hbm>>
        %dma_start3A_1682 = tpu.memref_squeeze %dma_start3A_1681 : memref<1x1x1x4x125xi32, #tpu.memory_space<hbm>> -> memref<4x125xi32, #tpu.memory_space<hbm>>
        %dma_start3A_1683 = arith.constant 0 : i32
        %dma_start3A_1684 = arith.constant 0 : i32
        %dma_start3A_1685 = tpu.memref_slice %arg6[%dma_start3A_1674, %dma_start3A_1683, %dma_start3A_1684] : memref<2x4x125xi32, #tpu.memory_space<vmem>> -> memref<1x4x125xi32, #tpu.memory_space<vmem>>
        %dma_start3A_1686 = tpu.memref_squeeze %dma_start3A_1685 : memref<1x4x125xi32, #tpu.memory_space<vmem>> -> memref<4x125xi32, #tpu.memory_space<vmem>>
        %dma_start3A_1687 = arith.constant 0 : i32
        %dma_start3A_1688 = arith.constant 0 : i32
        %dma_start3A_1689 = tpu.memref_slice %arg2[%dma_start3A_1673, %add3A, %sub3A_1245, %dma_start3A_1687, %dma_start3A_1688] : memref<2x32x20x4x125xi32, #tpu.memory_space<hbm>> -> memref<1x1x1x4x125xi32, #tpu.memory_space<hbm>>
        %dma_start3A_1690 = tpu.memref_squeeze %dma_start3A_1689 : memref<1x1x1x4x125xi32, #tpu.memory_space<hbm>> -> memref<4x125xi32, #tpu.memory_space<hbm>>
        tpu.enqueue_dma source(%dma_start3A_1690 : memref<4x125xi32, #tpu.memory_space<hbm>>) target(%dma_start3A_1686 : memref<4x125xi32, #tpu.memory_space<vmem>>) target_semaphore(%arg15 : memref<!tpu.dma_semaphore, #tpu.memory_space<semaphore_mem>>)
        %dma_start3A_1691 = arith.constant 1 : i32
        %dma_start3A_1692 = arith.constant 1 : i32
        %dma_start3A_1693 = arith.constant 0 : i32
        %dma_start3A_1694 = arith.constant 0 : i32
        %dma_start3A_1695 = tpu.memref_slice %arg6[%dma_start3A_1692, %dma_start3A_1693, %dma_start3A_1694] : memref<2x4x125xi32, #tpu.memory_space<vmem>> -> memref<1x4x125xi32, #tpu.memory_space<vmem>>
        %dma_start3A_1696 = tpu.memref_squeeze %dma_start3A_1695 : memref<1x4x125xi32, #tpu.memory_space<vmem>> -> memref<4x125xi32, #tpu.memory_space<vmem>>
        %dma_start3A_1697 = arith.constant 0 : i32
        %dma_start3A_1698 = arith.constant 0 : i32
        %dma_start3A_1699 = tpu.memref_slice %arg2[%dma_start3A_1691, %add3A, %sub3A_1245, %dma_start3A_1697, %dma_start3A_1698] : memref<2x32x20x4x125xi32, #tpu.memory_space<hbm>> -> memref<1x1x1x4x125xi32, #tpu.memory_space<hbm>>
        %dma_start3A_1700 = tpu.memref_squeeze %dma_start3A_1699 : memref<1x1x1x4x125xi32, #tpu.memory_space<hbm>> -> memref<4x125xi32, #tpu.memory_space<hbm>>
        %dma_start3A_1701 = arith.constant 0 : i32
        %dma_start3A_1702 = arith.constant 0 : i32
        %dma_start3A_1703 = tpu.memref_slice %arg6[%dma_start3A_1692, %dma_start3A_1701, %dma_start3A_1702] : memref<2x4x125xi32, #tpu.memory_space<vmem>> -> memref<1x4x125xi32, #tpu.memory_space<vmem>>
        %dma_start3A_1704 = tpu.memref_squeeze %dma_start3A_1703 : memref<1x4x125xi32, #tpu.memory_space<vmem>> -> memref<4x125xi32, #tpu.memory_space<vmem>>
        %dma_start3A_1705 = arith.constant 0 : i32
        %dma_start3A_1706 = arith.constant 0 : i32
        %dma_start3A_1707 = tpu.memref_slice %arg2[%dma_start3A_1691, %add3A, %sub3A_1245, %dma_start3A_1705, %dma_start3A_1706] : memref<2x32x20x4x125xi32, #tpu.memory_space<hbm>> -> memref<1x1x1x4x125xi32, #tpu.memory_space<hbm>>
        %dma_start3A_1708 = tpu.memref_squeeze %dma_start3A_1707 : memref<1x1x1x4x125xi32, #tpu.memory_space<hbm>> -> memref<4x125xi32, #tpu.memory_space<hbm>>
        tpu.enqueue_dma source(%dma_start3A_1708 : memref<4x125xi32, #tpu.memory_space<hbm>>) target(%dma_start3A_1704 : memref<4x125xi32, #tpu.memory_space<vmem>>) target_semaphore(%arg15 : memref<!tpu.dma_semaphore, #tpu.memory_space<semaphore_mem>>)
      } else {
      }
      %dma_wait3A_1251 = arith.constant 1 : i32
      %dma_wait3A_1252 = arith.constant 0 : i32
      %dma_wait3A_1253 = arith.constant 0 : i32
      %dma_wait3A_1254 = tpu.memref_slice %arg5[%dma_wait3A_1251, %dma_wait3A_1252, %dma_wait3A_1253] : memref<2x4x125xi32, #tpu.memory_space<vmem>> -> memref<1x1x125xi32, #tpu.memory_space<vmem>>
      %dma_wait3A_1255 = tpu.memref_squeeze %dma_wait3A_1254 : memref<1x1x125xi32, #tpu.memory_space<vmem>> -> memref<125xi32, #tpu.memory_space<vmem>>
      %dma_wait3A_1256 = arith.constant 0 : i32
      %dma_wait3A_1257 = arith.constant 0 : i32
      %dma_wait3A_1258 = tpu.memref_slice %arg13[%dma_wait3A_1256, %dma_wait3A_1257] : memref<10240x128xf32, #tpu.memory_space<vmem_shared>> -> memref<10240x128xf32, #tpu.memory_space<vmem_shared>>
      tpu.wait_indirect_dma semaphore(%arg21 : memref<!tpu.dma_semaphore, #tpu.memory_space<semaphore_mem>>) src(%arg10 : memref<125x128xf32, #tpu.memory_space<vmem>>) dst(%dma_wait3A_1258 : memref<10240x128xf32, #tpu.memory_space<vmem_shared>>)
      %dma_start3A_1259 = arith.constant 0 : i32
      %dma_start3A_1260 = arith.constant 2 : i32
      %dma_start3A_1261 = arith.constant 0 : i32
      %dma_start3A_1262 = tpu.memref_slice %arg7[%dma_start3A_1259, %dma_start3A_1260, %dma_start3A_1261] : memref<2x4x125xi32, #tpu.memory_space<vmem>> -> memref<1x1x125xi32, #tpu.memory_space<vmem>>
      %dma_start3A_1263 = tpu.memref_squeeze %dma_start3A_1262 : memref<1x1x125xi32, #tpu.memory_space<vmem>> -> memref<125xi32, #tpu.memory_space<vmem>>
      %dma_start3A_1264 = arith.constant 0 : i32
      %dma_start3A_1265 = arith.constant 0 : i32
      %dma_start3A_1266 = tpu.memref_slice %arg3[%dma_start3A_1264, %dma_start3A_1265] : memref<10000x128xf32, #tpu.memory_space<hbm>> -> memref<10000x128xf32, #tpu.memory_space<hbm>>
      tpu.enqueue_indirect_dma source(%dma_start3A_1266 : memref<10000x128xf32, #tpu.memory_space<hbm>>) target(%arg10 : memref<125x128xf32, #tpu.memory_space<vmem>>) offsets(%dma_start3A_1263 : memref<125xi32, #tpu.memory_space<vmem>>) semaphore(%arg19 : memref<!tpu.dma_semaphore, #tpu.memory_space<semaphore_mem>>)
      %dma_wait3A_1267 = arith.constant 0 : i32
      %dma_wait3A_1268 = arith.constant 0 : i32
      %dma_wait3A_1269 = arith.constant 0 : i32
      %dma_wait3A_1270 = tpu.memref_slice %arg5[%dma_wait3A_1267, %dma_wait3A_1268, %dma_wait3A_1269] : memref<2x4x125xi32, #tpu.memory_space<vmem>> -> memref<1x1x125xi32, #tpu.memory_space<vmem>>
      %dma_wait3A_1271 = tpu.memref_squeeze %dma_wait3A_1270 : memref<1x1x125xi32, #tpu.memory_space<vmem>> -> memref<125xi32, #tpu.memory_space<vmem>>
      %dma_wait3A_1272 = arith.constant 0 : i32
      %dma_wait3A_1273 = arith.constant 0 : i32
      %dma_wait3A_1274 = tpu.memref_slice %arg3[%dma_wait3A_1272, %dma_wait3A_1273] : memref<10000x128xf32, #tpu.memory_space<hbm>> -> memref<10000x128xf32, #tpu.memory_space<hbm>>
      tpu.wait_indirect_dma semaphore(%arg20 : memref<!tpu.dma_semaphore, #tpu.memory_space<semaphore_mem>>) src(%dma_wait3A_1274 : memref<10000x128xf32, #tpu.memory_space<hbm>>) dst(%arg11 : memref<125x128xf32, #tpu.memory_space<vmem>>)
      %dma_start3A_1275 = arith.constant 1 : i32
      %dma_start3A_1276 = arith.constant 1 : i32
      %dma_start3A_1277 = arith.constant 0 : i32
      %dma_start3A_1278 = tpu.memref_slice %arg7[%dma_start3A_1275, %dma_start3A_1276, %dma_start3A_1277] : memref<2x4x125xi32, #tpu.memory_space<vmem>> -> memref<1x1x125xi32, #tpu.memory_space<vmem>>
      %dma_start3A_1279 = tpu.memref_squeeze %dma_start3A_1278 : memref<1x1x125xi32, #tpu.memory_space<vmem>> -> memref<125xi32, #tpu.memory_space<vmem>>
      %dma_start3A_1280 = arith.constant 0 : i32
      %dma_start3A_1281 = arith.constant 0 : i32
      %dma_start3A_1282 = tpu.memref_slice %arg13[%dma_start3A_1280, %dma_start3A_1281] : memref<10240x128xf32, #tpu.memory_space<vmem_shared>> -> memref<10240x128xf32, #tpu.memory_space<vmem_shared>>
      tpu.enqueue_indirect_dma source(%arg11 : memref<125x128xf32, #tpu.memory_space<vmem>>) target(%dma_start3A_1282 : memref<10240x128xf32, #tpu.memory_space<vmem_shared>>) offsets(%dma_start3A_1279 : memref<125xi32, #tpu.memory_space<vmem>>) semaphore(%arg22 : memref<!tpu.dma_semaphore, #tpu.memory_space<semaphore_mem>>) {add = true}
      %dma_wait3A_1283 = arith.constant 1 : i32
      %dma_wait3A_1284 = arith.constant 0 : i32
      %dma_wait3A_1285 = arith.constant 0 : i32
      %dma_wait3A_1286 = tpu.memref_slice %arg5[%dma_wait3A_1283, %dma_wait3A_1284, %dma_wait3A_1285] : memref<2x4x125xi32, #tpu.memory_space<vmem>> -> memref<1x1x125xi32, #tpu.memory_space<vmem>>
      %dma_wait3A_1287 = tpu.memref_squeeze %dma_wait3A_1286 : memref<1x1x125xi32, #tpu.memory_space<vmem>> -> memref<125xi32, #tpu.memory_space<vmem>>
      %dma_wait3A_1288 = arith.constant 0 : i32
      %dma_wait3A_1289 = arith.constant 0 : i32
      %dma_wait3A_1290 = tpu.memref_slice %arg13[%dma_wait3A_1288, %dma_wait3A_1289] : memref<10240x128xf32, #tpu.memory_space<vmem_shared>> -> memref<10240x128xf32, #tpu.memory_space<vmem_shared>>
      tpu.wait_indirect_dma semaphore(%arg22 : memref<!tpu.dma_semaphore, #tpu.memory_space<semaphore_mem>>) src(%arg11 : memref<125x128xf32, #tpu.memory_space<vmem>>) dst(%dma_wait3A_1290 : memref<10240x128xf32, #tpu.memory_space<vmem_shared>>)
      %dma_start3A_1291 = arith.constant 0 : i32
      %dma_start3A_1292 = arith.constant 3 : i32
      %dma_start3A_1293 = arith.constant 0 : i32
      %dma_start3A_1294 = tpu.memref_slice %arg7[%dma_start3A_1291, %dma_start3A_1292, %dma_start3A_1293] : memref<2x4x125xi32, #tpu.memory_space<vmem>> -> memref<1x1x125xi32, #tpu.memory_space<vmem>>
      %dma_start3A_1295 = tpu.memref_squeeze %dma_start3A_1294 : memref<1x1x125xi32, #tpu.memory_space<vmem>> -> memref<125xi32, #tpu.memory_space<vmem>>
      %dma_start3A_1296 = arith.constant 0 : i32
      %dma_start3A_1297 = arith.constant 0 : i32
      %dma_start3A_1298 = tpu.memref_slice %arg3[%dma_start3A_1296, %dma_start3A_1297] : memref<10000x128xf32, #tpu.memory_space<hbm>> -> memref<10000x128xf32, #tpu.memory_space<hbm>>
      tpu.enqueue_indirect_dma source(%dma_start3A_1298 : memref<10000x128xf32, #tpu.memory_space<hbm>>) target(%arg11 : memref<125x128xf32, #tpu.memory_space<vmem>>) offsets(%dma_start3A_1295 : memref<125xi32, #tpu.memory_space<vmem>>) semaphore(%arg20 : memref<!tpu.dma_semaphore, #tpu.memory_space<semaphore_mem>>)
      %dma_wait3A_1299 = arith.constant 0 : i32
      %dma_wait3A_1300 = arith.constant 0 : i32
      %dma_wait3A_1301 = arith.constant 0 : i32
      %dma_wait3A_1302 = tpu.memref_slice %arg5[%dma_wait3A_1299, %dma_wait3A_1300, %dma_wait3A_1301] : memref<2x4x125xi32, #tpu.memory_space<vmem>> -> memref<1x1x125xi32, #tpu.memory_space<vmem>>
      %dma_wait3A_1303 = tpu.memref_squeeze %dma_wait3A_1302 : memref<1x1x125xi32, #tpu.memory_space<vmem>> -> memref<125xi32, #tpu.memory_space<vmem>>
      %dma_wait3A_1304 = arith.constant 0 : i32
      %dma_wait3A_1305 = arith.constant 0 : i32
      %dma_wait3A_1306 = tpu.memref_slice %arg3[%dma_wait3A_1304, %dma_wait3A_1305] : memref<10000x128xf32, #tpu.memory_space<hbm>> -> memref<10000x128xf32, #tpu.memory_space<hbm>>
      tpu.wait_indirect_dma semaphore(%arg19 : memref<!tpu.dma_semaphore, #tpu.memory_space<semaphore_mem>>) src(%dma_wait3A_1306 : memref<10000x128xf32, #tpu.memory_space<hbm>>) dst(%arg10 : memref<125x128xf32, #tpu.memory_space<vmem>>)
      %dma_start3A_1307 = arith.constant 1 : i32
      %dma_start3A_1308 = arith.constant 2 : i32
      %dma_start3A_1309 = arith.constant 0 : i32
      %dma_start3A_1310 = tpu.memref_slice %arg7[%dma_start3A_1307, %dma_start3A_1308, %dma_start3A_1309] : memref<2x4x125xi32, #tpu.memory_space<vmem>> -> memref<1x1x125xi32, #tpu.memory_space<vmem>>
      %dma_start3A_1311 = tpu.memref_squeeze %dma_start3A_1310 : memref<1x1x125xi32, #tpu.memory_space<vmem>> -> memref<125xi32, #tpu.memory_space<vmem>>
      %dma_start3A_1312 = arith.constant 0 : i32
      %dma_start3A_1313 = arith.constant 0 : i32
      %dma_start3A_1314 = tpu.memref_slice %arg13[%dma_start3A_1312, %dma_start3A_1313] : memref<10240x128xf32, #tpu.memory_space<vmem_shared>> -> memref<10240x128xf32, #tpu.memory_space<vmem_shared>>
      tpu.enqueue_indirect_dma source(%arg10 : memref<125x128xf32, #tpu.memory_space<vmem>>) target(%dma_start3A_1314 : memref<10240x128xf32, #tpu.memory_space<vmem_shared>>) offsets(%dma_start3A_1311 : memref<125xi32, #tpu.memory_space<vmem>>) semaphore(%arg21 : memref<!tpu.dma_semaphore, #tpu.memory_space<semaphore_mem>>) {add = true}
      %dma_wait3A_1315 = arith.constant 1 : i32
      %dma_wait3A_1316 = arith.constant 0 : i32
      %dma_wait3A_1317 = arith.constant 0 : i32
      %dma_wait3A_1318 = tpu.memref_slice %arg5[%dma_wait3A_1315, %dma_wait3A_1316, %dma_wait3A_1317] : memref<2x4x125xi32, #tpu.memory_space<vmem>> -> memref<1x1x125xi32, #tpu.memory_space<vmem>>
      %dma_wait3A_1319 = tpu.memref_squeeze %dma_wait3A_1318 : memref<1x1x125xi32, #tpu.memory_space<vmem>> -> memref<125xi32, #tpu.memory_space<vmem>>
      %dma_wait3A_1320 = arith.constant 0 : i32
      %dma_wait3A_1321 = arith.constant 0 : i32
      %dma_wait3A_1322 = tpu.memref_slice %arg13[%dma_wait3A_1320, %dma_wait3A_1321] : memref<10240x128xf32, #tpu.memory_space<vmem_shared>> -> memref<10240x128xf32, #tpu.memory_space<vmem_shared>>
      tpu.wait_indirect_dma semaphore(%arg21 : memref<!tpu.dma_semaphore, #tpu.memory_space<semaphore_mem>>) src(%arg10 : memref<125x128xf32, #tpu.memory_space<vmem>>) dst(%dma_wait3A_1322 : memref<10240x128xf32, #tpu.memory_space<vmem_shared>>)
      %dma_wait3A_1323 = arith.constant 0 : i32
      %dma_wait3A_1324 = arith.constant 0 : i32
      %dma_wait3A_1325 = arith.constant 0 : i32
      %dma_wait3A_1326 = arith.constant 0 : i32
      %dma_wait3A_1327 = arith.constant 0 : i32
      %dma_wait3A_1328 = tpu.memref_slice %arg8[%dma_wait3A_1325, %dma_wait3A_1326, %dma_wait3A_1327] : memref<2x4x125xi32, #tpu.memory_space<vmem>> -> memref<1x4x125xi32, #tpu.memory_space<vmem>>
      %dma_wait3A_1329 = tpu.memref_squeeze %dma_wait3A_1328 : memref<1x4x125xi32, #tpu.memory_space<vmem>> -> memref<4x125xi32, #tpu.memory_space<vmem>>
      %dma_wait3A_1330 = arith.constant 0 : i32
      %dma_wait3A_1331 = arith.constant 0 : i32
      %dma_wait3A_1332 = tpu.memref_slice %arg2[%dma_wait3A_1323, %add3A, %dma_wait3A_1324, %dma_wait3A_1330, %dma_wait3A_1331] : memref<2x32x20x4x125xi32, #tpu.memory_space<hbm>> -> memref<1x1x1x4x125xi32, #tpu.memory_space<hbm>>
      %dma_wait3A_1333 = tpu.memref_squeeze %dma_wait3A_1332 : memref<1x1x1x4x125xi32, #tpu.memory_space<hbm>> -> memref<4x125xi32, #tpu.memory_space<hbm>>
      %dma_wait3A_1334 = arith.constant 0 : i32
      %dma_wait3A_1335 = arith.constant 0 : i32
      %dma_wait3A_1336 = tpu.memref_slice %arg8[%dma_wait3A_1325, %dma_wait3A_1334, %dma_wait3A_1335] : memref<2x4x125xi32, #tpu.memory_space<vmem>> -> memref<1x4x125xi32, #tpu.memory_space<vmem>>
      %dma_wait3A_1337 = tpu.memref_squeeze %dma_wait3A_1336 : memref<1x4x125xi32, #tpu.memory_space<vmem>> -> memref<4x125xi32, #tpu.memory_space<vmem>>
      %dma_wait3A_1338 = arith.constant 0 : i32
      %dma_wait3A_1339 = arith.constant 0 : i32
      %dma_wait3A_1340 = tpu.memref_slice %arg2[%dma_wait3A_1323, %add3A, %dma_wait3A_1324, %dma_wait3A_1338, %dma_wait3A_1339] : memref<2x32x20x4x125xi32, #tpu.memory_space<hbm>> -> memref<1x1x1x4x125xi32, #tpu.memory_space<hbm>>
      %dma_wait3A_1341 = tpu.memref_squeeze %dma_wait3A_1340 : memref<1x1x1x4x125xi32, #tpu.memory_space<hbm>> -> memref<4x125xi32, #tpu.memory_space<hbm>>
      tpu.wait_dma2 semaphore(%arg17 : memref<!tpu.dma_semaphore, #tpu.memory_space<semaphore_mem>>) src(%dma_wait3A_1341 : memref<4x125xi32, #tpu.memory_space<hbm>>) dst(%dma_wait3A_1337 : memref<4x125xi32, #tpu.memory_space<vmem>>)
      %dma_wait3A_1342 = arith.constant 1 : i32
      %dma_wait3A_1343 = arith.constant 0 : i32
      %dma_wait3A_1344 = arith.constant 1 : i32
      %dma_wait3A_1345 = arith.constant 0 : i32
      %dma_wait3A_1346 = arith.constant 0 : i32
      %dma_wait3A_1347 = tpu.memref_slice %arg8[%dma_wait3A_1344, %dma_wait3A_1345, %dma_wait3A_1346] : memref<2x4x125xi32, #tpu.memory_space<vmem>> -> memref<1x4x125xi32, #tpu.memory_space<vmem>>
      %dma_wait3A_1348 = tpu.memref_squeeze %dma_wait3A_1347 : memref<1x4x125xi32, #tpu.memory_space<vmem>> -> memref<4x125xi32, #tpu.memory_space<vmem>>
      %dma_wait3A_1349 = arith.constant 0 : i32
      %dma_wait3A_1350 = arith.constant 0 : i32
      %dma_wait3A_1351 = tpu.memref_slice %arg2[%dma_wait3A_1342, %add3A, %dma_wait3A_1343, %dma_wait3A_1349, %dma_wait3A_1350] : memref<2x32x20x4x125xi32, #tpu.memory_space<hbm>> -> memref<1x1x1x4x125xi32, #tpu.memory_space<hbm>>
      %dma_wait3A_1352 = tpu.memref_squeeze %dma_wait3A_1351 : memref<1x1x1x4x125xi32, #tpu.memory_space<hbm>> -> memref<4x125xi32, #tpu.memory_space<hbm>>
      %dma_wait3A_1353 = arith.constant 0 : i32
      %dma_wait3A_1354 = arith.constant 0 : i32
      %dma_wait3A_1355 = tpu.memref_slice %arg8[%dma_wait3A_1344, %dma_wait3A_1353, %dma_wait3A_1354] : memref<2x4x125xi32, #tpu.memory_space<vmem>> -> memref<1x4x125xi32, #tpu.memory_space<vmem>>
      %dma_wait3A_1356 = tpu.memref_squeeze %dma_wait3A_1355 : memref<1x4x125xi32, #tpu.memory_space<vmem>> -> memref<4x125xi32, #tpu.memory_space<vmem>>
      %dma_wait3A_1357 = arith.constant 0 : i32
      %dma_wait3A_1358 = arith.constant 0 : i32
      %dma_wait3A_1359 = tpu.memref_slice %arg2[%dma_wait3A_1342, %add3A, %dma_wait3A_1343, %dma_wait3A_1357, %dma_wait3A_1358] : memref<2x32x20x4x125xi32, #tpu.memory_space<hbm>> -> memref<1x1x1x4x125xi32, #tpu.memory_space<hbm>>
      %dma_wait3A_1360 = tpu.memref_squeeze %dma_wait3A_1359 : memref<1x1x1x4x125xi32, #tpu.memory_space<hbm>> -> memref<4x125xi32, #tpu.memory_space<hbm>>
      tpu.wait_dma2 semaphore(%arg17 : memref<!tpu.dma_semaphore, #tpu.memory_space<semaphore_mem>>) src(%dma_wait3A_1360 : memref<4x125xi32, #tpu.memory_space<hbm>>) dst(%dma_wait3A_1356 : memref<4x125xi32, #tpu.memory_space<vmem>>)
      %dma_start3A_1361 = arith.constant 0 : i32
      %dma_start3A_1362 = arith.constant 0 : i32
      %dma_start3A_1363 = arith.constant 0 : i32
      %dma_start3A_1364 = tpu.memref_slice %arg8[%dma_start3A_1361, %dma_start3A_1362, %dma_start3A_1363] : memref<2x4x125xi32, #tpu.memory_space<vmem>> -> memref<1x1x125xi32, #tpu.memory_space<vmem>>
      %dma_start3A_1365 = tpu.memref_squeeze %dma_start3A_1364 : memref<1x1x125xi32, #tpu.memory_space<vmem>> -> memref<125xi32, #tpu.memory_space<vmem>>
      %dma_start3A_1366 = arith.constant 0 : i32
      %dma_start3A_1367 = arith.constant 0 : i32
      %dma_start3A_1368 = tpu.memref_slice %arg3[%dma_start3A_1366, %dma_start3A_1367] : memref<10000x128xf32, #tpu.memory_space<hbm>> -> memref<10000x128xf32, #tpu.memory_space<hbm>>
      tpu.enqueue_indirect_dma source(%dma_start3A_1368 : memref<10000x128xf32, #tpu.memory_space<hbm>>) target(%arg10 : memref<125x128xf32, #tpu.memory_space<vmem>>) offsets(%dma_start3A_1365 : memref<125xi32, #tpu.memory_space<vmem>>) semaphore(%arg19 : memref<!tpu.dma_semaphore, #tpu.memory_space<semaphore_mem>>)
      %dma_wait3A_1369 = arith.constant 0 : i32
      %dma_wait3A_1370 = arith.constant 0 : i32
      %dma_wait3A_1371 = arith.constant 0 : i32
      %dma_wait3A_1372 = tpu.memref_slice %arg5[%dma_wait3A_1369, %dma_wait3A_1370, %dma_wait3A_1371] : memref<2x4x125xi32, #tpu.memory_space<vmem>> -> memref<1x1x125xi32, #tpu.memory_space<vmem>>
      %dma_wait3A_1373 = tpu.memref_squeeze %dma_wait3A_1372 : memref<1x1x125xi32, #tpu.memory_space<vmem>> -> memref<125xi32, #tpu.memory_space<vmem>>
      %dma_wait3A_1374 = arith.constant 0 : i32
      %dma_wait3A_1375 = arith.constant 0 : i32
      %dma_wait3A_1376 = tpu.memref_slice %arg3[%dma_wait3A_1374, %dma_wait3A_1375] : memref<10000x128xf32, #tpu.memory_space<hbm>> -> memref<10000x128xf32, #tpu.memory_space<hbm>>
      tpu.wait_indirect_dma semaphore(%arg20 : memref<!tpu.dma_semaphore, #tpu.memory_space<semaphore_mem>>) src(%dma_wait3A_1376 : memref<10000x128xf32, #tpu.memory_space<hbm>>) dst(%arg11 : memref<125x128xf32, #tpu.memory_space<vmem>>)
      %dma_start3A_1377 = arith.constant 1 : i32
      %dma_start3A_1378 = arith.constant 3 : i32
      %dma_start3A_1379 = arith.constant 0 : i32
      %dma_start3A_1380 = tpu.memref_slice %arg7[%dma_start3A_1377, %dma_start3A_1378, %dma_start3A_1379] : memref<2x4x125xi32, #tpu.memory_space<vmem>> -> memref<1x1x125xi32, #tpu.memory_space<vmem>>
      %dma_start3A_1381 = tpu.memref_squeeze %dma_start3A_1380 : memref<1x1x125xi32, #tpu.memory_space<vmem>> -> memref<125xi32, #tpu.memory_space<vmem>>
      %dma_start3A_1382 = arith.constant 0 : i32
      %dma_start3A_1383 = arith.constant 0 : i32
      %dma_start3A_1384 = tpu.memref_slice %arg13[%dma_start3A_1382, %dma_start3A_1383] : memref<10240x128xf32, #tpu.memory_space<vmem_shared>> -> memref<10240x128xf32, #tpu.memory_space<vmem_shared>>
      tpu.enqueue_indirect_dma source(%arg11 : memref<125x128xf32, #tpu.memory_space<vmem>>) target(%dma_start3A_1384 : memref<10240x128xf32, #tpu.memory_space<vmem_shared>>) offsets(%dma_start3A_1381 : memref<125xi32, #tpu.memory_space<vmem>>) semaphore(%arg22 : memref<!tpu.dma_semaphore, #tpu.memory_space<semaphore_mem>>) {add = true}
      %dma_wait3A_1385 = arith.constant 1 : i32
      %dma_wait3A_1386 = arith.constant 0 : i32
      %dma_wait3A_1387 = arith.constant 0 : i32
      %dma_wait3A_1388 = tpu.memref_slice %arg5[%dma_wait3A_1385, %dma_wait3A_1386, %dma_wait3A_1387] : memref<2x4x125xi32, #tpu.memory_space<vmem>> -> memref<1x1x125xi32, #tpu.memory_space<vmem>>
      %dma_wait3A_1389 = tpu.memref_squeeze %dma_wait3A_1388 : memref<1x1x125xi32, #tpu.memory_space<vmem>> -> memref<125xi32, #tpu.memory_space<vmem>>
      %dma_wait3A_1390 = arith.constant 0 : i32
      %dma_wait3A_1391 = arith.constant 0 : i32
      %dma_wait3A_1392 = tpu.memref_slice %arg13[%dma_wait3A_1390, %dma_wait3A_1391] : memref<10240x128xf32, #tpu.memory_space<vmem_shared>> -> memref<10240x128xf32, #tpu.memory_space<vmem_shared>>
      tpu.wait_indirect_dma semaphore(%arg22 : memref<!tpu.dma_semaphore, #tpu.memory_space<semaphore_mem>>) src(%arg11 : memref<125x128xf32, #tpu.memory_space<vmem>>) dst(%dma_wait3A_1392 : memref<10240x128xf32, #tpu.memory_space<vmem_shared>>)
      %dma_start3A_1393 = arith.constant 0 : i32
      %dma_start3A_1394 = arith.constant 1 : i32
      %dma_start3A_1395 = arith.constant 0 : i32
      %dma_start3A_1396 = tpu.memref_slice %arg8[%dma_start3A_1393, %dma_start3A_1394, %dma_start3A_1395] : memref<2x4x125xi32, #tpu.memory_space<vmem>> -> memref<1x1x125xi32, #tpu.memory_space<vmem>>
      %dma_start3A_1397 = tpu.memref_squeeze %dma_start3A_1396 : memref<1x1x125xi32, #tpu.memory_space<vmem>> -> memref<125xi32, #tpu.memory_space<vmem>>
      %dma_start3A_1398 = arith.constant 0 : i32
      %dma_start3A_1399 = arith.constant 0 : i32
      %dma_start3A_1400 = tpu.memref_slice %arg3[%dma_start3A_1398, %dma_start3A_1399] : memref<10000x128xf32, #tpu.memory_space<hbm>> -> memref<10000x128xf32, #tpu.memory_space<hbm>>
      tpu.enqueue_indirect_dma source(%dma_start3A_1400 : memref<10000x128xf32, #tpu.memory_space<hbm>>) target(%arg11 : memref<125x128xf32, #tpu.memory_space<vmem>>) offsets(%dma_start3A_1397 : memref<125xi32, #tpu.memory_space<vmem>>) semaphore(%arg20 : memref<!tpu.dma_semaphore, #tpu.memory_space<semaphore_mem>>)
      %dma_wait3A_1401 = arith.constant 0 : i32
      %dma_wait3A_1402 = arith.constant 0 : i32
      %dma_wait3A_1403 = arith.constant 0 : i32
      %dma_wait3A_1404 = tpu.memref_slice %arg5[%dma_wait3A_1401, %dma_wait3A_1402, %dma_wait3A_1403] : memref<2x4x125xi32, #tpu.memory_space<vmem>> -> memref<1x1x125xi32, #tpu.memory_space<vmem>>
      %dma_wait3A_1405 = tpu.memref_squeeze %dma_wait3A_1404 : memref<1x1x125xi32, #tpu.memory_space<vmem>> -> memref<125xi32, #tpu.memory_space<vmem>>
      %dma_wait3A_1406 = arith.constant 0 : i32
      %dma_wait3A_1407 = arith.constant 0 : i32
      %dma_wait3A_1408 = tpu.memref_slice %arg3[%dma_wait3A_1406, %dma_wait3A_1407] : memref<10000x128xf32, #tpu.memory_space<hbm>> -> memref<10000x128xf32, #tpu.memory_space<hbm>>
      tpu.wait_indirect_dma semaphore(%arg19 : memref<!tpu.dma_semaphore, #tpu.memory_space<semaphore_mem>>) src(%dma_wait3A_1408 : memref<10000x128xf32, #tpu.memory_space<hbm>>) dst(%arg10 : memref<125x128xf32, #tpu.memory_space<vmem>>)
      %dma_start3A_1409 = arith.constant 1 : i32
      %dma_start3A_1410 = arith.constant 0 : i32
      %dma_start3A_1411 = arith.constant 0 : i32
      %dma_start3A_1412 = tpu.memref_slice %arg8[%dma_start3A_1409, %dma_start3A_1410, %dma_start3A_1411] : memref<2x4x125xi32, #tpu.memory_space<vmem>> -> memref<1x1x125xi32, #tpu.memory_space<vmem>>
      %dma_start3A_1413 = tpu.memref_squeeze %dma_start3A_1412 : memref<1x1x125xi32, #tpu.memory_space<vmem>> -> memref<125xi32, #tpu.memory_space<vmem>>
      %dma_start3A_1414 = arith.constant 0 : i32
      %dma_start3A_1415 = arith.constant 0 : i32
      %dma_start3A_1416 = tpu.memref_slice %arg13[%dma_start3A_1414, %dma_start3A_1415] : memref<10240x128xf32, #tpu.memory_space<vmem_shared>> -> memref<10240x128xf32, #tpu.memory_space<vmem_shared>>
      tpu.enqueue_indirect_dma source(%arg10 : memref<125x128xf32, #tpu.memory_space<vmem>>) target(%dma_start3A_1416 : memref<10240x128xf32, #tpu.memory_space<vmem_shared>>) offsets(%dma_start3A_1413 : memref<125xi32, #tpu.memory_space<vmem>>) semaphore(%arg21 : memref<!tpu.dma_semaphore, #tpu.memory_space<semaphore_mem>>) {add = true}
      %mul3A_1417 = arith.constant 5 : i32
      %mul3A_1418 = arith.muli %scan3A_797, %mul3A_1417 : i32
      %add3A_1419 = arith.constant 3 : i32
      %add3A_1420 = arith.addi %mul3A_1418, %add3A_1419 : i32
      %add3A_1421 = arith.constant 5 : i32
      %add3A_1422 = arith.addi %add3A_1420, %add3A_1421 : i32
      %sub3A_1423 = arith.constant 1 : i32
      %sub3A_1424 = arith.subi %add3A_1422, %sub3A_1423 : i32
      %lt3A_1425 = arith.constant 20 : i32
      %lt3A_1426 = arith.cmpi slt, %sub3A_1424, %lt3A_1425 : i32
      %convert_element_type3A_1427 = arith.extui %lt3A_1426 : i1 to i32
      %cond3A_1428 = arith.constant 0 : i32
      %cond3A_1429 = arith.cmpi ne, %convert_element_type3A_1427, %cond3A_1428 : i32
      scf.if %cond3A_1429 {
        %dma_start3A_1673 = arith.constant 0 : i32
        %dma_start3A_1674 = arith.constant 0 : i32
        %dma_start3A_1675 = arith.constant 0 : i32
        %dma_start3A_1676 = arith.constant 0 : i32
        %dma_start3A_1677 = tpu.memref_slice %arg7[%dma_start3A_1674, %dma_start3A_1675, %dma_start3A_1676] : memref<2x4x125xi32, #tpu.memory_space<vmem>> -> memref<1x4x125xi32, #tpu.memory_space<vmem>>
        %dma_start3A_1678 = tpu.memref_squeeze %dma_start3A_1677 : memref<1x4x125xi32, #tpu.memory_space<vmem>> -> memref<4x125xi32, #tpu.memory_space<vmem>>
        %dma_start3A_1679 = arith.constant 0 : i32
        %dma_start3A_1680 = arith.constant 0 : i32
        %dma_start3A_1681 = tpu.memref_slice %arg2[%dma_start3A_1673, %add3A, %sub3A_1424, %dma_start3A_1679, %dma_start3A_1680] : memref<2x32x20x4x125xi32, #tpu.memory_space<hbm>> -> memref<1x1x1x4x125xi32, #tpu.memory_space<hbm>>
        %dma_start3A_1682 = tpu.memref_squeeze %dma_start3A_1681 : memref<1x1x1x4x125xi32, #tpu.memory_space<hbm>> -> memref<4x125xi32, #tpu.memory_space<hbm>>
        %dma_start3A_1683 = arith.constant 0 : i32
        %dma_start3A_1684 = arith.constant 0 : i32
        %dma_start3A_1685 = tpu.memref_slice %arg7[%dma_start3A_1674, %dma_start3A_1683, %dma_start3A_1684] : memref<2x4x125xi32, #tpu.memory_space<vmem>> -> memref<1x4x125xi32, #tpu.memory_space<vmem>>
        %dma_start3A_1686 = tpu.memref_squeeze %dma_start3A_1685 : memref<1x4x125xi32, #tpu.memory_space<vmem>> -> memref<4x125xi32, #tpu.memory_space<vmem>>
        %dma_start3A_1687 = arith.constant 0 : i32
        %dma_start3A_1688 = arith.constant 0 : i32
        %dma_start3A_1689 = tpu.memref_slice %arg2[%dma_start3A_1673, %add3A, %sub3A_1424, %dma_start3A_1687, %dma_start3A_1688] : memref<2x32x20x4x125xi32, #tpu.memory_space<hbm>> -> memref<1x1x1x4x125xi32, #tpu.memory_space<hbm>>
        %dma_start3A_1690 = tpu.memref_squeeze %dma_start3A_1689 : memref<1x1x1x4x125xi32, #tpu.memory_space<hbm>> -> memref<4x125xi32, #tpu.memory_space<hbm>>
        tpu.enqueue_dma source(%dma_start3A_1690 : memref<4x125xi32, #tpu.memory_space<hbm>>) target(%dma_start3A_1686 : memref<4x125xi32, #tpu.memory_space<vmem>>) target_semaphore(%arg16 : memref<!tpu.dma_semaphore, #tpu.memory_space<semaphore_mem>>)
        %dma_start3A_1691 = arith.constant 1 : i32
        %dma_start3A_1692 = arith.constant 1 : i32
        %dma_start3A_1693 = arith.constant 0 : i32
        %dma_start3A_1694 = arith.constant 0 : i32
        %dma_start3A_1695 = tpu.memref_slice %arg7[%dma_start3A_1692, %dma_start3A_1693, %dma_start3A_1694] : memref<2x4x125xi32, #tpu.memory_space<vmem>> -> memref<1x4x125xi32, #tpu.memory_space<vmem>>
        %dma_start3A_1696 = tpu.memref_squeeze %dma_start3A_1695 : memref<1x4x125xi32, #tpu.memory_space<vmem>> -> memref<4x125xi32, #tpu.memory_space<vmem>>
        %dma_start3A_1697 = arith.constant 0 : i32
        %dma_start3A_1698 = arith.constant 0 : i32
        %dma_start3A_1699 = tpu.memref_slice %arg2[%dma_start3A_1691, %add3A, %sub3A_1424, %dma_start3A_1697, %dma_start3A_1698] : memref<2x32x20x4x125xi32, #tpu.memory_space<hbm>> -> memref<1x1x1x4x125xi32, #tpu.memory_space<hbm>>
        %dma_start3A_1700 = tpu.memref_squeeze %dma_start3A_1699 : memref<1x1x1x4x125xi32, #tpu.memory_space<hbm>> -> memref<4x125xi32, #tpu.memory_space<hbm>>
        %dma_start3A_1701 = arith.constant 0 : i32
        %dma_start3A_1702 = arith.constant 0 : i32
        %dma_start3A_1703 = tpu.memref_slice %arg7[%dma_start3A_1692, %dma_start3A_1701, %dma_start3A_1702] : memref<2x4x125xi32, #tpu.memory_space<vmem>> -> memref<1x4x125xi32, #tpu.memory_space<vmem>>
        %dma_start3A_1704 = tpu.memref_squeeze %dma_start3A_1703 : memref<1x4x125xi32, #tpu.memory_space<vmem>> -> memref<4x125xi32, #tpu.memory_space<vmem>>
        %dma_start3A_1705 = arith.constant 0 : i32
        %dma_start3A_1706 = arith.constant 0 : i32
        %dma_start3A_1707 = tpu.memref_slice %arg2[%dma_start3A_1691, %add3A, %sub3A_1424, %dma_start3A_1705, %dma_start3A_1706] : memref<2x32x20x4x125xi32, #tpu.memory_space<hbm>> -> memref<1x1x1x4x125xi32, #tpu.memory_space<hbm>>
        %dma_start3A_1708 = tpu.memref_squeeze %dma_start3A_1707 : memref<1x1x1x4x125xi32, #tpu.memory_space<hbm>> -> memref<4x125xi32, #tpu.memory_space<hbm>>
        tpu.enqueue_dma source(%dma_start3A_1708 : memref<4x125xi32, #tpu.memory_space<hbm>>) target(%dma_start3A_1704 : memref<4x125xi32, #tpu.memory_space<vmem>>) target_semaphore(%arg16 : memref<!tpu.dma_semaphore, #tpu.memory_space<semaphore_mem>>)
      } else {
      }
      %dma_wait3A_1430 = arith.constant 1 : i32
      %dma_wait3A_1431 = arith.constant 0 : i32
      %dma_wait3A_1432 = arith.constant 0 : i32
      %dma_wait3A_1433 = tpu.memref_slice %arg5[%dma_wait3A_1430, %dma_wait3A_1431, %dma_wait3A_1432] : memref<2x4x125xi32, #tpu.memory_space<vmem>> -> memref<1x1x125xi32, #tpu.memory_space<vmem>>
      %dma_wait3A_1434 = tpu.memref_squeeze %dma_wait3A_1433 : memref<1x1x125xi32, #tpu.memory_space<vmem>> -> memref<125xi32, #tpu.memory_space<vmem>>
      %dma_wait3A_1435 = arith.constant 0 : i32
      %dma_wait3A_1436 = arith.constant 0 : i32
      %dma_wait3A_1437 = tpu.memref_slice %arg13[%dma_wait3A_1435, %dma_wait3A_1436] : memref<10240x128xf32, #tpu.memory_space<vmem_shared>> -> memref<10240x128xf32, #tpu.memory_space<vmem_shared>>
      tpu.wait_indirect_dma semaphore(%arg21 : memref<!tpu.dma_semaphore, #tpu.memory_space<semaphore_mem>>) src(%arg10 : memref<125x128xf32, #tpu.memory_space<vmem>>) dst(%dma_wait3A_1437 : memref<10240x128xf32, #tpu.memory_space<vmem_shared>>)
      %dma_start3A_1438 = arith.constant 0 : i32
      %dma_start3A_1439 = arith.constant 2 : i32
      %dma_start3A_1440 = arith.constant 0 : i32
      %dma_start3A_1441 = tpu.memref_slice %arg8[%dma_start3A_1438, %dma_start3A_1439, %dma_start3A_1440] : memref<2x4x125xi32, #tpu.memory_space<vmem>> -> memref<1x1x125xi32, #tpu.memory_space<vmem>>
      %dma_start3A_1442 = tpu.memref_squeeze %dma_start3A_1441 : memref<1x1x125xi32, #tpu.memory_space<vmem>> -> memref<125xi32, #tpu.memory_space<vmem>>
      %dma_start3A_1443 = arith.constant 0 : i32
      %dma_start3A_1444 = arith.constant 0 : i32
      %dma_start3A_1445 = tpu.memref_slice %arg3[%dma_start3A_1443, %dma_start3A_1444] : memref<10000x128xf32, #tpu.memory_space<hbm>> -> memref<10000x128xf32, #tpu.memory_space<hbm>>
      tpu.enqueue_indirect_dma source(%dma_start3A_1445 : memref<10000x128xf32, #tpu.memory_space<hbm>>) target(%arg10 : memref<125x128xf32, #tpu.memory_space<vmem>>) offsets(%dma_start3A_1442 : memref<125xi32, #tpu.memory_space<vmem>>) semaphore(%arg19 : memref<!tpu.dma_semaphore, #tpu.memory_space<semaphore_mem>>)
      %dma_wait3A_1446 = arith.constant 0 : i32
      %dma_wait3A_1447 = arith.constant 0 : i32
      %dma_wait3A_1448 = arith.constant 0 : i32
      %dma_wait3A_1449 = tpu.memref_slice %arg5[%dma_wait3A_1446, %dma_wait3A_1447, %dma_wait3A_1448] : memref<2x4x125xi32, #tpu.memory_space<vmem>> -> memref<1x1x125xi32, #tpu.memory_space<vmem>>
      %dma_wait3A_1450 = tpu.memref_squeeze %dma_wait3A_1449 : memref<1x1x125xi32, #tpu.memory_space<vmem>> -> memref<125xi32, #tpu.memory_space<vmem>>
      %dma_wait3A_1451 = arith.constant 0 : i32
      %dma_wait3A_1452 = arith.constant 0 : i32
      %dma_wait3A_1453 = tpu.memref_slice %arg3[%dma_wait3A_1451, %dma_wait3A_1452] : memref<10000x128xf32, #tpu.memory_space<hbm>> -> memref<10000x128xf32, #tpu.memory_space<hbm>>
      tpu.wait_indirect_dma semaphore(%arg20 : memref<!tpu.dma_semaphore, #tpu.memory_space<semaphore_mem>>) src(%dma_wait3A_1453 : memref<10000x128xf32, #tpu.memory_space<hbm>>) dst(%arg11 : memref<125x128xf32, #tpu.memory_space<vmem>>)
      %dma_start3A_1454 = arith.constant 1 : i32
      %dma_start3A_1455 = arith.constant 1 : i32
      %dma_start3A_1456 = arith.constant 0 : i32
      %dma_start3A_1457 = tpu.memref_slice %arg8[%dma_start3A_1454, %dma_start3A_1455, %dma_start3A_1456] : memref<2x4x125xi32, #tpu.memory_space<vmem>> -> memref<1x1x125xi32, #tpu.memory_space<vmem>>
      %dma_start3A_1458 = tpu.memref_squeeze %dma_start3A_1457 : memref<1x1x125xi32, #tpu.memory_space<vmem>> -> memref<125xi32, #tpu.memory_space<vmem>>
      %dma_start3A_1459 = arith.constant 0 : i32
      %dma_start3A_1460 = arith.constant 0 : i32
      %dma_start3A_1461 = tpu.memref_slice %arg13[%dma_start3A_1459, %dma_start3A_1460] : memref<10240x128xf32, #tpu.memory_space<vmem_shared>> -> memref<10240x128xf32, #tpu.memory_space<vmem_shared>>
      tpu.enqueue_indirect_dma source(%arg11 : memref<125x128xf32, #tpu.memory_space<vmem>>) target(%dma_start3A_1461 : memref<10240x128xf32, #tpu.memory_space<vmem_shared>>) offsets(%dma_start3A_1458 : memref<125xi32, #tpu.memory_space<vmem>>) semaphore(%arg22 : memref<!tpu.dma_semaphore, #tpu.memory_space<semaphore_mem>>) {add = true}
      %dma_wait3A_1462 = arith.constant 1 : i32
      %dma_wait3A_1463 = arith.constant 0 : i32
      %dma_wait3A_1464 = arith.constant 0 : i32
      %dma_wait3A_1465 = tpu.memref_slice %arg5[%dma_wait3A_1462, %dma_wait3A_1463, %dma_wait3A_1464] : memref<2x4x125xi32, #tpu.memory_space<vmem>> -> memref<1x1x125xi32, #tpu.memory_space<vmem>>
      %dma_wait3A_1466 = tpu.memref_squeeze %dma_wait3A_1465 : memref<1x1x125xi32, #tpu.memory_space<vmem>> -> memref<125xi32, #tpu.memory_space<vmem>>
      %dma_wait3A_1467 = arith.constant 0 : i32
      %dma_wait3A_1468 = arith.constant 0 : i32
      %dma_wait3A_1469 = tpu.memref_slice %arg13[%dma_wait3A_1467, %dma_wait3A_1468] : memref<10240x128xf32, #tpu.memory_space<vmem_shared>> -> memref<10240x128xf32, #tpu.memory_space<vmem_shared>>
      tpu.wait_indirect_dma semaphore(%arg22 : memref<!tpu.dma_semaphore, #tpu.memory_space<semaphore_mem>>) src(%arg11 : memref<125x128xf32, #tpu.memory_space<vmem>>) dst(%dma_wait3A_1469 : memref<10240x128xf32, #tpu.memory_space<vmem_shared>>)
      %dma_start3A_1470 = arith.constant 0 : i32
      %dma_start3A_1471 = arith.constant 3 : i32
      %dma_start3A_1472 = arith.constant 0 : i32
      %dma_start3A_1473 = tpu.memref_slice %arg8[%dma_start3A_1470, %dma_start3A_1471, %dma_start3A_1472] : memref<2x4x125xi32, #tpu.memory_space<vmem>> -> memref<1x1x125xi32, #tpu.memory_space<vmem>>
      %dma_start3A_1474 = tpu.memref_squeeze %dma_start3A_1473 : memref<1x1x125xi32, #tpu.memory_space<vmem>> -> memref<125xi32, #tpu.memory_space<vmem>>
      %dma_start3A_1475 = arith.constant 0 : i32
      %dma_start3A_1476 = arith.constant 0 : i32
      %dma_start3A_1477 = tpu.memref_slice %arg3[%dma_start3A_1475, %dma_start3A_1476] : memref<10000x128xf32, #tpu.memory_space<hbm>> -> memref<10000x128xf32, #tpu.memory_space<hbm>>
      tpu.enqueue_indirect_dma source(%dma_start3A_1477 : memref<10000x128xf32, #tpu.memory_space<hbm>>) target(%arg11 : memref<125x128xf32, #tpu.memory_space<vmem>>) offsets(%dma_start3A_1474 : memref<125xi32, #tpu.memory_space<vmem>>) semaphore(%arg20 : memref<!tpu.dma_semaphore, #tpu.memory_space<semaphore_mem>>)
      %dma_wait3A_1478 = arith.constant 0 : i32
      %dma_wait3A_1479 = arith.constant 0 : i32
      %dma_wait3A_1480 = arith.constant 0 : i32
      %dma_wait3A_1481 = tpu.memref_slice %arg5[%dma_wait3A_1478, %dma_wait3A_1479, %dma_wait3A_1480] : memref<2x4x125xi32, #tpu.memory_space<vmem>> -> memref<1x1x125xi32, #tpu.memory_space<vmem>>
      %dma_wait3A_1482 = tpu.memref_squeeze %dma_wait3A_1481 : memref<1x1x125xi32, #tpu.memory_space<vmem>> -> memref<125xi32, #tpu.memory_space<vmem>>
      %dma_wait3A_1483 = arith.constant 0 : i32
      %dma_wait3A_1484 = arith.constant 0 : i32
      %dma_wait3A_1485 = tpu.memref_slice %arg3[%dma_wait3A_1483, %dma_wait3A_1484] : memref<10000x128xf32, #tpu.memory_space<hbm>> -> memref<10000x128xf32, #tpu.memory_space<hbm>>
      tpu.wait_indirect_dma semaphore(%arg19 : memref<!tpu.dma_semaphore, #tpu.memory_space<semaphore_mem>>) src(%dma_wait3A_1485 : memref<10000x128xf32, #tpu.memory_space<hbm>>) dst(%arg10 : memref<125x128xf32, #tpu.memory_space<vmem>>)
      %dma_start3A_1486 = arith.constant 1 : i32
      %dma_start3A_1487 = arith.constant 2 : i32
      %dma_start3A_1488 = arith.constant 0 : i32
      %dma_start3A_1489 = tpu.memref_slice %arg8[%dma_start3A_1486, %dma_start3A_1487, %dma_start3A_1488] : memref<2x4x125xi32, #tpu.memory_space<vmem>> -> memref<1x1x125xi32, #tpu.memory_space<vmem>>
      %dma_start3A_1490 = tpu.memref_squeeze %dma_start3A_1489 : memref<1x1x125xi32, #tpu.memory_space<vmem>> -> memref<125xi32, #tpu.memory_space<vmem>>
      %dma_start3A_1491 = arith.constant 0 : i32
      %dma_start3A_1492 = arith.constant 0 : i32
      %dma_start3A_1493 = tpu.memref_slice %arg13[%dma_start3A_1491, %dma_start3A_1492] : memref<10240x128xf32, #tpu.memory_space<vmem_shared>> -> memref<10240x128xf32, #tpu.memory_space<vmem_shared>>
      tpu.enqueue_indirect_dma source(%arg10 : memref<125x128xf32, #tpu.memory_space<vmem>>) target(%dma_start3A_1493 : memref<10240x128xf32, #tpu.memory_space<vmem_shared>>) offsets(%dma_start3A_1490 : memref<125xi32, #tpu.memory_space<vmem>>) semaphore(%arg21 : memref<!tpu.dma_semaphore, #tpu.memory_space<semaphore_mem>>) {add = true}
      %dma_wait3A_1494 = arith.constant 1 : i32
      %dma_wait3A_1495 = arith.constant 0 : i32
      %dma_wait3A_1496 = arith.constant 0 : i32
      %dma_wait3A_1497 = tpu.memref_slice %arg5[%dma_wait3A_1494, %dma_wait3A_1495, %dma_wait3A_1496] : memref<2x4x125xi32, #tpu.memory_space<vmem>> -> memref<1x1x125xi32, #tpu.memory_space<vmem>>
      %dma_wait3A_1498 = tpu.memref_squeeze %dma_wait3A_1497 : memref<1x1x125xi32, #tpu.memory_space<vmem>> -> memref<125xi32, #tpu.memory_space<vmem>>
      %dma_wait3A_1499 = arith.constant 0 : i32
      %dma_wait3A_1500 = arith.constant 0 : i32
      %dma_wait3A_1501 = tpu.memref_slice %arg13[%dma_wait3A_1499, %dma_wait3A_1500] : memref<10240x128xf32, #tpu.memory_space<vmem_shared>> -> memref<10240x128xf32, #tpu.memory_space<vmem_shared>>
      tpu.wait_indirect_dma semaphore(%arg21 : memref<!tpu.dma_semaphore, #tpu.memory_space<semaphore_mem>>) src(%arg10 : memref<125x128xf32, #tpu.memory_space<vmem>>) dst(%dma_wait3A_1501 : memref<10240x128xf32, #tpu.memory_space<vmem_shared>>)
      %dma_wait3A_1502 = arith.constant 0 : i32
      %dma_wait3A_1503 = arith.constant 0 : i32
      %dma_wait3A_1504 = arith.constant 0 : i32
      %dma_wait3A_1505 = arith.constant 0 : i32
      %dma_wait3A_1506 = arith.constant 0 : i32
      %dma_wait3A_1507 = tpu.memref_slice %arg9[%dma_wait3A_1504, %dma_wait3A_1505, %dma_wait3A_1506] : memref<2x4x125xi32, #tpu.memory_space<vmem>> -> memref<1x4x125xi32, #tpu.memory_space<vmem>>
      %dma_wait3A_1508 = tpu.memref_squeeze %dma_wait3A_1507 : memref<1x4x125xi32, #tpu.memory_space<vmem>> -> memref<4x125xi32, #tpu.memory_space<vmem>>
      %dma_wait3A_1509 = arith.constant 0 : i32
      %dma_wait3A_1510 = arith.constant 0 : i32
      %dma_wait3A_1511 = tpu.memref_slice %arg2[%dma_wait3A_1502, %add3A, %dma_wait3A_1503, %dma_wait3A_1509, %dma_wait3A_1510] : memref<2x32x20x4x125xi32, #tpu.memory_space<hbm>> -> memref<1x1x1x4x125xi32, #tpu.memory_space<hbm>>
      %dma_wait3A_1512 = tpu.memref_squeeze %dma_wait3A_1511 : memref<1x1x1x4x125xi32, #tpu.memory_space<hbm>> -> memref<4x125xi32, #tpu.memory_space<hbm>>
      %dma_wait3A_1513 = arith.constant 0 : i32
      %dma_wait3A_1514 = arith.constant 0 : i32
      %dma_wait3A_1515 = tpu.memref_slice %arg9[%dma_wait3A_1504, %dma_wait3A_1513, %dma_wait3A_1514] : memref<2x4x125xi32, #tpu.memory_space<vmem>> -> memref<1x4x125xi32, #tpu.memory_space<vmem>>
      %dma_wait3A_1516 = tpu.memref_squeeze %dma_wait3A_1515 : memref<1x4x125xi32, #tpu.memory_space<vmem>> -> memref<4x125xi32, #tpu.memory_space<vmem>>
      %dma_wait3A_1517 = arith.constant 0 : i32
      %dma_wait3A_1518 = arith.constant 0 : i32
      %dma_wait3A_1519 = tpu.memref_slice %arg2[%dma_wait3A_1502, %add3A, %dma_wait3A_1503, %dma_wait3A_1517, %dma_wait3A_1518] : memref<2x32x20x4x125xi32, #tpu.memory_space<hbm>> -> memref<1x1x1x4x125xi32, #tpu.memory_space<hbm>>
      %dma_wait3A_1520 = tpu.memref_squeeze %dma_wait3A_1519 : memref<1x1x1x4x125xi32, #tpu.memory_space<hbm>> -> memref<4x125xi32, #tpu.memory_space<hbm>>
      tpu.wait_dma2 semaphore(%arg18 : memref<!tpu.dma_semaphore, #tpu.memory_space<semaphore_mem>>) src(%dma_wait3A_1520 : memref<4x125xi32, #tpu.memory_space<hbm>>) dst(%dma_wait3A_1516 : memref<4x125xi32, #tpu.memory_space<vmem>>)
      %dma_wait3A_1521 = arith.constant 1 : i32
      %dma_wait3A_1522 = arith.constant 0 : i32
      %dma_wait3A_1523 = arith.constant 1 : i32
      %dma_wait3A_1524 = arith.constant 0 : i32
      %dma_wait3A_1525 = arith.constant 0 : i32
      %dma_wait3A_1526 = tpu.memref_slice %arg9[%dma_wait3A_1523, %dma_wait3A_1524, %dma_wait3A_1525] : memref<2x4x125xi32, #tpu.memory_space<vmem>> -> memref<1x4x125xi32, #tpu.memory_space<vmem>>
      %dma_wait3A_1527 = tpu.memref_squeeze %dma_wait3A_1526 : memref<1x4x125xi32, #tpu.memory_space<vmem>> -> memref<4x125xi32, #tpu.memory_space<vmem>>
      %dma_wait3A_1528 = arith.constant 0 : i32
      %dma_wait3A_1529 = arith.constant 0 : i32
      %dma_wait3A_1530 = tpu.memref_slice %arg2[%dma_wait3A_1521, %add3A, %dma_wait3A_1522, %dma_wait3A_1528, %dma_wait3A_1529] : memref<2x32x20x4x125xi32, #tpu.memory_space<hbm>> -> memref<1x1x1x4x125xi32, #tpu.memory_space<hbm>>
      %dma_wait3A_1531 = tpu.memref_squeeze %dma_wait3A_1530 : memref<1x1x1x4x125xi32, #tpu.memory_space<hbm>> -> memref<4x125xi32, #tpu.memory_space<hbm>>
      %dma_wait3A_1532 = arith.constant 0 : i32
      %dma_wait3A_1533 = arith.constant 0 : i32
      %dma_wait3A_1534 = tpu.memref_slice %arg9[%dma_wait3A_1523, %dma_wait3A_1532, %dma_wait3A_1533] : memref<2x4x125xi32, #tpu.memory_space<vmem>> -> memref<1x4x125xi32, #tpu.memory_space<vmem>>
      %dma_wait3A_1535 = tpu.memref_squeeze %dma_wait3A_1534 : memref<1x4x125xi32, #tpu.memory_space<vmem>> -> memref<4x125xi32, #tpu.memory_space<vmem>>
      %dma_wait3A_1536 = arith.constant 0 : i32
      %dma_wait3A_1537 = arith.constant 0 : i32
      %dma_wait3A_1538 = tpu.memref_slice %arg2[%dma_wait3A_1521, %add3A, %dma_wait3A_1522, %dma_wait3A_1536, %dma_wait3A_1537] : memref<2x32x20x4x125xi32, #tpu.memory_space<hbm>> -> memref<1x1x1x4x125xi32, #tpu.memory_space<hbm>>
      %dma_wait3A_1539 = tpu.memref_squeeze %dma_wait3A_1538 : memref<1x1x1x4x125xi32, #tpu.memory_space<hbm>> -> memref<4x125xi32, #tpu.memory_space<hbm>>
      tpu.wait_dma2 semaphore(%arg18 : memref<!tpu.dma_semaphore, #tpu.memory_space<semaphore_mem>>) src(%dma_wait3A_1539 : memref<4x125xi32, #tpu.memory_space<hbm>>) dst(%dma_wait3A_1535 : memref<4x125xi32, #tpu.memory_space<vmem>>)
      %dma_start3A_1540 = arith.constant 0 : i32
      %dma_start3A_1541 = arith.constant 0 : i32
      %dma_start3A_1542 = arith.constant 0 : i32
      %dma_start3A_1543 = tpu.memref_slice %arg9[%dma_start3A_1540, %dma_start3A_1541, %dma_start3A_1542] : memref<2x4x125xi32, #tpu.memory_space<vmem>> -> memref<1x1x125xi32, #tpu.memory_space<vmem>>
      %dma_start3A_1544 = tpu.memref_squeeze %dma_start3A_1543 : memref<1x1x125xi32, #tpu.memory_space<vmem>> -> memref<125xi32, #tpu.memory_space<vmem>>
      %dma_start3A_1545 = arith.constant 0 : i32
      %dma_start3A_1546 = arith.constant 0 : i32
      %dma_start3A_1547 = tpu.memref_slice %arg3[%dma_start3A_1545, %dma_start3A_1546] : memref<10000x128xf32, #tpu.memory_space<hbm>> -> memref<10000x128xf32, #tpu.memory_space<hbm>>
      tpu.enqueue_indirect_dma source(%dma_start3A_1547 : memref<10000x128xf32, #tpu.memory_space<hbm>>) target(%arg10 : memref<125x128xf32, #tpu.memory_space<vmem>>) offsets(%dma_start3A_1544 : memref<125xi32, #tpu.memory_space<vmem>>) semaphore(%arg19 : memref<!tpu.dma_semaphore, #tpu.memory_space<semaphore_mem>>)
      %dma_wait3A_1548 = arith.constant 0 : i32
      %dma_wait3A_1549 = arith.constant 0 : i32
      %dma_wait3A_1550 = arith.constant 0 : i32
      %dma_wait3A_1551 = tpu.memref_slice %arg5[%dma_wait3A_1548, %dma_wait3A_1549, %dma_wait3A_1550] : memref<2x4x125xi32, #tpu.memory_space<vmem>> -> memref<1x1x125xi32, #tpu.memory_space<vmem>>
      %dma_wait3A_1552 = tpu.memref_squeeze %dma_wait3A_1551 : memref<1x1x125xi32, #tpu.memory_space<vmem>> -> memref<125xi32, #tpu.memory_space<vmem>>
      %dma_wait3A_1553 = arith.constant 0 : i32
      %dma_wait3A_1554 = arith.constant 0 : i32
      %dma_wait3A_1555 = tpu.memref_slice %arg3[%dma_wait3A_1553, %dma_wait3A_1554] : memref<10000x128xf32, #tpu.memory_space<hbm>> -> memref<10000x128xf32, #tpu.memory_space<hbm>>
      tpu.wait_indirect_dma semaphore(%arg20 : memref<!tpu.dma_semaphore, #tpu.memory_space<semaphore_mem>>) src(%dma_wait3A_1555 : memref<10000x128xf32, #tpu.memory_space<hbm>>) dst(%arg11 : memref<125x128xf32, #tpu.memory_space<vmem>>)
      %dma_start3A_1556 = arith.constant 1 : i32
      %dma_start3A_1557 = arith.constant 3 : i32
      %dma_start3A_1558 = arith.constant 0 : i32
      %dma_start3A_1559 = tpu.memref_slice %arg8[%dma_start3A_1556, %dma_start3A_1557, %dma_start3A_1558] : memref<2x4x125xi32, #tpu.memory_space<vmem>> -> memref<1x1x125xi32, #tpu.memory_space<vmem>>
      %dma_start3A_1560 = tpu.memref_squeeze %dma_start3A_1559 : memref<1x1x125xi32, #tpu.memory_space<vmem>> -> memref<125xi32, #tpu.memory_space<vmem>>
      %dma_start3A_1561 = arith.constant 0 : i32
      %dma_start3A_1562 = arith.constant 0 : i32
      %dma_start3A_1563 = tpu.memref_slice %arg13[%dma_start3A_1561, %dma_start3A_1562] : memref<10240x128xf32, #tpu.memory_space<vmem_shared>> -> memref<10240x128xf32, #tpu.memory_space<vmem_shared>>
      tpu.enqueue_indirect_dma source(%arg11 : memref<125x128xf32, #tpu.memory_space<vmem>>) target(%dma_start3A_1563 : memref<10240x128xf32, #tpu.memory_space<vmem_shared>>) offsets(%dma_start3A_1560 : memref<125xi32, #tpu.memory_space<vmem>>) semaphore(%arg22 : memref<!tpu.dma_semaphore, #tpu.memory_space<semaphore_mem>>) {add = true}
      %dma_wait3A_1564 = arith.constant 1 : i32
      %dma_wait3A_1565 = arith.constant 0 : i32
      %dma_wait3A_1566 = arith.constant 0 : i32
      %dma_wait3A_1567 = tpu.memref_slice %arg5[%dma_wait3A_1564, %dma_wait3A_1565, %dma_wait3A_1566] : memref<2x4x125xi32, #tpu.memory_space<vmem>> -> memref<1x1x125xi32, #tpu.memory_space<vmem>>
      %dma_wait3A_1568 = tpu.memref_squeeze %dma_wait3A_1567 : memref<1x1x125xi32, #tpu.memory_space<vmem>> -> memref<125xi32, #tpu.memory_space<vmem>>
      %dma_wait3A_1569 = arith.constant 0 : i32
      %dma_wait3A_1570 = arith.constant 0 : i32
      %dma_wait3A_1571 = tpu.memref_slice %arg13[%dma_wait3A_1569, %dma_wait3A_1570] : memref<10240x128xf32, #tpu.memory_space<vmem_shared>> -> memref<10240x128xf32, #tpu.memory_space<vmem_shared>>
      tpu.wait_indirect_dma semaphore(%arg22 : memref<!tpu.dma_semaphore, #tpu.memory_space<semaphore_mem>>) src(%arg11 : memref<125x128xf32, #tpu.memory_space<vmem>>) dst(%dma_wait3A_1571 : memref<10240x128xf32, #tpu.memory_space<vmem_shared>>)
      %dma_start3A_1572 = arith.constant 0 : i32
      %dma_start3A_1573 = arith.constant 1 : i32
      %dma_start3A_1574 = arith.constant 0 : i32
      %dma_start3A_1575 = tpu.memref_slice %arg9[%dma_start3A_1572, %dma_start3A_1573, %dma_start3A_1574] : memref<2x4x125xi32, #tpu.memory_space<vmem>> -> memref<1x1x125xi32, #tpu.memory_space<vmem>>
      %dma_start3A_1576 = tpu.memref_squeeze %dma_start3A_1575 : memref<1x1x125xi32, #tpu.memory_space<vmem>> -> memref<125xi32, #tpu.memory_space<vmem>>
      %dma_start3A_1577 = arith.constant 0 : i32
      %dma_start3A_1578 = arith.constant 0 : i32
      %dma_start3A_1579 = tpu.memref_slice %arg3[%dma_start3A_1577, %dma_start3A_1578] : memref<10000x128xf32, #tpu.memory_space<hbm>> -> memref<10000x128xf32, #tpu.memory_space<hbm>>
      tpu.enqueue_indirect_dma source(%dma_start3A_1579 : memref<10000x128xf32, #tpu.memory_space<hbm>>) target(%arg11 : memref<125x128xf32, #tpu.memory_space<vmem>>) offsets(%dma_start3A_1576 : memref<125xi32, #tpu.memory_space<vmem>>) semaphore(%arg20 : memref<!tpu.dma_semaphore, #tpu.memory_space<semaphore_mem>>)
      %dma_wait3A_1580 = arith.constant 0 : i32
      %dma_wait3A_1581 = arith.constant 0 : i32
      %dma_wait3A_1582 = arith.constant 0 : i32
      %dma_wait3A_1583 = tpu.memref_slice %arg5[%dma_wait3A_1580, %dma_wait3A_1581, %dma_wait3A_1582] : memref<2x4x125xi32, #tpu.memory_space<vmem>> -> memref<1x1x125xi32, #tpu.memory_space<vmem>>
      %dma_wait3A_1584 = tpu.memref_squeeze %dma_wait3A_1583 : memref<1x1x125xi32, #tpu.memory_space<vmem>> -> memref<125xi32, #tpu.memory_space<vmem>>
      %dma_wait3A_1585 = arith.constant 0 : i32
      %dma_wait3A_1586 = arith.constant 0 : i32
      %dma_wait3A_1587 = tpu.memref_slice %arg3[%dma_wait3A_1585, %dma_wait3A_1586] : memref<10000x128xf32, #tpu.memory_space<hbm>> -> memref<10000x128xf32, #tpu.memory_space<hbm>>
      tpu.wait_indirect_dma semaphore(%arg19 : memref<!tpu.dma_semaphore, #tpu.memory_space<semaphore_mem>>) src(%dma_wait3A_1587 : memref<10000x128xf32, #tpu.memory_space<hbm>>) dst(%arg10 : memref<125x128xf32, #tpu.memory_space<vmem>>)
      %dma_start3A_1588 = arith.constant 1 : i32
      %dma_start3A_1589 = arith.constant 0 : i32
      %dma_start3A_1590 = arith.constant 0 : i32
      %dma_start3A_1591 = tpu.memref_slice %arg9[%dma_start3A_1588, %dma_start3A_1589, %dma_start3A_1590] : memref<2x4x125xi32, #tpu.memory_space<vmem>> -> memref<1x1x125xi32, #tpu.memory_space<vmem>>
      %dma_start3A_1592 = tpu.memref_squeeze %dma_start3A_1591 : memref<1x1x125xi32, #tpu.memory_space<vmem>> -> memref<125xi32, #tpu.memory_space<vmem>>
      %dma_start3A_1593 = arith.constant 0 : i32
      %dma_start3A_1594 = arith.constant 0 : i32
      %dma_start3A_1595 = tpu.memref_slice %arg13[%dma_start3A_1593, %dma_start3A_1594] : memref<10240x128xf32, #tpu.memory_space<vmem_shared>> -> memref<10240x128xf32, #tpu.memory_space<vmem_shared>>
      tpu.enqueue_indirect_dma source(%arg10 : memref<125x128xf32, #tpu.memory_space<vmem>>) target(%dma_start3A_1595 : memref<10240x128xf32, #tpu.memory_space<vmem_shared>>) offsets(%dma_start3A_1592 : memref<125xi32, #tpu.memory_space<vmem>>) semaphore(%arg21 : memref<!tpu.dma_semaphore, #tpu.memory_space<semaphore_mem>>) {add = true}
      %mul3A_1596 = arith.constant 5 : i32
      %mul3A_1597 = arith.muli %scan3A_797, %mul3A_1596 : i32
      %add3A_1598 = arith.constant 4 : i32
      %add3A_1599 = arith.addi %mul3A_1597, %add3A_1598 : i32
      %add3A_1600 = arith.constant 5 : i32
      %add3A_1601 = arith.addi %add3A_1599, %add3A_1600 : i32
      %sub3A_1602 = arith.constant 1 : i32
      %sub3A_1603 = arith.subi %add3A_1601, %sub3A_1602 : i32
      %lt3A_1604 = arith.constant 20 : i32
      %lt3A_1605 = arith.cmpi slt, %sub3A_1603, %lt3A_1604 : i32
      %convert_element_type3A_1606 = arith.extui %lt3A_1605 : i1 to i32
      %cond3A_1607 = arith.constant 0 : i32
      %cond3A_1608 = arith.cmpi ne, %convert_element_type3A_1606, %cond3A_1607 : i32
      scf.if %cond3A_1608 {
        %dma_start3A_1673 = arith.constant 0 : i32
        %dma_start3A_1674 = arith.constant 0 : i32
        %dma_start3A_1675 = arith.constant 0 : i32
        %dma_start3A_1676 = arith.constant 0 : i32
        %dma_start3A_1677 = tpu.memref_slice %arg8[%dma_start3A_1674, %dma_start3A_1675, %dma_start3A_1676] : memref<2x4x125xi32, #tpu.memory_space<vmem>> -> memref<1x4x125xi32, #tpu.memory_space<vmem>>
        %dma_start3A_1678 = tpu.memref_squeeze %dma_start3A_1677 : memref<1x4x125xi32, #tpu.memory_space<vmem>> -> memref<4x125xi32, #tpu.memory_space<vmem>>
        %dma_start3A_1679 = arith.constant 0 : i32
        %dma_start3A_1680 = arith.constant 0 : i32
        %dma_start3A_1681 = tpu.memref_slice %arg2[%dma_start3A_1673, %add3A, %sub3A_1603, %dma_start3A_1679, %dma_start3A_1680] : memref<2x32x20x4x125xi32, #tpu.memory_space<hbm>> -> memref<1x1x1x4x125xi32, #tpu.memory_space<hbm>>
        %dma_start3A_1682 = tpu.memref_squeeze %dma_start3A_1681 : memref<1x1x1x4x125xi32, #tpu.memory_space<hbm>> -> memref<4x125xi32, #tpu.memory_space<hbm>>
        %dma_start3A_1683 = arith.constant 0 : i32
        %dma_start3A_1684 = arith.constant 0 : i32
        %dma_start3A_1685 = tpu.memref_slice %arg8[%dma_start3A_1674, %dma_start3A_1683, %dma_start3A_1684] : memref<2x4x125xi32, #tpu.memory_space<vmem>> -> memref<1x4x125xi32, #tpu.memory_space<vmem>>
        %dma_start3A_1686 = tpu.memref_squeeze %dma_start3A_1685 : memref<1x4x125xi32, #tpu.memory_space<vmem>> -> memref<4x125xi32, #tpu.memory_space<vmem>>
        %dma_start3A_1687 = arith.constant 0 : i32
        %dma_start3A_1688 = arith.constant 0 : i32
        %dma_start3A_1689 = tpu.memref_slice %arg2[%dma_start3A_1673, %add3A, %sub3A_1603, %dma_start3A_1687, %dma_start3A_1688] : memref<2x32x20x4x125xi32, #tpu.memory_space<hbm>> -> memref<1x1x1x4x125xi32, #tpu.memory_space<hbm>>
        %dma_start3A_1690 = tpu.memref_squeeze %dma_start3A_1689 : memref<1x1x1x4x125xi32, #tpu.memory_space<hbm>> -> memref<4x125xi32, #tpu.memory_space<hbm>>
        tpu.enqueue_dma source(%dma_start3A_1690 : memref<4x125xi32, #tpu.memory_space<hbm>>) target(%dma_start3A_1686 : memref<4x125xi32, #tpu.memory_space<vmem>>) target_semaphore(%arg17 : memref<!tpu.dma_semaphore, #tpu.memory_space<semaphore_mem>>)
        %dma_start3A_1691 = arith.constant 1 : i32
        %dma_start3A_1692 = arith.constant 1 : i32
        %dma_start3A_1693 = arith.constant 0 : i32
        %dma_start3A_1694 = arith.constant 0 : i32
        %dma_start3A_1695 = tpu.memref_slice %arg8[%dma_start3A_1692, %dma_start3A_1693, %dma_start3A_1694] : memref<2x4x125xi32, #tpu.memory_space<vmem>> -> memref<1x4x125xi32, #tpu.memory_space<vmem>>
        %dma_start3A_1696 = tpu.memref_squeeze %dma_start3A_1695 : memref<1x4x125xi32, #tpu.memory_space<vmem>> -> memref<4x125xi32, #tpu.memory_space<vmem>>
        %dma_start3A_1697 = arith.constant 0 : i32
        %dma_start3A_1698 = arith.constant 0 : i32
        %dma_start3A_1699 = tpu.memref_slice %arg2[%dma_start3A_1691, %add3A, %sub3A_1603, %dma_start3A_1697, %dma_start3A_1698] : memref<2x32x20x4x125xi32, #tpu.memory_space<hbm>> -> memref<1x1x1x4x125xi32, #tpu.memory_space<hbm>>
        %dma_start3A_1700 = tpu.memref_squeeze %dma_start3A_1699 : memref<1x1x1x4x125xi32, #tpu.memory_space<hbm>> -> memref<4x125xi32, #tpu.memory_space<hbm>>
        %dma_start3A_1701 = arith.constant 0 : i32
        %dma_start3A_1702 = arith.constant 0 : i32
        %dma_start3A_1703 = tpu.memref_slice %arg8[%dma_start3A_1692, %dma_start3A_1701, %dma_start3A_1702] : memref<2x4x125xi32, #tpu.memory_space<vmem>> -> memref<1x4x125xi32, #tpu.memory_space<vmem>>
        %dma_start3A_1704 = tpu.memref_squeeze %dma_start3A_1703 : memref<1x4x125xi32, #tpu.memory_space<vmem>> -> memref<4x125xi32, #tpu.memory_space<vmem>>
        %dma_start3A_1705 = arith.constant 0 : i32
        %dma_start3A_1706 = arith.constant 0 : i32
        %dma_start3A_1707 = tpu.memref_slice %arg2[%dma_start3A_1691, %add3A, %sub3A_1603, %dma_start3A_1705, %dma_start3A_1706] : memref<2x32x20x4x125xi32, #tpu.memory_space<hbm>> -> memref<1x1x1x4x125xi32, #tpu.memory_space<hbm>>
        %dma_start3A_1708 = tpu.memref_squeeze %dma_start3A_1707 : memref<1x1x1x4x125xi32, #tpu.memory_space<hbm>> -> memref<4x125xi32, #tpu.memory_space<hbm>>
        tpu.enqueue_dma source(%dma_start3A_1708 : memref<4x125xi32, #tpu.memory_space<hbm>>) target(%dma_start3A_1704 : memref<4x125xi32, #tpu.memory_space<vmem>>) target_semaphore(%arg17 : memref<!tpu.dma_semaphore, #tpu.memory_space<semaphore_mem>>)
      } else {
      }
      %dma_wait3A_1609 = arith.constant 1 : i32
      %dma_wait3A_1610 = arith.constant 0 : i32
      %dma_wait3A_1611 = arith.constant 0 : i32
      %dma_wait3A_1612 = tpu.memref_slice %arg5[%dma_wait3A_1609, %dma_wait3A_1610, %dma_wait3A_1611] : memref<2x4x125xi32, #tpu.memory_space<vmem>> -> memref<1x1x125xi32, #tpu.memory_space<vmem>>
      %dma_wait3A_1613 = tpu.memref_squeeze %dma_wait3A_1612 : memref<1x1x125xi32, #tpu.memory_space<vmem>> -> memref<125xi32, #tpu.memory_space<vmem>>
      %dma_wait3A_1614 = arith.constant 0 : i32
      %dma_wait3A_1615 = arith.constant 0 : i32
      %dma_wait3A_1616 = tpu.memref_slice %arg13[%dma_wait3A_1614, %dma_wait3A_1615] : memref<10240x128xf32, #tpu.memory_space<vmem_shared>> -> memref<10240x128xf32, #tpu.memory_space<vmem_shared>>
      tpu.wait_indirect_dma semaphore(%arg21 : memref<!tpu.dma_semaphore, #tpu.memory_space<semaphore_mem>>) src(%arg10 : memref<125x128xf32, #tpu.memory_space<vmem>>) dst(%dma_wait3A_1616 : memref<10240x128xf32, #tpu.memory_space<vmem_shared>>)
      %dma_start3A_1617 = arith.constant 0 : i32
      %dma_start3A_1618 = arith.constant 2 : i32
      %dma_start3A_1619 = arith.constant 0 : i32
      %dma_start3A_1620 = tpu.memref_slice %arg9[%dma_start3A_1617, %dma_start3A_1618, %dma_start3A_1619] : memref<2x4x125xi32, #tpu.memory_space<vmem>> -> memref<1x1x125xi32, #tpu.memory_space<vmem>>
      %dma_start3A_1621 = tpu.memref_squeeze %dma_start3A_1620 : memref<1x1x125xi32, #tpu.memory_space<vmem>> -> memref<125xi32, #tpu.memory_space<vmem>>
      %dma_start3A_1622 = arith.constant 0 : i32
      %dma_start3A_1623 = arith.constant 0 : i32
      %dma_start3A_1624 = tpu.memref_slice %arg3[%dma_start3A_1622, %dma_start3A_1623] : memref<10000x128xf32, #tpu.memory_space<hbm>> -> memref<10000x128xf32, #tpu.memory_space<hbm>>
      tpu.enqueue_indirect_dma source(%dma_start3A_1624 : memref<10000x128xf32, #tpu.memory_space<hbm>>) target(%arg10 : memref<125x128xf32, #tpu.memory_space<vmem>>) offsets(%dma_start3A_1621 : memref<125xi32, #tpu.memory_space<vmem>>) semaphore(%arg19 : memref<!tpu.dma_semaphore, #tpu.memory_space<semaphore_mem>>)
      %dma_wait3A_1625 = arith.constant 0 : i32
      %dma_wait3A_1626 = arith.constant 0 : i32
      %dma_wait3A_1627 = arith.constant 0 : i32
      %dma_wait3A_1628 = tpu.memref_slice %arg5[%dma_wait3A_1625, %dma_wait3A_1626, %dma_wait3A_1627] : memref<2x4x125xi32, #tpu.memory_space<vmem>> -> memref<1x1x125xi32, #tpu.memory_space<vmem>>
      %dma_wait3A_1629 = tpu.memref_squeeze %dma_wait3A_1628 : memref<1x1x125xi32, #tpu.memory_space<vmem>> -> memref<125xi32, #tpu.memory_space<vmem>>
      %dma_wait3A_1630 = arith.constant 0 : i32
      %dma_wait3A_1631 = arith.constant 0 : i32
      %dma_wait3A_1632 = tpu.memref_slice %arg3[%dma_wait3A_1630, %dma_wait3A_1631] : memref<10000x128xf32, #tpu.memory_space<hbm>> -> memref<10000x128xf32, #tpu.memory_space<hbm>>
      tpu.wait_indirect_dma semaphore(%arg20 : memref<!tpu.dma_semaphore, #tpu.memory_space<semaphore_mem>>) src(%dma_wait3A_1632 : memref<10000x128xf32, #tpu.memory_space<hbm>>) dst(%arg11 : memref<125x128xf32, #tpu.memory_space<vmem>>)
      %dma_start3A_1633 = arith.constant 1 : i32
      %dma_start3A_1634 = arith.constant 1 : i32
      %dma_start3A_1635 = arith.constant 0 : i32
      %dma_start3A_1636 = tpu.memref_slice %arg9[%dma_start3A_1633, %dma_start3A_1634, %dma_start3A_1635] : memref<2x4x125xi32, #tpu.memory_space<vmem>> -> memref<1x1x125xi32, #tpu.memory_space<vmem>>
      %dma_start3A_1637 = tpu.memref_squeeze %dma_start3A_1636 : memref<1x1x125xi32, #tpu.memory_space<vmem>> -> memref<125xi32, #tpu.memory_space<vmem>>
      %dma_start3A_1638 = arith.constant 0 : i32
      %dma_start3A_1639 = arith.constant 0 : i32
      %dma_start3A_1640 = tpu.memref_slice %arg13[%dma_start3A_1638, %dma_start3A_1639] : memref<10240x128xf32, #tpu.memory_space<vmem_shared>> -> memref<10240x128xf32, #tpu.memory_space<vmem_shared>>
      tpu.enqueue_indirect_dma source(%arg11 : memref<125x128xf32, #tpu.memory_space<vmem>>) target(%dma_start3A_1640 : memref<10240x128xf32, #tpu.memory_space<vmem_shared>>) offsets(%dma_start3A_1637 : memref<125xi32, #tpu.memory_space<vmem>>) semaphore(%arg22 : memref<!tpu.dma_semaphore, #tpu.memory_space<semaphore_mem>>) {add = true}
      %dma_wait3A_1641 = arith.constant 1 : i32
      %dma_wait3A_1642 = arith.constant 0 : i32
      %dma_wait3A_1643 = arith.constant 0 : i32
      %dma_wait3A_1644 = tpu.memref_slice %arg5[%dma_wait3A_1641, %dma_wait3A_1642, %dma_wait3A_1643] : memref<2x4x125xi32, #tpu.memory_space<vmem>> -> memref<1x1x125xi32, #tpu.memory_space<vmem>>
      %dma_wait3A_1645 = tpu.memref_squeeze %dma_wait3A_1644 : memref<1x1x125xi32, #tpu.memory_space<vmem>> -> memref<125xi32, #tpu.memory_space<vmem>>
      %dma_wait3A_1646 = arith.constant 0 : i32
      %dma_wait3A_1647 = arith.constant 0 : i32
      %dma_wait3A_1648 = tpu.memref_slice %arg13[%dma_wait3A_1646, %dma_wait3A_1647] : memref<10240x128xf32, #tpu.memory_space<vmem_shared>> -> memref<10240x128xf32, #tpu.memory_space<vmem_shared>>
      tpu.wait_indirect_dma semaphore(%arg22 : memref<!tpu.dma_semaphore, #tpu.memory_space<semaphore_mem>>) src(%arg11 : memref<125x128xf32, #tpu.memory_space<vmem>>) dst(%dma_wait3A_1648 : memref<10240x128xf32, #tpu.memory_space<vmem_shared>>)
      %dma_start3A_1649 = arith.constant 0 : i32
      %dma_start3A_1650 = arith.constant 3 : i32
      %dma_start3A_1651 = arith.constant 0 : i32
      %dma_start3A_1652 = tpu.memref_slice %arg9[%dma_start3A_1649, %dma_start3A_1650, %dma_start3A_1651] : memref<2x4x125xi32, #tpu.memory_space<vmem>> -> memref<1x1x125xi32, #tpu.memory_space<vmem>>
      %dma_start3A_1653 = tpu.memref_squeeze %dma_start3A_1652 : memref<1x1x125xi32, #tpu.memory_space<vmem>> -> memref<125xi32, #tpu.memory_space<vmem>>
      %dma_start3A_1654 = arith.constant 0 : i32
      %dma_start3A_1655 = arith.constant 0 : i32
      %dma_start3A_1656 = tpu.memref_slice %arg3[%dma_start3A_1654, %dma_start3A_1655] : memref<10000x128xf32, #tpu.memory_space<hbm>> -> memref<10000x128xf32, #tpu.memory_space<hbm>>
      tpu.enqueue_indirect_dma source(%dma_start3A_1656 : memref<10000x128xf32, #tpu.memory_space<hbm>>) target(%arg11 : memref<125x128xf32, #tpu.memory_space<vmem>>) offsets(%dma_start3A_1653 : memref<125xi32, #tpu.memory_space<vmem>>) semaphore(%arg20 : memref<!tpu.dma_semaphore, #tpu.memory_space<semaphore_mem>>)
      %dma_wait3A_1657 = arith.constant 0 : i32
      %dma_wait3A_1658 = arith.constant 0 : i32
      %dma_wait3A_1659 = arith.constant 0 : i32
      %dma_wait3A_1660 = tpu.memref_slice %arg5[%dma_wait3A_1657, %dma_wait3A_1658, %dma_wait3A_1659] : memref<2x4x125xi32, #tpu.memory_space<vmem>> -> memref<1x1x125xi32, #tpu.memory_space<vmem>>
      %dma_wait3A_1661 = tpu.memref_squeeze %dma_wait3A_1660 : memref<1x1x125xi32, #tpu.memory_space<vmem>> -> memref<125xi32, #tpu.memory_space<vmem>>
      %dma_wait3A_1662 = arith.constant 0 : i32
      %dma_wait3A_1663 = arith.constant 0 : i32
      %dma_wait3A_1664 = tpu.memref_slice %arg3[%dma_wait3A_1662, %dma_wait3A_1663] : memref<10000x128xf32, #tpu.memory_space<hbm>> -> memref<10000x128xf32, #tpu.memory_space<hbm>>
      tpu.wait_indirect_dma semaphore(%arg19 : memref<!tpu.dma_semaphore, #tpu.memory_space<semaphore_mem>>) src(%dma_wait3A_1664 : memref<10000x128xf32, #tpu.memory_space<hbm>>) dst(%arg10 : memref<125x128xf32, #tpu.memory_space<vmem>>)
      %dma_start3A_1665 = arith.constant 1 : i32
      %dma_start3A_1666 = arith.constant 2 : i32
      %dma_start3A_1667 = arith.constant 0 : i32
      %dma_start3A_1668 = tpu.memref_slice %arg9[%dma_start3A_1665, %dma_start3A_1666, %dma_start3A_1667] : memref<2x4x125xi32, #tpu.memory_space<vmem>> -> memref<1x1x125xi32, #tpu.memory_space<vmem>>
      %dma_start3A_1669 = tpu.memref_squeeze %dma_start3A_1668 : memref<1x1x125xi32, #tpu.memory_space<vmem>> -> memref<125xi32, #tpu.memory_space<vmem>>
      %dma_start3A_1670 = arith.constant 0 : i32
      %dma_start3A_1671 = arith.constant 0 : i32
      %dma_start3A_1672 = tpu.memref_slice %arg13[%dma_start3A_1670, %dma_start3A_1671] : memref<10240x128xf32, #tpu.memory_space<vmem_shared>> -> memref<10240x128xf32, #tpu.memory_space<vmem_shared>>
      tpu.enqueue_indirect_dma source(%arg10 : memref<125x128xf32, #tpu.memory_space<vmem>>) target(%dma_start3A_1672 : memref<10240x128xf32, #tpu.memory_space<vmem_shared>>) offsets(%dma_start3A_1669 : memref<125xi32, #tpu.memory_space<vmem>>) semaphore(%arg21 : memref<!tpu.dma_semaphore, #tpu.memory_space<semaphore_mem>>) {add = true}
    }
    %scan3A_759 = arith.constant 4 : i32
    %dma_wait3A_760 = arith.constant 0 : i32
    %dma_wait3A_761 = arith.constant 0 : i32
    %dma_wait3A_762 = arith.constant 0 : i32
    %dma_wait3A_763 = tpu.memref_slice %arg5[%dma_wait3A_760, %dma_wait3A_761, %dma_wait3A_762] : memref<2x4x125xi32, #tpu.memory_space<vmem>> -> memref<1x1x125xi32, #tpu.memory_space<vmem>>
    %dma_wait3A_764 = tpu.memref_squeeze %dma_wait3A_763 : memref<1x1x125xi32, #tpu.memory_space<vmem>> -> memref<125xi32, #tpu.memory_space<vmem>>
    %dma_wait3A_765 = arith.constant 0 : i32
    %dma_wait3A_766 = arith.constant 0 : i32
    %dma_wait3A_767 = tpu.memref_slice %arg3[%dma_wait3A_765, %dma_wait3A_766] : memref<10000x128xf32, #tpu.memory_space<hbm>> -> memref<10000x128xf32, #tpu.memory_space<hbm>>
    tpu.wait_indirect_dma semaphore(%arg20 : memref<!tpu.dma_semaphore, #tpu.memory_space<semaphore_mem>>) src(%dma_wait3A_767 : memref<10000x128xf32, #tpu.memory_space<hbm>>) dst(%arg11 : memref<125x128xf32, #tpu.memory_space<vmem>>)
    %dma_start3A_768 = arith.constant 1 : i32
    %dma_start3A_769 = arith.constant 3 : i32
    %dma_start3A_770 = arith.constant 0 : i32
    %dma_start3A_771 = tpu.memref_slice %arg9[%dma_start3A_768, %dma_start3A_769, %dma_start3A_770] : memref<2x4x125xi32, #tpu.memory_space<vmem>> -> memref<1x1x125xi32, #tpu.memory_space<vmem>>
    %dma_start3A_772 = tpu.memref_squeeze %dma_start3A_771 : memref<1x1x125xi32, #tpu.memory_space<vmem>> -> memref<125xi32, #tpu.memory_space<vmem>>
    %dma_start3A_773 = arith.constant 0 : i32
    %dma_start3A_774 = arith.constant 0 : i32
    %dma_start3A_775 = tpu.memref_slice %arg13[%dma_start3A_773, %dma_start3A_774] : memref<10240x128xf32, #tpu.memory_space<vmem_shared>> -> memref<10240x128xf32, #tpu.memory_space<vmem_shared>>
    tpu.enqueue_indirect_dma source(%arg11 : memref<125x128xf32, #tpu.memory_space<vmem>>) target(%dma_start3A_775 : memref<10240x128xf32, #tpu.memory_space<vmem_shared>>) offsets(%dma_start3A_772 : memref<125xi32, #tpu.memory_space<vmem>>) semaphore(%arg22 : memref<!tpu.dma_semaphore, #tpu.memory_space<semaphore_mem>>) {add = true}
    %dma_wait3A_776 = arith.constant 1 : i32
    %dma_wait3A_777 = arith.constant 0 : i32
    %dma_wait3A_778 = arith.constant 0 : i32
    %dma_wait3A_779 = tpu.memref_slice %arg5[%dma_wait3A_776, %dma_wait3A_777, %dma_wait3A_778] : memref<2x4x125xi32, #tpu.memory_space<vmem>> -> memref<1x1x125xi32, #tpu.memory_space<vmem>>
    %dma_wait3A_780 = tpu.memref_squeeze %dma_wait3A_779 : memref<1x1x125xi32, #tpu.memory_space<vmem>> -> memref<125xi32, #tpu.memory_space<vmem>>
    %dma_wait3A_781 = arith.constant 0 : i32
    %dma_wait3A_782 = arith.constant 0 : i32
    %dma_wait3A_783 = tpu.memref_slice %arg13[%dma_wait3A_781, %dma_wait3A_782] : memref<10240x128xf32, #tpu.memory_space<vmem_shared>> -> memref<10240x128xf32, #tpu.memory_space<vmem_shared>>
    tpu.wait_indirect_dma semaphore(%arg21 : memref<!tpu.dma_semaphore, #tpu.memory_space<semaphore_mem>>) src(%arg10 : memref<125x128xf32, #tpu.memory_space<vmem>>) dst(%dma_wait3A_783 : memref<10240x128xf32, #tpu.memory_space<vmem_shared>>)
    %dma_wait3A_784 = arith.constant 1 : i32
    %dma_wait3A_785 = arith.constant 0 : i32
    %dma_wait3A_786 = arith.constant 0 : i32
    %dma_wait3A_787 = tpu.memref_slice %arg5[%dma_wait3A_784, %dma_wait3A_785, %dma_wait3A_786] : memref<2x4x125xi32, #tpu.memory_space<vmem>> -> memref<1x1x125xi32, #tpu.memory_space<vmem>>
    %dma_wait3A_788 = tpu.memref_squeeze %dma_wait3A_787 : memref<1x1x125xi32, #tpu.memory_space<vmem>> -> memref<125xi32, #tpu.memory_space<vmem>>
    %dma_wait3A_789 = arith.constant 0 : i32
    %dma_wait3A_790 = arith.constant 0 : i32
    %dma_wait3A_791 = tpu.memref_slice %arg13[%dma_wait3A_789, %dma_wait3A_790] : memref<10240x128xf32, #tpu.memory_space<vmem_shared>> -> memref<10240x128xf32, #tpu.memory_space<vmem_shared>>
    tpu.wait_indirect_dma semaphore(%arg22 : memref<!tpu.dma_semaphore, #tpu.memory_space<semaphore_mem>>) src(%arg11 : memref<125x128xf32, #tpu.memory_space<vmem>>) dst(%dma_wait3A_791 : memref<10240x128xf32, #tpu.memory_space<vmem_shared>>)
    %barrier3A_792 = arith.constant 0 : index
    tpu.barrier barrier_id(%barrier3A_792)
    %mul3A_793 = arith.constant 640 : i32
    %mul3A_794 = arith.muli %arg1, %mul3A_793 : i32
    %mul3A_795 = arith.constant 640 : i32
    %mul3A_796 = arith.muli %arg1, %mul3A_795 : i32
    "tpu.region"() ({
      %run_scoped3A = tpu.sem_alloc : memref<!tpu.dma_semaphore, #tpu.memory_space<semaphore_mem>>
      %dma_start3A_797 = arith.constant 0 : i32
      %dma_start3A_798 = tpu.memref_slice %arg4[%arg0, %mul3A_796, %dma_start3A_797] : memref<2x10240x128xf32, #tpu.memory_space<hbm>> -> memref<1x640x128xf32, #tpu.memory_space<hbm>>
      %dma_start3A_799 = tpu.memref_squeeze %dma_start3A_798 : memref<1x640x128xf32, #tpu.memory_space<hbm>> -> memref<640x128xf32, #tpu.memory_space<hbm>>
      %dma_start3A_800 = arith.constant 0 : i32
      %dma_start3A_801 = tpu.memref_slice %arg13[%mul3A_794, %dma_start3A_800] : memref<10240x128xf32, #tpu.memory_space<vmem_shared>> -> memref<640x128xf32, #tpu.memory_space<vmem_shared>>
      tpu.enqueue_dma source(%dma_start3A_801 : memref<640x128xf32, #tpu.memory_space<vmem_shared>>) target(%dma_start3A_799 : memref<640x128xf32, #tpu.memory_space<hbm>>) target_semaphore(%run_scoped3A : memref<!tpu.dma_semaphore, #tpu.memory_space<semaphore_mem>>)
      %dma_wait3A_802 = arith.constant 0 : i32
      %dma_wait3A_803 = tpu.memref_slice %arg4[%arg0, %mul3A_796, %dma_wait3A_802] : memref<2x10240x128xf32, #tpu.memory_space<hbm>> -> memref<1x640x128xf32, #tpu.memory_space<hbm>>
      %dma_wait3A_804 = tpu.memref_squeeze %dma_wait3A_803 : memref<1x640x128xf32, #tpu.memory_space<hbm>> -> memref<640x128xf32, #tpu.memory_space<hbm>>
      %dma_wait3A_805 = arith.constant 0 : i32
      %dma_wait3A_806 = tpu.memref_slice %arg13[%mul3A_794, %dma_wait3A_805] : memref<10240x128xf32, #tpu.memory_space<vmem_shared>> -> memref<640x128xf32, #tpu.memory_space<vmem_shared>>
      tpu.wait_dma2 semaphore(%run_scoped3A : memref<!tpu.dma_semaphore, #tpu.memory_space<semaphore_mem>>) src(%dma_wait3A_806 : memref<640x128xf32, #tpu.memory_space<vmem_shared>>) dst(%dma_wait3A_804 : memref<640x128xf32, #tpu.memory_space<hbm>>)
      tpu.yield
    }) : () -> ()
    return
  }
}

module attributes {stable_mosaic.version = 14 : i64} {
  func.func @self_body(%arg0: i32, %arg1: memref<1000x128xf32, #tpu.memory_space<vmem>>, %arg2: memref<128x128xf32, #tpu.memory_space<vmem>>, %arg3: memref<1x128xf32, #tpu.memory_space<vmem>>, %arg4: memref<1000x128xf32, #tpu.memory_space<vmem>>) attributes {dimension_semantics = [#tpu.dimension_semantics<arbitrary>], iteration_bounds = array<i64: 10>, scalar_prefetch = 0 : i64, scratch_operands = 0 : i64, tpu.core_type = #tpu.core_type<tc>, window_params = [{transform_indices = @transform_0, window_bounds = array<i64: 1000, 128>}, {pipeline_mode = #tpu.pipeline_mode<synchronous>, transform_indices = @transform_1, window_bounds = array<i64: 128, 128>}, {pipeline_mode = #tpu.pipeline_mode<synchronous>, transform_indices = @transform_2, window_bounds = array<i64: 1, 128>}, {transform_indices = @transform_3, window_bounds = array<i64: 1000, 128>}]} {
    %get3A = arith.constant 0 : index
    %get3A_0 = arith.constant 0 : index
    %get3A_1 = vector.load %arg1[%get3A, %get3A_0] : memref<1000x128xf32, #tpu.memory_space<vmem>>, vector<1000x128xf32>
    %get3A_2 = arith.constant 0 : index
    %get3A_3 = arith.constant 0 : index
    %get3A_4 = vector.load %arg2[%get3A_2, %get3A_3] : memref<128x128xf32, #tpu.memory_space<vmem>>, vector<128x128xf32>
    %dot_general3A = arith.constant dense<0.000000e+00> : vector<1000x128xf32>
    %dot_general3A_5 = tpu.matmul %get3A_1, %get3A_4, %dot_general3A {dimension_numbers = #tpu.dot_dimension_numbers<[1], [1], [0], [0], [0, 0, 1, 0], [], []>, transpose_lhs_hint = false} : vector<1000x128xf32>, vector<128x128xf32>, vector<1000x128xf32> -> vector<1000x128xf32>
    %get3A_6 = arith.constant 0 : index
    %get3A_7 = arith.constant 0 : index
    %get3A_8 = vector.load %arg3[%get3A_6, %get3A_7] : memref<1x128xf32, #tpu.memory_space<vmem>>, vector<1x128xf32>
    %add3A = vector.broadcast %get3A_8 : vector<1x128xf32> to vector<1000x128xf32>
    %add3A_9 = arith.addf %dot_general3A_5, %add3A : vector<1000x128xf32>
    %swap3A = arith.constant 0 : index
    %swap3A_10 = arith.constant 0 : index
    %swap3A_11 = vector.load %arg4[%swap3A, %swap3A_10] : memref<1000x128xf32, #tpu.memory_space<vmem>>, vector<1000x128xf32>
    tpu.vector_store %arg4[%swap3A, %swap3A_10], %add3A_9 {strides = array<i32>} : memref<1000x128xf32, #tpu.memory_space<vmem>>, vector<1000x128xf32>,
    return
  }
  func.func @transform_0(%arg0: i32) -> (i32, i32) {
    %c0_i32 = arith.constant 0 : i32
    %c0_i32_0 = arith.constant 0 : i32
    return %arg0, %c0_i32 : i32, i32
  }
  func.func @transform_1(%arg0: i32) -> (i32, i32) {
    %c0_i32 = arith.constant 0 : i32
    %c0_i32_0 = arith.constant 0 : i32
    %c0_i32_1 = arith.constant 0 : i32
    return %c0_i32, %c0_i32_0 : i32, i32
  }
  func.func @transform_2(%arg0: i32) -> (i32, i32) {
    %c0_i32 = arith.constant 0 : i32
    %c0_i32_0 = arith.constant 0 : i32
    %c0_i32_1 = arith.constant 0 : i32
    return %c0_i32, %c0_i32_0 : i32, i32
  }
  func.func @transform_3(%arg0: i32) -> (i32, i32) {
    %c0_i32 = arith.constant 0 : i32
    %c0_i32_0 = arith.constant 0 : i32
    return %arg0, %c0_i32 : i32, i32
  }
}

module attributes {stable_mosaic.version = 14 : i64} {
  func.func @combine_body(%arg0: i32, %arg1: memref<2x1000x128xf32, #tpu.memory_space<vmem>>, %arg2: memref<1000x128xf32, #tpu.memory_space<vmem>>, %arg3: memref<128x128xf32, #tpu.memory_space<vmem>>, %arg4: memref<1000x128xf32, #tpu.memory_space<vmem>>) attributes {dimension_semantics = [#tpu.dimension_semantics<arbitrary>], iteration_bounds = array<i64: 10>, scalar_prefetch = 0 : i64, scratch_operands = 0 : i64, tpu.core_type = #tpu.core_type<tc>, window_params = [{transform_indices = @transform_0, window_bounds = array<i64: 2, 1000, 128>}, {transform_indices = @transform_1, window_bounds = array<i64: 1000, 128>}, {pipeline_mode = #tpu.pipeline_mode<synchronous>, transform_indices = @transform_2, window_bounds = array<i64: 128, 128>}, {transform_indices = @transform_3, window_bounds = array<i64: 1000, 128>}]} {
    %get3A = arith.constant 0 : index
    %get3A_0 = arith.constant 0 : index
    %get3A_1 = arith.constant 0 : index
    %get3A_2 = vector.load %arg1[%get3A, %get3A_0, %get3A_1] : memref<2x1000x128xf32, #tpu.memory_space<vmem>>, vector<1x1000x128xf32>
    %get3A_3 = vector.shape_cast %get3A_2 : vector<1x1000x128xf32> to vector<1000x128xf32>
    %get3A_4 = arith.constant 1 : index
    %get3A_5 = arith.constant 0 : index
    %get3A_6 = arith.constant 0 : index
    %get3A_7 = vector.load %arg1[%get3A_4, %get3A_5, %get3A_6] : memref<2x1000x128xf32, #tpu.memory_space<vmem>>, vector<1x1000x128xf32>
    %get3A_8 = vector.shape_cast %get3A_7 : vector<1x1000x128xf32> to vector<1000x128xf32>
    %add3A = arith.addf %get3A_3, %get3A_8 : vector<1000x128xf32>
    %get3A_9 = arith.constant 0 : index
    %get3A_10 = arith.constant 0 : index
    %get3A_11 = vector.load %arg3[%get3A_9, %get3A_10] : memref<128x128xf32, #tpu.memory_space<vmem>>, vector<128x128xf32>
    %dot_general3A = arith.constant dense<0.000000e+00> : vector<1000x128xf32>
    %dot_general3A_12 = tpu.matmul %add3A, %get3A_11, %dot_general3A {dimension_numbers = #tpu.dot_dimension_numbers<[1], [1], [0], [0], [0, 0, 1, 0], [], []>, transpose_lhs_hint = false} : vector<1000x128xf32>, vector<128x128xf32>, vector<1000x128xf32> -> vector<1000x128xf32>
    %get3A_13 = arith.constant 0 : index
    %get3A_14 = arith.constant 0 : index
    %get3A_15 = vector.load %arg2[%get3A_13, %get3A_14] : memref<1000x128xf32, #tpu.memory_space<vmem>>, vector<1000x128xf32>
    %add3A_16 = arith.addf %dot_general3A_12, %get3A_15 : vector<1000x128xf32>
    %swap3A = arith.constant 0 : index
    %swap3A_17 = arith.constant 0 : index
    %swap3A_18 = vector.load %arg4[%swap3A, %swap3A_17] : memref<1000x128xf32, #tpu.memory_space<vmem>>, vector<1000x128xf32>
    tpu.vector_store %arg4[%swap3A, %swap3A_17], %add3A_16 {strides = array<i32>} : memref<1000x128xf32, #tpu.memory_space<vmem>>, vector<1000x128xf32>,
    return
  }
  func.func @transform_0(%arg0: i32) -> (i32, i32, i32) {
    %c0_i32 = arith.constant 0 : i32
    %c0_i32_0 = arith.constant 0 : i32
    %c0_i32_1 = arith.constant 0 : i32
    return %c0_i32, %arg0, %c0_i32_0 : i32, i32, i32
  }
  func.func @transform_1(%arg0: i32) -> (i32, i32) {
    %c0_i32 = arith.constant 0 : i32
    %c0_i32_0 = arith.constant 0 : i32
    return %arg0, %c0_i32 : i32, i32
  }
  func.func @transform_2(%arg0: i32) -> (i32, i32) {
    %c0_i32 = arith.constant 0 : i32
    %c0_i32_0 = arith.constant 0 : i32
    %c0_i32_1 = arith.constant 0 : i32
    return %c0_i32, %c0_i32_0 : i32, i32
  }
  func.func @transform_3(%arg0: i32) -> (i32, i32) {
    %c0_i32 = arith.constant 0 : i32
    %c0_i32_0 = arith.constant 0 : i32
    return %arg0, %c0_i32 : i32, i32
  }
}

</mosaic_0001>

<sc_bundles>
// kernel: kernel.5.cloned.1.call-start
scs
__scs_entry_jumppad:
0x0: {  	(pc) =	sbr.rel $0x88, $3  }
0x1: {  	(tag) =	ssettag $0x0;
	lr =	simm.s32 $0x1  }
0x2: {  	[smem:$0x3F9B] =	sst lr;
	_ =	strace $0xD0000000  }
0x3: {  	_ = 	snop  }
0x4: {  	_ = 	snop  }
0x5: {  	_ = 	snop  }
0x6: {  	_ = 	snop  }
0x7: {  	_ = 	snop  }
__scs_overlays_trampoline_lowered:
0x8: {  	[smem:$0x3FAA] =	sst s0  }
0x9: {  	[smem:$0x3FAB] =	sst s1  }
0xa: {  	[smem:$0x3FAC] =	sst s2  }
0xb: {  	[smem:$0x3FAD] =	sst s3  }
0xc: {  	[smem:$0x3FAE] =	sst s4  }
0xd: {  	[smem:$0x3FAF] =	sst s5  }
0xe: {  	[smem:$0x3FB0] =	sst s6  }
0xf: {  	[smem:$0x3FB1] =	sst s7  }
0x10: {  	[smem:$0x3FB2] =	sst s8  }
0x11: {  	[smem:$0x3FB3] =	sst s9;
	s0 =	simm.s32 @!p0 $0x0  }
0x12: {  	s1 =	sld [smem:$0x3F99];
	s0 =	simm.s32 @p0 $0x1  }
0x13: {  	[smem:$0x3FB4] =	sst s0;
	s0 =	simm.s32 @!p1 $0x0  }
0x14: {  	s2 =	sld [smem:$0x3F98];
	s0 =	simm.s32 @p1 $0x1  }
0x15: {  	[smem:$0x3FB5] =	sst s0;
	s0 =	simm.s32 @!p2 $0x0  }
0x16: {  	s3 =	sld [smem:$0x3FDB];
	s0 =	simm.s32 @p2 $0x1  }
0x17: {  	s4 =	simm.s32 $0x1BF5;
	[smem:$0x3FB7] =	sst s0  }
0x18: {  	s0 =	sld [smem:$0x3F9A];
	_ =	swait.ge [sflag:s4], $0x0  }
0x19: {  	s7 =	sld [smem:$0x3F9B]  }
0x1a: {  	s8 =	sadd.s32 $0xFFFFE003, lr  }
0x1b: {  	s9 =	sadd.s32 $0xFFFFFEF7, lr;
	s5 =	simm.s32 $0xFFFFFFFF;
	p2 =	slt.u32 s8, $0xFFFFF086  }
0x1c: {  	p1 =	slt.u32 s9, $0xF7A;
	s5 =	simm.s32 @!p2 $0x0  }
0x1d: {  	s5 =	simm.s32 @p1 $0x1;
	p0 =	seq.s32 s7, s2  }
0x1e: {  	s7 =	smul.u32 @!p0 $0xF7A, s2;
	p2 =	seq.s32 @!p0 s5, $0x0  }
0x1f: {  	s9 =	smul.u32 $0xF7A, s1;
	s8 =	simm.s32 @!p0 $0x1BF5;
	p2 =	por !p2, p0  }
0x20: {  	[sflag:s8] =	ssyncset.s32 @!p0 $0xFFFFF086;
	s6 =	sadd.s32 @!p0 s3, s7;
	s7 =	simm.s32 @!p0 $0x108  }
0x21: {  	s3 =	sadd.s32 s3, s9;
	s6 =	sadd.s32 @!p0 $0x88, s6;
	s7 =	simm.s32 @p2 $0x1082  }
0x22: {  	[simem:s7], [sflag:s8] =	dma.local @!p0 [hbm:s6], $0xF7A  }
0x23: {  	s9 =	sor.u32 $0xD0000000, s2;
	s6 =	simm.s32 $0x108;
	_ =	swait.ge @!p0 [sflag:s8], $0x0  }
0x24: {  	s3 =	sadd.s32 $0x88, s3;
	s6 =	simm.s32 @!p1 $0x1082;
	[sflag:s4] =	ssyncset.s32 $0xFFFFF086  }
0x25: {  	[simem:s6], [sflag:s4] =	dma.local [hbm:s3], $0xF7A  }
0x26: {  	[smem:$0x3F9B] =	sst s1;
	(tag) =	ssettag s2;
	_ =	strace s9  }
0x27: {  	s1 =	sld [smem:$0x3FAB]  }
0x28: {  	s2 =	sld [smem:$0x3FAC]  }
0x29: {  	s4 =	sld [smem:$0x3FAE]  }
0x2a: {  	p0 =	seq.s32 s5, $0x0;
	s5 =	sld [smem:$0x3FAF]  }
0x2b: {  	s6 =	sld [smem:$0x3FB0]  }
0x2c: {  	s7 =	sld [smem:$0x3FB1]  }
0x2d: {  	s3 =	simm.s32 $0x108;
	s8 =	sld [smem:$0x3FB2]  }
0x2e: {  	s3 =	simm.s32 @!p0 $0x1082;
	s9 =	sld [smem:$0x3FB3]  }
0x2f: {  	lr =	sadd.s32 s0, s3;
	s0 =	sld [smem:$0x3FAA]  }
0x30: {  	s3 =	sld [smem:$0x3FAD]  }
0x31: {  	[smem:$0x3FB6] =	sst s10  }
0x32: {  	s10 =	sld [smem:$0x3FB4];
	_ =	sdelay $0x3  }
0x33: {  	p0 =	seq.s32 s10, $0x1;
	s10 =	sld [smem:$0x3FB6];
	_ =	sdelay $0x3  }
0x34: {  	[smem:$0x3FB6] =	sst s10  }
0x35: {  	s10 =	sld [smem:$0x3FB5];
	_ =	sdelay $0x3  }
0x36: {  	p1 =	seq.s32 s10, $0x1;
	s10 =	sld [smem:$0x3FB6];
	_ =	sdelay $0x3  }
0x37: {  	[smem:$0x3FB6] =	sst s10  }
0x38: {  	s10 =	sld [smem:$0x3FB7]  }
0x39: {  	_ = 	snop;
	(pc) =	sbr.ind lr, $3  }
0x3a: {  	_ = 	snop  }
0x3b: {  	_ = 	snop  }
0x3c: {  	p2 =	seq.s32 s10, $0x1;
	s10 =	sld [smem:$0x3FB6]  }
0x3d: {  	_ =	shalt  }
0x3e: {  	_ =	shalt  }
0x3f: {  	_ =	shalt  }
0x40: {  	_ =	shalt  }
0x41: {  	_ =	shalt  }
0x42: {  	_ =	shalt  }
0x43: {  	_ =	shalt  }
0x44: {  	_ =	shalt  }
0x45: {  	_ =	shalt  }
0x46: {  	_ =	shalt  }
0x47: {  	_ =	shalt  }
0x48: {  	_ =	shalt  }
0x49: {  	_ =	shalt  }
0x4a: {  	_ =	shalt  }
0x4b: {  	_ =	shalt  }
0x4c: {  	_ =	shalt  }
0x4d: {  	_ =	shalt  }
0x4e: {  	_ =	shalt  }
0x4f: {  	_ =	shalt  }
0x50: {  	_ =	shalt  }
0x51: {  	_ =	shalt  }
0x52: {  	_ =	shalt  }
0x53: {  	_ =	shalt  }
0x54: {  	_ =	shalt  }
0x55: {  	_ =	shalt  }
0x56: {  	_ =	shalt  }
0x57: {  	_ =	shalt  }
0x58: {  	_ =	shalt  }
0x59: {  	_ =	shalt  }
0x5a: {  	_ =	shalt  }
0x5b: {  	_ =	shalt  }
0x5c: {  	_ =	shalt  }
0x5d: {  	_ =	shalt  }
0x5e: {  	_ =	shalt  }
0x5f: {  	_ =	shalt  }
0x60: {  	_ =	shalt  }
0x61: {  	_ =	shalt  }
0x62: {  	_ =	shalt  }
0x63: {  	_ =	shalt  }
0x64: {  	_ =	shalt  }
0x65: {  	_ =	shalt  }
0x66: {  	_ =	shalt  }
0x67: {  	_ =	shalt  }
0x68: {  	_ =	shalt  }
0x69: {  	_ =	shalt  }
0x6a: {  	_ =	shalt  }
0x6b: {  	_ =	shalt  }
0x6c: {  	_ =	shalt  }
0x6d: {  	_ =	shalt  }
0x6e: {  	_ =	shalt  }
0x6f: {  	_ =	shalt  }
0x70: {  	_ =	shalt  }
0x71: {  	_ =	shalt  }
0x72: {  	_ =	shalt  }
0x73: {  	_ =	shalt  }
0x74: {  	_ =	shalt  }
0x75: {  	_ =	shalt  }
0x76: {  	_ =	shalt  }
0x77: {  	_ =	shalt  }
0x78: {  	_ =	shalt  }
0x79: {  	_ =	shalt  }
0x7a: {  	_ =	shalt  }
0x7b: {  	_ =	shalt  }
0x7c: {  	_ =	shalt  }
0x7d: {  	_ =	shalt  }
0x7e: {  	_ =	shalt  }
0x7f: {  	_ =	shalt  }
0x80: {  	_ =	shalt  }
0x81: {  	_ =	shalt  }
0x82: {  	_ =	shalt  }
0x83: {  	_ =	shalt  }
0x84: {  	_ =	shalt  }
0x85: {  	_ =	shalt  }
0x86: {  	_ =	shalt  }
0x87: {  	_ =	shalt  }
.Lfunc_end0:
.L_simem_size_0:
called_computation_lowered:
.L_overlay_start_0:
0x88: {  	s2 =	sld [smem:$0x3FD9]  }
0x89: {  	s3 =	sld [smem:$0x3FFE];
	_ =	sdelay $0x1  }
0x8a: {  	s1 =	srdreg.scid  }
0x8b: {  	s0 =	sand.u32 $0x1, s1  }
0x8c: {  	s17 =	sshll.u32 s0, $0xA;
	s2 =	sadd.s32 s3, s2  }
0x8d: {  	s2 =	sadd.s32 s2, s17  }
0x8e: {  	[smem:$0x3FC2] =	sst s2  }
0x8f: {  	_ = 	snop  }
0x90: {  	s2 =	sld [smem:$0x3FC9]  }
0x91: {  	s18 =	sld [smem:$0x3FD0];
	(tm) =	ssettm $0x1  }
0x92: {  	s4 =	sld [smem:$0x3FFB];
	_ =	sdelay $0x3  }
0x93: {  	_ =	strace s4  }
0x94: {  	s4 =	sld [smem:$0x3FFC];
	_ =	sdelay $0x3  }
0x95: {  	_ =	strace s4  }
0x96: {  	s4 =	sld [smem:$0x3FFD];
	_ =	sdelay $0x3  }
0x97: {  	_ =	strace s4  }
0x98: {  	_ =	strace $0x8FFFFFFF  }
0x99: {  	s19 =	sld [smem:$0x3FDB];
	_ =	sdelay $0x1  }
0x9a: {  	s5 =	simm.s32 $_scs_section_size  }
0x9b: {  	s6 =	simm.s32 $_size__tile_overlayer_lowered;
	s7 =	simm.s32 $_tile_overlayer_lowered  }
0x9c: {  	s22 =	simm.s32 $0x1BFF;
	s21 =	sshll.u32 s7, $0x1;
	s4 =	sadd.s32 s5, s19  }
0x9d: {  	s8 =	simm.s32 $0x0;
	s20 =	sshll.u32 s6, $0x1;
	s6 =	sadd.s32 s21, s4  }
0x9e: {  	[timem:s8], [sflag:s22] =	dma.local [hbm:s6], s20  }
0x9f: {  	_ =	swait.ge [sflag:s22], s20  }
0xa0: {  	s5 =	ssub.s32 $0x0, s20;
	[sflag:s22] =	ssyncset.done $0x0  }
0xa1: {  	[sflag:s22] =	ssyncadd.s32 s5;
	_ =	sdelay $0x1  }
0xa2: {  	s23 =	simm.s32 $0x1B8B  }
0xa3: {  	_ =	swait.ge [sflag:s23], $0x1  }
0xa4: {  	[sflag:s23] =	ssyncset.done $0x0  }
0xa5: {  	s25 =	simm.s32 $0x1B8E;
	s24 =	sld [smem:$0x3FFE];
	[sflag:s23] =	ssyncadd.s32 $0xFFFFFFFF  }
0xa6: {  	s26 =	simm.s32 $execute0_lowered;
	[smem:$0x3FD2] =	sst s25  }
0xa7: {  	s6 =	sshll.u32 s26, $0x1;
	_ =	strace $0x80000046;
	[dreg:$0x1] =	wrdreg $0xFFFFFFFF  }
0xa8: {  	s28 =	simm.s32 $_size_execute0_lowered;
	s4 =	sadd.s32 s4, s6;
	[dreg:$0x0] =	wrdreg $0x0  }
0xa9: {  	s6 =	sshll.u32 s28, $0x1;
	[dreg:$0x2] =	wrdreg s4  }
0xaa: {  	[dreg:$0x3] =	wrdreg s6  }
0xab: {  	[dreg:$0x4] =	wrdreg $0xC0  }
0xac: {  	_ =	task [dreg:s8], $0x5FFFF  }
0xad: {  	[dreg:$0x1] =	wrdreg $0xFFFFFFFF  }
0xae: {  	[dreg:$0x0] =	wrdreg $0x60  }
0xaf: {  	[dreg:$0x2] =	wrdreg s18  }
0xb0: {  	[dreg:$0x3] =	wrdreg s2  }
0xb1: {  	[dreg:$0x4] =	wrdreg s24  }
0xb2: {  	[dreg:$0x5] =	wrdreg $0x9C000  }
0xb3: {  	[dreg:$0x6] =	wrdreg $0x9  }
0xb4: {  	_ =	task.clear_ibuf [dreg:s8], $0x7FFFF;
	_ =	strace $0x90000046  }
0xb5: {  	s29 =	simm.s32 $0x9;
	_ =	strace $0x80000048  }
0xb6: {  	_ =	swait.ge [sflag:s29], $0x1  }
0xb7: {  	[sflag:s29] =	ssyncadd.s32 $0xFFFFFFFF  }
0xb8: {  	_ =	strace $0x90000048  }
0xb9: {  	_ =	sfence  }
0xba: {  	s30 =	sld [smem:$0x0];
	_ =	sdelay $0x2  }
0xbb: {  	s31 =	sshll.u32 s1, $0xD;
	s1 =	sshrl.u32 s1, $0x2  }
0xbc: {  	s3 =	sand.u32 $0x4000, s31;
	s1 =	sadd.s32 s1, s30  }
0xbd: {  	s0 =	sor.u32 s3, s0;
	s1 =	sshll.u32 s1, $0x11  }
0xbe: {  	s0 =	sor.u32 s1, s0  }
0xbf: {  	s0 =	sadd.s32 $0x8F2B, s0  }
0xc0: {  	[sflag:s0] =	ssyncadd.remote.s32 $0x1  }
0xc1: {  	_ =	sfence.sel $0xFFFF  }
0xc2: {  	[dreg:$0x0] =	wrdreg $0xFFFFFFFF;
	(pc) =	sbr.abs _section_cstart, $3  }
0xc3: {  	[dreg:$0x1] =	wrdreg $0xFFFFFFFF  }
0xc4: {  	_ =	task.clear_ibuf [dreg:s8], $0x2FFFF;
	_ =	strace $0x9FFFFFFF  }
0xc5: {  	(tm) =	ssettm $0x7FFFFFFF  }
tec
execute0_lowered:
.L_overlay_start_1:
0x0: {  	(tag) =	ssettag $0x1  }
0x1: {  	s11 =	rddreg [dreg:$0x0]  }
0x2: {  	s0 =	srdreg.scid;
	s1 =	stileid.u32  }
0x3: {  	s2 =	rddreg [dreg:$0x1];
	s6 =	sand.u32 $0x1, s0;
	s7 =	smul.u32 $0x2800, s1  }
0x4: {  	s3 =	rddreg [dreg:$0x2];
	s0 =	smul.u32 $0x28000, s6  }
0x5: {  	s4 =	rddreg [dreg:$0x3];
	s5 =	simm.s32 $0x0  }
0x6: {  	[smem:$0x7FF] =	sst s5;
	s0 =	sadd.s32 s7, s0  }
0x7: {  	_ =	strace $0x80000047;
	s7 =	sadd.s32 $0x51000, s0;
	s8 =	sadd.s32 $0x1000, s0  }
0x8: {  	s9 =	sadd.s32 $0x50E00, s0;
	s16 =	sadd.s32 $0xE00, s0;
	s18 =	sadd.s32 $0x50C00, s0  }
0x9: {  	s19 =	sadd.s32 $0xC00, s0;
	s23 =	sadd.s32 $0x50A00, s0;
	s25 =	sadd.s32 $0x50800, s0  }
0xa: {  	s26 =	sadd.s32 $0x800, s0;
	s0 =	sadd.s32 $0xA00, s0;
	s7 =	sshrl.u32 s7, $0x3  }
0xb: {  	s17 =	sshrl.u32 s16, $0x3;
	s16 =	simm.s32 $0x80;
	[smem:$0x7DA] =	sst s0  }
0xc: {  	s21 =	sshrl.u32 s19, $0x3;
	s19 =	simm.s32 $0x180;
	[dreg:$0xe] =	wrdreg s16  }
0xd: {  	s8 =	sshrl.u32 s8, $0x3;
	s7 =	sadd.s32 s7, s11;
	[dreg:$0x11] =	wrdreg s19  }
0xe: {  	s14 =	sshrl.u32 s9, $0x3;
	s13 =	sadd.s32 s8, s11;
	[dreg:$0x5] =	wrdreg s7  }
0xf: {  	s15 =	sadd.s32 s14, s11;
	[dreg:$0x6] =	wrdreg s13  }
0x10: {  	s12 =	sshrl.u32 s26, $0x3;
	s22 =	sadd.s32 s21, s11;
	[dreg:$0x7] =	wrdreg s15  }
0x11: {  	s14 =	sadd.s32 s12, s11;
	[dreg:$0xa] =	wrdreg s22  }
0x12: {  	s8 =	sshrl.u32 s18, $0x3;
	s18 =	simm.s32 $0x280;
	[dreg:$0xd] =	wrdreg s14  }
0x13: {  	s12 =	simm.s32 $0x700;
	[dreg:$0x10] =	wrdreg s18  }
0x14: {  	s16 =	simm.s32 $0x900;
	[dreg:$0x18] =	wrdreg s12  }
0x15: {  	s7 =	sadd.s32 s17, s11;
	[dreg:$0x1b] =	wrdreg s16  }
0x16: {  	s20 =	sadd.s32 s8, s11;
	[dreg:$0x8] =	wrdreg s7  }
0x17: {  	s17 =	simm.s32 $0x100;
	[dreg:$0x9] =	wrdreg s20  }
0x18: {  	s22 =	simm.s32 $0x380;
	[dreg:$0xf] =	wrdreg s17  }
0x19: {  	s8 =	sshrl.u32 s25, $0x3;
	s25 =	simm.s32 $0x680;
	[dreg:$0x13] =	wrdreg s22  }
0x1a: {  	s26 =	smul.u32 $0x50000, s1;
	s14 =	simm.s32 $0x880;
	[dreg:$0x16] =	wrdreg s25  }
0x1b: {  	s18 =	simm.s32 $0xA80;
	[dreg:$0x1a] =	wrdreg s14  }
0x1c: {  	s9 =	sshrl.u32 s26, $0x2;
	s26 =	simm.s32 $0xC80;
	[dreg:$0x1c] =	wrdreg s18  }
0x1d: {  	s12 =	simm.s32 $0xD00;
	[smem:$0x7C5] =	sst s26  }
0x1e: {  	s24 =	sshrl.u32 s23, $0x3;
	s16 =	simm.s32 $0xD80;
	[smem:$0x7C7] =	sst s12  }
0x1f: {  	s7 =	sadd.s32 s24, s11;
	[smem:$0x7CB] =	sst s16  }
0x20: {  	s10 =	sadd.s32 s8, s11;
	[dreg:$0xb] =	wrdreg s7  }
0x21: {  	s20 =	simm.s32 $0x300;
	[dreg:$0xc] =	wrdreg s10  }
0x22: {  	s21 =	ssub.s32 $0x2, s6;
	s24 =	simm.s32 $0x500;
	[dreg:$0x12] =	wrdreg s20  }
0x23: {  	s13 =	smul.u32 $0x140000, s6;
	s22 =	simm.s32 $0xB00;
	[dreg:$0x15] =	wrdreg s24  }
0x24: {  	s15 =	smul.u32 $0x14000, s1;
	s14 =	simm.s32 $0xE80;
	[dreg:$0x1e] =	wrdreg s22  }
0x25: {  	s6 =	sshll.u32 s6, $0x4;
	s18 =	simm.s32 $0xF00;
	[smem:$0x7C9] =	sst s14  }
0x26: {  	s6 =	sor.u32 s1, s6;
	s1 =	simm.s32 $0x1180;
	[smem:$0x7CD] =	sst s18  }
0x27: {  	s9 =	sadd.s32 s9, s4;
	[smem:$0x7D5] =	sst s1  }
0x28: {  	s10 =	simm.s32 $0x480;
	[smem:$0x7FD] =	sst s9  }
0x29: {  	s8 =	sadd.s32 s15, s13;
	s13 =	simm.s32 $0x780;
	[dreg:$0x14] =	wrdreg s10  }
0x2a: {  	s15 =	sadd.s32 $0x800, s9;
	[dreg:$0x19] =	wrdreg s13  }
0x2b: {  	s17 =	sadd.s32 $0x1000, s9;
	[smem:$0x7BE] =	sst s15  }
0x2c: {  	s23 =	sshrl.u32 s21, $0x1;
	s19 =	sadd.s32 $0x1800, s9;
	[smem:$0x7BF] =	sst s17  }
0x2d: {  	s7 =	ssub.s32 s21, s23;
	s21 =	sadd.s32 $0x2000, s9;
	[smem:$0x7C0] =	sst s19  }
0x2e: {  	s20 =	simm.s32 $0x980;
	[smem:$0x7C1] =	sst s21  }
0x2f: {  	s23 =	sadd.s32 $0x2800, s9;
	[dreg:$0x1d] =	wrdreg s20  }
0x30: {  	s25 =	sadd.s32 $0x3000, s9;
	[smem:$0x7C2] =	sst s23  }
0x31: {  	s24 =	simm.s32 $0xB80;
	[smem:$0x7C3] =	sst s25  }
0x32: {  	s22 =	simm.s32 $0x1080;
	[dreg:$0x1f] =	wrdreg s24  }
0x33: {  	s26 =	sadd.s32 $0x7000, s9;
	[smem:$0x7D1] =	sst s22  }
0x34: {  	s12 =	sadd.s32 $0x7800, s9;
	[smem:$0x7D3] =	sst s26  }
0x35: {  	s14 =	sadd.s32 $0x8000, s9;
	[smem:$0x7D7] =	sst s12  }
0x36: {  	s16 =	sadd.s32 $0x9000, s9;
	[smem:$0x7DB] =	sst s14  }
0x37: {  	s18 =	sadd.s32 $0xA000, s9;
	[smem:$0x7DD] =	sst s16  }
0x38: {  	s10 =	simm.s32 $0x580;
	[smem:$0x7DF] =	sst s18  }
0x39: {  	s13 =	sadd.s32 $0x4000, s9;
	[dreg:$0x17] =	wrdreg s10  }
0x3a: {  	s15 =	sadd.s32 $0x4800, s9;
	[smem:$0x7C6] =	sst s13  }
0x3b: {  	s17 =	sadd.s32 $0x5000, s9;
	[smem:$0x7C8] =	sst s15  }
0x3c: {  	s19 =	sadd.s32 $0x5800, s9;
	[smem:$0x7CA] =	sst s17  }
0x3d: {  	s21 =	sadd.s32 $0x6000, s9;
	[smem:$0x7CC] =	sst s19  }
0x3e: {  	s20 =	simm.s32 $0xF80;
	[smem:$0x7CE] =	sst s21  }
0x3f: {  	s23 =	sadd.s32 $0x6800, s9;
	[smem:$0x7CF] =	sst s20  }
0x40: {  	s24 =	simm.s32 $0x1100;
	[smem:$0x7D0] =	sst s23  }
0x41: {  	s25 =	simm.s32 $0x1280;
	[smem:$0x7D2] =	sst s24  }
0x42: {  	s22 =	sadd.s32 $0xC000, s9;
	[smem:$0x7D4] =	sst s25  }
0x43: {  	s26 =	sadd.s32 $0xE000, s9;
	[smem:$0x7E3] =	sst s22  }
0x44: {  	s12 =	sadd.s32 $0x11000, s9;
	[smem:$0x7E7] =	sst s26  }
0x45: {  	s14 =	sadd.s32 $0x12000, s9;
	[smem:$0x7ED] =	sst s12  }
0x46: {  	s16 =	sadd.s32 $0x13000, s9;
	[smem:$0x7EF] =	sst s14  }
0x47: {  	s10 =	sadd.s32 $0x3800, s9;
	[smem:$0x7F1] =	sst s16  }
0x48: {  	s13 =	smax.u32 s7, $0x1;
	[smem:$0x7C4] =	sst s10  }
0x49: {  	s15 =	sadd.s32 $0x8800, s9;
	[smem:$0x7D9] =	sst s13  }
0x4a: {  	s17 =	sadd.s32 $0x9800, s9;
	[smem:$0x7DC] =	sst s15  }
0x4b: {  	s19 =	sadd.s32 $0xA800, s9;
	[smem:$0x7DE] =	sst s17  }
0x4c: {  	s20 =	sadd.s32 $0xB000, s9;
	[smem:$0x7E0] =	sst s19  }
0x4d: {  	s21 =	sadd.s32 $0xB800, s9;
	[smem:$0x7E1] =	sst s20  }
0x4e: {  	s23 =	sadd.s32 $0xC800, s9;
	[smem:$0x7E2] =	sst s21  }
0x4f: {  	s24 =	sadd.s32 $0xD000, s9;
	[smem:$0x7E4] =	sst s23  }
0x50: {  	s6 =	smul.u32 $0x2800, s6;
	s25 =	sadd.s32 $0xD800, s9;
	[smem:$0x7E5] =	sst s24  }
0x51: {  	s8 =	sshrl.u32 s8, $0x3;
	s7 =	sadd.s32 $0xF800, s9;
	[smem:$0x7E6] =	sst s25  }
0x52: {  	s3 =	sadd.s32 s8, s3;
	s8 =	sadd.s32 $0x10000, s9;
	[smem:$0x7EA] =	sst s7  }
0x53: {  	s10 =	simm.s32 $0x1300;
	[smem:$0x7EB] =	sst s8  }
0x54: {  	s6 =	sshrl.u32 s6, $0x3;
	s3 =	sadd.s32 $0x1600, s3;
	[smem:$0x7D6] =	sst s10  }
0x55: {  	s1 =	sadd.s32 s11, s6;
	s6 =	sadd.s32 $0xF000, s9;
	[smem:$0x7D8] =	sst s3  }
0x56: {  	s13 =	sadd.s32 $0x11800, s9;
	[smem:$0x7E9] =	sst s6  }
0x57: {  	s15 =	sadd.s32 $0x12800, s9;
	[smem:$0x7EE] =	sst s13  }
0x58: {  	s17 =	sadd.s32 $0x13800, s9;
	[smem:$0x7F0] =	sst s15  }
0x59: {  	[smem:$0x7F2] =	sst s17  }
0x5a: {  	s3 =	sadd.s32 $0xE800, s9;
	[smem:$0x7FB] =	sst s1  }
0x5b: {  	s10 =	sadd.s32 $0x10800, s9;
	[smem:$0x7E8] =	sst s3  }
0x5c: {  	s28 =	simm.s32 $0x7;
	s18 =	sadd.s32 $0xA000, s1;
	[smem:$0x7EC] =	sst s10  }
0x5d: {  	s29 =	simm.s32 $0x9;
	s19 =	sadd.s32 $0x40, s1;
	[smem:$0x7F3] =	sst s18  }
0x5e: {  	s30 =	simm.s32 $0x2;
	s20 =	sadd.s32 $0xA040, s1;
	[smem:$0x7F4] =	sst s19  }
0x5f: {  	s31 =	simm.s32 $0x3;
	s21 =	sadd.s32 $0x80, s1;
	[smem:$0x7F5] =	sst s20  }
0x60: {  	s0 =	simm.s32 $0x5;
	s22 =	sadd.s32 $0xA080, s1;
	[smem:$0x7F6] =	sst s21  }
0x61: {  	s12 =	simm.s32 $0x400;
	s23 =	sadd.s32 $0xC0, s1;
	[smem:$0x7F7] =	sst s22  }
0x62: {  	s14 =	simm.s32 $0x800;
	s24 =	sadd.s32 $0xA0C0, s1;
	[smem:$0x7F8] =	sst s23  }
0x63: {  	s16 =	simm.s32 $0xC00;
	s25 =	sadd.s32 $0x100, s1;
	[smem:$0x7F9] =	sst s24  }
0x64: {  	s26 =	sadd.s32 $0xA100, s1;
	s13 =	simm.s32 $0x600;
	[smem:$0x7FA] =	sst s25  }
0x65: {  	s15 =	simm.s32 $0xA00;
	s17 =	simm.s32 $0xE00;
	[smem:$0x7FC] =	sst s26  }
0x66: {  	s10 =	simm.s32 $0x200;
	s18 =	simm.s32 $0x1000;
	s19 =	simm.s32 $0x1200  }
0x67: {  	s20 =	simm.s32 $0x7D;
	s21 =	simm.s32 $0x5400;
	s23 =	simm.s32 $0x6  }
0x68: {  	v0 =	vimm.f32 $0.0e+00;
	s24 =	simm.s32 $0x1400;
	s26 =	simm.s32 $0x8;
	s3 =	simm.s32 $0x4  }
.LBB2_1:
0x69: {  	s6 =	simm.s32 $0x0;
	s7 =	simm.s32 $0x200  }
.LBB2_2:
0x6a: {  	p0 =	sne.s32 s7, $0x1E00;
	[tilespmem:s6+$0x9470] =	vst v0  }
0x6b: {  	[tilespmem:s6+$0x9400] =	vst v0  }
0x6c: {  	[tilespmem:s6+$0x9410] =	vst v0  }
.Ltmp0:
0x6d: {  	[tilespmem:s6+$0x9420] =	vst v0;
	(pc) =	sbr.rel @p0 .LBB2_2-.Ltmp0, $4  }
0x6e: {  	[tilespmem:s6+$0x9430] =	vst v0  }
0x6f: {  	[tilespmem:s6+$0x9440] =	vst v0  }
0x70: {  	[tilespmem:s6+$0x9450] =	vst v0  }
0x71: {  	[tilespmem:s6+$0x9460] =	vst v0;
	s6 =	sshra.s32 s7, $0x2;
	s7 =	sadd.s32 $0x200, s7  }
0x72: {  	[tilespmem:s6+$0x9470] =	vst v0  }
0x73: {  	[tilespmem:s6+$0x9400] =	vst v0  }
0x74: {  	[tilespmem:s6+$0x9410] =	vst v0  }
0x75: {  	[tilespmem:s6+$0x9420] =	vst v0  }
0x76: {  	[tilespmem:s6+$0x9430] =	vst v0  }
0x77: {  	[tilespmem:s6+$0x9440] =	vst v0  }
0x78: {  	[smem:$0x7BD] =	sst s5;
	[tilespmem:s6+$0x9450] =	vst v0  }
0x79: {  	[tilespmem:s6+$0x9460] =	vst v0;
	s5 =	simm.s32 $0x9400;
	s1 =	sld [smem:$0x7BE]  }
0x7a: {  	[spmem:s9] =	stream.linear.scatter [tilespmem:s5], [sflag:$0xA], $0x800, $0x38;
	[tilespmem:$0x1DC00] =	vst v63  }
0x7b: {  	s8 =	sld [smem:$0x7BF]  }
0x7c: {  	[spmem:s1] =	stream.linear.scatter [tilespmem:s5], [sflag:$0xA], $0x800, $0x38;
	[tilespmem:$0x1DC00] =	vst v63  }
0x7d: {  	s9 =	sld [smem:$0x7C0]  }
0x7e: {  	[spmem:s8] =	stream.linear.scatter [tilespmem:s5], [sflag:$0xA], $0x800, $0x38;
	[tilespmem:$0x1DC00] =	vst v63  }
0x7f: {  	s22 =	sld [smem:$0x7C1]  }
0x80: {  	[spmem:s9] =	stream.linear.scatter [tilespmem:s5], [sflag:$0xA], $0x800, $0x38;
	[tilespmem:$0x1DC00] =	vst v63  }
0x81: {  	s25 =	sld [smem:$0x7C2]  }
0x82: {  	[spmem:s22] =	stream.linear.scatter [tilespmem:s5], [sflag:$0xA], $0x800, $0x38;
	[tilespmem:$0x1DC00] =	vst v63  }
0x83: {  	s6 =	sld [smem:$0x7C3]  }
0x84: {  	[spmem:s25] =	stream.linear.scatter [tilespmem:s5], [sflag:$0xA], $0x800, $0x38;
	[tilespmem:$0x1DC00] =	vst v63  }
0x85: {  	s7 =	sld [smem:$0x7C4]  }
0x86: {  	[spmem:s6] =	stream.linear.scatter [tilespmem:s5], [sflag:$0xA], $0x800, $0x38;
	[tilespmem:$0x1DC00] =	vst v63  }
0x87: {  	s8 =	sld [smem:$0x7C6]  }
0x88: {  	[spmem:s7] =	stream.linear.scatter [tilespmem:s5], [sflag:$0xA], $0x800, $0x38;
	[tilespmem:$0x1DC00] =	vst v63  }
0x89: {  	s9 =	sld [smem:$0x7C8]  }
0x8a: {  	[spmem:s8] =	stream.linear.scatter [tilespmem:s5], [sflag:$0xA], $0x800, $0x38;
	[tilespmem:$0x1DC00] =	vst v63  }
0x8b: {  	s22 =	sld [smem:$0x7CA]  }
0x8c: {  	[spmem:s9] =	stream.linear.scatter [tilespmem:s5], [sflag:$0xA], $0x800, $0x38;
	[tilespmem:$0x1DC00] =	vst v63  }
0x8d: {  	s25 =	sld [smem:$0x7CC]  }
0x8e: {  	[spmem:s22] =	stream.linear.scatter [tilespmem:s5], [sflag:$0xA], $0x800, $0x38;
	[tilespmem:$0x1DC00] =	vst v63  }
0x8f: {  	s6 =	sld [smem:$0x7CE]  }
0x90: {  	[spmem:s25] =	stream.linear.scatter [tilespmem:s5], [sflag:$0xA], $0x800, $0x38;
	[tilespmem:$0x1DC00] =	vst v63  }
0x91: {  	s7 =	sld [smem:$0x7D0]  }
0x92: {  	[spmem:s6] =	stream.linear.scatter [tilespmem:s5], [sflag:$0xA], $0x800, $0x38;
	[tilespmem:$0x1DC00] =	vst v63  }
0x93: {  	s8 =	sld [smem:$0x7D3]  }
0x94: {  	[spmem:s7] =	stream.linear.scatter [tilespmem:s5], [sflag:$0xA], $0x800, $0x38;
	[tilespmem:$0x1DC00] =	vst v63  }
0x95: {  	s9 =	sld [smem:$0x7D7]  }
0x96: {  	[spmem:s8] =	stream.linear.scatter [tilespmem:s5], [sflag:$0xA], $0x800, $0x38;
	[tilespmem:$0x1DC00] =	vst v63  }
0x97: {  	s22 =	sld [smem:$0x7DB]  }
0x98: {  	[spmem:s9] =	stream.linear.scatter [tilespmem:s5], [sflag:$0xA], $0x800, $0x38;
	[tilespmem:$0x1DC00] =	vst v63  }
0x99: {  	s25 =	sld [smem:$0x7DC]  }
0x9a: {  	[spmem:s22] =	stream.linear.scatter [tilespmem:s5], [sflag:$0xA], $0x800, $0x38;
	[tilespmem:$0x1DC00] =	vst v63  }
0x9b: {  	s6 =	sld [smem:$0x7DD]  }
0x9c: {  	[spmem:s25] =	stream.linear.scatter [tilespmem:s5], [sflag:$0xA], $0x800, $0x38;
	[tilespmem:$0x1DC00] =	vst v63  }
0x9d: {  	s7 =	sld [smem:$0x7DE]  }
0x9e: {  	[spmem:s6] =	stream.linear.scatter [tilespmem:s5], [sflag:$0xA], $0x800, $0x38;
	[tilespmem:$0x1DC00] =	vst v63  }
0x9f: {  	s8 =	sld [smem:$0x7DF]  }
0xa0: {  	[spmem:s7] =	stream.linear.scatter [tilespmem:s5], [sflag:$0xA], $0x800, $0x38;
	[tilespmem:$0x1DC00] =	vst v63  }
0xa1: {  	s9 =	sld [smem:$0x7E0]  }
0xa2: {  	[spmem:s8] =	stream.linear.scatter [tilespmem:s5], [sflag:$0xA], $0x800, $0x38;
	[tilespmem:$0x1DC00] =	vst v63  }
0xa3: {  	s22 =	sld [smem:$0x7E1]  }
0xa4: {  	[spmem:s9] =	stream.linear.scatter [tilespmem:s5], [sflag:$0xA], $0x800, $0x38;
	[tilespmem:$0x1DC00] =	vst v63  }
0xa5: {  	s25 =	sld [smem:$0x7E2]  }
0xa6: {  	[spmem:s22] =	stream.linear.scatter [tilespmem:s5], [sflag:$0xA], $0x800, $0x38;
	[tilespmem:$0x1DC00] =	vst v63  }
0xa7: {  	s6 =	sld [smem:$0x7E3]  }
0xa8: {  	[spmem:s25] =	stream.linear.scatter [tilespmem:s5], [sflag:$0xA], $0x800, $0x38;
	[tilespmem:$0x1DC00] =	vst v63  }
0xa9: {  	s7 =	sld [smem:$0x7E4]  }
0xaa: {  	[spmem:s6] =	stream.linear.scatter [tilespmem:s5], [sflag:$0xA], $0x800, $0x38;
	[tilespmem:$0x1DC00] =	vst v63  }
0xab: {  	s8 =	sld [smem:$0x7E5]  }
0xac: {  	[spmem:s7] =	stream.linear.scatter [tilespmem:s5], [sflag:$0xA], $0x800, $0x38;
	[tilespmem:$0x1DC00] =	vst v63  }
0xad: {  	s9 =	sld [smem:$0x7E6]  }
0xae: {  	[spmem:s8] =	stream.linear.scatter [tilespmem:s5], [sflag:$0xA], $0x800, $0x38;
	[tilespmem:$0x1DC00] =	vst v63  }
0xaf: {  	s22 =	sld [smem:$0x7E7]  }
0xb0: {  	[spmem:s9] =	stream.linear.scatter [tilespmem:s5], [sflag:$0xA], $0x800, $0x38;
	[tilespmem:$0x1DC00] =	vst v63  }
0xb1: {  	s25 =	sld [smem:$0x7E8]  }
0xb2: {  	[spmem:s22] =	stream.linear.scatter [tilespmem:s5], [sflag:$0xA], $0x800, $0x38;
	[tilespmem:$0x1DC00] =	vst v63  }
0xb3: {  	s6 =	sld [smem:$0x7E9]  }
0xb4: {  	[spmem:s25] =	stream.linear.scatter [tilespmem:s5], [sflag:$0xA], $0x800, $0x38;
	[tilespmem:$0x1DC00] =	vst v63  }
0xb5: {  	s7 =	sld [smem:$0x7EA]  }
0xb6: {  	[spmem:s6] =	stream.linear.scatter [tilespmem:s5], [sflag:$0xA], $0x800, $0x38;
	[tilespmem:$0x1DC00] =	vst v63  }
0xb7: {  	s8 =	sld [smem:$0x7EB]  }
0xb8: {  	[spmem:s7] =	stream.linear.scatter [tilespmem:s5], [sflag:$0xA], $0x800, $0x38;
	[tilespmem:$0x1DC00] =	vst v63  }
0xb9: {  	s9 =	sld [smem:$0x7EC]  }
0xba: {  	[spmem:s8] =	stream.linear.scatter [tilespmem:s5], [sflag:$0xA], $0x800, $0x38;
	[tilespmem:$0x1DC00] =	vst v63  }
0xbb: {  	s22 =	sld [smem:$0x7ED]  }
0xbc: {  	[spmem:s9] =	stream.linear.scatter [tilespmem:s5], [sflag:$0xA], $0x800, $0x38;
	[tilespmem:$0x1DC00] =	vst v63  }
0xbd: {  	s25 =	sld [smem:$0x7EE]  }
0xbe: {  	[spmem:s22] =	stream.linear.scatter [tilespmem:s5], [sflag:$0xA], $0x800, $0x38;
	[tilespmem:$0x1DC00] =	vst v63  }
0xbf: {  	s6 =	sld [smem:$0x7EF]  }
0xc0: {  	[spmem:s25] =	stream.linear.scatter [tilespmem:s5], [sflag:$0xA], $0x800, $0x38;
	[tilespmem:$0x1DC00] =	vst v63  }
0xc1: {  	s7 =	sld [smem:$0x7F0]  }
0xc2: {  	[spmem:s6] =	stream.linear.scatter [tilespmem:s5], [sflag:$0xA], $0x800, $0x38;
	[tilespmem:$0x1DC00] =	vst v63  }
0xc3: {  	s8 =	sld [smem:$0x7F1]  }
0xc4: {  	[spmem:s7] =	stream.linear.scatter [tilespmem:s5], [sflag:$0xA], $0x800, $0x38;
	[tilespmem:$0x1DC00] =	vst v63  }
0xc5: {  	s9 =	sld [smem:$0x7F2]  }
0xc6: {  	[spmem:s8] =	stream.linear.scatter [tilespmem:s5], [sflag:$0xA], $0x800, $0x38;
	[tilespmem:$0x1DC00] =	vst v63  }
0xc7: {  	s22 =	simm.s32 $0xA  }
0xc8: {  	[spmem:s9] =	stream.linear.scatter [tilespmem:s5], [sflag:$0xA], $0x800, $0x38;
	[tilespmem:$0x1DC00] =	vst v63  }
0xc9: {  	_ =	swait.ge [sflag:s22], $0x800  }
0xca: {  	[sflag:s22] =	ssyncset.done $0x0  }
0xcb: {  	[sflag:s22] =	ssyncadd.s32 $0xFFFFF800  }
0xcc: {  	_ =	swait.ge [sflag:s22], $0x800  }
0xcd: {  	[sflag:s22] =	ssyncset.done $0x0  }
0xce: {  	[sflag:s22] =	ssyncadd.s32 $0xFFFFF800  }
0xcf: {  	_ =	swait.ge [sflag:s22], $0x800  }
0xd0: {  	[sflag:s22] =	ssyncset.done $0x0  }
0xd1: {  	[sflag:s22] =	ssyncadd.s32 $0xFFFFF800  }
0xd2: {  	_ =	swait.ge [sflag:s22], $0x800  }
0xd3: {  	[sflag:s22] =	ssyncset.done $0x0  }
0xd4: {  	[sflag:s22] =	ssyncadd.s32 $0xFFFFF800  }
0xd5: {  	_ =	swait.ge [sflag:s22], $0x800  }
0xd6: {  	[sflag:s22] =	ssyncset.done $0x0  }
0xd7: {  	[sflag:s22] =	ssyncadd.s32 $0xFFFFF800  }
0xd8: {  	_ =	swait.ge [sflag:s22], $0x800  }
0xd9: {  	[sflag:s22] =	ssyncset.done $0x0  }
0xda: {  	[sflag:s22] =	ssyncadd.s32 $0xFFFFF800  }
0xdb: {  	_ =	swait.ge [sflag:s22], $0x800  }
0xdc: {  	[sflag:s22] =	ssyncset.done $0x0  }
0xdd: {  	[sflag:s22] =	ssyncadd.s32 $0xFFFFF800  }
0xde: {  	_ =	swait.ge [sflag:s22], $0x800  }
0xdf: {  	[sflag:s22] =	ssyncset.done $0x0  }
0xe0: {  	[sflag:s22] =	ssyncadd.s32 $0xFFFFF800  }
0xe1: {  	_ =	swait.ge [sflag:s22], $0x800  }
0xe2: {  	[sflag:s22] =	ssyncset.done $0x0  }
0xe3: {  	[sflag:s22] =	ssyncadd.s32 $0xFFFFF800  }
0xe4: {  	_ =	swait.ge [sflag:s22], $0x800  }
0xe5: {  	[sflag:s22] =	ssyncset.done $0x0  }
0xe6: {  	[sflag:s22] =	ssyncadd.s32 $0xFFFFF800  }
0xe7: {  	_ =	swait.ge [sflag:s22], $0x800  }
0xe8: {  	[sflag:s22] =	ssyncset.done $0x0  }
0xe9: {  	[sflag:s22] =	ssyncadd.s32 $0xFFFFF800  }
0xea: {  	_ =	swait.ge [sflag:s22], $0x800  }
0xeb: {  	[sflag:s22] =	ssyncset.done $0x0  }
0xec: {  	[sflag:s22] =	ssyncadd.s32 $0xFFFFF800  }
0xed: {  	_ =	swait.ge [sflag:s22], $0x800  }
0xee: {  	[sflag:s22] =	ssyncset.done $0x0  }
0xef: {  	[sflag:s22] =	ssyncadd.s32 $0xFFFFF800  }
0xf0: {  	_ =	swait.ge [sflag:s22], $0x800  }
0xf1: {  	[sflag:s22] =	ssyncset.done $0x0  }
0xf2: {  	[sflag:s22] =	ssyncadd.s32 $0xFFFFF800  }
0xf3: {  	_ =	swait.ge [sflag:s22], $0x800  }
0xf4: {  	[sflag:s22] =	ssyncset.done $0x0  }
0xf5: {  	[sflag:s22] =	ssyncadd.s32 $0xFFFFF800  }
0xf6: {  	_ =	swait.ge [sflag:s22], $0x800  }
0xf7: {  	[sflag:s22] =	ssyncset.done $0x0  }
0xf8: {  	[sflag:s22] =	ssyncadd.s32 $0xFFFFF800  }
0xf9: {  	_ =	swait.ge [sflag:s22], $0x800  }
0xfa: {  	[sflag:s22] =	ssyncset.done $0x0  }
0xfb: {  	[sflag:s22] =	ssyncadd.s32 $0xFFFFF800  }
0xfc: {  	_ =	swait.ge [sflag:s22], $0x800  }
0xfd: {  	[sflag:s22] =	ssyncset.done $0x0  }
0xfe: {  	[sflag:s22] =	ssyncadd.s32 $0xFFFFF800  }
0xff: {  	_ =	swait.ge [sflag:s22], $0x800  }
0x100: {  	[sflag:s22] =	ssyncset.done $0x0  }
0x101: {  	[sflag:s22] =	ssyncadd.s32 $0xFFFFF800  }
0x102: {  	_ =	swait.ge [sflag:s22], $0x800  }
0x103: {  	[sflag:s22] =	ssyncset.done $0x0  }
0x104: {  	[sflag:s22] =	ssyncadd.s32 $0xFFFFF800  }
0x105: {  	_ =	swait.ge [sflag:s22], $0x800  }
0x106: {  	[sflag:s22] =	ssyncset.done $0x0  }
0x107: {  	[sflag:s22] =	ssyncadd.s32 $0xFFFFF800  }
0x108: {  	_ =	swait.ge [sflag:s22], $0x800  }
0x109: {  	[sflag:s22] =	ssyncset.done $0x0  }
0x10a: {  	[sflag:s22] =	ssyncadd.s32 $0xFFFFF800  }
0x10b: {  	_ =	swait.ge [sflag:s22], $0x800  }
0x10c: {  	[sflag:s22] =	ssyncset.done $0x0  }
0x10d: {  	[sflag:s22] =	ssyncadd.s32 $0xFFFFF800  }
0x10e: {  	_ =	swait.ge [sflag:s22], $0x800  }
0x10f: {  	[sflag:s22] =	ssyncset.done $0x0  }
0x110: {  	[sflag:s22] =	ssyncadd.s32 $0xFFFFF800  }
0x111: {  	_ =	swait.ge [sflag:s22], $0x800  }
0x112: {  	[sflag:s22] =	ssyncset.done $0x0  }
0x113: {  	[sflag:s22] =	ssyncadd.s32 $0xFFFFF800  }
0x114: {  	_ =	swait.ge [sflag:s22], $0x800  }
0x115: {  	[sflag:s22] =	ssyncset.done $0x0  }
0x116: {  	[sflag:s22] =	ssyncadd.s32 $0xFFFFF800  }
0x117: {  	_ =	swait.ge [sflag:s22], $0x800  }
0x118: {  	[sflag:s22] =	ssyncset.done $0x0  }
0x119: {  	[sflag:s22] =	ssyncadd.s32 $0xFFFFF800  }
0x11a: {  	_ =	swait.ge [sflag:s22], $0x800  }
0x11b: {  	[sflag:s22] =	ssyncset.done $0x0  }
0x11c: {  	[sflag:s22] =	ssyncadd.s32 $0xFFFFF800  }
0x11d: {  	_ =	swait.ge [sflag:s22], $0x800  }
0x11e: {  	[sflag:s22] =	ssyncset.done $0x0  }
0x11f: {  	[sflag:s22] =	ssyncadd.s32 $0xFFFFF800  }
0x120: {  	_ =	swait.ge [sflag:s22], $0x800  }
0x121: {  	[sflag:s22] =	ssyncset.done $0x0  }
0x122: {  	[sflag:s22] =	ssyncadd.s32 $0xFFFFF800  }
0x123: {  	_ =	swait.ge [sflag:s22], $0x800  }
0x124: {  	[sflag:s22] =	ssyncset.done $0x0  }
0x125: {  	[sflag:s22] =	ssyncadd.s32 $0xFFFFF800  }
0x126: {  	_ =	swait.ge [sflag:s22], $0x800  }
0x127: {  	[sflag:s22] =	ssyncset.done $0x0  }
0x128: {  	[sflag:s22] =	ssyncadd.s32 $0xFFFFF800  }
0x129: {  	_ =	swait.ge [sflag:s22], $0x800  }
0x12a: {  	[sflag:s22] =	ssyncset.done $0x0  }
0x12b: {  	[sflag:s22] =	ssyncadd.s32 $0xFFFFF800  }
0x12c: {  	_ =	swait.ge [sflag:s22], $0x800  }
0x12d: {  	[sflag:s22] =	ssyncset.done $0x0  }
0x12e: {  	[sflag:s22] =	ssyncadd.s32 $0xFFFFF800  }
0x12f: {  	_ =	swait.ge [sflag:s22], $0x800  }
0x130: {  	[sflag:s22] =	ssyncset.done $0x0  }
0x131: {  	[sflag:s22] =	ssyncadd.s32 $0xFFFFF800  }
0x132: {  	_ =	swait.ge [sflag:s22], $0x800  }
0x133: {  	[sflag:s22] =	ssyncset.done $0x0  }
0x134: {  	[sflag:s22] =	ssyncadd.s32 $0xFFFFF800  }
0x135: {  	_ =	swait.ge [sflag:s22], $0x800  }
0x136: {  	[sflag:s22] =	ssyncset.done $0x0  }
0x137: {  	[sflag:s22] =	ssyncadd.s32 $0xFFFFF800  }
0x138: {  	_ =	swait.ge [sflag:s22], $0x800  }
0x139: {  	[sflag:s22] =	ssyncset.done $0x0  }
0x13a: {  	[sflag:s22] =	ssyncadd.s32 $0xFFFFF800  }
0x13b: {  	_ =	swait.ge [sflag:s22], $0x800  }
0x13c: {  	[sflag:s22] =	ssyncset.done $0x0  }
0x13d: {  	[sflag:s22] =	ssyncadd.s32 $0xFFFFF800  }
0x13e: {  	_ =	swait.ge [sflag:s22], $0x800  }
0x13f: {  	[sflag:s22] =	ssyncset.done $0x0  }
0x140: {  	[sflag:s22] =	ssyncadd.s32 $0xFFFFF800  }
0x141: {  	[bflag:$0x0] =	sbarrier.arrive $0xFFFF  }
0x142: {  	s25 =	sld [smem:$0x7FB];
	_ =	sdelay $0x1  }
0x143: {  	s6 =	simm.s32 $0x0;
	s5 =	sld [smem:$0x7F3]  }
0x144: {  	[tilespmem:s6], [sflag:$0x1] =	stream.linear.gather [hbm4b:s25+s6], $0x200, $0x38;
	[tilespmem:$0x1DC00] =	vst v63  }
0x145: {  	s7 =	sld [smem:$0x7F4]  }
0x146: {  	[tilespmem:s10], [sflag:$0x1] =	stream.linear.gather [hbm4b:s5+s6], $0x200, $0x38;
	[tilespmem:$0x1DC00] =	vst v63  }
0x147: {  	s8 =	sld [smem:$0x7F5]  }
0x148: {  	[tilespmem:s12], [sflag:$0x2] =	stream.linear.gather [hbm4b:s7+s6], $0x200, $0x38;
	[tilespmem:$0x1DC00] =	vst v63  }
0x149: {  	s9 =	sld [smem:$0x7F6]  }
0x14a: {  	[tilespmem:s13], [sflag:$0x2] =	stream.linear.gather [hbm4b:s8+s6], $0x200, $0x38;
	[tilespmem:$0x1DC00] =	vst v63  }
0x14b: {  	s22 =	sld [smem:$0x7F7]  }
0x14c: {  	[tilespmem:s14], [sflag:$0x3] =	stream.linear.gather [hbm4b:s9+s6], $0x200, $0x38;
	[tilespmem:$0x1DC00] =	vst v63  }
0x14d: {  	s25 =	sld [smem:$0x7F8]  }
0x14e: {  	[tilespmem:s15], [sflag:$0x3] =	stream.linear.gather [hbm4b:s22+s6], $0x200, $0x38;
	[tilespmem:$0x1DC00] =	vst v63  }
0x14f: {  	s5 =	sld [smem:$0x7F9]  }
0x150: {  	[tilespmem:s16], [sflag:$0x4] =	stream.linear.gather [hbm4b:s25+s6], $0x200, $0x38;
	[tilespmem:$0x1DC00] =	vst v63  }
0x151: {  	s7 =	sld [smem:$0x7FA]  }
0x152: {  	[tilespmem:s17], [sflag:$0x4] =	stream.linear.gather [hbm4b:s5+s6], $0x200, $0x38;
	[tilespmem:$0x1DC00] =	vst v63  }
0x153: {  	p0 =	por $0x1, $0x1;
	s8 =	sld [smem:$0x7FC]  }
0x154: {  	[tilespmem:s18], [sflag:$0x5] =	stream.linear.gather [hbm4b:s7+s6], $0x200, $0x38;
	[tilespmem:$0x1DC00] =	vst v63  }
0x155: {  	p0 =	por p0, p0  }
0x156: {  	[tilespmem:s19], [sflag:$0x5] =	stream.linear.gather [hbm4b:s8+s6], $0x200, $0x38;
	[tilespmem:$0x1DC00] =	vst v63  }
0x157: {  	s6 =	simm.s32 @p0 $0x1  }
0x158: {  	_ =	swait.ge @p0 [sflag:s6], $0x200  }
0x159: {  	[sflag:s6] =	ssyncset.done @p0 $0x0  }
0x15a: {  	[sflag:s6] =	ssyncadd.s32 @p0 $0xFFFFFE00  }
0x15b: {  	_ =	swait.ge @p0 [sflag:s6], $0x200  }
0x15c: {  	s22 =	simm.s32 @p0 $0x0;
	s7 =	simm.s32 @p0 $0x1400;
	[sflag:s6] =	ssyncset.done @p0 $0x0  }
0x15d: {  	s8 =	simm.s32 @!p0 $0x8;
	[sflag:s6] =	ssyncadd.s32 @p0 $0xFFFFFE00;
	s6 =	simm.s32 @p0 $0x7D  }
0x15e: {  	[tilespmem:s7], [sflag:$0x6] =	stream.indirect.gather @p0 [hbm4b:s2+s6], $0x80, s22, s6, $0xb8;
	[tilespmem:$0x1DC00] =	vst v63  }
0x15f: {  	_ =	swait.ge @!p0 [sflag:s8], $0x3E80  }
0x160: {  	[sflag:s8] =	ssyncset.done @!p0 $0x0  }
0x161: {  	s6 =	simm.s32 @!p0 $0x1;
	[sflag:s8] =	ssyncadd.s32 @!p0 $0xFFFFC180  }
0x162: {  	_ =	swait.ge @!p0 [sflag:s6], $0x200  }
0x163: {  	[sflag:s6] =	ssyncset.done @!p0 $0x0  }
0x164: {  	[sflag:s6] =	ssyncadd.s32 @!p0 $0xFFFFFE00  }
0x165: {  	_ =	swait.ge @!p0 [sflag:s6], $0x200  }
0x166: {  	s7 =	simm.s32 @!p0 $0x1400;
	s22 =	simm.s32 @!p0 $0x0;
	[sflag:s6] =	ssyncset.done @!p0 $0x0  }
0x167: {  	s8 =	simm.s32 @!p0 $0x7;
	[sflag:s6] =	ssyncadd.s32 @!p0 $0xFFFFFE00;
	s6 =	simm.s32 @!p0 $0x7D  }
0x168: {  	[tilespmem:s7], [sflag:$0x6] =	stream.indirect.gather @!p0 [hbm4b:s2+s6], $0x80, s22, s6, $0xb8;
	[tilespmem:$0x1DC00] =	vst v63  }
0x169: {  	_ =	swait.ge @!p0 [sflag:s8], $0x3E80  }
0x16a: {  	[sflag:s8] =	ssyncset.done @!p0 $0x0  }
0x16b: {  	s7 =	simm.s32 @!p0 $0x1380;
	[sflag:s8] =	ssyncadd.s32 @!p0 $0xFFFFC180;
	s8 =	simm.s32 @!p0 $0x5400  }
0x16c: {  	[spmem:s4] =	stream.indirect.scatter.add.f32 @!p0 [tilespmem:s8], [sflag:$0x9], $0x80, s7, s6, $0xb8;
	[tilespmem:$0x1DC00] =	vst v63  }
0x16d: {  	s6 =	simm.s32 @!p0 $0x9  }
0x16e: {  	_ =	swait.ge @!p0 [sflag:s6], $0x3E80  }
0x16f: {  	[sflag:s6] =	ssyncset.done @!p0 $0x0  }
0x170: {  	s9 =	rddreg [dreg:$0xe];
	[sflag:s6] =	ssyncadd.s32 @!p0 $0xFFFFC180  }
0x171: {  	[tilespmem:s21], [sflag:$0x7] =	stream.indirect.gather [hbm4b:s2+s20], $0x80, s9, s20, $0xb8;
	[tilespmem:$0x1DC00] =	vst v63  }
0x172: {  	_ =	swait.ge [sflag:s23], $0x3E80  }
0x173: {  	[sflag:s23] =	ssyncset.done $0x0  }
0x174: {  	s6 =	rddreg [dreg:$0xd];
	[sflag:s23] =	ssyncadd.s32 $0xFFFFC180  }
0x175: {  	[spmem:s4] =	stream.indirect.scatter.add.f32 [tilespmem:s24], [sflag:$0x8], $0x80, s10, s20, $0xb8;
	[tilespmem:$0x1DC00] =	vst v63  }
0x176: {  	s8 =	simm.s32 @!p0 $0x1000;
	s7 =	rddreg [dreg:$0xc];
	s6 =	sadd.s32 @!p0 $0x0, s6  }
0x177: {  	[tilespmem:s8], [sflag:$0x5] =	stream.linear.gather @!p0 [hbm4b:s6+s22], $0x200, $0x38;
	[tilespmem:$0x1DC00] =	vst v63  }
0x178: {  	s6 =	sadd.s32 @!p0 $0x0, s7;
	s7 =	simm.s32 @!p0 $0x1200  }
0x179: {  	[tilespmem:s7], [sflag:$0x5] =	stream.linear.gather @!p0 [hbm4b:s6+s22], $0x200, $0x38;
	[tilespmem:$0x1DC00] =	vst v63  }
0x17a: {  	_ =	swait.ge [sflag:s26], $0x3E80  }
0x17b: {  	[sflag:s26] =	ssyncset.done $0x0  }
0x17c: {  	s22 =	rddreg [dreg:$0xf];
	[sflag:s26] =	ssyncadd.s32 $0xFFFFC180  }
0x17d: {  	[tilespmem:s24], [sflag:$0x6] =	stream.indirect.gather [hbm4b:s2+s20], $0x80, s22, s20, $0xb8;
	[tilespmem:$0x1DC00] =	vst v63  }
0x17e: {  	_ =	swait.ge [sflag:s28], $0x3E80  }
0x17f: {  	[sflag:s28] =	ssyncset.done $0x0  }
0x180: {  	s25 =	rddreg [dreg:$0x10];
	[sflag:s28] =	ssyncadd.s32 $0xFFFFC180  }
0x181: {  	[spmem:s4] =	stream.indirect.scatter.add.f32 [tilespmem:s21], [sflag:$0x9], $0x80, s25, s20, $0xb8;
	[tilespmem:$0x1DC00] =	vst v63  }
0x182: {  	_ =	swait.ge [sflag:s29], $0x3E80  }
0x183: {  	[sflag:s29] =	ssyncset.done $0x0  }
0x184: {  	s1 =	rddreg [dreg:$0x11];
	[sflag:s29] =	ssyncadd.s32 $0xFFFFC180  }
0x185: {  	[tilespmem:s21], [sflag:$0x7] =	stream.indirect.gather [hbm4b:s2+s20], $0x80, s1, s20, $0xb8;
	[tilespmem:$0x1DC00] =	vst v63  }
0x186: {  	_ =	swait.ge [sflag:s23], $0x3E80  }
0x187: {  	[sflag:s23] =	ssyncset.done $0x0  }
0x188: {  	s5 =	rddreg [dreg:$0x12];
	[sflag:s23] =	ssyncadd.s32 $0xFFFFC180  }
0x189: {  	[spmem:s4] =	stream.indirect.scatter.add.f32 [tilespmem:s24], [sflag:$0x8], $0x80, s5, s20, $0xb8;
	[tilespmem:$0x1DC00] =	vst v63  }
0x18a: {  	_ =	swait.ge [sflag:s26], $0x3E80  }
0x18b: {  	[sflag:s26] =	ssyncset.done $0x0  }
0x18c: {  	[sflag:s26] =	ssyncadd.s32 $0xFFFFC180  }
0x18d: {  	_ =	swait.ge [sflag:s30], $0x200  }
0x18e: {  	[sflag:s30] =	ssyncset.done $0x0  }
0x18f: {  	[sflag:s30] =	ssyncadd.s32 $0xFFFFFE00  }
0x190: {  	_ =	swait.ge [sflag:s30], $0x200  }
0x191: {  	[sflag:s30] =	ssyncset.done $0x0  }
0x192: {  	[sflag:s30] =	ssyncadd.s32 $0xFFFFFE00  }
0x193: {  	[tilespmem:s24], [sflag:$0x6] =	stream.indirect.gather [hbm4b:s2+s20], $0x80, s12, s20, $0xb8;
	[tilespmem:$0x1DC00] =	vst v63  }
0x194: {  	_ =	swait.ge [sflag:s28], $0x3E80  }
0x195: {  	[sflag:s28] =	ssyncset.done $0x0  }
0x196: {  	s7 =	rddreg [dreg:$0x13];
	[sflag:s28] =	ssyncadd.s32 $0xFFFFC180  }
0x197: {  	[spmem:s4] =	stream.indirect.scatter.add.f32 [tilespmem:s21], [sflag:$0x9], $0x80, s7, s20, $0xb8;
	[tilespmem:$0x1DC00] =	vst v63  }
0x198: {  	_ =	swait.ge [sflag:s29], $0x3E80  }
0x199: {  	[sflag:s29] =	ssyncset.done $0x0  }
0x19a: {  	s8 =	rddreg [dreg:$0x14];
	[sflag:s29] =	ssyncadd.s32 $0xFFFFC180  }
0x19b: {  	[tilespmem:s21], [sflag:$0x7] =	stream.indirect.gather [hbm4b:s2+s20], $0x80, s8, s20, $0xb8;
	[tilespmem:$0x1DC00] =	vst v63  }
0x19c: {  	_ =	swait.ge [sflag:s23], $0x3E80  }
0x19d: {  	[sflag:s23] =	ssyncset.done $0x0;
	s1 =	sld [smem:$0x7DA]  }
0x19e: {  	p0 =	por $0x0, $0x0;
	[sflag:s23] =	ssyncadd.s32 $0xFFFFC180  }
0x19f: {  	[spmem:s4] =	stream.indirect.scatter.add.f32 [tilespmem:s24], [sflag:$0x8], $0x80, s13, s20, $0xb8;
	[tilespmem:$0x1DC00] =	vst v63  }
0x1a0: {  	s8 =	sshrl.u32 @!p0 s1, $0x3  }
0x1a1: {  	s6 =	simm.s32 @!p0 $0x0;
	s7 =	rddreg [dreg:$0xb];
	s8 =	sadd.s32 @!p0 s11, s8  }
0x1a2: {  	[tilespmem:s6], [sflag:$0x1] =	stream.linear.gather @!p0 [hbm4b:s8+s6], $0x200, $0x38;
	[tilespmem:$0x1DC00] =	vst v63  }
0x1a3: {  	s7 =	sadd.s32 @!p0 $0x0, s7;
	s8 =	simm.s32 @!p0 $0x200  }
0x1a4: {  	[tilespmem:s8], [sflag:$0x1] =	stream.linear.gather @!p0 [hbm4b:s7+s6], $0x200, $0x38;
	[tilespmem:$0x1DC00] =	vst v63  }
0x1a5: {  	_ =	swait.ge [sflag:s26], $0x3E80  }
0x1a6: {  	[sflag:s26] =	ssyncset.done $0x0  }
0x1a7: {  	s9 =	rddreg [dreg:$0x15];
	[sflag:s26] =	ssyncadd.s32 $0xFFFFC180  }
0x1a8: {  	[tilespmem:s24], [sflag:$0x6] =	stream.indirect.gather [hbm4b:s2+s20], $0x80, s9, s20, $0xb8;
	[tilespmem:$0x1DC00] =	vst v63  }
0x1a9: {  	_ =	swait.ge [sflag:s28], $0x3E80  }
0x1aa: {  	[sflag:s28] =	ssyncset.done $0x0  }
0x1ab: {  	s10 =	rddreg [dreg:$0x16];
	[sflag:s28] =	ssyncadd.s32 $0xFFFFC180  }
0x1ac: {  	[spmem:s4] =	stream.indirect.scatter.add.f32 [tilespmem:s21], [sflag:$0x9], $0x80, s10, s20, $0xb8;
	[tilespmem:$0x1DC00] =	vst v63  }
0x1ad: {  	_ =	swait.ge [sflag:s29], $0x3E80  }
0x1ae: {  	[sflag:s29] =	ssyncset.done $0x0  }
0x1af: {  	s12 =	rddreg [dreg:$0x17];
	[sflag:s29] =	ssyncadd.s32 $0xFFFFC180  }
0x1b0: {  	[tilespmem:s21], [sflag:$0x7] =	stream.indirect.gather [hbm4b:s2+s20], $0x80, s12, s20, $0xb8;
	[tilespmem:$0x1DC00] =	vst v63  }
0x1b1: {  	_ =	swait.ge [sflag:s23], $0x3E80  }
0x1b2: {  	[sflag:s23] =	ssyncset.done $0x0  }
0x1b3: {  	s13 =	rddreg [dreg:$0x18];
	[sflag:s23] =	ssyncadd.s32 $0xFFFFC180  }
0x1b4: {  	[spmem:s4] =	stream.indirect.scatter.add.f32 [tilespmem:s24], [sflag:$0x8], $0x80, s13, s20, $0xb8;
	[tilespmem:$0x1DC00] =	vst v63  }
0x1b5: {  	_ =	swait.ge [sflag:s26], $0x3E80  }
0x1b6: {  	[sflag:s26] =	ssyncset.done $0x0  }
0x1b7: {  	[sflag:s26] =	ssyncadd.s32 $0xFFFFC180  }
0x1b8: {  	_ =	swait.ge [sflag:s31], $0x200  }
0x1b9: {  	[sflag:s31] =	ssyncset.done $0x0  }
0x1ba: {  	[sflag:s31] =	ssyncadd.s32 $0xFFFFFE00  }
0x1bb: {  	_ =	swait.ge [sflag:s31], $0x200  }
0x1bc: {  	[sflag:s31] =	ssyncset.done $0x0  }
0x1bd: {  	[sflag:s31] =	ssyncadd.s32 $0xFFFFFE00  }
0x1be: {  	[tilespmem:s24], [sflag:$0x6] =	stream.indirect.gather [hbm4b:s2+s20], $0x80, s14, s20, $0xb8;
	[tilespmem:$0x1DC00] =	vst v63  }
0x1bf: {  	_ =	swait.ge [sflag:s28], $0x3E80  }
0x1c0: {  	[sflag:s28] =	ssyncset.done $0x0  }
0x1c1: {  	s14 =	rddreg [dreg:$0x19];
	[sflag:s28] =	ssyncadd.s32 $0xFFFFC180  }
0x1c2: {  	[spmem:s4] =	stream.indirect.scatter.add.f32 [tilespmem:s21], [sflag:$0x9], $0x80, s14, s20, $0xb8;
	[tilespmem:$0x1DC00] =	vst v63  }
0x1c3: {  	_ =	swait.ge [sflag:s29], $0x3E80  }
0x1c4: {  	[sflag:s29] =	ssyncset.done $0x0  }
0x1c5: {  	s22 =	rddreg [dreg:$0x1a];
	[sflag:s29] =	ssyncadd.s32 $0xFFFFC180  }
0x1c6: {  	[tilespmem:s21], [sflag:$0x7] =	stream.indirect.gather [hbm4b:s2+s20], $0x80, s22, s20, $0xb8;
	[tilespmem:$0x1DC00] =	vst v63  }
0x1c7: {  	_ =	swait.ge [sflag:s23], $0x3E80  }
0x1c8: {  	[sflag:s23] =	ssyncset.done $0x0  }
0x1c9: {  	s7 =	rddreg [dreg:$0xa];
	[sflag:s23] =	ssyncadd.s32 $0xFFFFC180  }
0x1ca: {  	[spmem:s4] =	stream.indirect.scatter.add.f32 [tilespmem:s24], [sflag:$0x8], $0x80, s15, s20, $0xb8;
	[tilespmem:$0x1DC00] =	vst v63  }
0x1cb: {  	s22 =	simm.s32 @!p0 $0x400;
	s8 =	rddreg [dreg:$0x9];
	s7 =	sadd.s32 @!p0 $0x0, s7  }
0x1cc: {  	[tilespmem:s22], [sflag:$0x2] =	stream.linear.gather @!p0 [hbm4b:s7+s6], $0x200, $0x38;
	[tilespmem:$0x1DC00] =	vst v63  }
0x1cd: {  	s8 =	sadd.s32 @!p0 $0x0, s8;
	s7 =	simm.s32 @!p0 $0x600  }
0x1ce: {  	[tilespmem:s7], [sflag:$0x2] =	stream.linear.gather @!p0 [hbm4b:s8+s6], $0x200, $0x38;
	[tilespmem:$0x1DC00] =	vst v63  }
0x1cf: {  	_ =	swait.ge [sflag:s26], $0x3E80  }
0x1d0: {  	[sflag:s26] =	ssyncset.done $0x0  }
0x1d1: {  	s25 =	rddreg [dreg:$0x1b];
	[sflag:s26] =	ssyncadd.s32 $0xFFFFC180  }
0x1d2: {  	[tilespmem:s24], [sflag:$0x6] =	stream.indirect.gather [hbm4b:s2+s20], $0x80, s25, s20, $0xb8;
	[tilespmem:$0x1DC00] =	vst v63  }
0x1d3: {  	_ =	swait.ge [sflag:s28], $0x3E80  }
0x1d4: {  	[sflag:s28] =	ssyncset.done $0x0  }
0x1d5: {  	s5 =	rddreg [dreg:$0x1c];
	[sflag:s28] =	ssyncadd.s32 $0xFFFFC180  }
0x1d6: {  	[spmem:s4] =	stream.indirect.scatter.add.f32 [tilespmem:s21], [sflag:$0x9], $0x80, s5, s20, $0xb8;
	[tilespmem:$0x1DC00] =	vst v63  }
0x1d7: {  	_ =	swait.ge [sflag:s29], $0x3E80  }
0x1d8: {  	[sflag:s29] =	ssyncset.done $0x0  }
0x1d9: {  	s8 =	rddreg [dreg:$0x1d];
	[sflag:s29] =	ssyncadd.s32 $0xFFFFC180  }
0x1da: {  	[tilespmem:s21], [sflag:$0x7] =	stream.indirect.gather [hbm4b:s2+s20], $0x80, s8, s20, $0xb8;
	[tilespmem:$0x1DC00] =	vst v63  }
0x1db: {  	_ =	swait.ge [sflag:s23], $0x3E80  }
0x1dc: {  	[sflag:s23] =	ssyncset.done $0x0  }
0x1dd: {  	s9 =	rddreg [dreg:$0x1e];
	[sflag:s23] =	ssyncadd.s32 $0xFFFFC180  }
0x1de: {  	[spmem:s4] =	stream.indirect.scatter.add.f32 [tilespmem:s24], [sflag:$0x8], $0x80, s9, s20, $0xb8;
	[tilespmem:$0x1DC00] =	vst v63  }
0x1df: {  	_ =	swait.ge [sflag:s26], $0x3E80  }
0x1e0: {  	[sflag:s26] =	ssyncset.done $0x0  }
0x1e1: {  	[sflag:s26] =	ssyncadd.s32 $0xFFFFC180  }
0x1e2: {  	_ =	swait.ge [sflag:s3], $0x200  }
0x1e3: {  	[sflag:s3] =	ssyncset.done $0x0  }
0x1e4: {  	[sflag:s3] =	ssyncadd.s32 $0xFFFFFE00  }
0x1e5: {  	_ =	swait.ge [sflag:s3], $0x200  }
0x1e6: {  	[sflag:s3] =	ssyncset.done $0x0  }
0x1e7: {  	[sflag:s3] =	ssyncadd.s32 $0xFFFFFE00  }
0x1e8: {  	[tilespmem:s24], [sflag:$0x6] =	stream.indirect.gather [hbm4b:s2+s20], $0x80, s16, s20, $0xb8;
	[tilespmem:$0x1DC00] =	vst v63  }
0x1e9: {  	_ =	swait.ge [sflag:s28], $0x3E80  }
0x1ea: {  	[sflag:s28] =	ssyncset.done $0x0  }
0x1eb: {  	s10 =	rddreg [dreg:$0x1f];
	[sflag:s28] =	ssyncadd.s32 $0xFFFFC180  }
0x1ec: {  	[spmem:s4] =	stream.indirect.scatter.add.f32 [tilespmem:s21], [sflag:$0x9], $0x80, s10, s20, $0xb8;
	[tilespmem:$0x1DC00] =	vst v63  }
0x1ed: {  	_ =	swait.ge [sflag:s29], $0x3E80  }
0x1ee: {  	s12 =	sld [smem:$0x7C5]  }
0x1ef: {  	[sflag:s29] =	ssyncset.done $0x0  }
0x1f0: {  	[sflag:s29] =	ssyncadd.s32 $0xFFFFC180  }
0x1f1: {  	[tilespmem:s21], [sflag:$0x7] =	stream.indirect.gather [hbm4b:s2+s20], $0x80, s12, s20, $0xb8;
	[tilespmem:$0x1DC00] =	vst v63  }
0x1f2: {  	_ =	swait.ge [sflag:s23], $0x3E80  }
0x1f3: {  	[sflag:s23] =	ssyncset.done $0x0  }
0x1f4: {  	s7 =	rddreg [dreg:$0x8];
	[sflag:s23] =	ssyncadd.s32 $0xFFFFC180  }
0x1f5: {  	[spmem:s4] =	stream.indirect.scatter.add.f32 [tilespmem:s24], [sflag:$0x8], $0x80, s17, s20, $0xb8;
	[tilespmem:$0x1DC00] =	vst v63  }
0x1f6: {  	s22 =	simm.s32 @!p0 $0x800;
	s8 =	rddreg [dreg:$0x7];
	s7 =	sadd.s32 @!p0 $0x0, s7  }
0x1f7: {  	[tilespmem:s22], [sflag:$0x3] =	stream.linear.gather @!p0 [hbm4b:s7+s6], $0x200, $0x38;
	[tilespmem:$0x1DC00] =	vst v63  }
0x1f8: {  	s8 =	sadd.s32 @!p0 $0x0, s8;
	s7 =	simm.s32 @!p0 $0xA00  }
0x1f9: {  	[tilespmem:s7], [sflag:$0x3] =	stream.linear.gather @!p0 [hbm4b:s8+s6], $0x200, $0x38;
	[tilespmem:$0x1DC00] =	vst v63  }
0x1fa: {  	_ =	swait.ge [sflag:s26], $0x3E80  }
0x1fb: {  	s13 =	sld [smem:$0x7C7]  }
0x1fc: {  	[sflag:s26] =	ssyncset.done $0x0  }
0x1fd: {  	[sflag:s26] =	ssyncadd.s32 $0xFFFFC180  }
0x1fe: {  	[tilespmem:s24], [sflag:$0x6] =	stream.indirect.gather [hbm4b:s2+s20], $0x80, s13, s20, $0xb8;
	[tilespmem:$0x1DC00] =	vst v63  }
0x1ff: {  	_ =	swait.ge [sflag:s28], $0x3E80  }
0x200: {  	s14 =	sld [smem:$0x7C9]  }
0x201: {  	[sflag:s28] =	ssyncset.done $0x0  }
0x202: {  	[sflag:s28] =	ssyncadd.s32 $0xFFFFC180  }
0x203: {  	[spmem:s4] =	stream.indirect.scatter.add.f32 [tilespmem:s21], [sflag:$0x9], $0x80, s14, s20, $0xb8;
	[tilespmem:$0x1DC00] =	vst v63  }
0x204: {  	_ =	swait.ge [sflag:s29], $0x3E80  }
0x205: {  	s15 =	sld [smem:$0x7CB]  }
0x206: {  	[sflag:s29] =	ssyncset.done $0x0  }
0x207: {  	[sflag:s29] =	ssyncadd.s32 $0xFFFFC180  }
0x208: {  	[tilespmem:s21], [sflag:$0x7] =	stream.indirect.gather [hbm4b:s2+s20], $0x80, s15, s20, $0xb8;
	[tilespmem:$0x1DC00] =	vst v63  }
0x209: {  	_ =	swait.ge [sflag:s23], $0x3E80  }
0x20a: {  	s16 =	sld [smem:$0x7CD]  }
0x20b: {  	[sflag:s23] =	ssyncset.done $0x0  }
0x20c: {  	[sflag:s23] =	ssyncadd.s32 $0xFFFFC180  }
0x20d: {  	[spmem:s4] =	stream.indirect.scatter.add.f32 [tilespmem:s24], [sflag:$0x8], $0x80, s16, s20, $0xb8;
	[tilespmem:$0x1DC00] =	vst v63  }
0x20e: {  	_ =	swait.ge [sflag:s26], $0x3E80  }
0x20f: {  	[sflag:s26] =	ssyncset.done $0x0  }
0x210: {  	[sflag:s26] =	ssyncadd.s32 $0xFFFFC180  }
0x211: {  	_ =	swait.ge [sflag:s0], $0x200  }
0x212: {  	[sflag:s0] =	ssyncset.done $0x0  }
0x213: {  	[sflag:s0] =	ssyncadd.s32 $0xFFFFFE00  }
0x214: {  	_ =	swait.ge [sflag:s0], $0x200  }
0x215: {  	[sflag:s0] =	ssyncset.done $0x0  }
0x216: {  	[sflag:s0] =	ssyncadd.s32 $0xFFFFFE00  }
0x217: {  	[tilespmem:s24], [sflag:$0x6] =	stream.indirect.gather [hbm4b:s2+s20], $0x80, s18, s20, $0xb8;
	[tilespmem:$0x1DC00] =	vst v63  }
0x218: {  	_ =	swait.ge [sflag:s28], $0x3E80  }
0x219: {  	s17 =	sld [smem:$0x7CF]  }
0x21a: {  	[sflag:s28] =	ssyncset.done $0x0  }
0x21b: {  	[sflag:s28] =	ssyncadd.s32 $0xFFFFC180  }
0x21c: {  	[spmem:s4] =	stream.indirect.scatter.add.f32 [tilespmem:s21], [sflag:$0x9], $0x80, s17, s20, $0xb8;
	[tilespmem:$0x1DC00] =	vst v63  }
0x21d: {  	_ =	swait.ge [sflag:s29], $0x3E80  }
0x21e: {  	s18 =	sld [smem:$0x7D1]  }
0x21f: {  	[sflag:s29] =	ssyncset.done $0x0  }
0x220: {  	[sflag:s29] =	ssyncadd.s32 $0xFFFFC180  }
0x221: {  	[tilespmem:s21], [sflag:$0x7] =	stream.indirect.gather [hbm4b:s2+s20], $0x80, s18, s20, $0xb8;
	[tilespmem:$0x1DC00] =	vst v63  }
0x222: {  	_ =	swait.ge [sflag:s23], $0x3E80  }
0x223: {  	[sflag:s23] =	ssyncset.done $0x0  }
0x224: {  	s7 =	rddreg [dreg:$0x6];
	[sflag:s23] =	ssyncadd.s32 $0xFFFFC180  }
0x225: {  	[spmem:s4] =	stream.indirect.scatter.add.f32 [tilespmem:s24], [sflag:$0x8], $0x80, s19, s20, $0xb8;
	[tilespmem:$0x1DC00] =	vst v63  }
0x226: {  	s22 =	simm.s32 @!p0 $0xC00;
	s8 =	rddreg [dreg:$0x5];
	s7 =	sadd.s32 @!p0 $0x0, s7  }
0x227: {  	[tilespmem:s22], [sflag:$0x4] =	stream.linear.gather @!p0 [hbm4b:s7+s6], $0x200, $0x38;
	[tilespmem:$0x1DC00] =	vst v63  }
0x228: {  	s8 =	sadd.s32 @!p0 $0x0, s8;
	s7 =	simm.s32 @!p0 $0xE00  }
0x229: {  	[tilespmem:s7], [sflag:$0x4] =	stream.linear.gather @!p0 [hbm4b:s8+s6], $0x200, $0x38;
	[tilespmem:$0x1DC00] =	vst v63  }
0x22a: {  	_ =	swait.ge [sflag:s26], $0x3E80  }
0x22b: {  	s19 =	sld [smem:$0x7D2]  }
0x22c: {  	[sflag:s26] =	ssyncset.done $0x0  }
0x22d: {  	[sflag:s26] =	ssyncadd.s32 $0xFFFFC180  }
0x22e: {  	[tilespmem:s24], [sflag:$0x6] =	stream.indirect.gather [hbm4b:s2+s20], $0x80, s19, s20, $0xb8;
	[tilespmem:$0x1DC00] =	vst v63  }
0x22f: {  	_ =	swait.ge [sflag:s28], $0x3E80  }
0x230: {  	s22 =	sld [smem:$0x7D4]  }
0x231: {  	[sflag:s28] =	ssyncset.done $0x0  }
0x232: {  	[sflag:s28] =	ssyncadd.s32 $0xFFFFC180  }
0x233: {  	[spmem:s4] =	stream.indirect.scatter.add.f32 [tilespmem:s21], [sflag:$0x9], $0x80, s22, s20, $0xb8;
	[tilespmem:$0x1DC00] =	vst v63  }
0x234: {  	p6 =	por $0x0, $0x0;
	s12 =	simm.s32 $0x200;
	_ =	swait.ge [sflag:s29], $0x3E80  }
0x235: {  	s13 =	simm.s32 $0x400;
	s14 =	simm.s32 $0x600;
	s25 =	sld [smem:$0x7D5]  }
0x236: {  	s15 =	simm.s32 $0x800;
	s16 =	simm.s32 $0xA00;
	[sflag:s29] =	ssyncset.done $0x0  }
0x237: {  	s17 =	simm.s32 $0xC00;
	s18 =	simm.s32 $0xE00;
	[sflag:s29] =	ssyncadd.s32 $0xFFFFC180  }
0x238: {  	[tilespmem:s21], [sflag:$0x7] =	stream.indirect.gather [hbm4b:s2+s20], $0x80, s25, s20, $0xb8;
	[tilespmem:$0x1DC00] =	vst v63  }
0x239: {  	s8 =	simm.s32 $0x140;
	s7 =	simm.s32 $0x280;
	_ =	swait.ge [sflag:s23], $0x3E80  }
0x23a: {  	p0 =	por p6, p6;
	s19 =	simm.s32 $0x1000;
	[sflag:s23] =	ssyncset.done $0x0  }
0x23b: {  	s22 =	sadd.s32 $0xA00, s1;
	s6 =	sld [smem:$0x7D6];
	[sflag:s23] =	ssyncadd.s32 $0xFFFFC180  }
.LBB2_4:
0x23c: {  	_ = 	snop  }
0x23d: {  	s5 =	simm.s32 @p0 $0x1  }
0x23e: {  	[spmem:s4] =	stream.indirect.scatter.add.f32 [tilespmem:s24], [sflag:$0x8], $0x80, s6, s20, $0xb8;
	[tilespmem:$0x1DC00] =	vst v63  }
0x23f: {  	_ =	swait.ge @p0 [sflag:s5], $0x200  }
0x240: {  	[sflag:s5] =	ssyncset.done @p0 $0x0  }
0x241: {  	[sflag:s5] =	ssyncadd.s32 @p0 $0xFFFFFE00  }
0x242: {  	_ =	swait.ge @p0 [sflag:s5], $0x200  }
0x243: {  	s9 =	simm.s32 @!p0 $0x8;
	s10 =	simm.s32 @p0 $0x0;
	[sflag:s5] =	ssyncset.done @p0 $0x0  }
0x244: {  	s6 =	simm.s32 @p0 $0x1400;
	[sflag:s5] =	ssyncadd.s32 @p0 $0xFFFFFE00;
	s5 =	simm.s32 @p0 $0x7D  }
0x245: {  	[tilespmem:s6], [sflag:$0x6] =	stream.indirect.gather @p0 [hbm4b:s2+s5], $0x80, s10, s5, $0xb8;
	[tilespmem:$0x1DC00] =	vst v63  }
0x246: {  	_ =	swait.ge @!p0 [sflag:s9], $0x3E80  }
0x247: {  	[sflag:s9] =	ssyncset.done @!p0 $0x0  }
0x248: {  	s5 =	simm.s32 @!p0 $0x1;
	[sflag:s9] =	ssyncadd.s32 @!p0 $0xFFFFC180  }
0x249: {  	_ =	swait.ge @!p0 [sflag:s5], $0x200  }
0x24a: {  	[sflag:s5] =	ssyncset.done @!p0 $0x0  }
0x24b: {  	[sflag:s5] =	ssyncadd.s32 @!p0 $0xFFFFFE00  }
0x24c: {  	_ =	swait.ge @!p0 [sflag:s5], $0x200  }
0x24d: {  	s6 =	simm.s32 @!p0 $0x1400;
	s10 =	simm.s32 @!p0 $0x0;
	[sflag:s5] =	ssyncset.done @!p0 $0x0  }
0x24e: {  	s9 =	simm.s32 @!p0 $0x7;
	[sflag:s5] =	ssyncadd.s32 @!p0 $0xFFFFFE00;
	s5 =	simm.s32 @!p0 $0x7D  }
0x24f: {  	[tilespmem:s6], [sflag:$0x6] =	stream.indirect.gather @!p0 [hbm4b:s2+s5], $0x80, s10, s5, $0xb8;
	[tilespmem:$0x1DC00] =	vst v63  }
0x250: {  	_ =	swait.ge @!p0 [sflag:s9], $0x3E80  }
0x251: {  	s1 =	simm.s32 @!p0 $0x5400;
	[sflag:s9] =	ssyncset.done @!p0 $0x0  }
0x252: {  	s6 =	simm.s32 @!p0 $0x9;
	[sflag:s9] =	ssyncadd.s32 @!p0 $0xFFFFC180;
	s9 =	simm.s32 @!p0 $0x1380  }
0x253: {  	[spmem:s4] =	stream.indirect.scatter.add.f32 @!p0 [tilespmem:s1], [sflag:$0x9], $0x80, s9, s5, $0xb8;
	[tilespmem:$0x1DC00] =	vst v63  }
0x254: {  	_ =	swait.ge @!p0 [sflag:s6], $0x3E80  }
0x255: {  	[sflag:s6] =	ssyncset.done @!p0 $0x0  }
0x256: {  	s5 =	rddreg [dreg:$0xe];
	[sflag:s6] =	ssyncadd.s32 @!p0 $0xFFFFC180  }
0x257: {  	[tilespmem:s21], [sflag:$0x7] =	stream.indirect.gather [hbm4b:s2+s20], $0x80, s5, s20, $0xb8;
	[tilespmem:$0x1DC00] =	vst v63  }
0x258: {  	_ =	swait.ge [sflag:s23], $0x3E80  }
0x259: {  	[sflag:s23] =	ssyncset.done $0x0  }
0x25a: {  	s1 =	rddreg [dreg:$0xd];
	[sflag:s23] =	ssyncadd.s32 $0xFFFFC180  }
0x25b: {  	[spmem:s4] =	stream.indirect.scatter.add.f32 [tilespmem:s24], [sflag:$0x8], $0x80, s12, s20, $0xb8;
	[tilespmem:$0x1DC00] =	vst v63  }
0x25c: {  	s6 =	simm.s32 @!p0 $0x1000;
	s5 =	rddreg [dreg:$0xc];
	s1 =	sadd.s32 @!p0 s8, s1  }
0x25d: {  	[tilespmem:s6], [sflag:$0x5] =	stream.linear.gather @!p0 [hbm4b:s1+s10], $0x200, $0x38;
	[tilespmem:$0x1DC00] =	vst v63  }
0x25e: {  	s1 =	sadd.s32 @!p0 s8, s5;
	s5 =	simm.s32 @!p0 $0x1200  }
0x25f: {  	[tilespmem:s5], [sflag:$0x5] =	stream.linear.gather @!p0 [hbm4b:s1+s10], $0x200, $0x38;
	[tilespmem:$0x1DC00] =	vst v63  }
0x260: {  	_ =	swait.ge [sflag:s26], $0x3E80  }
0x261: {  	[sflag:s26] =	ssyncset.done $0x0  }
0x262: {  	s6 =	rddreg [dreg:$0xf];
	[sflag:s26] =	ssyncadd.s32 $0xFFFFC180  }
0x263: {  	[tilespmem:s24], [sflag:$0x6] =	stream.indirect.gather [hbm4b:s2+s20], $0x80, s6, s20, $0xb8;
	[tilespmem:$0x1DC00] =	vst v63  }
0x264: {  	_ =	swait.ge [sflag:s28], $0x3E80  }
0x265: {  	[sflag:s28] =	ssyncset.done $0x0  }
0x266: {  	s9 =	rddreg [dreg:$0x10];
	[sflag:s28] =	ssyncadd.s32 $0xFFFFC180  }
0x267: {  	[spmem:s4] =	stream.indirect.scatter.add.f32 [tilespmem:s21], [sflag:$0x9], $0x80, s9, s20, $0xb8;
	[tilespmem:$0x1DC00] =	vst v63  }
0x268: {  	_ =	swait.ge [sflag:s29], $0x3E80  }
0x269: {  	[sflag:s29] =	ssyncset.done $0x0  }
0x26a: {  	s10 =	rddreg [dreg:$0x11];
	[sflag:s29] =	ssyncadd.s32 $0xFFFFC180  }
0x26b: {  	[tilespmem:s21], [sflag:$0x7] =	stream.indirect.gather [hbm4b:s2+s20], $0x80, s10, s20, $0xb8;
	[tilespmem:$0x1DC00] =	vst v63  }
0x26c: {  	_ =	swait.ge [sflag:s23], $0x3E80  }
0x26d: {  	[sflag:s23] =	ssyncset.done $0x0  }
0x26e: {  	s5 =	rddreg [dreg:$0x12];
	[sflag:s23] =	ssyncadd.s32 $0xFFFFC180  }
0x26f: {  	[spmem:s4] =	stream.indirect.scatter.add.f32 [tilespmem:s24], [sflag:$0x8], $0x80, s5, s20, $0xb8;
	[tilespmem:$0x1DC00] =	vst v63  }
0x270: {  	_ =	swait.ge [sflag:s26], $0x3E80  }
0x271: {  	[sflag:s26] =	ssyncset.done $0x0  }
0x272: {  	[sflag:s26] =	ssyncadd.s32 $0xFFFFC180  }
0x273: {  	_ =	swait.ge [sflag:s30], $0x200  }
0x274: {  	[sflag:s30] =	ssyncset.done $0x0  }
0x275: {  	[sflag:s30] =	ssyncadd.s32 $0xFFFFFE00  }
0x276: {  	_ =	swait.ge [sflag:s30], $0x200  }
0x277: {  	[sflag:s30] =	ssyncset.done $0x0  }
0x278: {  	[sflag:s30] =	ssyncadd.s32 $0xFFFFFE00  }
0x279: {  	[tilespmem:s24], [sflag:$0x6] =	stream.indirect.gather [hbm4b:s2+s20], $0x80, s13, s20, $0xb8;
	[tilespmem:$0x1DC00] =	vst v63  }
0x27a: {  	_ =	swait.ge [sflag:s28], $0x3E80  }
0x27b: {  	[sflag:s28] =	ssyncset.done $0x0  }
0x27c: {  	s6 =	rddreg [dreg:$0x13];
	[sflag:s28] =	ssyncadd.s32 $0xFFFFC180  }
0x27d: {  	[spmem:s4] =	stream.indirect.scatter.add.f32 [tilespmem:s21], [sflag:$0x9], $0x80, s6, s20, $0xb8;
	[tilespmem:$0x1DC00] =	vst v63  }
0x27e: {  	_ =	swait.ge [sflag:s29], $0x3E80  }
0x27f: {  	[sflag:s29] =	ssyncset.done $0x0  }
0x280: {  	s9 =	rddreg [dreg:$0x14];
	[sflag:s29] =	ssyncadd.s32 $0xFFFFC180  }
0x281: {  	[tilespmem:s21], [sflag:$0x7] =	stream.indirect.gather [hbm4b:s2+s20], $0x80, s9, s20, $0xb8;
	[tilespmem:$0x1DC00] =	vst v63  }
0x282: {  	p2 =	seq.s32 s7, $0x0;
	_ =	swait.ge [sflag:s23], $0x3E80  }
0x283: {  	p0 =	por p2, p2;
	p2 =	seq.s32 s8, $0x3C0;
	[sflag:s23] =	ssyncset.done $0x0  }
0x284: {  	s5 =	sshrl.u32 @!p2 s22, $0x3;
	[sflag:s23] =	ssyncadd.s32 $0xFFFFC180  }
0x285: {  	[spmem:s4] =	stream.indirect.scatter.add.f32 [tilespmem:s24], [sflag:$0x8], $0x80, s14, s20, $0xb8;
	[tilespmem:$0x1DC00] =	vst v63  }
0x286: {  	s5 =	sadd.s32 @!p2 s11, s5;
	s6 =	simm.s32 @!p2 $0x0;
	s1 =	rddreg [dreg:$0xb]  }
0x287: {  	[tilespmem:s6], [sflag:$0x1] =	stream.linear.gather @!p2 [hbm4b:s5+s6], $0x200, $0x38;
	[tilespmem:$0x1DC00] =	vst v63  }
0x288: {  	s9 =	simm.s32 @!p2 $0x200;
	s1 =	sadd.s32 @!p2 s8, s1  }
0x289: {  	[tilespmem:s9], [sflag:$0x1] =	stream.linear.gather @!p2 [hbm4b:s1+s6], $0x200, $0x38;
	[tilespmem:$0x1DC00] =	vst v63  }
0x28a: {  	_ =	swait.ge [sflag:s26], $0x3E80  }
0x28b: {  	[sflag:s26] =	ssyncset.done $0x0  }
0x28c: {  	s10 =	rddreg [dreg:$0x15];
	[sflag:s26] =	ssyncadd.s32 $0xFFFFC180  }
0x28d: {  	[tilespmem:s24], [sflag:$0x6] =	stream.indirect.gather [hbm4b:s2+s20], $0x80, s10, s20, $0xb8;
	[tilespmem:$0x1DC00] =	vst v63  }
0x28e: {  	_ =	swait.ge [sflag:s28], $0x3E80  }
0x28f: {  	[sflag:s28] =	ssyncset.done $0x0  }
0x290: {  	s5 =	rddreg [dreg:$0x16];
	[sflag:s28] =	ssyncadd.s32 $0xFFFFC180  }
0x291: {  	[spmem:s4] =	stream.indirect.scatter.add.f32 [tilespmem:s21], [sflag:$0x9], $0x80, s5, s20, $0xb8;
	[tilespmem:$0x1DC00] =	vst v63  }
0x292: {  	_ =	swait.ge [sflag:s29], $0x3E80  }
0x293: {  	[sflag:s29] =	ssyncset.done $0x0  }
0x294: {  	s9 =	rddreg [dreg:$0x17];
	[sflag:s29] =	ssyncadd.s32 $0xFFFFC180  }
0x295: {  	[tilespmem:s21], [sflag:$0x7] =	stream.indirect.gather [hbm4b:s2+s20], $0x80, s9, s20, $0xb8;
	[tilespmem:$0x1DC00] =	vst v63  }
0x296: {  	_ =	swait.ge [sflag:s23], $0x3E80  }
0x297: {  	[sflag:s23] =	ssyncset.done $0x0  }
0x298: {  	s10 =	rddreg [dreg:$0x18];
	[sflag:s23] =	ssyncadd.s32 $0xFFFFC180  }
0x299: {  	[spmem:s4] =	stream.indirect.scatter.add.f32 [tilespmem:s24], [sflag:$0x8], $0x80, s10, s20, $0xb8;
	[tilespmem:$0x1DC00] =	vst v63  }
0x29a: {  	_ =	swait.ge [sflag:s26], $0x3E80  }
0x29b: {  	[sflag:s26] =	ssyncset.done $0x0  }
0x29c: {  	[sflag:s26] =	ssyncadd.s32 $0xFFFFC180  }
0x29d: {  	_ =	swait.ge [sflag:s31], $0x200  }
0x29e: {  	[sflag:s31] =	ssyncset.done $0x0  }
0x29f: {  	[sflag:s31] =	ssyncadd.s32 $0xFFFFFE00  }
0x2a0: {  	_ =	swait.ge [sflag:s31], $0x200  }
0x2a1: {  	[sflag:s31] =	ssyncset.done $0x0  }
0x2a2: {  	[sflag:s31] =	ssyncadd.s32 $0xFFFFFE00  }
0x2a3: {  	[tilespmem:s24], [sflag:$0x6] =	stream.indirect.gather [hbm4b:s2+s20], $0x80, s15, s20, $0xb8;
	[tilespmem:$0x1DC00] =	vst v63  }
0x2a4: {  	_ =	swait.ge [sflag:s28], $0x3E80  }
0x2a5: {  	[sflag:s28] =	ssyncset.done $0x0  }
0x2a6: {  	s5 =	rddreg [dreg:$0x19];
	[sflag:s28] =	ssyncadd.s32 $0xFFFFC180  }
0x2a7: {  	[spmem:s4] =	stream.indirect.scatter.add.f32 [tilespmem:s21], [sflag:$0x9], $0x80, s5, s20, $0xb8;
	[tilespmem:$0x1DC00] =	vst v63  }
0x2a8: {  	_ =	swait.ge [sflag:s29], $0x3E80  }
0x2a9: {  	[sflag:s29] =	ssyncset.done $0x0  }
0x2aa: {  	s9 =	rddreg [dreg:$0x1a];
	[sflag:s29] =	ssyncadd.s32 $0xFFFFC180  }
0x2ab: {  	[tilespmem:s21], [sflag:$0x7] =	stream.indirect.gather [hbm4b:s2+s20], $0x80, s9, s20, $0xb8;
	[tilespmem:$0x1DC00] =	vst v63  }
0x2ac: {  	_ =	swait.ge [sflag:s23], $0x3E80  }
0x2ad: {  	[sflag:s23] =	ssyncset.done $0x0  }
0x2ae: {  	s1 =	rddreg [dreg:$0xa];
	[sflag:s23] =	ssyncadd.s32 $0xFFFFC180  }
0x2af: {  	[spmem:s4] =	stream.indirect.scatter.add.f32 [tilespmem:s24], [sflag:$0x8], $0x80, s16, s20, $0xb8;
	[tilespmem:$0x1DC00] =	vst v63  }
0x2b0: {  	s9 =	simm.s32 @!p2 $0x400;
	s5 =	rddreg [dreg:$0x9];
	s1 =	sadd.s32 @!p2 s8, s1  }
0x2b1: {  	[tilespmem:s9], [sflag:$0x2] =	stream.linear.gather @!p2 [hbm4b:s1+s6], $0x200, $0x38;
	[tilespmem:$0x1DC00] =	vst v63  }
0x2b2: {  	s10 =	simm.s32 @!p2 $0x600;
	s1 =	sadd.s32 @!p2 s8, s5  }
0x2b3: {  	[tilespmem:s10], [sflag:$0x2] =	stream.linear.gather @!p2 [hbm4b:s1+s6], $0x200, $0x38;
	[tilespmem:$0x1DC00] =	vst v63  }
0x2b4: {  	_ =	swait.ge [sflag:s26], $0x3E80  }
0x2b5: {  	[sflag:s26] =	ssyncset.done $0x0  }
0x2b6: {  	s10 =	rddreg [dreg:$0x1b];
	[sflag:s26] =	ssyncadd.s32 $0xFFFFC180  }
0x2b7: {  	[tilespmem:s24], [sflag:$0x6] =	stream.indirect.gather [hbm4b:s2+s20], $0x80, s10, s20, $0xb8;
	[tilespmem:$0x1DC00] =	vst v63  }
0x2b8: {  	_ =	swait.ge [sflag:s28], $0x3E80  }
0x2b9: {  	[sflag:s28] =	ssyncset.done $0x0  }
0x2ba: {  	s5 =	rddreg [dreg:$0x1c];
	[sflag:s28] =	ssyncadd.s32 $0xFFFFC180  }
0x2bb: {  	[spmem:s4] =	stream.indirect.scatter.add.f32 [tilespmem:s21], [sflag:$0x9], $0x80, s5, s20, $0xb8;
	[tilespmem:$0x1DC00] =	vst v63  }
0x2bc: {  	_ =	swait.ge [sflag:s29], $0x3E80  }
0x2bd: {  	[sflag:s29] =	ssyncset.done $0x0  }
0x2be: {  	s9 =	rddreg [dreg:$0x1d];
	[sflag:s29] =	ssyncadd.s32 $0xFFFFC180  }
0x2bf: {  	[tilespmem:s21], [sflag:$0x7] =	stream.indirect.gather [hbm4b:s2+s20], $0x80, s9, s20, $0xb8;
	[tilespmem:$0x1DC00] =	vst v63  }
0x2c0: {  	_ =	swait.ge [sflag:s23], $0x3E80  }
0x2c1: {  	[sflag:s23] =	ssyncset.done $0x0  }
0x2c2: {  	s10 =	rddreg [dreg:$0x1e];
	[sflag:s23] =	ssyncadd.s32 $0xFFFFC180  }
0x2c3: {  	[spmem:s4] =	stream.indirect.scatter.add.f32 [tilespmem:s24], [sflag:$0x8], $0x80, s10, s20, $0xb8;
	[tilespmem:$0x1DC00] =	vst v63  }
0x2c4: {  	_ =	swait.ge [sflag:s26], $0x3E80  }
0x2c5: {  	[sflag:s26] =	ssyncset.done $0x0  }
0x2c6: {  	[sflag:s26] =	ssyncadd.s32 $0xFFFFC180  }
0x2c7: {  	_ =	swait.ge [sflag:s3], $0x200  }
0x2c8: {  	[sflag:s3] =	ssyncset.done $0x0  }
0x2c9: {  	[sflag:s3] =	ssyncadd.s32 $0xFFFFFE00  }
0x2ca: {  	_ =	swait.ge [sflag:s3], $0x200  }
0x2cb: {  	[sflag:s3] =	ssyncset.done $0x0  }
0x2cc: {  	[sflag:s3] =	ssyncadd.s32 $0xFFFFFE00  }
0x2cd: {  	[tilespmem:s24], [sflag:$0x6] =	stream.indirect.gather [hbm4b:s2+s20], $0x80, s17, s20, $0xb8;
	[tilespmem:$0x1DC00] =	vst v63  }
0x2ce: {  	_ =	swait.ge [sflag:s28], $0x3E80  }
0x2cf: {  	[sflag:s28] =	ssyncset.done $0x0  }
0x2d0: {  	s5 =	rddreg [dreg:$0x1f];
	[sflag:s28] =	ssyncadd.s32 $0xFFFFC180  }
0x2d1: {  	[spmem:s4] =	stream.indirect.scatter.add.f32 [tilespmem:s21], [sflag:$0x9], $0x80, s5, s20, $0xb8;
	[tilespmem:$0x1DC00] =	vst v63  }
0x2d2: {  	_ =	swait.ge [sflag:s29], $0x3E80  }
0x2d3: {  	s9 =	sld [smem:$0x7C5]  }
0x2d4: {  	[sflag:s29] =	ssyncset.done $0x0  }
0x2d5: {  	[sflag:s29] =	ssyncadd.s32 $0xFFFFC180  }
0x2d6: {  	[tilespmem:s21], [sflag:$0x7] =	stream.indirect.gather [hbm4b:s2+s20], $0x80, s9, s20, $0xb8;
	[tilespmem:$0x1DC00] =	vst v63  }
0x2d7: {  	_ =	swait.ge [sflag:s23], $0x3E80  }
0x2d8: {  	[sflag:s23] =	ssyncset.done $0x0  }
0x2d9: {  	s1 =	rddreg [dreg:$0x8];
	[sflag:s23] =	ssyncadd.s32 $0xFFFFC180  }
0x2da: {  	[spmem:s4] =	stream.indirect.scatter.add.f32 [tilespmem:s24], [sflag:$0x8], $0x80, s18, s20, $0xb8;
	[tilespmem:$0x1DC00] =	vst v63  }
0x2db: {  	s9 =	simm.s32 @!p2 $0x800;
	s5 =	rddreg [dreg:$0x7];
	s1 =	sadd.s32 @!p2 s8, s1  }
0x2dc: {  	[tilespmem:s9], [sflag:$0x3] =	stream.linear.gather @!p2 [hbm4b:s1+s6], $0x200, $0x38;
	[tilespmem:$0x1DC00] =	vst v63  }
0x2dd: {  	s10 =	simm.s32 @!p2 $0xA00;
	s1 =	sadd.s32 @!p2 s8, s5  }
0x2de: {  	[tilespmem:s10], [sflag:$0x3] =	stream.linear.gather @!p2 [hbm4b:s1+s6], $0x200, $0x38;
	[tilespmem:$0x1DC00] =	vst v63  }
0x2df: {  	_ =	swait.ge [sflag:s26], $0x3E80  }
0x2e0: {  	s10 =	sld [smem:$0x7C7]  }
0x2e1: {  	[sflag:s26] =	ssyncset.done $0x0  }
0x2e2: {  	[sflag:s26] =	ssyncadd.s32 $0xFFFFC180  }
0x2e3: {  	[tilespmem:s24], [sflag:$0x6] =	stream.indirect.gather [hbm4b:s2+s20], $0x80, s10, s20, $0xb8;
	[tilespmem:$0x1DC00] =	vst v63  }
0x2e4: {  	_ =	swait.ge [sflag:s28], $0x3E80  }
0x2e5: {  	s5 =	sld [smem:$0x7C9]  }
0x2e6: {  	[sflag:s28] =	ssyncset.done $0x0  }
0x2e7: {  	[sflag:s28] =	ssyncadd.s32 $0xFFFFC180  }
0x2e8: {  	[spmem:s4] =	stream.indirect.scatter.add.f32 [tilespmem:s21], [sflag:$0x9], $0x80, s5, s20, $0xb8;
	[tilespmem:$0x1DC00] =	vst v63  }
0x2e9: {  	_ =	swait.ge [sflag:s29], $0x3E80  }
0x2ea: {  	s9 =	sld [smem:$0x7CB]  }
0x2eb: {  	[sflag:s29] =	ssyncset.done $0x0  }
0x2ec: {  	[sflag:s29] =	ssyncadd.s32 $0xFFFFC180  }
0x2ed: {  	[tilespmem:s21], [sflag:$0x7] =	stream.indirect.gather [hbm4b:s2+s20], $0x80, s9, s20, $0xb8;
	[tilespmem:$0x1DC00] =	vst v63  }
0x2ee: {  	_ =	swait.ge [sflag:s23], $0x3E80  }
0x2ef: {  	s10 =	sld [smem:$0x7CD]  }
0x2f0: {  	[sflag:s23] =	ssyncset.done $0x0  }
0x2f1: {  	[sflag:s23] =	ssyncadd.s32 $0xFFFFC180  }
0x2f2: {  	[spmem:s4] =	stream.indirect.scatter.add.f32 [tilespmem:s24], [sflag:$0x8], $0x80, s10, s20, $0xb8;
	[tilespmem:$0x1DC00] =	vst v63  }
0x2f3: {  	_ =	swait.ge [sflag:s26], $0x3E80  }
0x2f4: {  	[sflag:s26] =	ssyncset.done $0x0  }
0x2f5: {  	[sflag:s26] =	ssyncadd.s32 $0xFFFFC180  }
0x2f6: {  	_ =	swait.ge [sflag:s0], $0x200  }
0x2f7: {  	[sflag:s0] =	ssyncset.done $0x0  }
0x2f8: {  	[sflag:s0] =	ssyncadd.s32 $0xFFFFFE00  }
0x2f9: {  	_ =	swait.ge [sflag:s0], $0x200  }
0x2fa: {  	[sflag:s0] =	ssyncset.done $0x0  }
0x2fb: {  	[sflag:s0] =	ssyncadd.s32 $0xFFFFFE00  }
0x2fc: {  	[tilespmem:s24], [sflag:$0x6] =	stream.indirect.gather [hbm4b:s2+s20], $0x80, s19, s20, $0xb8;
	[tilespmem:$0x1DC00] =	vst v63  }
0x2fd: {  	_ =	swait.ge [sflag:s28], $0x3E80  }
0x2fe: {  	s5 =	sld [smem:$0x7CF]  }
0x2ff: {  	[sflag:s28] =	ssyncset.done $0x0  }
0x300: {  	[sflag:s28] =	ssyncadd.s32 $0xFFFFC180  }
0x301: {  	[spmem:s4] =	stream.indirect.scatter.add.f32 [tilespmem:s21], [sflag:$0x9], $0x80, s5, s20, $0xb8;
	[tilespmem:$0x1DC00] =	vst v63  }
0x302: {  	_ =	swait.ge [sflag:s29], $0x3E80  }
0x303: {  	s9 =	sld [smem:$0x7D1]  }
0x304: {  	[sflag:s29] =	ssyncset.done $0x0  }
0x305: {  	[sflag:s29] =	ssyncadd.s32 $0xFFFFC180  }
0x306: {  	[tilespmem:s21], [sflag:$0x7] =	stream.indirect.gather [hbm4b:s2+s20], $0x80, s9, s20, $0xb8;
	[tilespmem:$0x1DC00] =	vst v63  }
0x307: {  	_ =	swait.ge [sflag:s23], $0x3E80  }
0x308: {  	[sflag:s23] =	ssyncset.done $0x0  }
0x309: {  	s10 =	simm.s32 $0x1200;
	s1 =	rddreg [dreg:$0x6];
	[sflag:s23] =	ssyncadd.s32 $0xFFFFC180  }
0x30a: {  	[spmem:s4] =	stream.indirect.scatter.add.f32 [tilespmem:s24], [sflag:$0x8], $0x80, s10, s20, $0xb8;
	[tilespmem:$0x1DC00] =	vst v63  }
0x30b: {  	s9 =	simm.s32 @!p2 $0xC00;
	s5 =	rddreg [dreg:$0x5];
	s1 =	sadd.s32 @!p2 s8, s1  }
0x30c: {  	[tilespmem:s9], [sflag:$0x4] =	stream.linear.gather @!p2 [hbm4b:s1+s6], $0x200, $0x38;
	[tilespmem:$0x1DC00] =	vst v63  }
0x30d: {  	s10 =	simm.s32 @!p2 $0xE00;
	s1 =	sadd.s32 @!p2 s8, s5  }
0x30e: {  	[tilespmem:s10], [sflag:$0x4] =	stream.linear.gather @!p2 [hbm4b:s1+s6], $0x200, $0x38;
	[tilespmem:$0x1DC00] =	vst v63  }
0x30f: {  	_ =	swait.ge [sflag:s26], $0x3E80  }
0x310: {  	s9 =	sld [smem:$0x7D2]  }
0x311: {  	[sflag:s26] =	ssyncset.done $0x0  }
0x312: {  	[sflag:s26] =	ssyncadd.s32 $0xFFFFC180  }
0x313: {  	[tilespmem:s24], [sflag:$0x6] =	stream.indirect.gather [hbm4b:s2+s20], $0x80, s9, s20, $0xb8;
	[tilespmem:$0x1DC00] =	vst v63  }
0x314: {  	_ =	swait.ge [sflag:s28], $0x3E80  }
0x315: {  	s10 =	sld [smem:$0x7D4]  }
0x316: {  	[sflag:s28] =	ssyncset.done $0x0  }
0x317: {  	[sflag:s28] =	ssyncadd.s32 $0xFFFFC180  }
0x318: {  	[spmem:s4] =	stream.indirect.scatter.add.f32 [tilespmem:s21], [sflag:$0x9], $0x80, s10, s20, $0xb8;
	[tilespmem:$0x1DC00] =	vst v63  }
0x319: {  	s25 =	smov.u32 s7;
	_ =	swait.ge [sflag:s29], $0x3E80  }
0x31a: {  	s7 =	sadd.s32 $0x140, s7;
	s8 =	smov.u32 s25;
	s25 =	sld [smem:$0x7D5]  }
0x31b: {  	p1 =	sne.s32 s7, $0x500;
	[sflag:s29] =	ssyncset.done $0x0  }
.Ltmp1:
0x31c: {  	[sflag:s29] =	ssyncadd.s32 $0xFFFFC180;
	(pc) =	sbr.rel @p1 .LBB2_4-.Ltmp1, $4  }
0x31d: {  	[tilespmem:s21], [sflag:$0x7] =	stream.indirect.gather [hbm4b:s2+s20], $0x80, s25, s20, $0xb8;
	[tilespmem:$0x1DC00] =	vst v63  }
0x31e: {  	_ =	swait.ge [sflag:s23], $0x3E80  }
0x31f: {  	[sflag:s23] =	ssyncset.done $0x0  }
0x320: {  	s22 =	sadd.s32 $0xA00, s22;
	s6 =	sld [smem:$0x7D6];
	[sflag:s23] =	ssyncadd.s32 $0xFFFFC180  }
0x321: {  	_ = 	snop  }
0x322: {  	s1 =	simm.s32 @p0 $0x1  }
0x323: {  	[spmem:s4] =	stream.indirect.scatter.add.f32 [tilespmem:s24], [sflag:$0x8], $0x80, s6, s20, $0xb8;
	[tilespmem:$0x1DC00] =	vst v63  }
0x324: {  	_ =	swait.ge @p0 [sflag:s1], $0x200  }
0x325: {  	[sflag:s1] =	ssyncset.done @p0 $0x0  }
0x326: {  	[sflag:s1] =	ssyncadd.s32 @p0 $0xFFFFFE00  }
0x327: {  	_ =	swait.ge @p0 [sflag:s1], $0x200  }
0x328: {  	s5 =	simm.s32 @p0 $0x1400;
	s7 =	simm.s32 @p0 $0x0;
	[sflag:s1] =	ssyncset.done @p0 $0x0  }
0x329: {  	s6 =	simm.s32 @!p0 $0x8;
	[sflag:s1] =	ssyncadd.s32 @p0 $0xFFFFFE00;
	s1 =	simm.s32 @p0 $0x7D  }
0x32a: {  	[tilespmem:s5], [sflag:$0x6] =	stream.indirect.gather @p0 [hbm4b:s2+s1], $0x80, s7, s1, $0xb8;
	[tilespmem:$0x1DC00] =	vst v63  }
0x32b: {  	_ =	swait.ge @!p0 [sflag:s6], $0x3E80  }
0x32c: {  	[sflag:s6] =	ssyncset.done @!p0 $0x0  }
0x32d: {  	s1 =	simm.s32 @!p0 $0x1;
	[sflag:s6] =	ssyncadd.s32 @!p0 $0xFFFFC180  }
0x32e: {  	_ =	swait.ge @!p0 [sflag:s1], $0x200  }
0x32f: {  	[sflag:s1] =	ssyncset.done @!p0 $0x0  }
0x330: {  	[sflag:s1] =	ssyncadd.s32 @!p0 $0xFFFFFE00  }
0x331: {  	_ =	swait.ge @!p0 [sflag:s1], $0x200  }
0x332: {  	s5 =	simm.s32 @!p0 $0x1400;
	s7 =	simm.s32 @!p0 $0x0;
	[sflag:s1] =	ssyncset.done @!p0 $0x0  }
0x333: {  	s6 =	simm.s32 @!p0 $0x7;
	[sflag:s1] =	ssyncadd.s32 @!p0 $0xFFFFFE00;
	s1 =	simm.s32 @!p0 $0x7D  }
0x334: {  	[tilespmem:s5], [sflag:$0x6] =	stream.indirect.gather @!p0 [hbm4b:s2+s1], $0x80, s7, s1, $0xb8;
	[tilespmem:$0x1DC00] =	vst v63  }
0x335: {  	_ =	swait.ge @!p0 [sflag:s6], $0x3E80  }
0x336: {  	[sflag:s6] =	ssyncset.done @!p0 $0x0  }
0x337: {  	s5 =	simm.s32 @!p0 $0x1380;
	[sflag:s6] =	ssyncadd.s32 @!p0 $0xFFFFC180;
	s6 =	simm.s32 @!p0 $0x5400  }
0x338: {  	[spmem:s4] =	stream.indirect.scatter.add.f32 @!p0 [tilespmem:s6], [sflag:$0x9], $0x80, s5, s1, $0xb8;
	[tilespmem:$0x1DC00] =	vst v63  }
0x339: {  	s1 =	simm.s32 @!p0 $0x9  }
0x33a: {  	_ =	swait.ge @!p0 [sflag:s1], $0x3E80  }
0x33b: {  	[sflag:s1] =	ssyncset.done @!p0 $0x0  }
0x33c: {  	s25 =	rddreg [dreg:$0xe];
	[sflag:s1] =	ssyncadd.s32 @!p0 $0xFFFFC180  }
0x33d: {  	[tilespmem:s21], [sflag:$0x7] =	stream.indirect.gather [hbm4b:s2+s20], $0x80, s25, s20, $0xb8;
	[tilespmem:$0x1DC00] =	vst v63  }
0x33e: {  	_ =	swait.ge [sflag:s23], $0x3E80  }
0x33f: {  	[sflag:s23] =	ssyncset.done $0x0  }
0x340: {  	s1 =	rddreg [dreg:$0xd];
	[sflag:s23] =	ssyncadd.s32 $0xFFFFC180  }
0x341: {  	[spmem:s4] =	stream.indirect.scatter.add.f32 [tilespmem:s24], [sflag:$0x8], $0x80, s12, s20, $0xb8;
	[tilespmem:$0x1DC00] =	vst v63  }
0x342: {  	s6 =	simm.s32 @!p0 $0x1000;
	s5 =	rddreg [dreg:$0xc];
	s1 =	sadd.s32 @!p0 s8, s1  }
0x343: {  	[tilespmem:s6], [sflag:$0x5] =	stream.linear.gather @!p0 [hbm4b:s1+s7], $0x200, $0x38;
	[tilespmem:$0x1DC00] =	vst v63  }
0x344: {  	s1 =	sadd.s32 @!p0 s8, s5;
	s5 =	simm.s32 @!p0 $0x1200  }
0x345: {  	[tilespmem:s5], [sflag:$0x5] =	stream.linear.gather @!p0 [hbm4b:s1+s7], $0x200, $0x38;
	[tilespmem:$0x1DC00] =	vst v63  }
0x346: {  	_ =	swait.ge [sflag:s26], $0x3E80  }
0x347: {  	[sflag:s26] =	ssyncset.done $0x0  }
0x348: {  	s6 =	rddreg [dreg:$0xf];
	[sflag:s26] =	ssyncadd.s32 $0xFFFFC180  }
0x349: {  	[tilespmem:s24], [sflag:$0x6] =	stream.indirect.gather [hbm4b:s2+s20], $0x80, s6, s20, $0xb8;
	[tilespmem:$0x1DC00] =	vst v63  }
0x34a: {  	_ =	swait.ge [sflag:s28], $0x3E80  }
0x34b: {  	[sflag:s28] =	ssyncset.done $0x0  }
0x34c: {  	s7 =	rddreg [dreg:$0x10];
	[sflag:s28] =	ssyncadd.s32 $0xFFFFC180  }
0x34d: {  	[spmem:s4] =	stream.indirect.scatter.add.f32 [tilespmem:s21], [sflag:$0x9], $0x80, s7, s20, $0xb8;
	[tilespmem:$0x1DC00] =	vst v63  }
0x34e: {  	_ =	swait.ge [sflag:s29], $0x3E80  }
0x34f: {  	[sflag:s29] =	ssyncset.done $0x0  }
0x350: {  	s9 =	rddreg [dreg:$0x11];
	[sflag:s29] =	ssyncadd.s32 $0xFFFFC180  }
0x351: {  	[tilespmem:s21], [sflag:$0x7] =	stream.indirect.gather [hbm4b:s2+s20], $0x80, s9, s20, $0xb8;
	[tilespmem:$0x1DC00] =	vst v63  }
0x352: {  	_ =	swait.ge [sflag:s23], $0x3E80  }
0x353: {  	[sflag:s23] =	ssyncset.done $0x0  }
0x354: {  	s10 =	rddreg [dreg:$0x12];
	[sflag:s23] =	ssyncadd.s32 $0xFFFFC180  }
0x355: {  	[spmem:s4] =	stream.indirect.scatter.add.f32 [tilespmem:s24], [sflag:$0x8], $0x80, s10, s20, $0xb8;
	[tilespmem:$0x1DC00] =	vst v63  }
0x356: {  	_ =	swait.ge [sflag:s26], $0x3E80  }
0x357: {  	[sflag:s26] =	ssyncset.done $0x0  }
0x358: {  	[sflag:s26] =	ssyncadd.s32 $0xFFFFC180  }
0x359: {  	_ =	swait.ge [sflag:s30], $0x200  }
0x35a: {  	[sflag:s30] =	ssyncset.done $0x0  }
0x35b: {  	[sflag:s30] =	ssyncadd.s32 $0xFFFFFE00  }
0x35c: {  	_ =	swait.ge [sflag:s30], $0x200  }
0x35d: {  	[sflag:s30] =	ssyncset.done $0x0  }
0x35e: {  	[sflag:s30] =	ssyncadd.s32 $0xFFFFFE00  }
0x35f: {  	[tilespmem:s24], [sflag:$0x6] =	stream.indirect.gather [hbm4b:s2+s20], $0x80, s13, s20, $0xb8;
	[tilespmem:$0x1DC00] =	vst v63  }
0x360: {  	_ =	swait.ge [sflag:s28], $0x3E80  }
0x361: {  	[sflag:s28] =	ssyncset.done $0x0  }
0x362: {  	s12 =	rddreg [dreg:$0x13];
	[sflag:s28] =	ssyncadd.s32 $0xFFFFC180  }
0x363: {  	[spmem:s4] =	stream.indirect.scatter.add.f32 [tilespmem:s21], [sflag:$0x9], $0x80, s12, s20, $0xb8;
	[tilespmem:$0x1DC00] =	vst v63  }
0x364: {  	_ =	swait.ge [sflag:s29], $0x3E80  }
0x365: {  	[sflag:s29] =	ssyncset.done $0x0  }
0x366: {  	s13 =	rddreg [dreg:$0x14];
	[sflag:s29] =	ssyncadd.s32 $0xFFFFC180  }
0x367: {  	[tilespmem:s21], [sflag:$0x7] =	stream.indirect.gather [hbm4b:s2+s20], $0x80, s13, s20, $0xb8;
	[tilespmem:$0x1DC00] =	vst v63  }
0x368: {  	_ =	swait.ge [sflag:s23], $0x3E80  }
0x369: {  	p0 =	seq.s32 s8, $0x3C0;
	[sflag:s23] =	ssyncset.done $0x0  }
0x36a: {  	s5 =	sshrl.u32 @!p0 s22, $0x3;
	[sflag:s23] =	ssyncadd.s32 $0xFFFFC180  }
0x36b: {  	[spmem:s4] =	stream.indirect.scatter.add.f32 [tilespmem:s24], [sflag:$0x8], $0x80, s14, s20, $0xb8;
	[tilespmem:$0x1DC00] =	vst v63  }
0x36c: {  	s5 =	sadd.s32 @!p0 s11, s5;
	s6 =	simm.s32 @!p0 $0x0;
	s1 =	rddreg [dreg:$0xb]  }
0x36d: {  	[tilespmem:s6], [sflag:$0x1] =	stream.linear.gather @!p0 [hbm4b:s5+s6], $0x200, $0x38;
	[tilespmem:$0x1DC00] =	vst v63  }
0x36e: {  	s1 =	sadd.s32 @!p0 s8, s1;
	s5 =	simm.s32 @!p0 $0x200  }
0x36f: {  	[tilespmem:s5], [sflag:$0x1] =	stream.linear.gather @!p0 [hbm4b:s1+s6], $0x200, $0x38;
	[tilespmem:$0x1DC00] =	vst v63  }
0x370: {  	_ =	swait.ge [sflag:s26], $0x3E80  }
0x371: {  	[sflag:s26] =	ssyncset.done $0x0  }
0x372: {  	s14 =	rddreg [dreg:$0x15];
	[sflag:s26] =	ssyncadd.s32 $0xFFFFC180  }
0x373: {  	[tilespmem:s24], [sflag:$0x6] =	stream.indirect.gather [hbm4b:s2+s20], $0x80, s14, s20, $0xb8;
	[tilespmem:$0x1DC00] =	vst v63  }
0x374: {  	_ =	swait.ge [sflag:s28], $0x3E80  }
0x375: {  	[sflag:s28] =	ssyncset.done $0x0  }
0x376: {  	s22 =	rddreg [dreg:$0x16];
	[sflag:s28] =	ssyncadd.s32 $0xFFFFC180  }
0x377: {  	[spmem:s4] =	stream.indirect.scatter.add.f32 [tilespmem:s21], [sflag:$0x9], $0x80, s22, s20, $0xb8;
	[tilespmem:$0x1DC00] =	vst v63  }
0x378: {  	_ =	swait.ge [sflag:s29], $0x3E80  }
0x379: {  	[sflag:s29] =	ssyncset.done $0x0  }
0x37a: {  	s25 =	rddreg [dreg:$0x17];
	[sflag:s29] =	ssyncadd.s32 $0xFFFFC180  }
0x37b: {  	[tilespmem:s21], [sflag:$0x7] =	stream.indirect.gather [hbm4b:s2+s20], $0x80, s25, s20, $0xb8;
	[tilespmem:$0x1DC00] =	vst v63  }
0x37c: {  	_ =	swait.ge [sflag:s23], $0x3E80  }
0x37d: {  	[sflag:s23] =	ssyncset.done $0x0  }
0x37e: {  	s5 =	rddreg [dreg:$0x18];
	[sflag:s23] =	ssyncadd.s32 $0xFFFFC180  }
0x37f: {  	[spmem:s4] =	stream.indirect.scatter.add.f32 [tilespmem:s24], [sflag:$0x8], $0x80, s5, s20, $0xb8;
	[tilespmem:$0x1DC00] =	vst v63  }
0x380: {  	_ =	swait.ge [sflag:s26], $0x3E80  }
0x381: {  	[sflag:s26] =	ssyncset.done $0x0  }
0x382: {  	[sflag:s26] =	ssyncadd.s32 $0xFFFFC180  }
0x383: {  	_ =	swait.ge [sflag:s31], $0x200  }
0x384: {  	[sflag:s31] =	ssyncset.done $0x0  }
0x385: {  	[sflag:s31] =	ssyncadd.s32 $0xFFFFFE00  }
0x386: {  	_ =	swait.ge [sflag:s31], $0x200  }
0x387: {  	[sflag:s31] =	ssyncset.done $0x0  }
0x388: {  	[sflag:s31] =	ssyncadd.s32 $0xFFFFFE00  }
0x389: {  	[tilespmem:s24], [sflag:$0x6] =	stream.indirect.gather [hbm4b:s2+s20], $0x80, s15, s20, $0xb8;
	[tilespmem:$0x1DC00] =	vst v63  }
0x38a: {  	_ =	swait.ge [sflag:s28], $0x3E80  }
0x38b: {  	[sflag:s28] =	ssyncset.done $0x0  }
0x38c: {  	s7 =	rddreg [dreg:$0x19];
	[sflag:s28] =	ssyncadd.s32 $0xFFFFC180  }
0x38d: {  	[spmem:s4] =	stream.indirect.scatter.add.f32 [tilespmem:s21], [sflag:$0x9], $0x80, s7, s20, $0xb8;
	[tilespmem:$0x1DC00] =	vst v63  }
0x38e: {  	_ =	swait.ge [sflag:s29], $0x3E80  }
0x38f: {  	[sflag:s29] =	ssyncset.done $0x0  }
0x390: {  	s9 =	rddreg [dreg:$0x1a];
	[sflag:s29] =	ssyncadd.s32 $0xFFFFC180  }
0x391: {  	[tilespmem:s21], [sflag:$0x7] =	stream.indirect.gather [hbm4b:s2+s20], $0x80, s9, s20, $0xb8;
	[tilespmem:$0x1DC00] =	vst v63  }
0x392: {  	_ =	swait.ge [sflag:s23], $0x3E80  }
0x393: {  	[sflag:s23] =	ssyncset.done $0x0  }
0x394: {  	s1 =	rddreg [dreg:$0xa];
	[sflag:s23] =	ssyncadd.s32 $0xFFFFC180  }
0x395: {  	[spmem:s4] =	stream.indirect.scatter.add.f32 [tilespmem:s24], [sflag:$0x8], $0x80, s16, s20, $0xb8;
	[tilespmem:$0x1DC00] =	vst v63  }
0x396: {  	s7 =	simm.s32 @!p0 $0x400;
	s5 =	rddreg [dreg:$0x9];
	s1 =	sadd.s32 @!p0 s8, s1  }
0x397: {  	[tilespmem:s7], [sflag:$0x2] =	stream.linear.gather @!p0 [hbm4b:s1+s6], $0x200, $0x38;
	[tilespmem:$0x1DC00] =	vst v63  }
0x398: {  	s5 =	sadd.s32 @!p0 s8, s5;
	s1 =	simm.s32 @!p0 $0x600  }
0x399: {  	[tilespmem:s1], [sflag:$0x2] =	stream.linear.gather @!p0 [hbm4b:s5+s6], $0x200, $0x38;
	[tilespmem:$0x1DC00] =	vst v63  }
0x39a: {  	_ =	swait.ge [sflag:s26], $0x3E80  }
0x39b: {  	[sflag:s26] =	ssyncset.done $0x0  }
0x39c: {  	s10 =	rddreg [dreg:$0x1b];
	[sflag:s26] =	ssyncadd.s32 $0xFFFFC180  }
0x39d: {  	[tilespmem:s24], [sflag:$0x6] =	stream.indirect.gather [hbm4b:s2+s20], $0x80, s10, s20, $0xb8;
	[tilespmem:$0x1DC00] =	vst v63  }
0x39e: {  	_ =	swait.ge [sflag:s28], $0x3E80  }
0x39f: {  	[sflag:s28] =	ssyncset.done $0x0  }
0x3a0: {  	s12 =	rddreg [dreg:$0x1c];
	[sflag:s28] =	ssyncadd.s32 $0xFFFFC180  }
0x3a1: {  	[spmem:s4] =	stream.indirect.scatter.add.f32 [tilespmem:s21], [sflag:$0x9], $0x80, s12, s20, $0xb8;
	[tilespmem:$0x1DC00] =	vst v63  }
0x3a2: {  	_ =	swait.ge [sflag:s29], $0x3E80  }
0x3a3: {  	[sflag:s29] =	ssyncset.done $0x0  }
0x3a4: {  	s13 =	rddreg [dreg:$0x1d];
	[sflag:s29] =	ssyncadd.s32 $0xFFFFC180  }
0x3a5: {  	[tilespmem:s21], [sflag:$0x7] =	stream.indirect.gather [hbm4b:s2+s20], $0x80, s13, s20, $0xb8;
	[tilespmem:$0x1DC00] =	vst v63  }
0x3a6: {  	_ =	swait.ge [sflag:s23], $0x3E80  }
0x3a7: {  	[sflag:s23] =	ssyncset.done $0x0  }
0x3a8: {  	s14 =	rddreg [dreg:$0x1e];
	[sflag:s23] =	ssyncadd.s32 $0xFFFFC180  }
0x3a9: {  	[spmem:s4] =	stream.indirect.scatter.add.f32 [tilespmem:s24], [sflag:$0x8], $0x80, s14, s20, $0xb8;
	[tilespmem:$0x1DC00] =	vst v63  }
0x3aa: {  	_ =	swait.ge [sflag:s26], $0x3E80  }
0x3ab: {  	[sflag:s26] =	ssyncset.done $0x0  }
0x3ac: {  	[sflag:s26] =	ssyncadd.s32 $0xFFFFC180  }
0x3ad: {  	_ =	swait.ge [sflag:s3], $0x200  }
0x3ae: {  	[sflag:s3] =	ssyncset.done $0x0  }
0x3af: {  	[sflag:s3] =	ssyncadd.s32 $0xFFFFFE00  }
0x3b0: {  	_ =	swait.ge [sflag:s3], $0x200  }
0x3b1: {  	[sflag:s3] =	ssyncset.done $0x0  }
0x3b2: {  	[sflag:s3] =	ssyncadd.s32 $0xFFFFFE00  }
0x3b3: {  	[tilespmem:s24], [sflag:$0x6] =	stream.indirect.gather [hbm4b:s2+s20], $0x80, s17, s20, $0xb8;
	[tilespmem:$0x1DC00] =	vst v63  }
0x3b4: {  	_ =	swait.ge [sflag:s28], $0x3E80  }
0x3b5: {  	[sflag:s28] =	ssyncset.done $0x0  }
0x3b6: {  	s15 =	rddreg [dreg:$0x1f];
	[sflag:s28] =	ssyncadd.s32 $0xFFFFC180  }
0x3b7: {  	[spmem:s4] =	stream.indirect.scatter.add.f32 [tilespmem:s21], [sflag:$0x9], $0x80, s15, s20, $0xb8;
	[tilespmem:$0x1DC00] =	vst v63  }
0x3b8: {  	_ =	swait.ge [sflag:s29], $0x3E80  }
0x3b9: {  	s16 =	sld [smem:$0x7C5]  }
0x3ba: {  	[sflag:s29] =	ssyncset.done $0x0  }
0x3bb: {  	[sflag:s29] =	ssyncadd.s32 $0xFFFFC180  }
0x3bc: {  	[tilespmem:s21], [sflag:$0x7] =	stream.indirect.gather [hbm4b:s2+s20], $0x80, s16, s20, $0xb8;
	[tilespmem:$0x1DC00] =	vst v63  }
0x3bd: {  	_ =	swait.ge [sflag:s23], $0x3E80  }
0x3be: {  	[sflag:s23] =	ssyncset.done $0x0  }
0x3bf: {  	s1 =	rddreg [dreg:$0x8];
	[sflag:s23] =	ssyncadd.s32 $0xFFFFC180  }
0x3c0: {  	[spmem:s4] =	stream.indirect.scatter.add.f32 [tilespmem:s24], [sflag:$0x8], $0x80, s18, s20, $0xb8;
	[tilespmem:$0x1DC00] =	vst v63  }
0x3c1: {  	s7 =	simm.s32 @!p0 $0x800;
	s5 =	rddreg [dreg:$0x7];
	s1 =	sadd.s32 @!p0 s8, s1  }
0x3c2: {  	[tilespmem:s7], [sflag:$0x3] =	stream.linear.gather @!p0 [hbm4b:s1+s6], $0x200, $0x38;
	[tilespmem:$0x1DC00] =	vst v63  }
0x3c3: {  	s5 =	sadd.s32 @!p0 s8, s5;
	s1 =	simm.s32 @!p0 $0xA00  }
0x3c4: {  	[tilespmem:s1], [sflag:$0x3] =	stream.linear.gather @!p0 [hbm4b:s5+s6], $0x200, $0x38;
	[tilespmem:$0x1DC00] =	vst v63  }
0x3c5: {  	_ =	swait.ge [sflag:s26], $0x3E80  }
0x3c6: {  	s17 =	sld [smem:$0x7C7]  }
0x3c7: {  	[sflag:s26] =	ssyncset.done $0x0  }
0x3c8: {  	[sflag:s26] =	ssyncadd.s32 $0xFFFFC180  }
0x3c9: {  	[tilespmem:s24], [sflag:$0x6] =	stream.indirect.gather [hbm4b:s2+s20], $0x80, s17, s20, $0xb8;
	[tilespmem:$0x1DC00] =	vst v63  }
0x3ca: {  	_ =	swait.ge [sflag:s28], $0x3E80  }
0x3cb: {  	s18 =	sld [smem:$0x7C9]  }
0x3cc: {  	[sflag:s28] =	ssyncset.done $0x0  }
0x3cd: {  	[sflag:s28] =	ssyncadd.s32 $0xFFFFC180  }
0x3ce: {  	[spmem:s4] =	stream.indirect.scatter.add.f32 [tilespmem:s21], [sflag:$0x9], $0x80, s18, s20, $0xb8;
	[tilespmem:$0x1DC00] =	vst v63  }
0x3cf: {  	_ =	swait.ge [sflag:s29], $0x3E80  }
0x3d0: {  	s22 =	sld [smem:$0x7CB]  }
0x3d1: {  	[sflag:s29] =	ssyncset.done $0x0  }
0x3d2: {  	[sflag:s29] =	ssyncadd.s32 $0xFFFFC180  }
0x3d3: {  	[tilespmem:s21], [sflag:$0x7] =	stream.indirect.gather [hbm4b:s2+s20], $0x80, s22, s20, $0xb8;
	[tilespmem:$0x1DC00] =	vst v63  }
0x3d4: {  	_ =	swait.ge [sflag:s23], $0x3E80  }
0x3d5: {  	s25 =	sld [smem:$0x7CD]  }
0x3d6: {  	[sflag:s23] =	ssyncset.done $0x0  }
0x3d7: {  	[sflag:s23] =	ssyncadd.s32 $0xFFFFC180  }
0x3d8: {  	[spmem:s4] =	stream.indirect.scatter.add.f32 [tilespmem:s24], [sflag:$0x8], $0x80, s25, s20, $0xb8;
	[tilespmem:$0x1DC00] =	vst v63  }
0x3d9: {  	_ =	swait.ge [sflag:s26], $0x3E80  }
0x3da: {  	[sflag:s26] =	ssyncset.done $0x0  }
0x3db: {  	[sflag:s26] =	ssyncadd.s32 $0xFFFFC180  }
0x3dc: {  	_ =	swait.ge [sflag:s0], $0x200  }
0x3dd: {  	[sflag:s0] =	ssyncset.done $0x0  }
0x3de: {  	[sflag:s0] =	ssyncadd.s32 $0xFFFFFE00  }
0x3df: {  	_ =	swait.ge [sflag:s0], $0x200  }
0x3e0: {  	[sflag:s0] =	ssyncset.done $0x0  }
0x3e1: {  	[sflag:s0] =	ssyncadd.s32 $0xFFFFFE00  }
0x3e2: {  	[tilespmem:s24], [sflag:$0x6] =	stream.indirect.gather [hbm4b:s2+s20], $0x80, s19, s20, $0xb8;
	[tilespmem:$0x1DC00] =	vst v63  }
0x3e3: {  	_ =	swait.ge [sflag:s28], $0x3E80  }
0x3e4: {  	s5 =	sld [smem:$0x7CF]  }
0x3e5: {  	[sflag:s28] =	ssyncset.done $0x0  }
0x3e6: {  	[sflag:s28] =	ssyncadd.s32 $0xFFFFC180  }
0x3e7: {  	[spmem:s4] =	stream.indirect.scatter.add.f32 [tilespmem:s21], [sflag:$0x9], $0x80, s5, s20, $0xb8;
	[tilespmem:$0x1DC00] =	vst v63  }
0x3e8: {  	_ =	swait.ge [sflag:s29], $0x3E80  }
0x3e9: {  	s7 =	sld [smem:$0x7D1]  }
0x3ea: {  	[sflag:s29] =	ssyncset.done $0x0  }
0x3eb: {  	[sflag:s29] =	ssyncadd.s32 $0xFFFFC180  }
0x3ec: {  	[tilespmem:s21], [sflag:$0x7] =	stream.indirect.gather [hbm4b:s2+s20], $0x80, s7, s20, $0xb8;
	[tilespmem:$0x1DC00] =	vst v63  }
0x3ed: {  	_ =	swait.ge [sflag:s23], $0x3E80  }
0x3ee: {  	[sflag:s23] =	ssyncset.done $0x0  }
0x3ef: {  	s9 =	simm.s32 $0x1200;
	s1 =	rddreg [dreg:$0x6];
	[sflag:s23] =	ssyncadd.s32 $0xFFFFC180  }
0x3f0: {  	[spmem:s4] =	stream.indirect.scatter.add.f32 [tilespmem:s24], [sflag:$0x8], $0x80, s9, s20, $0xb8;
	[tilespmem:$0x1DC00] =	vst v63  }
0x3f1: {  	s7 =	simm.s32 @!p0 $0xC00;
	s5 =	rddreg [dreg:$0x5];
	s1 =	sadd.s32 @!p0 s8, s1  }
0x3f2: {  	[tilespmem:s7], [sflag:$0x4] =	stream.linear.gather @!p0 [hbm4b:s1+s6], $0x200, $0x38;
	[tilespmem:$0x1DC00] =	vst v63  }
0x3f3: {  	s1 =	sadd.s32 @!p0 s8, s5;
	s5 =	simm.s32 @!p0 $0xE00  }
0x3f4: {  	[tilespmem:s5], [sflag:$0x4] =	stream.linear.gather @!p0 [hbm4b:s1+s6], $0x200, $0x38;
	[tilespmem:$0x1DC00] =	vst v63  }
0x3f5: {  	_ =	swait.ge [sflag:s26], $0x3E80  }
0x3f6: {  	s10 =	sld [smem:$0x7D2]  }
0x3f7: {  	[sflag:s26] =	ssyncset.done $0x0  }
0x3f8: {  	[sflag:s26] =	ssyncadd.s32 $0xFFFFC180  }
0x3f9: {  	[tilespmem:s24], [sflag:$0x6] =	stream.indirect.gather [hbm4b:s2+s20], $0x80, s10, s20, $0xb8;
	[tilespmem:$0x1DC00] =	vst v63  }
0x3fa: {  	_ =	swait.ge [sflag:s28], $0x3E80  }
0x3fb: {  	s12 =	sld [smem:$0x7D4]  }
0x3fc: {  	[sflag:s28] =	ssyncset.done $0x0  }
0x3fd: {  	[sflag:s28] =	ssyncadd.s32 $0xFFFFC180  }
0x3fe: {  	[spmem:s4] =	stream.indirect.scatter.add.f32 [tilespmem:s21], [sflag:$0x9], $0x80, s12, s20, $0xb8;
	[tilespmem:$0x1DC00] =	vst v63  }
0x3ff: {  	_ =	swait.ge [sflag:s29], $0x3E80  }
0x400: {  	s13 =	sld [smem:$0x7D5]  }
0x401: {  	[sflag:s29] =	ssyncset.done $0x0  }
0x402: {  	[sflag:s29] =	ssyncadd.s32 $0xFFFFC180  }
0x403: {  	[tilespmem:s21], [sflag:$0x7] =	stream.indirect.gather [hbm4b:s2+s20], $0x80, s13, s20, $0xb8;
	[tilespmem:$0x1DC00] =	vst v63  }
0x404: {  	_ =	swait.ge [sflag:s23], $0x3E80  }
0x405: {  	s14 =	sld [smem:$0x7D6]  }
0x406: {  	[sflag:s23] =	ssyncset.done $0x0  }
0x407: {  	[sflag:s23] =	ssyncadd.s32 $0xFFFFC180  }
0x408: {  	[spmem:s4] =	stream.indirect.scatter.add.f32 [tilespmem:s24], [sflag:$0x8], $0x80, s14, s20, $0xb8;
	[tilespmem:$0x1DC00] =	vst v63  }
0x409: {  	_ =	swait.ge [sflag:s28], $0x3E80  }
0x40a: {  	[sflag:s28] =	ssyncset.done $0x0  }
0x40b: {  	s15 =	simm.s32 $0x1380;
	[sflag:s28] =	ssyncadd.s32 $0xFFFFC180  }
0x40c: {  	[spmem:s4] =	stream.indirect.scatter.add.f32 [tilespmem:s21], [sflag:$0x9], $0x80, s15, s20, $0xb8;
	[tilespmem:$0x1DC00] =	vst v63  }
0x40d: {  	_ =	swait.ge [sflag:s26], $0x3E80  }
0x40e: {  	[sflag:s26] =	ssyncset.done $0x0  }
0x40f: {  	[sflag:s26] =	ssyncadd.s32 $0xFFFFC180  }
0x410: {  	_ =	swait.ge [sflag:s29], $0x3E80  }
0x411: {  	[sflag:s29] =	ssyncset.done $0x0  }
0x412: {  	[sflag:s29] =	ssyncadd.s32 $0xFFFFC180  }
0x413: {  	[bflag:$0x0] =	sbarrier.arrive $0xFFFF  }
0x414: {  	s9 =	sld [smem:$0x7FD]  }
0x415: {  	s16 =	stileid.u32;
	s18 =	sld [smem:$0x7D8]  }
0x416: {  	s1 =	sshll.u32 s16, $0x6  }
0x417: {  	s19 =	simm.s32 $0xB;
	s1 =	sor.u32 $0x1C0B, s1;
	s17 =	sshrl.u32 s9, $0x3  }
0x418: {  	[hbm:s18], [sflag:s1] =	dma.local [spmem:s17], $0x2800  }
0x419: {  	_ =	swait.ge [sflag:s19], $0x2800  }
0x41a: {  	s22 =	sld [smem:$0x7BD]  }
0x41b: {  	s25 =	sld [smem:$0x7D9];
	_ =	sdelay $0x1  }
0x41c: {  	s5 =	sadd.s32 $0x1, s22  }
0x41d: {  	p0 =	sne.s32 s5, s25  }
.Ltmp2:
0x41e: {  	_ = 	snop;
	(pc) =	sbr.rel @p0 .LBB2_1-.Ltmp2, $4  }
0x41f: {  	s16 =	simm.s32 $0xC00;
	s10 =	simm.s32 $0x200  }
0x420: {  	s12 =	simm.s32 $0x400;
	s13 =	simm.s32 $0x600;
	s14 =	simm.s32 $0x800  }
0x421: {  	s15 =	simm.s32 $0xA00;
	s17 =	simm.s32 $0xE00;
	[sflag:s19] =	ssyncset.done $0x0  }
0x422: {  	s18 =	simm.s32 $0x1000;
	[sflag:s19] =	ssyncadd.s32 $0xFFFFD800;
	s19 =	simm.s32 $0x1200  }
0x423: {  	_ =	sfence.sel $0x180000  }
0x424: {  	[bflag:$0x0] =	sbarrier.arrive $0xFFFF  }
0x425: {  	_ =	strace $0x90000047  }
0x426: {  	s0 =	stileid.u32;
	[bflag:$0x2] =	sbarrier.arrive $0xFFFF  }
0x427: {  	p0 =	sne.s32 s0, $0x0;
	s0 =	rddreg [dreg:$0x4]  }
0x428: {  	s0 =	sadd.s32 @!p0 $0x100000, s0  }
0x429: {  	[sflag:s0] =	ssyncadd.tile.s32 @!p0 $0x1;
	_ =	shalt  }
.Lfunc_end2:
_tile_overlayer_lowered:
.L_overlay_start_2:
0x42a: {  	(tag) =	ssettag $0x2  }
0x42b: {  	s0 =	rddreg [dreg:$0x0];
	s2 =	stileid.u32  }
0x42c: {  	s1 =	rddreg [dreg:$0x1];
	p0 =	sne.s32 s2, $0x0  }
0x42d: {  	s3 =	rddreg [dreg:$0x2];
	[bflag:$0x3] =	sbarrier.arrive $0xFFFF;
	s2 =	simm.s32 @!p0 $0x1C0B  }
0x42e: {  	[timem:s3], [sflag:s2] =	dma.local @!p0 [hbm:s0], s1  }
0x42f: {  	s0 =	simm.s32 @!p0 $0xB  }
0x430: {  	_ =	swait.ge @!p0 [sflag:s0], s1  }
0x431: {  	s1 =	ssub.s32 @!p0 $0x0, s1;
	[sflag:s0] =	ssyncset.done @!p0 $0x0  }
0x432: {  	[sflag:s0] =	ssyncadd.s32 @!p0 s1  }
0x433: {  	[bflag:$0x3] =	sbarrier.arrive $0xFFFF  }
0x434: {  	_ =	shalt  }

</sc_bundles>
